<compile_context>
chip_gen: v7x
topology: tpu7x:2x2x1
jax: 0.10.2.dev20260603
libtpu: 0.0.44.dev20260713+nightly
codegen_flags: <defaults>
</compile_context>

<pallas_src>
import functools

import jax
import jax.numpy as jnp
from jax import lax
from jax.experimental import pallas as pl
from jax.experimental.pallas import tpu as pltpu
from jax.experimental.pallas import tpu_sc as plsc

_D = 26
_L = 100
_H = 2048


def _sc_encode(x_sc, flat_tab, n_sc):
    info = plsc.get_sparse_core_info()
    nc, ns = info.num_cores, info.num_subcores
    nw = nc * ns
    n_b = n_sc // nw
    m = min(2, n_b)
    kf = 16 // (2 * m)
    dpad = -(-_D // kf) * kf
    nt = dpad // kf
    n_grp = n_b // m

    xp = jnp.pad(x_sc, ((0, 0), (0, dpad - _D)))
    xp = xp.reshape(nw, n_grp, m, nt, kf).transpose(0, 1, 3, 2, 4)
    xp = jnp.broadcast_to(xp[:, :, :, :, None, :],
                          (nw, n_grp, nt, m, 2, kf))
    xg = xp.reshape(nw * n_grp, nt * 16)

    mesh = plsc.VectorSubcoreMesh(core_axis_name="c", subcore_axis_name="s")

    @functools.partial(
        pl.kernel,
        mesh=mesh,
        out_type=jax.ShapeDtypeStruct((n_sc, _H), jnp.float32),
        scratch_types=[
            pltpu.VMEM((nt * 16,), jnp.float32),
            pltpu.VMEM((16, _H), jnp.float32),
            pltpu.VMEM((16, _H), jnp.float32),
            pltpu.VMEM((16, _H), jnp.float32),
            pltpu.VMEM((max(m, 2), _H), jnp.float32),
            pltpu.SemaphoreType.DMA,
            pltpu.SemaphoreType.DMA,
            pltpu.SemaphoreType.DMA,
        ],
    )
    def k(xt_hbm, tab_hbm, out_hbm, xt_v, rows_a, rows_b, rows_c, acc_v,
          sem_a, sem_b, sem_c):
        wid = lax.axis_index("s") * nc + lax.axis_index("c")
        lane = lax.broadcasted_iota(jnp.int32, (16,), 0)
        lane_j = lane & (kf - 1)
        lane_s = lax.shift_right_logical(lane, kf.bit_length() - 1) & 1
        zero16f = jnp.zeros((16,), jnp.float32)
        bufs = [(rows_a, sem_a), (rows_b, sem_b), (rows_c, sem_c)]

        def grp_body(grp, carry):
            pltpu.sync_copy(xt_hbm.at[wid * n_grp + grp], xt_v)

            ils, wss = [], []
            for t in range(nt):
                xv = xt_v[pl.ds(t * 16, 16)]
                xn = jnp.clip(xv * float(_L - 1), 0.0, float(_L - 1))
                low_i = xn.astype(jnp.int32)
                a = xn - low_i.astype(jnp.float32)
                high_i = jnp.minimum(low_i + 1, _L - 1)
                featv = lane_j + t * kf
                valid = featv < _D
                lvl = jnp.where(lane_s == 0, low_i, high_i)
                w = jnp.where(lane_s == 0, 1.0 - a, a)
                ils.append(jnp.where(valid, lvl + featv * _L, 0))
                wss.append(jnp.where(valid, w, zero16f))

            def gather(t):
                buf, sem = bufs[t % 3]
                return pltpu.async_copy(tab_hbm.at[ils[t]], buf, sem)

            for t0 in range(min(3, nt)):
                gather(t0)
            nr = 2 * kf
            for t in range(nt):
                buf, sem = bufs[t % 3]
                pltpu.make_async_copy(tab_hbm.at[ils[t]], buf, sem).wait()
                for b in range(m):
                    ws = [wss[t][b * nr + r] for r in range(nr)]

                    def col_body(j, c, t=t, b=b, buf=buf, ws=ws):
                        sl = pl.ds(pl.multiple_of(j * 16, 16), 16)
                        v = ws[0] * buf[b * nr, sl]
                        for r in range(1, nr):
                            v = v + ws[r] * buf[b * nr + r, sl]
                        if t > 0:
                            v = v + acc_v[b, sl]
                        acc_v[b, sl] = v
                        return c

                    lax.fori_loop(0, _H // 16, col_body, 0,
                                  unroll=(64 // nr))
                if t + 3 < nt:
                    gather(t + 3)

            for b in range(m):
                def ss_body(j, ssv, b=b):
                    v = acc_v[b, pl.ds(pl.multiple_of(j * 16, 16), 16)]
                    return ssv + v * v

                ssv = lax.fori_loop(0, _H // 16, ss_body, zero16f, unroll=8)
                dn = lax.GatherDimensionNumbers(
                    offset_dims=(), collapsed_slice_dims=(0,),
                    start_index_map=(0,))
                ss = ssv
                for s in (1, 2, 4, 8):
                    perm = (lane ^ s)[:, None]
                    ss = ss + lax.gather(
                        ss, perm, dn, slice_sizes=(1,),
                        mode=lax.GatherScatterMode.PROMISE_IN_BOUNDS)
                ib = lax.bitcast_convert_type(ss, jnp.int32)
                ih2 = jnp.int32(0x5F3759DF) - lax.shift_right_arithmetic(ib, 1)
                y = lax.bitcast_convert_type(ih2, jnp.float32)
                half = ss * 0.5
                for _ in range(3):
                    y = y * (1.5 - half * y * y)

                def nm_body(j, c, b=b, y=y):
                    sl = pl.ds(pl.multiple_of(j * 16, 16), 16)
                    acc_v[b, sl] = acc_v[b, sl] * y
                    return c

                lax.fori_loop(0, _H // 16, nm_body, 0, unroll=8)

            if m == acc_v.shape[0]:
                src_acc = acc_v
            else:
                src_acc = acc_v.at[pl.ds(0, m)]
            pltpu.sync_copy(src_acc,
                            out_hbm.at[pl.ds(wid * n_b + grp * m, m)])
            return carry

        lax.fori_loop(0, n_grp, grp_body, 0)

    return k(xg, flat_tab)


def _tc_body(x_ref, tab_ref, o_ref):
    x = x_ref[...]
    Bt, D = x.shape
    H = tab_ref.shape[-1]
    xn = jnp.clip(x * float(_L - 1), 0.0, float(_L - 1))
    low_f = jnp.floor(xn)
    a = xn - low_f
    low_i = low_f.astype(jnp.int32)
    high_i = jnp.minimum(low_i + 1, _L - 1)
    lvl = jax.lax.broadcasted_iota(jnp.int32, (Bt, _L), 1)
    acc = jnp.zeros((Bt, H), jnp.float32)
    for d in range(D):
        w = jnp.where(lvl == low_i[:, d:d + 1], 1.0 - a[:, d:d + 1], 0.0)
        w = w + jnp.where(lvl == high_i[:, d:d + 1], a[:, d:d + 1], 0.0)
        acc = acc + jnp.dot(w, tab_ref[d], preferred_element_type=jnp.float32)
    ss = jnp.sum(acc * acc, axis=1, keepdims=True)
    o_ref[...] = acc / jnp.sqrt(ss)


def _tc_encode(x_tc, base_hvs, bt, n_rows, out_rows):
    B, D = x_tc.shape
    _, L, H = base_hvs.shape
    return pl.pallas_call(
        _tc_body,
        grid=(n_rows // bt,),
        in_specs=[
            pl.BlockSpec((bt, D), lambda i: (i, 0)),
            pl.BlockSpec((D, L, H), lambda i: (0, 0, 0)),
        ],
        out_specs=pl.BlockSpec((bt, H), lambda i: (i, 0)),
        out_shape=jax.ShapeDtypeStruct((out_rows, H), jnp.float32),
    )(x_tc, base_hvs)


_N_SC = 32


def kernel(x, base_hvs):
    if x.ndim == 1:
        x = x[None, :]
    B, D = x.shape
    _, L, H = base_hvs.shape
    n_sc = _N_SC if B % 512 == 0 else 0
    if n_sc == 0:
        bt = 128 if B % 128 == 0 else B
        return _tc_encode(x, base_hvs, bt, B, B)
    n_tc = B - n_sc
    flat = base_hvs.reshape(D * L, H)
    bt = max(b for b in range(8, 257, 8) if n_tc % b == 0)
    out_tc = _tc_encode(x, base_hvs, bt, n_tc, B)
    out_sc = _sc_encode(x[n_tc:], flat, n_sc)
    return lax.dynamic_update_slice(out_tc, out_sc, (n_tc, 0))

# --- scband reference (transcript-rebuilt; emitter-appended) ---
"""Pipeline reference for scband-level-hdc-65446711657225 (READ-ONLY COPY).

The authoritative reference and input builder live on the scoring server;
editing this copy changes nothing except your own understanding.
"""

import jax, jax.numpy as jnp
import numpy as np

INPUT_DIM = 26
HV_DIM = 2048
LEVELS = 100
BATCH = 1024


def setup_inputs(seed: int = 0) -> dict:
    key = jax.random.key(seed)
    k1, k2 = jax.random.split(key)
    x = jax.random.uniform(k1, (BATCH, INPUT_DIM), dtype=jnp.float32)
    base_hvs = jax.random.normal(k2, (INPUT_DIM, LEVELS, HV_DIM), dtype=jnp.float32)
    base_hvs = base_hvs / jnp.linalg.norm(base_hvs, axis=-1, keepdims=True)
    return {"x": x, "base_hvs": base_hvs}


def reference(x, base_hvs):
    levels = LEVELS
    if x.ndim == 1:
        x = x[None, :]
    # normalize into level space and clamp (matches torch.clamp)
    x_norm = jnp.clip(x * (levels - 1), 0.0, float(levels - 1))
    level_low = jnp.floor(x_norm).astype(jnp.int32)           # [B, D]
    level_high = jnp.clip(level_low + 1, 0, levels - 1)       # [B, D]
    alpha = x_norm - level_low.astype(jnp.float32)            # [B, D]

    D, L, H = base_hvs.shape
    flat = base_hvs.reshape(D * L, H)                         # [D*L, H]
    offs = (jnp.arange(D, dtype=jnp.int32) * L)[None, :]      # [1, D]
    # gather per-feature level hypervectors: hv[b, d] = base_hvs[d, level[b, d]]
    hv_low = jnp.take(flat, level_low + offs, axis=0)         # [B, D, H]
    hv_high = jnp.take(flat, level_high + offs, axis=0)       # [B, D, H]

    a = alpha[..., None]
    feature_hv = (1.0 - a) * hv_low + a * hv_high             # [B, D, H]
    encoded = jnp.sum(feature_hv, axis=1)                     # [B, H]
    return encoded / jnp.linalg.norm(encoded, axis=-1, keepdims=True)

if __name__ == "__main__":
    import jax
    _d = setup_inputs()
    print(jax.jit(kernel)(*tuple(_d.values())))

</pallas_src>

<mosaic_0001>
#map = affine_map<(d0, d1) -> (0, 0)>
module attributes {stable_mosaic.version = 14 : i64} {
  func.func @k(%arg0: i32, %arg1: i32, %arg2: memref<32x64xf32, #tpu.memory_space<hbm>>, %arg3: memref<2600x2048xf32, #tpu.memory_space<hbm>>, %arg4: memref<32x2048xf32, #tpu.memory_space<hbm>>, %arg5: memref<64xf32, #tpu.memory_space<vmem>>, %arg6: memref<16x2048xf32, #tpu.memory_space<vmem>>, %arg7: memref<16x2048xf32, #tpu.memory_space<vmem>>, %arg8: memref<16x2048xf32, #tpu.memory_space<vmem>>, %arg9: memref<2x2048xf32, #tpu.memory_space<vmem>>, %arg10: memref<!tpu.dma_semaphore, #tpu.memory_space<semaphore_mem>>, %arg11: memref<!tpu.dma_semaphore, #tpu.memory_space<semaphore_mem>>, %arg12: memref<!tpu.dma_semaphore, #tpu.memory_space<semaphore_mem>>) attributes {dimension_semantics = [#tpu.dimension_semantics<core_parallel>, #tpu.dimension_semantics<subcore_parallel>], iteration_bounds = array<i64: 2, 16>, scalar_prefetch = 0 : i64, scratch_operands = 8 : i64, tpu.core_type = #tpu.core_type<sc_vector_subcore>, window_params = [{transform_indices = #map}, {transform_indices = #map}, {transform_indices = #map}]} {
    %mul3A = arith.constant 2 : i32
    %mul3A_0 = arith.muli %arg1, %mul3A : i32
    %add3A = arith.addi %mul3A_0, %arg0 : i32
    %iota3A = tpu.iota {dimensions = array<i32: 0>} : vector<16xi32>
    %and3A = arith.constant 7 : i32
    %and3A_1 = vector.broadcast %and3A : i32 to vector<16xi32>
    %and3A_2 = arith.andi %iota3A, %and3A_1 : vector<16xi32>
    %shift_right_logical3A = arith.constant 3 : i32
    %shift_right_logical3A_3 = vector.broadcast %shift_right_logical3A : i32 to vector<16xi32>
    %shift_right_logical3A_4 = arith.shrui %iota3A, %shift_right_logical3A_3 : vector<16xi32>
    %and3A_5 = arith.constant 1 : i32
    %and3A_6 = vector.broadcast %and3A_5 : i32 to vector<16xi32>
    %and3A_7 = arith.andi %shift_right_logical3A_4, %and3A_6 : vector<16xi32>
    %broadcast_in_dim3A = arith.constant 0.000000e+00 : f32
    %broadcast_in_dim3A_8 = vector.broadcast %broadcast_in_dim3A : f32 to vector<16xf32>
    %scan3A = arith.constant 0 : i32
    %scan3A_9 = arith.constant 0 : i32
    %mul3A_10 = arith.constant 1 : i32
    %mul3A_11 = arith.muli %add3A, %mul3A_10 : i32
    %add3A_12 = arith.addi %mul3A_11, %scan3A_9 : i32
    "tpu.region"() ({
      %run_scoped3A = tpu.sem_alloc : memref<!tpu.dma_semaphore, #tpu.memory_space<semaphore_mem>>
      %dma_start3A_431 = arith.constant 0 : i32
      %dma_start3A_432 = tpu.memref_slice %arg2[%add3A_12, %dma_start3A_431] : memref<32x64xf32, #tpu.memory_space<hbm>> -> memref<1x64xf32, #tpu.memory_space<hbm>>
      %dma_start3A_433 = tpu.memref_squeeze %dma_start3A_432 : memref<1x64xf32, #tpu.memory_space<hbm>> -> memref<64xf32, #tpu.memory_space<hbm>>
      %dma_start3A_434 = arith.constant 0 : i32
      %dma_start3A_435 = tpu.memref_slice %arg2[%add3A_12, %dma_start3A_434] : memref<32x64xf32, #tpu.memory_space<hbm>> -> memref<1x64xf32, #tpu.memory_space<hbm>>
      %dma_start3A_436 = tpu.memref_squeeze %dma_start3A_435 : memref<1x64xf32, #tpu.memory_space<hbm>> -> memref<64xf32, #tpu.memory_space<hbm>>
      tpu.enqueue_dma source(%dma_start3A_436 : memref<64xf32, #tpu.memory_space<hbm>>) target(%arg5 : memref<64xf32, #tpu.memory_space<vmem>>) target_semaphore(%run_scoped3A : memref<!tpu.dma_semaphore, #tpu.memory_space<semaphore_mem>>)
      %dma_wait3A_437 = arith.constant 0 : i32
      %dma_wait3A_438 = tpu.memref_slice %arg2[%add3A_12, %dma_wait3A_437] : memref<32x64xf32, #tpu.memory_space<hbm>> -> memref<1x64xf32, #tpu.memory_space<hbm>>
      %dma_wait3A_439 = tpu.memref_squeeze %dma_wait3A_438 : memref<1x64xf32, #tpu.memory_space<hbm>> -> memref<64xf32, #tpu.memory_space<hbm>>
      %dma_wait3A_440 = arith.constant 0 : i32
      %dma_wait3A_441 = tpu.memref_slice %arg2[%add3A_12, %dma_wait3A_440] : memref<32x64xf32, #tpu.memory_space<hbm>> -> memref<1x64xf32, #tpu.memory_space<hbm>>
      %dma_wait3A_442 = tpu.memref_squeeze %dma_wait3A_441 : memref<1x64xf32, #tpu.memory_space<hbm>> -> memref<64xf32, #tpu.memory_space<hbm>>
      tpu.wait_dma2 semaphore(%run_scoped3A : memref<!tpu.dma_semaphore, #tpu.memory_space<semaphore_mem>>) src(%dma_wait3A_442 : memref<64xf32, #tpu.memory_space<hbm>>) dst(%arg5 : memref<64xf32, #tpu.memory_space<vmem>>)
      tpu.yield
    }) : () -> ()
    %get3A = arith.constant 0 : index
    %get3A_13 = tpu.vector_load %arg5[%get3A] {strides = array<i32>} : memref<64xf32, #tpu.memory_space<vmem>>, vector<16xf32>,
    %get3A_14 = vector.shape_cast %get3A_13 : vector<16xf32> to vector<16xf32>
    %mul3A_15 = arith.constant 9.900000e+01 : f32
    %mul3A_16 = vector.broadcast %mul3A_15 : f32 to vector<16xf32>
    %mul3A_17 = arith.mulf %get3A_14, %mul3A_16 : vector<16xf32>
    %jit3A = arith.constant 0.000000e+00 : f32
    %jit3A_18 = arith.constant 9.900000e+01 : f32
    %max3A = vector.broadcast %jit3A : f32 to vector<16xf32>
    %max3A_19 = arith.maximumf %max3A, %mul3A_17 : vector<16xf32>
    %min3A = vector.broadcast %jit3A_18 : f32 to vector<16xf32>
    %min3A_20 = arith.minimumf %min3A, %max3A_19 : vector<16xf32>
    %convert_element_type3A = arith.fptosi %min3A_20 : vector<16xf32> to vector<16xi32>
    %convert_element_type3A_21 = arith.sitofp %convert_element_type3A : vector<16xi32> to vector<16xf32>
    %sub3A = arith.subf %min3A_20, %convert_element_type3A_21 : vector<16xf32>
    %add3A_22 = arith.constant 1 : i32
    %add3A_23 = vector.broadcast %add3A_22 : i32 to vector<16xi32>
    %add3A_24 = arith.addi %convert_element_type3A, %add3A_23 : vector<16xi32>
    %min3A_25 = arith.constant 99 : i32
    %min3A_26 = vector.broadcast %min3A_25 : i32 to vector<16xi32>
    %min3A_27 = arith.minsi %add3A_24, %min3A_26 : vector<16xi32>
    %add3A_28 = arith.constant 0 : i32
    %add3A_29 = vector.broadcast %add3A_28 : i32 to vector<16xi32>
    %add3A_30 = arith.addi %and3A_2, %add3A_29 : vector<16xi32>
    %lt3A = arith.constant 26 : i32
    %lt3A_31 = vector.broadcast %lt3A : i32 to vector<16xi32>
    %lt3A_32 = arith.cmpi slt, %add3A_30, %lt3A_31 : vector<16xi32>
    %eq3A = arith.constant 0 : i32
    %eq3A_33 = vector.broadcast %eq3A : i32 to vector<16xi32>
    %eq3A_34 = arith.cmpi eq, %and3A_7, %eq3A_33 : vector<16xi32>
    %select_n3A = arith.select %eq3A_34, %convert_element_type3A, %min3A_27 : vector<16xi1>, vector<16xi32>
    %eq3A_35 = arith.constant 0 : i32
    %eq3A_36 = vector.broadcast %eq3A_35 : i32 to vector<16xi32>
    %eq3A_37 = arith.cmpi eq, %and3A_7, %eq3A_36 : vector<16xi32>
    %sub3A_38 = arith.constant 1.000000e+00 : f32
    %sub3A_39 = vector.broadcast %sub3A_38 : f32 to vector<16xf32>
    %sub3A_40 = arith.subf %sub3A_39, %sub3A : vector<16xf32>
    %select_n3A_41 = arith.select %eq3A_37, %sub3A_40, %sub3A : vector<16xi1>, vector<16xf32>
    %mul3A_42 = arith.constant 100 : i32
    %mul3A_43 = vector.broadcast %mul3A_42 : i32 to vector<16xi32>
    %mul3A_44 = arith.muli %add3A_30, %mul3A_43 : vector<16xi32>
    %add3A_45 = arith.addi %select_n3A, %mul3A_44 : vector<16xi32>
    %jit3A_46 = arith.constant 0 : i32
    %broadcast_in_dim3A_47 = vector.broadcast %jit3A_46 : i32 to vector<16xi32>
    %select_n3A_48 = arith.select %lt3A_32, %add3A_45, %broadcast_in_dim3A_47 : vector<16xi1>, vector<16xi32>
    %select_n3A_49 = arith.select %lt3A_32, %select_n3A_41, %broadcast_in_dim3A_8 : vector<16xi1>, vector<16xf32>
    %get3A_50 = arith.constant 16 : index
    %get3A_51 = tpu.vector_load %arg5[%get3A_50] {strides = array<i32>} : memref<64xf32, #tpu.memory_space<vmem>>, vector<16xf32>,
    %get3A_52 = vector.shape_cast %get3A_51 : vector<16xf32> to vector<16xf32>
    %mul3A_53 = arith.constant 9.900000e+01 : f32
    %mul3A_54 = vector.broadcast %mul3A_53 : f32 to vector<16xf32>
    %mul3A_55 = arith.mulf %get3A_52, %mul3A_54 : vector<16xf32>
    %jit3A_56 = arith.constant 0.000000e+00 : f32
    %jit3A_57 = arith.constant 9.900000e+01 : f32
    %max3A_58 = vector.broadcast %jit3A_56 : f32 to vector<16xf32>
    %max3A_59 = arith.maximumf %max3A_58, %mul3A_55 : vector<16xf32>
    %min3A_60 = vector.broadcast %jit3A_57 : f32 to vector<16xf32>
    %min3A_61 = arith.minimumf %min3A_60, %max3A_59 : vector<16xf32>
    %convert_element_type3A_62 = arith.fptosi %min3A_61 : vector<16xf32> to vector<16xi32>
    %convert_element_type3A_63 = arith.sitofp %convert_element_type3A_62 : vector<16xi32> to vector<16xf32>
    %sub3A_64 = arith.subf %min3A_61, %convert_element_type3A_63 : vector<16xf32>
    %add3A_65 = arith.constant 1 : i32
    %add3A_66 = vector.broadcast %add3A_65 : i32 to vector<16xi32>
    %add3A_67 = arith.addi %convert_element_type3A_62, %add3A_66 : vector<16xi32>
    %min3A_68 = arith.constant 99 : i32
    %min3A_69 = vector.broadcast %min3A_68 : i32 to vector<16xi32>
    %min3A_70 = arith.minsi %add3A_67, %min3A_69 : vector<16xi32>
    %add3A_71 = arith.constant 8 : i32
    %add3A_72 = vector.broadcast %add3A_71 : i32 to vector<16xi32>
    %add3A_73 = arith.addi %and3A_2, %add3A_72 : vector<16xi32>
    %lt3A_74 = arith.constant 26 : i32
    %lt3A_75 = vector.broadcast %lt3A_74 : i32 to vector<16xi32>
    %lt3A_76 = arith.cmpi slt, %add3A_73, %lt3A_75 : vector<16xi32>
    %eq3A_77 = arith.constant 0 : i32
    %eq3A_78 = vector.broadcast %eq3A_77 : i32 to vector<16xi32>
    %eq3A_79 = arith.cmpi eq, %and3A_7, %eq3A_78 : vector<16xi32>
    %select_n3A_80 = arith.select %eq3A_79, %convert_element_type3A_62, %min3A_70 : vector<16xi1>, vector<16xi32>
    %eq3A_81 = arith.constant 0 : i32
    %eq3A_82 = vector.broadcast %eq3A_81 : i32 to vector<16xi32>
    %eq3A_83 = arith.cmpi eq, %and3A_7, %eq3A_82 : vector<16xi32>
    %sub3A_84 = arith.constant 1.000000e+00 : f32
    %sub3A_85 = vector.broadcast %sub3A_84 : f32 to vector<16xf32>
    %sub3A_86 = arith.subf %sub3A_85, %sub3A_64 : vector<16xf32>
    %select_n3A_87 = arith.select %eq3A_83, %sub3A_86, %sub3A_64 : vector<16xi1>, vector<16xf32>
    %mul3A_88 = arith.constant 100 : i32
    %mul3A_89 = vector.broadcast %mul3A_88 : i32 to vector<16xi32>
    %mul3A_90 = arith.muli %add3A_73, %mul3A_89 : vector<16xi32>
    %add3A_91 = arith.addi %select_n3A_80, %mul3A_90 : vector<16xi32>
    %jit3A_92 = arith.constant 0 : i32
    %broadcast_in_dim3A_93 = vector.broadcast %jit3A_92 : i32 to vector<16xi32>
    %select_n3A_94 = arith.select %lt3A_76, %add3A_91, %broadcast_in_dim3A_93 : vector<16xi1>, vector<16xi32>
    %select_n3A_95 = arith.select %lt3A_76, %select_n3A_87, %broadcast_in_dim3A_8 : vector<16xi1>, vector<16xf32>
    %get3A_96 = arith.constant 32 : index
    %get3A_97 = tpu.vector_load %arg5[%get3A_96] {strides = array<i32>} : memref<64xf32, #tpu.memory_space<vmem>>, vector<16xf32>,
    %get3A_98 = vector.shape_cast %get3A_97 : vector<16xf32> to vector<16xf32>
    %mul3A_99 = arith.constant 9.900000e+01 : f32
    %mul3A_100 = vector.broadcast %mul3A_99 : f32 to vector<16xf32>
    %mul3A_101 = arith.mulf %get3A_98, %mul3A_100 : vector<16xf32>
    %jit3A_102 = arith.constant 0.000000e+00 : f32
    %jit3A_103 = arith.constant 9.900000e+01 : f32
    %max3A_104 = vector.broadcast %jit3A_102 : f32 to vector<16xf32>
    %max3A_105 = arith.maximumf %max3A_104, %mul3A_101 : vector<16xf32>
    %min3A_106 = vector.broadcast %jit3A_103 : f32 to vector<16xf32>
    %min3A_107 = arith.minimumf %min3A_106, %max3A_105 : vector<16xf32>
    %convert_element_type3A_108 = arith.fptosi %min3A_107 : vector<16xf32> to vector<16xi32>
    %convert_element_type3A_109 = arith.sitofp %convert_element_type3A_108 : vector<16xi32> to vector<16xf32>
    %sub3A_110 = arith.subf %min3A_107, %convert_element_type3A_109 : vector<16xf32>
    %add3A_111 = arith.constant 1 : i32
    %add3A_112 = vector.broadcast %add3A_111 : i32 to vector<16xi32>
    %add3A_113 = arith.addi %convert_element_type3A_108, %add3A_112 : vector<16xi32>
    %min3A_114 = arith.constant 99 : i32
    %min3A_115 = vector.broadcast %min3A_114 : i32 to vector<16xi32>
    %min3A_116 = arith.minsi %add3A_113, %min3A_115 : vector<16xi32>
    %add3A_117 = arith.constant 16 : i32
    %add3A_118 = vector.broadcast %add3A_117 : i32 to vector<16xi32>
    %add3A_119 = arith.addi %and3A_2, %add3A_118 : vector<16xi32>
    %lt3A_120 = arith.constant 26 : i32
    %lt3A_121 = vector.broadcast %lt3A_120 : i32 to vector<16xi32>
    %lt3A_122 = arith.cmpi slt, %add3A_119, %lt3A_121 : vector<16xi32>
    %eq3A_123 = arith.constant 0 : i32
    %eq3A_124 = vector.broadcast %eq3A_123 : i32 to vector<16xi32>
    %eq3A_125 = arith.cmpi eq, %and3A_7, %eq3A_124 : vector<16xi32>
    %select_n3A_126 = arith.select %eq3A_125, %convert_element_type3A_108, %min3A_116 : vector<16xi1>, vector<16xi32>
    %eq3A_127 = arith.constant 0 : i32
    %eq3A_128 = vector.broadcast %eq3A_127 : i32 to vector<16xi32>
    %eq3A_129 = arith.cmpi eq, %and3A_7, %eq3A_128 : vector<16xi32>
    %sub3A_130 = arith.constant 1.000000e+00 : f32
    %sub3A_131 = vector.broadcast %sub3A_130 : f32 to vector<16xf32>
    %sub3A_132 = arith.subf %sub3A_131, %sub3A_110 : vector<16xf32>
    %select_n3A_133 = arith.select %eq3A_129, %sub3A_132, %sub3A_110 : vector<16xi1>, vector<16xf32>
    %mul3A_134 = arith.constant 100 : i32
    %mul3A_135 = vector.broadcast %mul3A_134 : i32 to vector<16xi32>
    %mul3A_136 = arith.muli %add3A_119, %mul3A_135 : vector<16xi32>
    %add3A_137 = arith.addi %select_n3A_126, %mul3A_136 : vector<16xi32>
    %jit3A_138 = arith.constant 0 : i32
    %broadcast_in_dim3A_139 = vector.broadcast %jit3A_138 : i32 to vector<16xi32>
    %select_n3A_140 = arith.select %lt3A_122, %add3A_137, %broadcast_in_dim3A_139 : vector<16xi1>, vector<16xi32>
    %select_n3A_141 = arith.select %lt3A_122, %select_n3A_133, %broadcast_in_dim3A_8 : vector<16xi1>, vector<16xf32>
    %get3A_142 = arith.constant 48 : index
    %get3A_143 = tpu.vector_load %arg5[%get3A_142] {strides = array<i32>} : memref<64xf32, #tpu.memory_space<vmem>>, vector<16xf32>,
    %get3A_144 = vector.shape_cast %get3A_143 : vector<16xf32> to vector<16xf32>
    %mul3A_145 = arith.constant 9.900000e+01 : f32
    %mul3A_146 = vector.broadcast %mul3A_145 : f32 to vector<16xf32>
    %mul3A_147 = arith.mulf %get3A_144, %mul3A_146 : vector<16xf32>
    %jit3A_148 = arith.constant 0.000000e+00 : f32
    %jit3A_149 = arith.constant 9.900000e+01 : f32
    %max3A_150 = vector.broadcast %jit3A_148 : f32 to vector<16xf32>
    %max3A_151 = arith.maximumf %max3A_150, %mul3A_147 : vector<16xf32>
    %min3A_152 = vector.broadcast %jit3A_149 : f32 to vector<16xf32>
    %min3A_153 = arith.minimumf %min3A_152, %max3A_151 : vector<16xf32>
    %convert_element_type3A_154 = arith.fptosi %min3A_153 : vector<16xf32> to vector<16xi32>
    %convert_element_type3A_155 = arith.sitofp %convert_element_type3A_154 : vector<16xi32> to vector<16xf32>
    %sub3A_156 = arith.subf %min3A_153, %convert_element_type3A_155 : vector<16xf32>
    %add3A_157 = arith.constant 1 : i32
    %add3A_158 = vector.broadcast %add3A_157 : i32 to vector<16xi32>
    %add3A_159 = arith.addi %convert_element_type3A_154, %add3A_158 : vector<16xi32>
    %min3A_160 = arith.constant 99 : i32
    %min3A_161 = vector.broadcast %min3A_160 : i32 to vector<16xi32>
    %min3A_162 = arith.minsi %add3A_159, %min3A_161 : vector<16xi32>
    %add3A_163 = arith.constant 24 : i32
    %add3A_164 = vector.broadcast %add3A_163 : i32 to vector<16xi32>
    %add3A_165 = arith.addi %and3A_2, %add3A_164 : vector<16xi32>
    %lt3A_166 = arith.constant 26 : i32
    %lt3A_167 = vector.broadcast %lt3A_166 : i32 to vector<16xi32>
    %lt3A_168 = arith.cmpi slt, %add3A_165, %lt3A_167 : vector<16xi32>
    %eq3A_169 = arith.constant 0 : i32
    %eq3A_170 = vector.broadcast %eq3A_169 : i32 to vector<16xi32>
    %eq3A_171 = arith.cmpi eq, %and3A_7, %eq3A_170 : vector<16xi32>
    %select_n3A_172 = arith.select %eq3A_171, %convert_element_type3A_154, %min3A_162 : vector<16xi1>, vector<16xi32>
    %eq3A_173 = arith.constant 0 : i32
    %eq3A_174 = vector.broadcast %eq3A_173 : i32 to vector<16xi32>
    %eq3A_175 = arith.cmpi eq, %and3A_7, %eq3A_174 : vector<16xi32>
    %sub3A_176 = arith.constant 1.000000e+00 : f32
    %sub3A_177 = vector.broadcast %sub3A_176 : f32 to vector<16xf32>
    %sub3A_178 = arith.subf %sub3A_177, %sub3A_156 : vector<16xf32>
    %select_n3A_179 = arith.select %eq3A_175, %sub3A_178, %sub3A_156 : vector<16xi1>, vector<16xf32>
    %mul3A_180 = arith.constant 100 : i32
    %mul3A_181 = vector.broadcast %mul3A_180 : i32 to vector<16xi32>
    %mul3A_182 = arith.muli %add3A_165, %mul3A_181 : vector<16xi32>
    %add3A_183 = arith.addi %select_n3A_172, %mul3A_182 : vector<16xi32>
    %jit3A_184 = arith.constant 0 : i32
    %broadcast_in_dim3A_185 = vector.broadcast %jit3A_184 : i32 to vector<16xi32>
    %select_n3A_186 = arith.select %lt3A_168, %add3A_183, %broadcast_in_dim3A_185 : vector<16xi1>, vector<16xi32>
    %select_n3A_187 = arith.select %lt3A_168, %select_n3A_179, %broadcast_in_dim3A_8 : vector<16xi1>, vector<16xf32>
    %dma_start3A = arith.constant 0 : i32
    %dma_start3A_188 = arith.constant 0 : i32
    %dma_start3A_189 = tpu.memref_slice %arg3[%dma_start3A, %dma_start3A_188] : memref<2600x2048xf32, #tpu.memory_space<hbm>> -> memref<2600x2048xf32, #tpu.memory_space<hbm>>
    tpu.enqueue_indirect_dma source(%dma_start3A_189 : memref<2600x2048xf32, #tpu.memory_space<hbm>>) target(%arg6 : memref<16x2048xf32, #tpu.memory_space<vmem>>) offsets(%select_n3A_48 : vector<16xi32>) semaphore(%arg10 : memref<!tpu.dma_semaphore, #tpu.memory_space<semaphore_mem>>)
    %dma_start3A_190 = arith.constant 0 : i32
    %dma_start3A_191 = arith.constant 0 : i32
    %dma_start3A_192 = tpu.memref_slice %arg3[%dma_start3A_190, %dma_start3A_191] : memref<2600x2048xf32, #tpu.memory_space<hbm>> -> memref<2600x2048xf32, #tpu.memory_space<hbm>>
    tpu.enqueue_indirect_dma source(%dma_start3A_192 : memref<2600x2048xf32, #tpu.memory_space<hbm>>) target(%arg7 : memref<16x2048xf32, #tpu.memory_space<vmem>>) offsets(%select_n3A_94 : vector<16xi32>) semaphore(%arg11 : memref<!tpu.dma_semaphore, #tpu.memory_space<semaphore_mem>>)
    %dma_start3A_193 = arith.constant 0 : i32
    %dma_start3A_194 = arith.constant 0 : i32
    %dma_start3A_195 = tpu.memref_slice %arg3[%dma_start3A_193, %dma_start3A_194] : memref<2600x2048xf32, #tpu.memory_space<hbm>> -> memref<2600x2048xf32, #tpu.memory_space<hbm>>
    tpu.enqueue_indirect_dma source(%dma_start3A_195 : memref<2600x2048xf32, #tpu.memory_space<hbm>>) target(%arg8 : memref<16x2048xf32, #tpu.memory_space<vmem>>) offsets(%select_n3A_140 : vector<16xi32>) semaphore(%arg12 : memref<!tpu.dma_semaphore, #tpu.memory_space<semaphore_mem>>)
    %dma_wait3A = arith.constant 0 : i32
    %dma_wait3A_196 = arith.constant 0 : i32
    %dma_wait3A_197 = tpu.memref_slice %arg3[%dma_wait3A, %dma_wait3A_196] : memref<2600x2048xf32, #tpu.memory_space<hbm>> -> memref<2600x2048xf32, #tpu.memory_space<hbm>>
    tpu.wait_indirect_dma semaphore(%arg10 : memref<!tpu.dma_semaphore, #tpu.memory_space<semaphore_mem>>) src(%dma_wait3A_197 : memref<2600x2048xf32, #tpu.memory_space<hbm>>) dst(%arg6 : memref<16x2048xf32, #tpu.memory_space<vmem>>)
    %slice3A = vector.extract_strided_slice %select_n3A_49 {offsets = [0], sizes = [1], strides = [1]} : vector<16xf32> to vector<1xf32>
    %squeeze3A = vector.extract %slice3A[0] : f32 from vector<1xf32>
    %slice3A_198 = vector.extract_strided_slice %select_n3A_49 {offsets = [1], sizes = [1], strides = [1]} : vector<16xf32> to vector<1xf32>
    %squeeze3A_199 = vector.extract %slice3A_198[0] : f32 from vector<1xf32>
    %slice3A_200 = vector.extract_strided_slice %select_n3A_49 {offsets = [2], sizes = [1], strides = [1]} : vector<16xf32> to vector<1xf32>
    %squeeze3A_201 = vector.extract %slice3A_200[0] : f32 from vector<1xf32>
    %slice3A_202 = vector.extract_strided_slice %select_n3A_49 {offsets = [3], sizes = [1], strides = [1]} : vector<16xf32> to vector<1xf32>
    %squeeze3A_203 = vector.extract %slice3A_202[0] : f32 from vector<1xf32>
    %slice3A_204 = vector.extract_strided_slice %select_n3A_49 {offsets = [4], sizes = [1], strides = [1]} : vector<16xf32> to vector<1xf32>
    %squeeze3A_205 = vector.extract %slice3A_204[0] : f32 from vector<1xf32>
    %slice3A_206 = vector.extract_strided_slice %select_n3A_49 {offsets = [5], sizes = [1], strides = [1]} : vector<16xf32> to vector<1xf32>
    %squeeze3A_207 = vector.extract %slice3A_206[0] : f32 from vector<1xf32>
    %slice3A_208 = vector.extract_strided_slice %select_n3A_49 {offsets = [6], sizes = [1], strides = [1]} : vector<16xf32> to vector<1xf32>
    %squeeze3A_209 = vector.extract %slice3A_208[0] : f32 from vector<1xf32>
    %slice3A_210 = vector.extract_strided_slice %select_n3A_49 {offsets = [7], sizes = [1], strides = [1]} : vector<16xf32> to vector<1xf32>
    %squeeze3A_211 = vector.extract %slice3A_210[0] : f32 from vector<1xf32>
    %slice3A_212 = vector.extract_strided_slice %select_n3A_49 {offsets = [8], sizes = [1], strides = [1]} : vector<16xf32> to vector<1xf32>
    %squeeze3A_213 = vector.extract %slice3A_212[0] : f32 from vector<1xf32>
    %slice3A_214 = vector.extract_strided_slice %select_n3A_49 {offsets = [9], sizes = [1], strides = [1]} : vector<16xf32> to vector<1xf32>
    %squeeze3A_215 = vector.extract %slice3A_214[0] : f32 from vector<1xf32>
    %slice3A_216 = vector.extract_strided_slice %select_n3A_49 {offsets = [10], sizes = [1], strides = [1]} : vector<16xf32> to vector<1xf32>
    %squeeze3A_217 = vector.extract %slice3A_216[0] : f32 from vector<1xf32>
    %slice3A_218 = vector.extract_strided_slice %select_n3A_49 {offsets = [11], sizes = [1], strides = [1]} : vector<16xf32> to vector<1xf32>
    %squeeze3A_219 = vector.extract %slice3A_218[0] : f32 from vector<1xf32>
    %slice3A_220 = vector.extract_strided_slice %select_n3A_49 {offsets = [12], sizes = [1], strides = [1]} : vector<16xf32> to vector<1xf32>
    %squeeze3A_221 = vector.extract %slice3A_220[0] : f32 from vector<1xf32>
    %slice3A_222 = vector.extract_strided_slice %select_n3A_49 {offsets = [13], sizes = [1], strides = [1]} : vector<16xf32> to vector<1xf32>
    %squeeze3A_223 = vector.extract %slice3A_222[0] : f32 from vector<1xf32>
    %slice3A_224 = vector.extract_strided_slice %select_n3A_49 {offsets = [14], sizes = [1], strides = [1]} : vector<16xf32> to vector<1xf32>
    %squeeze3A_225 = vector.extract %slice3A_224[0] : f32 from vector<1xf32>
    %slice3A_226 = vector.extract_strided_slice %select_n3A_49 {offsets = [15], sizes = [1], strides = [1]} : vector<16xf32> to vector<1xf32>
    %squeeze3A_227 = vector.extract %slice3A_226[0] : f32 from vector<1xf32>
    %scan3A_228 = arith.constant 0 : i32
    %scan3A_229 = arith.constant 0 : i32
    %scan3A_230 = arith.constant 128 : i32
    %scan3A_231 = arith.addi %scan3A_229, %scan3A_230 : i32
    %scan3A_232 = arith.constant 4 : i32
    scf.for %scan3A_431 = %scan3A_229 to %scan3A_231 step %scan3A_232  : i32 {
      %mul3A_432 = arith.constant 16 : i32
      %mul3A_433 = arith.muli %scan3A_431, %mul3A_432 : i32
      %multiple_of3A = tpu.assume_multiple %mul3A_433, 16 : i32
      %get3A_434 = arith.constant 0 : i32
      %get3A_435 = arith.index_cast %get3A_434 : i32 to index
      %get3A_436 = arith.index_cast %multiple_of3A : i32 to index
      %get3A_437 = tpu.vector_load %arg6[%get3A_435, %get3A_436] {strides = array<i32>} : memref<16x2048xf32, #tpu.memory_space<vmem>>, vector<1x16xf32>,
      %get3A_438 = vector.shape_cast %get3A_437 : vector<1x16xf32> to vector<16xf32>
      %mul3A_439 = vector.broadcast %squeeze3A : f32 to vector<16xf32>
      %mul3A_440 = arith.mulf %mul3A_439, %get3A_438 : vector<16xf32>
      %get3A_441 = arith.constant 1 : i32
      %get3A_442 = arith.index_cast %get3A_441 : i32 to index
      %get3A_443 = arith.index_cast %multiple_of3A : i32 to index
      %get3A_444 = tpu.vector_load %arg6[%get3A_442, %get3A_443] {strides = array<i32>} : memref<16x2048xf32, #tpu.memory_space<vmem>>, vector<1x16xf32>,
      %get3A_445 = vector.shape_cast %get3A_444 : vector<1x16xf32> to vector<16xf32>
      %mul3A_446 = vector.broadcast %squeeze3A_199 : f32 to vector<16xf32>
      %mul3A_447 = arith.mulf %mul3A_446, %get3A_445 : vector<16xf32>
      %add3A_448 = arith.addf %mul3A_440, %mul3A_447 : vector<16xf32>
      %get3A_449 = arith.constant 2 : i32
      %get3A_450 = arith.index_cast %get3A_449 : i32 to index
      %get3A_451 = arith.index_cast %multiple_of3A : i32 to index
      %get3A_452 = tpu.vector_load %arg6[%get3A_450, %get3A_451] {strides = array<i32>} : memref<16x2048xf32, #tpu.memory_space<vmem>>, vector<1x16xf32>,
      %get3A_453 = vector.shape_cast %get3A_452 : vector<1x16xf32> to vector<16xf32>
      %mul3A_454 = vector.broadcast %squeeze3A_201 : f32 to vector<16xf32>
      %mul3A_455 = arith.mulf %mul3A_454, %get3A_453 : vector<16xf32>
      %add3A_456 = arith.addf %add3A_448, %mul3A_455 : vector<16xf32>
      %get3A_457 = arith.constant 3 : i32
      %get3A_458 = arith.index_cast %get3A_457 : i32 to index
      %get3A_459 = arith.index_cast %multiple_of3A : i32 to index
      %get3A_460 = tpu.vector_load %arg6[%get3A_458, %get3A_459] {strides = array<i32>} : memref<16x2048xf32, #tpu.memory_space<vmem>>, vector<1x16xf32>,
      %get3A_461 = vector.shape_cast %get3A_460 : vector<1x16xf32> to vector<16xf32>
      %mul3A_462 = vector.broadcast %squeeze3A_203 : f32 to vector<16xf32>
      %mul3A_463 = arith.mulf %mul3A_462, %get3A_461 : vector<16xf32>
      %add3A_464 = arith.addf %add3A_456, %mul3A_463 : vector<16xf32>
      %get3A_465 = arith.constant 4 : i32
      %get3A_466 = arith.index_cast %get3A_465 : i32 to index
      %get3A_467 = arith.index_cast %multiple_of3A : i32 to index
      %get3A_468 = tpu.vector_load %arg6[%get3A_466, %get3A_467] {strides = array<i32>} : memref<16x2048xf32, #tpu.memory_space<vmem>>, vector<1x16xf32>,
      %get3A_469 = vector.shape_cast %get3A_468 : vector<1x16xf32> to vector<16xf32>
      %mul3A_470 = vector.broadcast %squeeze3A_205 : f32 to vector<16xf32>
      %mul3A_471 = arith.mulf %mul3A_470, %get3A_469 : vector<16xf32>
      %add3A_472 = arith.addf %add3A_464, %mul3A_471 : vector<16xf32>
      %get3A_473 = arith.constant 5 : i32
      %get3A_474 = arith.index_cast %get3A_473 : i32 to index
      %get3A_475 = arith.index_cast %multiple_of3A : i32 to index
      %get3A_476 = tpu.vector_load %arg6[%get3A_474, %get3A_475] {strides = array<i32>} : memref<16x2048xf32, #tpu.memory_space<vmem>>, vector<1x16xf32>,
      %get3A_477 = vector.shape_cast %get3A_476 : vector<1x16xf32> to vector<16xf32>
      %mul3A_478 = vector.broadcast %squeeze3A_207 : f32 to vector<16xf32>
      %mul3A_479 = arith.mulf %mul3A_478, %get3A_477 : vector<16xf32>
      %add3A_480 = arith.addf %add3A_472, %mul3A_479 : vector<16xf32>
      %get3A_481 = arith.constant 6 : i32
      %get3A_482 = arith.index_cast %get3A_481 : i32 to index
      %get3A_483 = arith.index_cast %multiple_of3A : i32 to index
      %get3A_484 = tpu.vector_load %arg6[%get3A_482, %get3A_483] {strides = array<i32>} : memref<16x2048xf32, #tpu.memory_space<vmem>>, vector<1x16xf32>,
      %get3A_485 = vector.shape_cast %get3A_484 : vector<1x16xf32> to vector<16xf32>
      %mul3A_486 = vector.broadcast %squeeze3A_209 : f32 to vector<16xf32>
      %mul3A_487 = arith.mulf %mul3A_486, %get3A_485 : vector<16xf32>
      %add3A_488 = arith.addf %add3A_480, %mul3A_487 : vector<16xf32>
      %get3A_489 = arith.constant 7 : i32
      %get3A_490 = arith.index_cast %get3A_489 : i32 to index
      %get3A_491 = arith.index_cast %multiple_of3A : i32 to index
      %get3A_492 = tpu.vector_load %arg6[%get3A_490, %get3A_491] {strides = array<i32>} : memref<16x2048xf32, #tpu.memory_space<vmem>>, vector<1x16xf32>,
      %get3A_493 = vector.shape_cast %get3A_492 : vector<1x16xf32> to vector<16xf32>
      %mul3A_494 = vector.broadcast %squeeze3A_211 : f32 to vector<16xf32>
      %mul3A_495 = arith.mulf %mul3A_494, %get3A_493 : vector<16xf32>
      %add3A_496 = arith.addf %add3A_488, %mul3A_495 : vector<16xf32>
      %get3A_497 = arith.constant 8 : i32
      %get3A_498 = arith.index_cast %get3A_497 : i32 to index
      %get3A_499 = arith.index_cast %multiple_of3A : i32 to index
      %get3A_500 = tpu.vector_load %arg6[%get3A_498, %get3A_499] {strides = array<i32>} : memref<16x2048xf32, #tpu.memory_space<vmem>>, vector<1x16xf32>,
      %get3A_501 = vector.shape_cast %get3A_500 : vector<1x16xf32> to vector<16xf32>
      %mul3A_502 = vector.broadcast %squeeze3A_213 : f32 to vector<16xf32>
      %mul3A_503 = arith.mulf %mul3A_502, %get3A_501 : vector<16xf32>
      %add3A_504 = arith.addf %add3A_496, %mul3A_503 : vector<16xf32>
      %get3A_505 = arith.constant 9 : i32
      %get3A_506 = arith.index_cast %get3A_505 : i32 to index
      %get3A_507 = arith.index_cast %multiple_of3A : i32 to index
      %get3A_508 = tpu.vector_load %arg6[%get3A_506, %get3A_507] {strides = array<i32>} : memref<16x2048xf32, #tpu.memory_space<vmem>>, vector<1x16xf32>,
      %get3A_509 = vector.shape_cast %get3A_508 : vector<1x16xf32> to vector<16xf32>
      %mul3A_510 = vector.broadcast %squeeze3A_215 : f32 to vector<16xf32>
      %mul3A_511 = arith.mulf %mul3A_510, %get3A_509 : vector<16xf32>
      %add3A_512 = arith.addf %add3A_504, %mul3A_511 : vector<16xf32>
      %get3A_513 = arith.constant 10 : i32
      %get3A_514 = arith.index_cast %get3A_513 : i32 to index
      %get3A_515 = arith.index_cast %multiple_of3A : i32 to index
      %get3A_516 = tpu.vector_load %arg6[%get3A_514, %get3A_515] {strides = array<i32>} : memref<16x2048xf32, #tpu.memory_space<vmem>>, vector<1x16xf32>,
      %get3A_517 = vector.shape_cast %get3A_516 : vector<1x16xf32> to vector<16xf32>
      %mul3A_518 = vector.broadcast %squeeze3A_217 : f32 to vector<16xf32>
      %mul3A_519 = arith.mulf %mul3A_518, %get3A_517 : vector<16xf32>
      %add3A_520 = arith.addf %add3A_512, %mul3A_519 : vector<16xf32>
      %get3A_521 = arith.constant 11 : i32
      %get3A_522 = arith.index_cast %get3A_521 : i32 to index
      %get3A_523 = arith.index_cast %multiple_of3A : i32 to index
      %get3A_524 = tpu.vector_load %arg6[%get3A_522, %get3A_523] {strides = array<i32>} : memref<16x2048xf32, #tpu.memory_space<vmem>>, vector<1x16xf32>,
      %get3A_525 = vector.shape_cast %get3A_524 : vector<1x16xf32> to vector<16xf32>
      %mul3A_526 = vector.broadcast %squeeze3A_219 : f32 to vector<16xf32>
      %mul3A_527 = arith.mulf %mul3A_526, %get3A_525 : vector<16xf32>
      %add3A_528 = arith.addf %add3A_520, %mul3A_527 : vector<16xf32>
      %get3A_529 = arith.constant 12 : i32
      %get3A_530 = arith.index_cast %get3A_529 : i32 to index
      %get3A_531 = arith.index_cast %multiple_of3A : i32 to index
      %get3A_532 = tpu.vector_load %arg6[%get3A_530, %get3A_531] {strides = array<i32>} : memref<16x2048xf32, #tpu.memory_space<vmem>>, vector<1x16xf32>,
      %get3A_533 = vector.shape_cast %get3A_532 : vector<1x16xf32> to vector<16xf32>
      %mul3A_534 = vector.broadcast %squeeze3A_221 : f32 to vector<16xf32>
      %mul3A_535 = arith.mulf %mul3A_534, %get3A_533 : vector<16xf32>
      %add3A_536 = arith.addf %add3A_528, %mul3A_535 : vector<16xf32>
      %get3A_537 = arith.constant 13 : i32
      %get3A_538 = arith.index_cast %get3A_537 : i32 to index
      %get3A_539 = arith.index_cast %multiple_of3A : i32 to index
      %get3A_540 = tpu.vector_load %arg6[%get3A_538, %get3A_539] {strides = array<i32>} : memref<16x2048xf32, #tpu.memory_space<vmem>>, vector<1x16xf32>,
      %get3A_541 = vector.shape_cast %get3A_540 : vector<1x16xf32> to vector<16xf32>
      %mul3A_542 = vector.broadcast %squeeze3A_223 : f32 to vector<16xf32>
      %mul3A_543 = arith.mulf %mul3A_542, %get3A_541 : vector<16xf32>
      %add3A_544 = arith.addf %add3A_536, %mul3A_543 : vector<16xf32>
      %get3A_545 = arith.constant 14 : i32
      %get3A_546 = arith.index_cast %get3A_545 : i32 to index
      %get3A_547 = arith.index_cast %multiple_of3A : i32 to index
      %get3A_548 = tpu.vector_load %arg6[%get3A_546, %get3A_547] {strides = array<i32>} : memref<16x2048xf32, #tpu.memory_space<vmem>>, vector<1x16xf32>,
      %get3A_549 = vector.shape_cast %get3A_548 : vector<1x16xf32> to vector<16xf32>
      %mul3A_550 = vector.broadcast %squeeze3A_225 : f32 to vector<16xf32>
      %mul3A_551 = arith.mulf %mul3A_550, %get3A_549 : vector<16xf32>
      %add3A_552 = arith.addf %add3A_544, %mul3A_551 : vector<16xf32>
      %get3A_553 = arith.constant 15 : i32
      %get3A_554 = arith.index_cast %get3A_553 : i32 to index
      %get3A_555 = arith.index_cast %multiple_of3A : i32 to index
      %get3A_556 = tpu.vector_load %arg6[%get3A_554, %get3A_555] {strides = array<i32>} : memref<16x2048xf32, #tpu.memory_space<vmem>>, vector<1x16xf32>,
      %get3A_557 = vector.shape_cast %get3A_556 : vector<1x16xf32> to vector<16xf32>
      %mul3A_558 = vector.broadcast %squeeze3A_227 : f32 to vector<16xf32>
      %mul3A_559 = arith.mulf %mul3A_558, %get3A_557 : vector<16xf32>
      %add3A_560 = arith.addf %add3A_552, %mul3A_559 : vector<16xf32>
      %swap3A = arith.constant 0 : i32
      %swap3A_561 = arith.index_cast %swap3A : i32 to index
      %swap3A_562 = arith.index_cast %multiple_of3A : i32 to index
      %swap3A_563 = tpu.vector_load %arg9[%swap3A_561, %swap3A_562] {strides = array<i32>} : memref<2x2048xf32, #tpu.memory_space<vmem>>, vector<1x16xf32>,
      %swap3A_564 = vector.shape_cast %swap3A_563 : vector<1x16xf32> to vector<16xf32>
      %swap3A_565 = vector.shape_cast %add3A_560 : vector<16xf32> to vector<1x16xf32>
      tpu.vector_store %arg9[%swap3A_561, %swap3A_562], %swap3A_565 {strides = array<i32>} : memref<2x2048xf32, #tpu.memory_space<vmem>>, vector<1x16xf32>,
      %scan3A_566 = arith.constant 1 : i32
      %scan3A_567 = arith.addi %scan3A_431, %scan3A_566 : i32
      %mul3A_568 = arith.constant 16 : i32
      %mul3A_569 = arith.muli %scan3A_567, %mul3A_568 : i32
      %multiple_of3A_570 = tpu.assume_multiple %mul3A_569, 16 : i32
      %get3A_571 = arith.constant 0 : i32
      %get3A_572 = arith.index_cast %get3A_571 : i32 to index
      %get3A_573 = arith.index_cast %multiple_of3A_570 : i32 to index
      %get3A_574 = tpu.vector_load %arg6[%get3A_572, %get3A_573] {strides = array<i32>} : memref<16x2048xf32, #tpu.memory_space<vmem>>, vector<1x16xf32>,
      %get3A_575 = vector.shape_cast %get3A_574 : vector<1x16xf32> to vector<16xf32>
      %mul3A_576 = vector.broadcast %squeeze3A : f32 to vector<16xf32>
      %mul3A_577 = arith.mulf %mul3A_576, %get3A_575 : vector<16xf32>
      %get3A_578 = arith.constant 1 : i32
      %get3A_579 = arith.index_cast %get3A_578 : i32 to index
      %get3A_580 = arith.index_cast %multiple_of3A_570 : i32 to index
      %get3A_581 = tpu.vector_load %arg6[%get3A_579, %get3A_580] {strides = array<i32>} : memref<16x2048xf32, #tpu.memory_space<vmem>>, vector<1x16xf32>,
      %get3A_582 = vector.shape_cast %get3A_581 : vector<1x16xf32> to vector<16xf32>
      %mul3A_583 = vector.broadcast %squeeze3A_199 : f32 to vector<16xf32>
      %mul3A_584 = arith.mulf %mul3A_583, %get3A_582 : vector<16xf32>
      %add3A_585 = arith.addf %mul3A_577, %mul3A_584 : vector<16xf32>
      %get3A_586 = arith.constant 2 : i32
      %get3A_587 = arith.index_cast %get3A_586 : i32 to index
      %get3A_588 = arith.index_cast %multiple_of3A_570 : i32 to index
      %get3A_589 = tpu.vector_load %arg6[%get3A_587, %get3A_588] {strides = array<i32>} : memref<16x2048xf32, #tpu.memory_space<vmem>>, vector<1x16xf32>,
      %get3A_590 = vector.shape_cast %get3A_589 : vector<1x16xf32> to vector<16xf32>
      %mul3A_591 = vector.broadcast %squeeze3A_201 : f32 to vector<16xf32>
      %mul3A_592 = arith.mulf %mul3A_591, %get3A_590 : vector<16xf32>
      %add3A_593 = arith.addf %add3A_585, %mul3A_592 : vector<16xf32>
      %get3A_594 = arith.constant 3 : i32
      %get3A_595 = arith.index_cast %get3A_594 : i32 to index
      %get3A_596 = arith.index_cast %multiple_of3A_570 : i32 to index
      %get3A_597 = tpu.vector_load %arg6[%get3A_595, %get3A_596] {strides = array<i32>} : memref<16x2048xf32, #tpu.memory_space<vmem>>, vector<1x16xf32>,
      %get3A_598 = vector.shape_cast %get3A_597 : vector<1x16xf32> to vector<16xf32>
      %mul3A_599 = vector.broadcast %squeeze3A_203 : f32 to vector<16xf32>
      %mul3A_600 = arith.mulf %mul3A_599, %get3A_598 : vector<16xf32>
      %add3A_601 = arith.addf %add3A_593, %mul3A_600 : vector<16xf32>
      %get3A_602 = arith.constant 4 : i32
      %get3A_603 = arith.index_cast %get3A_602 : i32 to index
      %get3A_604 = arith.index_cast %multiple_of3A_570 : i32 to index
      %get3A_605 = tpu.vector_load %arg6[%get3A_603, %get3A_604] {strides = array<i32>} : memref<16x2048xf32, #tpu.memory_space<vmem>>, vector<1x16xf32>,
      %get3A_606 = vector.shape_cast %get3A_605 : vector<1x16xf32> to vector<16xf32>
      %mul3A_607 = vector.broadcast %squeeze3A_205 : f32 to vector<16xf32>
      %mul3A_608 = arith.mulf %mul3A_607, %get3A_606 : vector<16xf32>
      %add3A_609 = arith.addf %add3A_601, %mul3A_608 : vector<16xf32>
      %get3A_610 = arith.constant 5 : i32
      %get3A_611 = arith.index_cast %get3A_610 : i32 to index
      %get3A_612 = arith.index_cast %multiple_of3A_570 : i32 to index
      %get3A_613 = tpu.vector_load %arg6[%get3A_611, %get3A_612] {strides = array<i32>} : memref<16x2048xf32, #tpu.memory_space<vmem>>, vector<1x16xf32>,
      %get3A_614 = vector.shape_cast %get3A_613 : vector<1x16xf32> to vector<16xf32>
      %mul3A_615 = vector.broadcast %squeeze3A_207 : f32 to vector<16xf32>
      %mul3A_616 = arith.mulf %mul3A_615, %get3A_614 : vector<16xf32>
      %add3A_617 = arith.addf %add3A_609, %mul3A_616 : vector<16xf32>
      %get3A_618 = arith.constant 6 : i32
      %get3A_619 = arith.index_cast %get3A_618 : i32 to index
      %get3A_620 = arith.index_cast %multiple_of3A_570 : i32 to index
      %get3A_621 = tpu.vector_load %arg6[%get3A_619, %get3A_620] {strides = array<i32>} : memref<16x2048xf32, #tpu.memory_space<vmem>>, vector<1x16xf32>,
      %get3A_622 = vector.shape_cast %get3A_621 : vector<1x16xf32> to vector<16xf32>
      %mul3A_623 = vector.broadcast %squeeze3A_209 : f32 to vector<16xf32>
      %mul3A_624 = arith.mulf %mul3A_623, %get3A_622 : vector<16xf32>
      %add3A_625 = arith.addf %add3A_617, %mul3A_624 : vector<16xf32>
      %get3A_626 = arith.constant 7 : i32
      %get3A_627 = arith.index_cast %get3A_626 : i32 to index
      %get3A_628 = arith.index_cast %multiple_of3A_570 : i32 to index
      %get3A_629 = tpu.vector_load %arg6[%get3A_627, %get3A_628] {strides = array<i32>} : memref<16x2048xf32, #tpu.memory_space<vmem>>, vector<1x16xf32>,
      %get3A_630 = vector.shape_cast %get3A_629 : vector<1x16xf32> to vector<16xf32>
      %mul3A_631 = vector.broadcast %squeeze3A_211 : f32 to vector<16xf32>
      %mul3A_632 = arith.mulf %mul3A_631, %get3A_630 : vector<16xf32>
      %add3A_633 = arith.addf %add3A_625, %mul3A_632 : vector<16xf32>
      %get3A_634 = arith.constant 8 : i32
      %get3A_635 = arith.index_cast %get3A_634 : i32 to index
      %get3A_636 = arith.index_cast %multiple_of3A_570 : i32 to index
      %get3A_637 = tpu.vector_load %arg6[%get3A_635, %get3A_636] {strides = array<i32>} : memref<16x2048xf32, #tpu.memory_space<vmem>>, vector<1x16xf32>,
      %get3A_638 = vector.shape_cast %get3A_637 : vector<1x16xf32> to vector<16xf32>
      %mul3A_639 = vector.broadcast %squeeze3A_213 : f32 to vector<16xf32>
      %mul3A_640 = arith.mulf %mul3A_639, %get3A_638 : vector<16xf32>
      %add3A_641 = arith.addf %add3A_633, %mul3A_640 : vector<16xf32>
      %get3A_642 = arith.constant 9 : i32
      %get3A_643 = arith.index_cast %get3A_642 : i32 to index
      %get3A_644 = arith.index_cast %multiple_of3A_570 : i32 to index
      %get3A_645 = tpu.vector_load %arg6[%get3A_643, %get3A_644] {strides = array<i32>} : memref<16x2048xf32, #tpu.memory_space<vmem>>, vector<1x16xf32>,
      %get3A_646 = vector.shape_cast %get3A_645 : vector<1x16xf32> to vector<16xf32>
      %mul3A_647 = vector.broadcast %squeeze3A_215 : f32 to vector<16xf32>
      %mul3A_648 = arith.mulf %mul3A_647, %get3A_646 : vector<16xf32>
      %add3A_649 = arith.addf %add3A_641, %mul3A_648 : vector<16xf32>
      %get3A_650 = arith.constant 10 : i32
      %get3A_651 = arith.index_cast %get3A_650 : i32 to index
      %get3A_652 = arith.index_cast %multiple_of3A_570 : i32 to index
      %get3A_653 = tpu.vector_load %arg6[%get3A_651, %get3A_652] {strides = array<i32>} : memref<16x2048xf32, #tpu.memory_space<vmem>>, vector<1x16xf32>,
      %get3A_654 = vector.shape_cast %get3A_653 : vector<1x16xf32> to vector<16xf32>
      %mul3A_655 = vector.broadcast %squeeze3A_217 : f32 to vector<16xf32>
      %mul3A_656 = arith.mulf %mul3A_655, %get3A_654 : vector<16xf32>
      %add3A_657 = arith.addf %add3A_649, %mul3A_656 : vector<16xf32>
      %get3A_658 = arith.constant 11 : i32
      %get3A_659 = arith.index_cast %get3A_658 : i32 to index
      %get3A_660 = arith.index_cast %multiple_of3A_570 : i32 to index
      %get3A_661 = tpu.vector_load %arg6[%get3A_659, %get3A_660] {strides = array<i32>} : memref<16x2048xf32, #tpu.memory_space<vmem>>, vector<1x16xf32>,
      %get3A_662 = vector.shape_cast %get3A_661 : vector<1x16xf32> to vector<16xf32>
      %mul3A_663 = vector.broadcast %squeeze3A_219 : f32 to vector<16xf32>
      %mul3A_664 = arith.mulf %mul3A_663, %get3A_662 : vector<16xf32>
      %add3A_665 = arith.addf %add3A_657, %mul3A_664 : vector<16xf32>
      %get3A_666 = arith.constant 12 : i32
      %get3A_667 = arith.index_cast %get3A_666 : i32 to index
      %get3A_668 = arith.index_cast %multiple_of3A_570 : i32 to index
      %get3A_669 = tpu.vector_load %arg6[%get3A_667, %get3A_668] {strides = array<i32>} : memref<16x2048xf32, #tpu.memory_space<vmem>>, vector<1x16xf32>,
      %get3A_670 = vector.shape_cast %get3A_669 : vector<1x16xf32> to vector<16xf32>
      %mul3A_671 = vector.broadcast %squeeze3A_221 : f32 to vector<16xf32>
      %mul3A_672 = arith.mulf %mul3A_671, %get3A_670 : vector<16xf32>
      %add3A_673 = arith.addf %add3A_665, %mul3A_672 : vector<16xf32>
      %get3A_674 = arith.constant 13 : i32
      %get3A_675 = arith.index_cast %get3A_674 : i32 to index
      %get3A_676 = arith.index_cast %multiple_of3A_570 : i32 to index
      %get3A_677 = tpu.vector_load %arg6[%get3A_675, %get3A_676] {strides = array<i32>} : memref<16x2048xf32, #tpu.memory_space<vmem>>, vector<1x16xf32>,
      %get3A_678 = vector.shape_cast %get3A_677 : vector<1x16xf32> to vector<16xf32>
      %mul3A_679 = vector.broadcast %squeeze3A_223 : f32 to vector<16xf32>
      %mul3A_680 = arith.mulf %mul3A_679, %get3A_678 : vector<16xf32>
      %add3A_681 = arith.addf %add3A_673, %mul3A_680 : vector<16xf32>
      %get3A_682 = arith.constant 14 : i32
      %get3A_683 = arith.index_cast %get3A_682 : i32 to index
      %get3A_684 = arith.index_cast %multiple_of3A_570 : i32 to index
      %get3A_685 = tpu.vector_load %arg6[%get3A_683, %get3A_684] {strides = array<i32>} : memref<16x2048xf32, #tpu.memory_space<vmem>>, vector<1x16xf32>,
      %get3A_686 = vector.shape_cast %get3A_685 : vector<1x16xf32> to vector<16xf32>
      %mul3A_687 = vector.broadcast %squeeze3A_225 : f32 to vector<16xf32>
      %mul3A_688 = arith.mulf %mul3A_687, %get3A_686 : vector<16xf32>
      %add3A_689 = arith.addf %add3A_681, %mul3A_688 : vector<16xf32>
      %get3A_690 = arith.constant 15 : i32
      %get3A_691 = arith.index_cast %get3A_690 : i32 to index
      %get3A_692 = arith.index_cast %multiple_of3A_570 : i32 to index
      %get3A_693 = tpu.vector_load %arg6[%get3A_691, %get3A_692] {strides = array<i32>} : memref<16x2048xf32, #tpu.memory_space<vmem>>, vector<1x16xf32>,
      %get3A_694 = vector.shape_cast %get3A_693 : vector<1x16xf32> to vector<16xf32>
      %mul3A_695 = vector.broadcast %squeeze3A_227 : f32 to vector<16xf32>
      %mul3A_696 = arith.mulf %mul3A_695, %get3A_694 : vector<16xf32>
      %add3A_697 = arith.addf %add3A_689, %mul3A_696 : vector<16xf32>
      %swap3A_698 = arith.constant 0 : i32
      %swap3A_699 = arith.index_cast %swap3A_698 : i32 to index
      %swap3A_700 = arith.index_cast %multiple_of3A_570 : i32 to index
      %swap3A_701 = tpu.vector_load %arg9[%swap3A_699, %swap3A_700] {strides = array<i32>} : memref<2x2048xf32, #tpu.memory_space<vmem>>, vector<1x16xf32>,
      %swap3A_702 = vector.shape_cast %swap3A_701 : vector<1x16xf32> to vector<16xf32>
      %swap3A_703 = vector.shape_cast %add3A_697 : vector<16xf32> to vector<1x16xf32>
      tpu.vector_store %arg9[%swap3A_699, %swap3A_700], %swap3A_703 {strides = array<i32>} : memref<2x2048xf32, #tpu.memory_space<vmem>>, vector<1x16xf32>,
      %scan3A_704 = arith.constant 2 : i32
      %scan3A_705 = arith.addi %scan3A_431, %scan3A_704 : i32
      %mul3A_706 = arith.constant 16 : i32
      %mul3A_707 = arith.muli %scan3A_705, %mul3A_706 : i32
      %multiple_of3A_708 = tpu.assume_multiple %mul3A_707, 16 : i32
      %get3A_709 = arith.constant 0 : i32
      %get3A_710 = arith.index_cast %get3A_709 : i32 to index
      %get3A_711 = arith.index_cast %multiple_of3A_708 : i32 to index
      %get3A_712 = tpu.vector_load %arg6[%get3A_710, %get3A_711] {strides = array<i32>} : memref<16x2048xf32, #tpu.memory_space<vmem>>, vector<1x16xf32>,
      %get3A_713 = vector.shape_cast %get3A_712 : vector<1x16xf32> to vector<16xf32>
      %mul3A_714 = vector.broadcast %squeeze3A : f32 to vector<16xf32>
      %mul3A_715 = arith.mulf %mul3A_714, %get3A_713 : vector<16xf32>
      %get3A_716 = arith.constant 1 : i32
      %get3A_717 = arith.index_cast %get3A_716 : i32 to index
      %get3A_718 = arith.index_cast %multiple_of3A_708 : i32 to index
      %get3A_719 = tpu.vector_load %arg6[%get3A_717, %get3A_718] {strides = array<i32>} : memref<16x2048xf32, #tpu.memory_space<vmem>>, vector<1x16xf32>,
      %get3A_720 = vector.shape_cast %get3A_719 : vector<1x16xf32> to vector<16xf32>
      %mul3A_721 = vector.broadcast %squeeze3A_199 : f32 to vector<16xf32>
      %mul3A_722 = arith.mulf %mul3A_721, %get3A_720 : vector<16xf32>
      %add3A_723 = arith.addf %mul3A_715, %mul3A_722 : vector<16xf32>
      %get3A_724 = arith.constant 2 : i32
      %get3A_725 = arith.index_cast %get3A_724 : i32 to index
      %get3A_726 = arith.index_cast %multiple_of3A_708 : i32 to index
      %get3A_727 = tpu.vector_load %arg6[%get3A_725, %get3A_726] {strides = array<i32>} : memref<16x2048xf32, #tpu.memory_space<vmem>>, vector<1x16xf32>,
      %get3A_728 = vector.shape_cast %get3A_727 : vector<1x16xf32> to vector<16xf32>
      %mul3A_729 = vector.broadcast %squeeze3A_201 : f32 to vector<16xf32>
      %mul3A_730 = arith.mulf %mul3A_729, %get3A_728 : vector<16xf32>
      %add3A_731 = arith.addf %add3A_723, %mul3A_730 : vector<16xf32>
      %get3A_732 = arith.constant 3 : i32
      %get3A_733 = arith.index_cast %get3A_732 : i32 to index
      %get3A_734 = arith.index_cast %multiple_of3A_708 : i32 to index
      %get3A_735 = tpu.vector_load %arg6[%get3A_733, %get3A_734] {strides = array<i32>} : memref<16x2048xf32, #tpu.memory_space<vmem>>, vector<1x16xf32>,
      %get3A_736 = vector.shape_cast %get3A_735 : vector<1x16xf32> to vector<16xf32>
      %mul3A_737 = vector.broadcast %squeeze3A_203 : f32 to vector<16xf32>
      %mul3A_738 = arith.mulf %mul3A_737, %get3A_736 : vector<16xf32>
      %add3A_739 = arith.addf %add3A_731, %mul3A_738 : vector<16xf32>
      %get3A_740 = arith.constant 4 : i32
      %get3A_741 = arith.index_cast %get3A_740 : i32 to index
      %get3A_742 = arith.index_cast %multiple_of3A_708 : i32 to index
      %get3A_743 = tpu.vector_load %arg6[%get3A_741, %get3A_742] {strides = array<i32>} : memref<16x2048xf32, #tpu.memory_space<vmem>>, vector<1x16xf32>,
      %get3A_744 = vector.shape_cast %get3A_743 : vector<1x16xf32> to vector<16xf32>
      %mul3A_745 = vector.broadcast %squeeze3A_205 : f32 to vector<16xf32>
      %mul3A_746 = arith.mulf %mul3A_745, %get3A_744 : vector<16xf32>
      %add3A_747 = arith.addf %add3A_739, %mul3A_746 : vector<16xf32>
      %get3A_748 = arith.constant 5 : i32
      %get3A_749 = arith.index_cast %get3A_748 : i32 to index
      %get3A_750 = arith.index_cast %multiple_of3A_708 : i32 to index
      %get3A_751 = tpu.vector_load %arg6[%get3A_749, %get3A_750] {strides = array<i32>} : memref<16x2048xf32, #tpu.memory_space<vmem>>, vector<1x16xf32>,
      %get3A_752 = vector.shape_cast %get3A_751 : vector<1x16xf32> to vector<16xf32>
      %mul3A_753 = vector.broadcast %squeeze3A_207 : f32 to vector<16xf32>
      %mul3A_754 = arith.mulf %mul3A_753, %get3A_752 : vector<16xf32>
      %add3A_755 = arith.addf %add3A_747, %mul3A_754 : vector<16xf32>
      %get3A_756 = arith.constant 6 : i32
      %get3A_757 = arith.index_cast %get3A_756 : i32 to index
      %get3A_758 = arith.index_cast %multiple_of3A_708 : i32 to index
      %get3A_759 = tpu.vector_load %arg6[%get3A_757, %get3A_758] {strides = array<i32>} : memref<16x2048xf32, #tpu.memory_space<vmem>>, vector<1x16xf32>,
      %get3A_760 = vector.shape_cast %get3A_759 : vector<1x16xf32> to vector<16xf32>
      %mul3A_761 = vector.broadcast %squeeze3A_209 : f32 to vector<16xf32>
      %mul3A_762 = arith.mulf %mul3A_761, %get3A_760 : vector<16xf32>
      %add3A_763 = arith.addf %add3A_755, %mul3A_762 : vector<16xf32>
      %get3A_764 = arith.constant 7 : i32
      %get3A_765 = arith.index_cast %get3A_764 : i32 to index
      %get3A_766 = arith.index_cast %multiple_of3A_708 : i32 to index
      %get3A_767 = tpu.vector_load %arg6[%get3A_765, %get3A_766] {strides = array<i32>} : memref<16x2048xf32, #tpu.memory_space<vmem>>, vector<1x16xf32>,
      %get3A_768 = vector.shape_cast %get3A_767 : vector<1x16xf32> to vector<16xf32>
      %mul3A_769 = vector.broadcast %squeeze3A_211 : f32 to vector<16xf32>
      %mul3A_770 = arith.mulf %mul3A_769, %get3A_768 : vector<16xf32>
      %add3A_771 = arith.addf %add3A_763, %mul3A_770 : vector<16xf32>
      %get3A_772 = arith.constant 8 : i32
      %get3A_773 = arith.index_cast %get3A_772 : i32 to index
      %get3A_774 = arith.index_cast %multiple_of3A_708 : i32 to index
      %get3A_775 = tpu.vector_load %arg6[%get3A_773, %get3A_774] {strides = array<i32>} : memref<16x2048xf32, #tpu.memory_space<vmem>>, vector<1x16xf32>,
      %get3A_776 = vector.shape_cast %get3A_775 : vector<1x16xf32> to vector<16xf32>
      %mul3A_777 = vector.broadcast %squeeze3A_213 : f32 to vector<16xf32>
      %mul3A_778 = arith.mulf %mul3A_777, %get3A_776 : vector<16xf32>
      %add3A_779 = arith.addf %add3A_771, %mul3A_778 : vector<16xf32>
      %get3A_780 = arith.constant 9 : i32
      %get3A_781 = arith.index_cast %get3A_780 : i32 to index
      %get3A_782 = arith.index_cast %multiple_of3A_708 : i32 to index
      %get3A_783 = tpu.vector_load %arg6[%get3A_781, %get3A_782] {strides = array<i32>} : memref<16x2048xf32, #tpu.memory_space<vmem>>, vector<1x16xf32>,
      %get3A_784 = vector.shape_cast %get3A_783 : vector<1x16xf32> to vector<16xf32>
      %mul3A_785 = vector.broadcast %squeeze3A_215 : f32 to vector<16xf32>
      %mul3A_786 = arith.mulf %mul3A_785, %get3A_784 : vector<16xf32>
      %add3A_787 = arith.addf %add3A_779, %mul3A_786 : vector<16xf32>
      %get3A_788 = arith.constant 10 : i32
      %get3A_789 = arith.index_cast %get3A_788 : i32 to index
      %get3A_790 = arith.index_cast %multiple_of3A_708 : i32 to index
      %get3A_791 = tpu.vector_load %arg6[%get3A_789, %get3A_790] {strides = array<i32>} : memref<16x2048xf32, #tpu.memory_space<vmem>>, vector<1x16xf32>,
      %get3A_792 = vector.shape_cast %get3A_791 : vector<1x16xf32> to vector<16xf32>
      %mul3A_793 = vector.broadcast %squeeze3A_217 : f32 to vector<16xf32>
      %mul3A_794 = arith.mulf %mul3A_793, %get3A_792 : vector<16xf32>
      %add3A_795 = arith.addf %add3A_787, %mul3A_794 : vector<16xf32>
      %get3A_796 = arith.constant 11 : i32
      %get3A_797 = arith.index_cast %get3A_796 : i32 to index
      %get3A_798 = arith.index_cast %multiple_of3A_708 : i32 to index
      %get3A_799 = tpu.vector_load %arg6[%get3A_797, %get3A_798] {strides = array<i32>} : memref<16x2048xf32, #tpu.memory_space<vmem>>, vector<1x16xf32>,
      %get3A_800 = vector.shape_cast %get3A_799 : vector<1x16xf32> to vector<16xf32>
      %mul3A_801 = vector.broadcast %squeeze3A_219 : f32 to vector<16xf32>
      %mul3A_802 = arith.mulf %mul3A_801, %get3A_800 : vector<16xf32>
      %add3A_803 = arith.addf %add3A_795, %mul3A_802 : vector<16xf32>
      %get3A_804 = arith.constant 12 : i32
      %get3A_805 = arith.index_cast %get3A_804 : i32 to index
      %get3A_806 = arith.index_cast %multiple_of3A_708 : i32 to index
      %get3A_807 = tpu.vector_load %arg6[%get3A_805, %get3A_806] {strides = array<i32>} : memref<16x2048xf32, #tpu.memory_space<vmem>>, vector<1x16xf32>,
      %get3A_808 = vector.shape_cast %get3A_807 : vector<1x16xf32> to vector<16xf32>
      %mul3A_809 = vector.broadcast %squeeze3A_221 : f32 to vector<16xf32>
      %mul3A_810 = arith.mulf %mul3A_809, %get3A_808 : vector<16xf32>
      %add3A_811 = arith.addf %add3A_803, %mul3A_810 : vector<16xf32>
      %get3A_812 = arith.constant 13 : i32
      %get3A_813 = arith.index_cast %get3A_812 : i32 to index
      %get3A_814 = arith.index_cast %multiple_of3A_708 : i32 to index
      %get3A_815 = tpu.vector_load %arg6[%get3A_813, %get3A_814] {strides = array<i32>} : memref<16x2048xf32, #tpu.memory_space<vmem>>, vector<1x16xf32>,
      %get3A_816 = vector.shape_cast %get3A_815 : vector<1x16xf32> to vector<16xf32>
      %mul3A_817 = vector.broadcast %squeeze3A_223 : f32 to vector<16xf32>
      %mul3A_818 = arith.mulf %mul3A_817, %get3A_816 : vector<16xf32>
      %add3A_819 = arith.addf %add3A_811, %mul3A_818 : vector<16xf32>
      %get3A_820 = arith.constant 14 : i32
      %get3A_821 = arith.index_cast %get3A_820 : i32 to index
      %get3A_822 = arith.index_cast %multiple_of3A_708 : i32 to index
      %get3A_823 = tpu.vector_load %arg6[%get3A_821, %get3A_822] {strides = array<i32>} : memref<16x2048xf32, #tpu.memory_space<vmem>>, vector<1x16xf32>,
      %get3A_824 = vector.shape_cast %get3A_823 : vector<1x16xf32> to vector<16xf32>
      %mul3A_825 = vector.broadcast %squeeze3A_225 : f32 to vector<16xf32>
      %mul3A_826 = arith.mulf %mul3A_825, %get3A_824 : vector<16xf32>
      %add3A_827 = arith.addf %add3A_819, %mul3A_826 : vector<16xf32>
      %get3A_828 = arith.constant 15 : i32
      %get3A_829 = arith.index_cast %get3A_828 : i32 to index
      %get3A_830 = arith.index_cast %multiple_of3A_708 : i32 to index
      %get3A_831 = tpu.vector_load %arg6[%get3A_829, %get3A_830] {strides = array<i32>} : memref<16x2048xf32, #tpu.memory_space<vmem>>, vector<1x16xf32>,
      %get3A_832 = vector.shape_cast %get3A_831 : vector<1x16xf32> to vector<16xf32>
      %mul3A_833 = vector.broadcast %squeeze3A_227 : f32 to vector<16xf32>
      %mul3A_834 = arith.mulf %mul3A_833, %get3A_832 : vector<16xf32>
      %add3A_835 = arith.addf %add3A_827, %mul3A_834 : vector<16xf32>
      %swap3A_836 = arith.constant 0 : i32
      %swap3A_837 = arith.index_cast %swap3A_836 : i32 to index
      %swap3A_838 = arith.index_cast %multiple_of3A_708 : i32 to index
      %swap3A_839 = tpu.vector_load %arg9[%swap3A_837, %swap3A_838] {strides = array<i32>} : memref<2x2048xf32, #tpu.memory_space<vmem>>, vector<1x16xf32>,
      %swap3A_840 = vector.shape_cast %swap3A_839 : vector<1x16xf32> to vector<16xf32>
      %swap3A_841 = vector.shape_cast %add3A_835 : vector<16xf32> to vector<1x16xf32>
      tpu.vector_store %arg9[%swap3A_837, %swap3A_838], %swap3A_841 {strides = array<i32>} : memref<2x2048xf32, #tpu.memory_space<vmem>>, vector<1x16xf32>,
      %scan3A_842 = arith.constant 3 : i32
      %scan3A_843 = arith.addi %scan3A_431, %scan3A_842 : i32
      %mul3A_844 = arith.constant 16 : i32
      %mul3A_845 = arith.muli %scan3A_843, %mul3A_844 : i32
      %multiple_of3A_846 = tpu.assume_multiple %mul3A_845, 16 : i32
      %get3A_847 = arith.constant 0 : i32
      %get3A_848 = arith.index_cast %get3A_847 : i32 to index
      %get3A_849 = arith.index_cast %multiple_of3A_846 : i32 to index
      %get3A_850 = tpu.vector_load %arg6[%get3A_848, %get3A_849] {strides = array<i32>} : memref<16x2048xf32, #tpu.memory_space<vmem>>, vector<1x16xf32>,
      %get3A_851 = vector.shape_cast %get3A_850 : vector<1x16xf32> to vector<16xf32>
      %mul3A_852 = vector.broadcast %squeeze3A : f32 to vector<16xf32>
      %mul3A_853 = arith.mulf %mul3A_852, %get3A_851 : vector<16xf32>
      %get3A_854 = arith.constant 1 : i32
      %get3A_855 = arith.index_cast %get3A_854 : i32 to index
      %get3A_856 = arith.index_cast %multiple_of3A_846 : i32 to index
      %get3A_857 = tpu.vector_load %arg6[%get3A_855, %get3A_856] {strides = array<i32>} : memref<16x2048xf32, #tpu.memory_space<vmem>>, vector<1x16xf32>,
      %get3A_858 = vector.shape_cast %get3A_857 : vector<1x16xf32> to vector<16xf32>
      %mul3A_859 = vector.broadcast %squeeze3A_199 : f32 to vector<16xf32>
      %mul3A_860 = arith.mulf %mul3A_859, %get3A_858 : vector<16xf32>
      %add3A_861 = arith.addf %mul3A_853, %mul3A_860 : vector<16xf32>
      %get3A_862 = arith.constant 2 : i32
      %get3A_863 = arith.index_cast %get3A_862 : i32 to index
      %get3A_864 = arith.index_cast %multiple_of3A_846 : i32 to index
      %get3A_865 = tpu.vector_load %arg6[%get3A_863, %get3A_864] {strides = array<i32>} : memref<16x2048xf32, #tpu.memory_space<vmem>>, vector<1x16xf32>,
      %get3A_866 = vector.shape_cast %get3A_865 : vector<1x16xf32> to vector<16xf32>
      %mul3A_867 = vector.broadcast %squeeze3A_201 : f32 to vector<16xf32>
      %mul3A_868 = arith.mulf %mul3A_867, %get3A_866 : vector<16xf32>
      %add3A_869 = arith.addf %add3A_861, %mul3A_868 : vector<16xf32>
      %get3A_870 = arith.constant 3 : i32
      %get3A_871 = arith.index_cast %get3A_870 : i32 to index
      %get3A_872 = arith.index_cast %multiple_of3A_846 : i32 to index
      %get3A_873 = tpu.vector_load %arg6[%get3A_871, %get3A_872] {strides = array<i32>} : memref<16x2048xf32, #tpu.memory_space<vmem>>, vector<1x16xf32>,
      %get3A_874 = vector.shape_cast %get3A_873 : vector<1x16xf32> to vector<16xf32>
      %mul3A_875 = vector.broadcast %squeeze3A_203 : f32 to vector<16xf32>
      %mul3A_876 = arith.mulf %mul3A_875, %get3A_874 : vector<16xf32>
      %add3A_877 = arith.addf %add3A_869, %mul3A_876 : vector<16xf32>
      %get3A_878 = arith.constant 4 : i32
      %get3A_879 = arith.index_cast %get3A_878 : i32 to index
      %get3A_880 = arith.index_cast %multiple_of3A_846 : i32 to index
      %get3A_881 = tpu.vector_load %arg6[%get3A_879, %get3A_880] {strides = array<i32>} : memref<16x2048xf32, #tpu.memory_space<vmem>>, vector<1x16xf32>,
      %get3A_882 = vector.shape_cast %get3A_881 : vector<1x16xf32> to vector<16xf32>
      %mul3A_883 = vector.broadcast %squeeze3A_205 : f32 to vector<16xf32>
      %mul3A_884 = arith.mulf %mul3A_883, %get3A_882 : vector<16xf32>
      %add3A_885 = arith.addf %add3A_877, %mul3A_884 : vector<16xf32>
      %get3A_886 = arith.constant 5 : i32
      %get3A_887 = arith.index_cast %get3A_886 : i32 to index
      %get3A_888 = arith.index_cast %multiple_of3A_846 : i32 to index
      %get3A_889 = tpu.vector_load %arg6[%get3A_887, %get3A_888] {strides = array<i32>} : memref<16x2048xf32, #tpu.memory_space<vmem>>, vector<1x16xf32>,
      %get3A_890 = vector.shape_cast %get3A_889 : vector<1x16xf32> to vector<16xf32>
      %mul3A_891 = vector.broadcast %squeeze3A_207 : f32 to vector<16xf32>
      %mul3A_892 = arith.mulf %mul3A_891, %get3A_890 : vector<16xf32>
      %add3A_893 = arith.addf %add3A_885, %mul3A_892 : vector<16xf32>
      %get3A_894 = arith.constant 6 : i32
      %get3A_895 = arith.index_cast %get3A_894 : i32 to index
      %get3A_896 = arith.index_cast %multiple_of3A_846 : i32 to index
      %get3A_897 = tpu.vector_load %arg6[%get3A_895, %get3A_896] {strides = array<i32>} : memref<16x2048xf32, #tpu.memory_space<vmem>>, vector<1x16xf32>,
      %get3A_898 = vector.shape_cast %get3A_897 : vector<1x16xf32> to vector<16xf32>
      %mul3A_899 = vector.broadcast %squeeze3A_209 : f32 to vector<16xf32>
      %mul3A_900 = arith.mulf %mul3A_899, %get3A_898 : vector<16xf32>
      %add3A_901 = arith.addf %add3A_893, %mul3A_900 : vector<16xf32>
      %get3A_902 = arith.constant 7 : i32
      %get3A_903 = arith.index_cast %get3A_902 : i32 to index
      %get3A_904 = arith.index_cast %multiple_of3A_846 : i32 to index
      %get3A_905 = tpu.vector_load %arg6[%get3A_903, %get3A_904] {strides = array<i32>} : memref<16x2048xf32, #tpu.memory_space<vmem>>, vector<1x16xf32>,
      %get3A_906 = vector.shape_cast %get3A_905 : vector<1x16xf32> to vector<16xf32>
      %mul3A_907 = vector.broadcast %squeeze3A_211 : f32 to vector<16xf32>
      %mul3A_908 = arith.mulf %mul3A_907, %get3A_906 : vector<16xf32>
      %add3A_909 = arith.addf %add3A_901, %mul3A_908 : vector<16xf32>
      %get3A_910 = arith.constant 8 : i32
      %get3A_911 = arith.index_cast %get3A_910 : i32 to index
      %get3A_912 = arith.index_cast %multiple_of3A_846 : i32 to index
      %get3A_913 = tpu.vector_load %arg6[%get3A_911, %get3A_912] {strides = array<i32>} : memref<16x2048xf32, #tpu.memory_space<vmem>>, vector<1x16xf32>,
      %get3A_914 = vector.shape_cast %get3A_913 : vector<1x16xf32> to vector<16xf32>
      %mul3A_915 = vector.broadcast %squeeze3A_213 : f32 to vector<16xf32>
      %mul3A_916 = arith.mulf %mul3A_915, %get3A_914 : vector<16xf32>
      %add3A_917 = arith.addf %add3A_909, %mul3A_916 : vector<16xf32>
      %get3A_918 = arith.constant 9 : i32
      %get3A_919 = arith.index_cast %get3A_918 : i32 to index
      %get3A_920 = arith.index_cast %multiple_of3A_846 : i32 to index
      %get3A_921 = tpu.vector_load %arg6[%get3A_919, %get3A_920] {strides = array<i32>} : memref<16x2048xf32, #tpu.memory_space<vmem>>, vector<1x16xf32>,
      %get3A_922 = vector.shape_cast %get3A_921 : vector<1x16xf32> to vector<16xf32>
      %mul3A_923 = vector.broadcast %squeeze3A_215 : f32 to vector<16xf32>
      %mul3A_924 = arith.mulf %mul3A_923, %get3A_922 : vector<16xf32>
      %add3A_925 = arith.addf %add3A_917, %mul3A_924 : vector<16xf32>
      %get3A_926 = arith.constant 10 : i32
      %get3A_927 = arith.index_cast %get3A_926 : i32 to index
      %get3A_928 = arith.index_cast %multiple_of3A_846 : i32 to index
      %get3A_929 = tpu.vector_load %arg6[%get3A_927, %get3A_928] {strides = array<i32>} : memref<16x2048xf32, #tpu.memory_space<vmem>>, vector<1x16xf32>,
      %get3A_930 = vector.shape_cast %get3A_929 : vector<1x16xf32> to vector<16xf32>
      %mul3A_931 = vector.broadcast %squeeze3A_217 : f32 to vector<16xf32>
      %mul3A_932 = arith.mulf %mul3A_931, %get3A_930 : vector<16xf32>
      %add3A_933 = arith.addf %add3A_925, %mul3A_932 : vector<16xf32>
      %get3A_934 = arith.constant 11 : i32
      %get3A_935 = arith.index_cast %get3A_934 : i32 to index
      %get3A_936 = arith.index_cast %multiple_of3A_846 : i32 to index
      %get3A_937 = tpu.vector_load %arg6[%get3A_935, %get3A_936] {strides = array<i32>} : memref<16x2048xf32, #tpu.memory_space<vmem>>, vector<1x16xf32>,
      %get3A_938 = vector.shape_cast %get3A_937 : vector<1x16xf32> to vector<16xf32>
      %mul3A_939 = vector.broadcast %squeeze3A_219 : f32 to vector<16xf32>
      %mul3A_940 = arith.mulf %mul3A_939, %get3A_938 : vector<16xf32>
      %add3A_941 = arith.addf %add3A_933, %mul3A_940 : vector<16xf32>
      %get3A_942 = arith.constant 12 : i32
      %get3A_943 = arith.index_cast %get3A_942 : i32 to index
      %get3A_944 = arith.index_cast %multiple_of3A_846 : i32 to index
      %get3A_945 = tpu.vector_load %arg6[%get3A_943, %get3A_944] {strides = array<i32>} : memref<16x2048xf32, #tpu.memory_space<vmem>>, vector<1x16xf32>,
      %get3A_946 = vector.shape_cast %get3A_945 : vector<1x16xf32> to vector<16xf32>
      %mul3A_947 = vector.broadcast %squeeze3A_221 : f32 to vector<16xf32>
      %mul3A_948 = arith.mulf %mul3A_947, %get3A_946 : vector<16xf32>
      %add3A_949 = arith.addf %add3A_941, %mul3A_948 : vector<16xf32>
      %get3A_950 = arith.constant 13 : i32
      %get3A_951 = arith.index_cast %get3A_950 : i32 to index
      %get3A_952 = arith.index_cast %multiple_of3A_846 : i32 to index
      %get3A_953 = tpu.vector_load %arg6[%get3A_951, %get3A_952] {strides = array<i32>} : memref<16x2048xf32, #tpu.memory_space<vmem>>, vector<1x16xf32>,
      %get3A_954 = vector.shape_cast %get3A_953 : vector<1x16xf32> to vector<16xf32>
      %mul3A_955 = vector.broadcast %squeeze3A_223 : f32 to vector<16xf32>
      %mul3A_956 = arith.mulf %mul3A_955, %get3A_954 : vector<16xf32>
      %add3A_957 = arith.addf %add3A_949, %mul3A_956 : vector<16xf32>
      %get3A_958 = arith.constant 14 : i32
      %get3A_959 = arith.index_cast %get3A_958 : i32 to index
      %get3A_960 = arith.index_cast %multiple_of3A_846 : i32 to index
      %get3A_961 = tpu.vector_load %arg6[%get3A_959, %get3A_960] {strides = array<i32>} : memref<16x2048xf32, #tpu.memory_space<vmem>>, vector<1x16xf32>,
      %get3A_962 = vector.shape_cast %get3A_961 : vector<1x16xf32> to vector<16xf32>
      %mul3A_963 = vector.broadcast %squeeze3A_225 : f32 to vector<16xf32>
      %mul3A_964 = arith.mulf %mul3A_963, %get3A_962 : vector<16xf32>
      %add3A_965 = arith.addf %add3A_957, %mul3A_964 : vector<16xf32>
      %get3A_966 = arith.constant 15 : i32
      %get3A_967 = arith.index_cast %get3A_966 : i32 to index
      %get3A_968 = arith.index_cast %multiple_of3A_846 : i32 to index
      %get3A_969 = tpu.vector_load %arg6[%get3A_967, %get3A_968] {strides = array<i32>} : memref<16x2048xf32, #tpu.memory_space<vmem>>, vector<1x16xf32>,
      %get3A_970 = vector.shape_cast %get3A_969 : vector<1x16xf32> to vector<16xf32>
      %mul3A_971 = vector.broadcast %squeeze3A_227 : f32 to vector<16xf32>
      %mul3A_972 = arith.mulf %mul3A_971, %get3A_970 : vector<16xf32>
      %add3A_973 = arith.addf %add3A_965, %mul3A_972 : vector<16xf32>
      %swap3A_974 = arith.constant 0 : i32
      %swap3A_975 = arith.index_cast %swap3A_974 : i32 to index
      %swap3A_976 = arith.index_cast %multiple_of3A_846 : i32 to index
      %swap3A_977 = tpu.vector_load %arg9[%swap3A_975, %swap3A_976] {strides = array<i32>} : memref<2x2048xf32, #tpu.memory_space<vmem>>, vector<1x16xf32>,
      %swap3A_978 = vector.shape_cast %swap3A_977 : vector<1x16xf32> to vector<16xf32>
      %swap3A_979 = vector.shape_cast %add3A_973 : vector<16xf32> to vector<1x16xf32>
      tpu.vector_store %arg9[%swap3A_975, %swap3A_976], %swap3A_979 {strides = array<i32>} : memref<2x2048xf32, #tpu.memory_space<vmem>>, vector<1x16xf32>,
    }
    %scan3A_233 = arith.constant 128 : i32
    %dma_start3A_234 = arith.constant 0 : i32
    %dma_start3A_235 = arith.constant 0 : i32
    %dma_start3A_236 = tpu.memref_slice %arg3[%dma_start3A_234, %dma_start3A_235] : memref<2600x2048xf32, #tpu.memory_space<hbm>> -> memref<2600x2048xf32, #tpu.memory_space<hbm>>
    tpu.enqueue_indirect_dma source(%dma_start3A_236 : memref<2600x2048xf32, #tpu.memory_space<hbm>>) target(%arg6 : memref<16x2048xf32, #tpu.memory_space<vmem>>) offsets(%select_n3A_186 : vector<16xi32>) semaphore(%arg10 : memref<!tpu.dma_semaphore, #tpu.memory_space<semaphore_mem>>)
    %dma_wait3A_237 = arith.constant 0 : i32
    %dma_wait3A_238 = arith.constant 0 : i32
    %dma_wait3A_239 = tpu.memref_slice %arg3[%dma_wait3A_237, %dma_wait3A_238] : memref<2600x2048xf32, #tpu.memory_space<hbm>> -> memref<2600x2048xf32, #tpu.memory_space<hbm>>
    tpu.wait_indirect_dma semaphore(%arg11 : memref<!tpu.dma_semaphore, #tpu.memory_space<semaphore_mem>>) src(%dma_wait3A_239 : memref<2600x2048xf32, #tpu.memory_space<hbm>>) dst(%arg7 : memref<16x2048xf32, #tpu.memory_space<vmem>>)
    %slice3A_240 = vector.extract_strided_slice %select_n3A_95 {offsets = [0], sizes = [1], strides = [1]} : vector<16xf32> to vector<1xf32>
    %squeeze3A_241 = vector.extract %slice3A_240[0] : f32 from vector<1xf32>
    %slice3A_242 = vector.extract_strided_slice %select_n3A_95 {offsets = [1], sizes = [1], strides = [1]} : vector<16xf32> to vector<1xf32>
    %squeeze3A_243 = vector.extract %slice3A_242[0] : f32 from vector<1xf32>
    %slice3A_244 = vector.extract_strided_slice %select_n3A_95 {offsets = [2], sizes = [1], strides = [1]} : vector<16xf32> to vector<1xf32>
    %squeeze3A_245 = vector.extract %slice3A_244[0] : f32 from vector<1xf32>
    %slice3A_246 = vector.extract_strided_slice %select_n3A_95 {offsets = [3], sizes = [1], strides = [1]} : vector<16xf32> to vector<1xf32>
    %squeeze3A_247 = vector.extract %slice3A_246[0] : f32 from vector<1xf32>
    %slice3A_248 = vector.extract_strided_slice %select_n3A_95 {offsets = [4], sizes = [1], strides = [1]} : vector<16xf32> to vector<1xf32>
    %squeeze3A_249 = vector.extract %slice3A_248[0] : f32 from vector<1xf32>
    %slice3A_250 = vector.extract_strided_slice %select_n3A_95 {offsets = [5], sizes = [1], strides = [1]} : vector<16xf32> to vector<1xf32>
    %squeeze3A_251 = vector.extract %slice3A_250[0] : f32 from vector<1xf32>
    %slice3A_252 = vector.extract_strided_slice %select_n3A_95 {offsets = [6], sizes = [1], strides = [1]} : vector<16xf32> to vector<1xf32>
    %squeeze3A_253 = vector.extract %slice3A_252[0] : f32 from vector<1xf32>
    %slice3A_254 = vector.extract_strided_slice %select_n3A_95 {offsets = [7], sizes = [1], strides = [1]} : vector<16xf32> to vector<1xf32>
    %squeeze3A_255 = vector.extract %slice3A_254[0] : f32 from vector<1xf32>
    %slice3A_256 = vector.extract_strided_slice %select_n3A_95 {offsets = [8], sizes = [1], strides = [1]} : vector<16xf32> to vector<1xf32>
    %squeeze3A_257 = vector.extract %slice3A_256[0] : f32 from vector<1xf32>
    %slice3A_258 = vector.extract_strided_slice %select_n3A_95 {offsets = [9], sizes = [1], strides = [1]} : vector<16xf32> to vector<1xf32>
    %squeeze3A_259 = vector.extract %slice3A_258[0] : f32 from vector<1xf32>
    %slice3A_260 = vector.extract_strided_slice %select_n3A_95 {offsets = [10], sizes = [1], strides = [1]} : vector<16xf32> to vector<1xf32>
    %squeeze3A_261 = vector.extract %slice3A_260[0] : f32 from vector<1xf32>
    %slice3A_262 = vector.extract_strided_slice %select_n3A_95 {offsets = [11], sizes = [1], strides = [1]} : vector<16xf32> to vector<1xf32>
    %squeeze3A_263 = vector.extract %slice3A_262[0] : f32 from vector<1xf32>
    %slice3A_264 = vector.extract_strided_slice %select_n3A_95 {offsets = [12], sizes = [1], strides = [1]} : vector<16xf32> to vector<1xf32>
    %squeeze3A_265 = vector.extract %slice3A_264[0] : f32 from vector<1xf32>
    %slice3A_266 = vector.extract_strided_slice %select_n3A_95 {offsets = [13], sizes = [1], strides = [1]} : vector<16xf32> to vector<1xf32>
    %squeeze3A_267 = vector.extract %slice3A_266[0] : f32 from vector<1xf32>
    %slice3A_268 = vector.extract_strided_slice %select_n3A_95 {offsets = [14], sizes = [1], strides = [1]} : vector<16xf32> to vector<1xf32>
    %squeeze3A_269 = vector.extract %slice3A_268[0] : f32 from vector<1xf32>
    %slice3A_270 = vector.extract_strided_slice %select_n3A_95 {offsets = [15], sizes = [1], strides = [1]} : vector<16xf32> to vector<1xf32>
    %squeeze3A_271 = vector.extract %slice3A_270[0] : f32 from vector<1xf32>
    %scan3A_272 = arith.constant 0 : i32
    %scan3A_273 = arith.constant 0 : i32
    %scan3A_274 = arith.constant 128 : i32
    %scan3A_275 = arith.addi %scan3A_273, %scan3A_274 : i32
    %scan3A_276 = arith.constant 4 : i32
    scf.for %scan3A_431 = %scan3A_273 to %scan3A_275 step %scan3A_276  : i32 {
      %mul3A_432 = arith.constant 16 : i32
      %mul3A_433 = arith.muli %scan3A_431, %mul3A_432 : i32
      %multiple_of3A = tpu.assume_multiple %mul3A_433, 16 : i32
      %get3A_434 = arith.constant 0 : i32
      %get3A_435 = arith.index_cast %get3A_434 : i32 to index
      %get3A_436 = arith.index_cast %multiple_of3A : i32 to index
      %get3A_437 = tpu.vector_load %arg7[%get3A_435, %get3A_436] {strides = array<i32>} : memref<16x2048xf32, #tpu.memory_space<vmem>>, vector<1x16xf32>,
      %get3A_438 = vector.shape_cast %get3A_437 : vector<1x16xf32> to vector<16xf32>
      %mul3A_439 = vector.broadcast %squeeze3A_241 : f32 to vector<16xf32>
      %mul3A_440 = arith.mulf %mul3A_439, %get3A_438 : vector<16xf32>
      %get3A_441 = arith.constant 1 : i32
      %get3A_442 = arith.index_cast %get3A_441 : i32 to index
      %get3A_443 = arith.index_cast %multiple_of3A : i32 to index
      %get3A_444 = tpu.vector_load %arg7[%get3A_442, %get3A_443] {strides = array<i32>} : memref<16x2048xf32, #tpu.memory_space<vmem>>, vector<1x16xf32>,
      %get3A_445 = vector.shape_cast %get3A_444 : vector<1x16xf32> to vector<16xf32>
      %mul3A_446 = vector.broadcast %squeeze3A_243 : f32 to vector<16xf32>
      %mul3A_447 = arith.mulf %mul3A_446, %get3A_445 : vector<16xf32>
      %add3A_448 = arith.addf %mul3A_440, %mul3A_447 : vector<16xf32>
      %get3A_449 = arith.constant 2 : i32
      %get3A_450 = arith.index_cast %get3A_449 : i32 to index
      %get3A_451 = arith.index_cast %multiple_of3A : i32 to index
      %get3A_452 = tpu.vector_load %arg7[%get3A_450, %get3A_451] {strides = array<i32>} : memref<16x2048xf32, #tpu.memory_space<vmem>>, vector<1x16xf32>,
      %get3A_453 = vector.shape_cast %get3A_452 : vector<1x16xf32> to vector<16xf32>
      %mul3A_454 = vector.broadcast %squeeze3A_245 : f32 to vector<16xf32>
      %mul3A_455 = arith.mulf %mul3A_454, %get3A_453 : vector<16xf32>
      %add3A_456 = arith.addf %add3A_448, %mul3A_455 : vector<16xf32>
      %get3A_457 = arith.constant 3 : i32
      %get3A_458 = arith.index_cast %get3A_457 : i32 to index
      %get3A_459 = arith.index_cast %multiple_of3A : i32 to index
      %get3A_460 = tpu.vector_load %arg7[%get3A_458, %get3A_459] {strides = array<i32>} : memref<16x2048xf32, #tpu.memory_space<vmem>>, vector<1x16xf32>,
      %get3A_461 = vector.shape_cast %get3A_460 : vector<1x16xf32> to vector<16xf32>
      %mul3A_462 = vector.broadcast %squeeze3A_247 : f32 to vector<16xf32>
      %mul3A_463 = arith.mulf %mul3A_462, %get3A_461 : vector<16xf32>
      %add3A_464 = arith.addf %add3A_456, %mul3A_463 : vector<16xf32>
      %get3A_465 = arith.constant 4 : i32
      %get3A_466 = arith.index_cast %get3A_465 : i32 to index
      %get3A_467 = arith.index_cast %multiple_of3A : i32 to index
      %get3A_468 = tpu.vector_load %arg7[%get3A_466, %get3A_467] {strides = array<i32>} : memref<16x2048xf32, #tpu.memory_space<vmem>>, vector<1x16xf32>,
      %get3A_469 = vector.shape_cast %get3A_468 : vector<1x16xf32> to vector<16xf32>
      %mul3A_470 = vector.broadcast %squeeze3A_249 : f32 to vector<16xf32>
      %mul3A_471 = arith.mulf %mul3A_470, %get3A_469 : vector<16xf32>
      %add3A_472 = arith.addf %add3A_464, %mul3A_471 : vector<16xf32>
      %get3A_473 = arith.constant 5 : i32
      %get3A_474 = arith.index_cast %get3A_473 : i32 to index
      %get3A_475 = arith.index_cast %multiple_of3A : i32 to index
      %get3A_476 = tpu.vector_load %arg7[%get3A_474, %get3A_475] {strides = array<i32>} : memref<16x2048xf32, #tpu.memory_space<vmem>>, vector<1x16xf32>,
      %get3A_477 = vector.shape_cast %get3A_476 : vector<1x16xf32> to vector<16xf32>
      %mul3A_478 = vector.broadcast %squeeze3A_251 : f32 to vector<16xf32>
      %mul3A_479 = arith.mulf %mul3A_478, %get3A_477 : vector<16xf32>
      %add3A_480 = arith.addf %add3A_472, %mul3A_479 : vector<16xf32>
      %get3A_481 = arith.constant 6 : i32
      %get3A_482 = arith.index_cast %get3A_481 : i32 to index
      %get3A_483 = arith.index_cast %multiple_of3A : i32 to index
      %get3A_484 = tpu.vector_load %arg7[%get3A_482, %get3A_483] {strides = array<i32>} : memref<16x2048xf32, #tpu.memory_space<vmem>>, vector<1x16xf32>,
      %get3A_485 = vector.shape_cast %get3A_484 : vector<1x16xf32> to vector<16xf32>
      %mul3A_486 = vector.broadcast %squeeze3A_253 : f32 to vector<16xf32>
      %mul3A_487 = arith.mulf %mul3A_486, %get3A_485 : vector<16xf32>
      %add3A_488 = arith.addf %add3A_480, %mul3A_487 : vector<16xf32>
      %get3A_489 = arith.constant 7 : i32
      %get3A_490 = arith.index_cast %get3A_489 : i32 to index
      %get3A_491 = arith.index_cast %multiple_of3A : i32 to index
      %get3A_492 = tpu.vector_load %arg7[%get3A_490, %get3A_491] {strides = array<i32>} : memref<16x2048xf32, #tpu.memory_space<vmem>>, vector<1x16xf32>,
      %get3A_493 = vector.shape_cast %get3A_492 : vector<1x16xf32> to vector<16xf32>
      %mul3A_494 = vector.broadcast %squeeze3A_255 : f32 to vector<16xf32>
      %mul3A_495 = arith.mulf %mul3A_494, %get3A_493 : vector<16xf32>
      %add3A_496 = arith.addf %add3A_488, %mul3A_495 : vector<16xf32>
      %get3A_497 = arith.constant 8 : i32
      %get3A_498 = arith.index_cast %get3A_497 : i32 to index
      %get3A_499 = arith.index_cast %multiple_of3A : i32 to index
      %get3A_500 = tpu.vector_load %arg7[%get3A_498, %get3A_499] {strides = array<i32>} : memref<16x2048xf32, #tpu.memory_space<vmem>>, vector<1x16xf32>,
      %get3A_501 = vector.shape_cast %get3A_500 : vector<1x16xf32> to vector<16xf32>
      %mul3A_502 = vector.broadcast %squeeze3A_257 : f32 to vector<16xf32>
      %mul3A_503 = arith.mulf %mul3A_502, %get3A_501 : vector<16xf32>
      %add3A_504 = arith.addf %add3A_496, %mul3A_503 : vector<16xf32>
      %get3A_505 = arith.constant 9 : i32
      %get3A_506 = arith.index_cast %get3A_505 : i32 to index
      %get3A_507 = arith.index_cast %multiple_of3A : i32 to index
      %get3A_508 = tpu.vector_load %arg7[%get3A_506, %get3A_507] {strides = array<i32>} : memref<16x2048xf32, #tpu.memory_space<vmem>>, vector<1x16xf32>,
      %get3A_509 = vector.shape_cast %get3A_508 : vector<1x16xf32> to vector<16xf32>
      %mul3A_510 = vector.broadcast %squeeze3A_259 : f32 to vector<16xf32>
      %mul3A_511 = arith.mulf %mul3A_510, %get3A_509 : vector<16xf32>
      %add3A_512 = arith.addf %add3A_504, %mul3A_511 : vector<16xf32>
      %get3A_513 = arith.constant 10 : i32
      %get3A_514 = arith.index_cast %get3A_513 : i32 to index
      %get3A_515 = arith.index_cast %multiple_of3A : i32 to index
      %get3A_516 = tpu.vector_load %arg7[%get3A_514, %get3A_515] {strides = array<i32>} : memref<16x2048xf32, #tpu.memory_space<vmem>>, vector<1x16xf32>,
      %get3A_517 = vector.shape_cast %get3A_516 : vector<1x16xf32> to vector<16xf32>
      %mul3A_518 = vector.broadcast %squeeze3A_261 : f32 to vector<16xf32>
      %mul3A_519 = arith.mulf %mul3A_518, %get3A_517 : vector<16xf32>
      %add3A_520 = arith.addf %add3A_512, %mul3A_519 : vector<16xf32>
      %get3A_521 = arith.constant 11 : i32
      %get3A_522 = arith.index_cast %get3A_521 : i32 to index
      %get3A_523 = arith.index_cast %multiple_of3A : i32 to index
      %get3A_524 = tpu.vector_load %arg7[%get3A_522, %get3A_523] {strides = array<i32>} : memref<16x2048xf32, #tpu.memory_space<vmem>>, vector<1x16xf32>,
      %get3A_525 = vector.shape_cast %get3A_524 : vector<1x16xf32> to vector<16xf32>
      %mul3A_526 = vector.broadcast %squeeze3A_263 : f32 to vector<16xf32>
      %mul3A_527 = arith.mulf %mul3A_526, %get3A_525 : vector<16xf32>
      %add3A_528 = arith.addf %add3A_520, %mul3A_527 : vector<16xf32>
      %get3A_529 = arith.constant 12 : i32
      %get3A_530 = arith.index_cast %get3A_529 : i32 to index
      %get3A_531 = arith.index_cast %multiple_of3A : i32 to index
      %get3A_532 = tpu.vector_load %arg7[%get3A_530, %get3A_531] {strides = array<i32>} : memref<16x2048xf32, #tpu.memory_space<vmem>>, vector<1x16xf32>,
      %get3A_533 = vector.shape_cast %get3A_532 : vector<1x16xf32> to vector<16xf32>
      %mul3A_534 = vector.broadcast %squeeze3A_265 : f32 to vector<16xf32>
      %mul3A_535 = arith.mulf %mul3A_534, %get3A_533 : vector<16xf32>
      %add3A_536 = arith.addf %add3A_528, %mul3A_535 : vector<16xf32>
      %get3A_537 = arith.constant 13 : i32
      %get3A_538 = arith.index_cast %get3A_537 : i32 to index
      %get3A_539 = arith.index_cast %multiple_of3A : i32 to index
      %get3A_540 = tpu.vector_load %arg7[%get3A_538, %get3A_539] {strides = array<i32>} : memref<16x2048xf32, #tpu.memory_space<vmem>>, vector<1x16xf32>,
      %get3A_541 = vector.shape_cast %get3A_540 : vector<1x16xf32> to vector<16xf32>
      %mul3A_542 = vector.broadcast %squeeze3A_267 : f32 to vector<16xf32>
      %mul3A_543 = arith.mulf %mul3A_542, %get3A_541 : vector<16xf32>
      %add3A_544 = arith.addf %add3A_536, %mul3A_543 : vector<16xf32>
      %get3A_545 = arith.constant 14 : i32
      %get3A_546 = arith.index_cast %get3A_545 : i32 to index
      %get3A_547 = arith.index_cast %multiple_of3A : i32 to index
      %get3A_548 = tpu.vector_load %arg7[%get3A_546, %get3A_547] {strides = array<i32>} : memref<16x2048xf32, #tpu.memory_space<vmem>>, vector<1x16xf32>,
      %get3A_549 = vector.shape_cast %get3A_548 : vector<1x16xf32> to vector<16xf32>
      %mul3A_550 = vector.broadcast %squeeze3A_269 : f32 to vector<16xf32>
      %mul3A_551 = arith.mulf %mul3A_550, %get3A_549 : vector<16xf32>
      %add3A_552 = arith.addf %add3A_544, %mul3A_551 : vector<16xf32>
      %get3A_553 = arith.constant 15 : i32
      %get3A_554 = arith.index_cast %get3A_553 : i32 to index
      %get3A_555 = arith.index_cast %multiple_of3A : i32 to index
      %get3A_556 = tpu.vector_load %arg7[%get3A_554, %get3A_555] {strides = array<i32>} : memref<16x2048xf32, #tpu.memory_space<vmem>>, vector<1x16xf32>,
      %get3A_557 = vector.shape_cast %get3A_556 : vector<1x16xf32> to vector<16xf32>
      %mul3A_558 = vector.broadcast %squeeze3A_271 : f32 to vector<16xf32>
      %mul3A_559 = arith.mulf %mul3A_558, %get3A_557 : vector<16xf32>
      %add3A_560 = arith.addf %add3A_552, %mul3A_559 : vector<16xf32>
      %get3A_561 = arith.constant 0 : i32
      %get3A_562 = arith.index_cast %get3A_561 : i32 to index
      %get3A_563 = arith.index_cast %multiple_of3A : i32 to index
      %get3A_564 = tpu.vector_load %arg9[%get3A_562, %get3A_563] {strides = array<i32>} : memref<2x2048xf32, #tpu.memory_space<vmem>>, vector<1x16xf32>,
      %get3A_565 = vector.shape_cast %get3A_564 : vector<1x16xf32> to vector<16xf32>
      %add3A_566 = arith.addf %add3A_560, %get3A_565 : vector<16xf32>
      %swap3A = arith.constant 0 : i32
      %swap3A_567 = arith.index_cast %swap3A : i32 to index
      %swap3A_568 = arith.index_cast %multiple_of3A : i32 to index
      %swap3A_569 = tpu.vector_load %arg9[%swap3A_567, %swap3A_568] {strides = array<i32>} : memref<2x2048xf32, #tpu.memory_space<vmem>>, vector<1x16xf32>,
      %swap3A_570 = vector.shape_cast %swap3A_569 : vector<1x16xf32> to vector<16xf32>
      %swap3A_571 = vector.shape_cast %add3A_566 : vector<16xf32> to vector<1x16xf32>
      tpu.vector_store %arg9[%swap3A_567, %swap3A_568], %swap3A_571 {strides = array<i32>} : memref<2x2048xf32, #tpu.memory_space<vmem>>, vector<1x16xf32>,
      %scan3A_572 = arith.constant 1 : i32
      %scan3A_573 = arith.addi %scan3A_431, %scan3A_572 : i32
      %mul3A_574 = arith.constant 16 : i32
      %mul3A_575 = arith.muli %scan3A_573, %mul3A_574 : i32
      %multiple_of3A_576 = tpu.assume_multiple %mul3A_575, 16 : i32
      %get3A_577 = arith.constant 0 : i32
      %get3A_578 = arith.index_cast %get3A_577 : i32 to index
      %get3A_579 = arith.index_cast %multiple_of3A_576 : i32 to index
      %get3A_580 = tpu.vector_load %arg7[%get3A_578, %get3A_579] {strides = array<i32>} : memref<16x2048xf32, #tpu.memory_space<vmem>>, vector<1x16xf32>,
      %get3A_581 = vector.shape_cast %get3A_580 : vector<1x16xf32> to vector<16xf32>
      %mul3A_582 = vector.broadcast %squeeze3A_241 : f32 to vector<16xf32>
      %mul3A_583 = arith.mulf %mul3A_582, %get3A_581 : vector<16xf32>
      %get3A_584 = arith.constant 1 : i32
      %get3A_585 = arith.index_cast %get3A_584 : i32 to index
      %get3A_586 = arith.index_cast %multiple_of3A_576 : i32 to index
      %get3A_587 = tpu.vector_load %arg7[%get3A_585, %get3A_586] {strides = array<i32>} : memref<16x2048xf32, #tpu.memory_space<vmem>>, vector<1x16xf32>,
      %get3A_588 = vector.shape_cast %get3A_587 : vector<1x16xf32> to vector<16xf32>
      %mul3A_589 = vector.broadcast %squeeze3A_243 : f32 to vector<16xf32>
      %mul3A_590 = arith.mulf %mul3A_589, %get3A_588 : vector<16xf32>
      %add3A_591 = arith.addf %mul3A_583, %mul3A_590 : vector<16xf32>
      %get3A_592 = arith.constant 2 : i32
      %get3A_593 = arith.index_cast %get3A_592 : i32 to index
      %get3A_594 = arith.index_cast %multiple_of3A_576 : i32 to index
      %get3A_595 = tpu.vector_load %arg7[%get3A_593, %get3A_594] {strides = array<i32>} : memref<16x2048xf32, #tpu.memory_space<vmem>>, vector<1x16xf32>,
      %get3A_596 = vector.shape_cast %get3A_595 : vector<1x16xf32> to vector<16xf32>
      %mul3A_597 = vector.broadcast %squeeze3A_245 : f32 to vector<16xf32>
      %mul3A_598 = arith.mulf %mul3A_597, %get3A_596 : vector<16xf32>
      %add3A_599 = arith.addf %add3A_591, %mul3A_598 : vector<16xf32>
      %get3A_600 = arith.constant 3 : i32
      %get3A_601 = arith.index_cast %get3A_600 : i32 to index
      %get3A_602 = arith.index_cast %multiple_of3A_576 : i32 to index
      %get3A_603 = tpu.vector_load %arg7[%get3A_601, %get3A_602] {strides = array<i32>} : memref<16x2048xf32, #tpu.memory_space<vmem>>, vector<1x16xf32>,
      %get3A_604 = vector.shape_cast %get3A_603 : vector<1x16xf32> to vector<16xf32>
      %mul3A_605 = vector.broadcast %squeeze3A_247 : f32 to vector<16xf32>
      %mul3A_606 = arith.mulf %mul3A_605, %get3A_604 : vector<16xf32>
      %add3A_607 = arith.addf %add3A_599, %mul3A_606 : vector<16xf32>
      %get3A_608 = arith.constant 4 : i32
      %get3A_609 = arith.index_cast %get3A_608 : i32 to index
      %get3A_610 = arith.index_cast %multiple_of3A_576 : i32 to index
      %get3A_611 = tpu.vector_load %arg7[%get3A_609, %get3A_610] {strides = array<i32>} : memref<16x2048xf32, #tpu.memory_space<vmem>>, vector<1x16xf32>,
      %get3A_612 = vector.shape_cast %get3A_611 : vector<1x16xf32> to vector<16xf32>
      %mul3A_613 = vector.broadcast %squeeze3A_249 : f32 to vector<16xf32>
      %mul3A_614 = arith.mulf %mul3A_613, %get3A_612 : vector<16xf32>
      %add3A_615 = arith.addf %add3A_607, %mul3A_614 : vector<16xf32>
      %get3A_616 = arith.constant 5 : i32
      %get3A_617 = arith.index_cast %get3A_616 : i32 to index
      %get3A_618 = arith.index_cast %multiple_of3A_576 : i32 to index
      %get3A_619 = tpu.vector_load %arg7[%get3A_617, %get3A_618] {strides = array<i32>} : memref<16x2048xf32, #tpu.memory_space<vmem>>, vector<1x16xf32>,
      %get3A_620 = vector.shape_cast %get3A_619 : vector<1x16xf32> to vector<16xf32>
      %mul3A_621 = vector.broadcast %squeeze3A_251 : f32 to vector<16xf32>
      %mul3A_622 = arith.mulf %mul3A_621, %get3A_620 : vector<16xf32>
      %add3A_623 = arith.addf %add3A_615, %mul3A_622 : vector<16xf32>
      %get3A_624 = arith.constant 6 : i32
      %get3A_625 = arith.index_cast %get3A_624 : i32 to index
      %get3A_626 = arith.index_cast %multiple_of3A_576 : i32 to index
      %get3A_627 = tpu.vector_load %arg7[%get3A_625, %get3A_626] {strides = array<i32>} : memref<16x2048xf32, #tpu.memory_space<vmem>>, vector<1x16xf32>,
      %get3A_628 = vector.shape_cast %get3A_627 : vector<1x16xf32> to vector<16xf32>
      %mul3A_629 = vector.broadcast %squeeze3A_253 : f32 to vector<16xf32>
      %mul3A_630 = arith.mulf %mul3A_629, %get3A_628 : vector<16xf32>
      %add3A_631 = arith.addf %add3A_623, %mul3A_630 : vector<16xf32>
      %get3A_632 = arith.constant 7 : i32
      %get3A_633 = arith.index_cast %get3A_632 : i32 to index
      %get3A_634 = arith.index_cast %multiple_of3A_576 : i32 to index
      %get3A_635 = tpu.vector_load %arg7[%get3A_633, %get3A_634] {strides = array<i32>} : memref<16x2048xf32, #tpu.memory_space<vmem>>, vector<1x16xf32>,
      %get3A_636 = vector.shape_cast %get3A_635 : vector<1x16xf32> to vector<16xf32>
      %mul3A_637 = vector.broadcast %squeeze3A_255 : f32 to vector<16xf32>
      %mul3A_638 = arith.mulf %mul3A_637, %get3A_636 : vector<16xf32>
      %add3A_639 = arith.addf %add3A_631, %mul3A_638 : vector<16xf32>
      %get3A_640 = arith.constant 8 : i32
      %get3A_641 = arith.index_cast %get3A_640 : i32 to index
      %get3A_642 = arith.index_cast %multiple_of3A_576 : i32 to index
      %get3A_643 = tpu.vector_load %arg7[%get3A_641, %get3A_642] {strides = array<i32>} : memref<16x2048xf32, #tpu.memory_space<vmem>>, vector<1x16xf32>,
      %get3A_644 = vector.shape_cast %get3A_643 : vector<1x16xf32> to vector<16xf32>
      %mul3A_645 = vector.broadcast %squeeze3A_257 : f32 to vector<16xf32>
      %mul3A_646 = arith.mulf %mul3A_645, %get3A_644 : vector<16xf32>
      %add3A_647 = arith.addf %add3A_639, %mul3A_646 : vector<16xf32>
      %get3A_648 = arith.constant 9 : i32
      %get3A_649 = arith.index_cast %get3A_648 : i32 to index
      %get3A_650 = arith.index_cast %multiple_of3A_576 : i32 to index
      %get3A_651 = tpu.vector_load %arg7[%get3A_649, %get3A_650] {strides = array<i32>} : memref<16x2048xf32, #tpu.memory_space<vmem>>, vector<1x16xf32>,
      %get3A_652 = vector.shape_cast %get3A_651 : vector<1x16xf32> to vector<16xf32>
      %mul3A_653 = vector.broadcast %squeeze3A_259 : f32 to vector<16xf32>
      %mul3A_654 = arith.mulf %mul3A_653, %get3A_652 : vector<16xf32>
      %add3A_655 = arith.addf %add3A_647, %mul3A_654 : vector<16xf32>
      %get3A_656 = arith.constant 10 : i32
      %get3A_657 = arith.index_cast %get3A_656 : i32 to index
      %get3A_658 = arith.index_cast %multiple_of3A_576 : i32 to index
      %get3A_659 = tpu.vector_load %arg7[%get3A_657, %get3A_658] {strides = array<i32>} : memref<16x2048xf32, #tpu.memory_space<vmem>>, vector<1x16xf32>,
      %get3A_660 = vector.shape_cast %get3A_659 : vector<1x16xf32> to vector<16xf32>
      %mul3A_661 = vector.broadcast %squeeze3A_261 : f32 to vector<16xf32>
      %mul3A_662 = arith.mulf %mul3A_661, %get3A_660 : vector<16xf32>
      %add3A_663 = arith.addf %add3A_655, %mul3A_662 : vector<16xf32>
      %get3A_664 = arith.constant 11 : i32
      %get3A_665 = arith.index_cast %get3A_664 : i32 to index
      %get3A_666 = arith.index_cast %multiple_of3A_576 : i32 to index
      %get3A_667 = tpu.vector_load %arg7[%get3A_665, %get3A_666] {strides = array<i32>} : memref<16x2048xf32, #tpu.memory_space<vmem>>, vector<1x16xf32>,
      %get3A_668 = vector.shape_cast %get3A_667 : vector<1x16xf32> to vector<16xf32>
      %mul3A_669 = vector.broadcast %squeeze3A_263 : f32 to vector<16xf32>
      %mul3A_670 = arith.mulf %mul3A_669, %get3A_668 : vector<16xf32>
      %add3A_671 = arith.addf %add3A_663, %mul3A_670 : vector<16xf32>
      %get3A_672 = arith.constant 12 : i32
      %get3A_673 = arith.index_cast %get3A_672 : i32 to index
      %get3A_674 = arith.index_cast %multiple_of3A_576 : i32 to index
      %get3A_675 = tpu.vector_load %arg7[%get3A_673, %get3A_674] {strides = array<i32>} : memref<16x2048xf32, #tpu.memory_space<vmem>>, vector<1x16xf32>,
      %get3A_676 = vector.shape_cast %get3A_675 : vector<1x16xf32> to vector<16xf32>
      %mul3A_677 = vector.broadcast %squeeze3A_265 : f32 to vector<16xf32>
      %mul3A_678 = arith.mulf %mul3A_677, %get3A_676 : vector<16xf32>
      %add3A_679 = arith.addf %add3A_671, %mul3A_678 : vector<16xf32>
      %get3A_680 = arith.constant 13 : i32
      %get3A_681 = arith.index_cast %get3A_680 : i32 to index
      %get3A_682 = arith.index_cast %multiple_of3A_576 : i32 to index
      %get3A_683 = tpu.vector_load %arg7[%get3A_681, %get3A_682] {strides = array<i32>} : memref<16x2048xf32, #tpu.memory_space<vmem>>, vector<1x16xf32>,
      %get3A_684 = vector.shape_cast %get3A_683 : vector<1x16xf32> to vector<16xf32>
      %mul3A_685 = vector.broadcast %squeeze3A_267 : f32 to vector<16xf32>
      %mul3A_686 = arith.mulf %mul3A_685, %get3A_684 : vector<16xf32>
      %add3A_687 = arith.addf %add3A_679, %mul3A_686 : vector<16xf32>
      %get3A_688 = arith.constant 14 : i32
      %get3A_689 = arith.index_cast %get3A_688 : i32 to index
      %get3A_690 = arith.index_cast %multiple_of3A_576 : i32 to index
      %get3A_691 = tpu.vector_load %arg7[%get3A_689, %get3A_690] {strides = array<i32>} : memref<16x2048xf32, #tpu.memory_space<vmem>>, vector<1x16xf32>,
      %get3A_692 = vector.shape_cast %get3A_691 : vector<1x16xf32> to vector<16xf32>
      %mul3A_693 = vector.broadcast %squeeze3A_269 : f32 to vector<16xf32>
      %mul3A_694 = arith.mulf %mul3A_693, %get3A_692 : vector<16xf32>
      %add3A_695 = arith.addf %add3A_687, %mul3A_694 : vector<16xf32>
      %get3A_696 = arith.constant 15 : i32
      %get3A_697 = arith.index_cast %get3A_696 : i32 to index
      %get3A_698 = arith.index_cast %multiple_of3A_576 : i32 to index
      %get3A_699 = tpu.vector_load %arg7[%get3A_697, %get3A_698] {strides = array<i32>} : memref<16x2048xf32, #tpu.memory_space<vmem>>, vector<1x16xf32>,
      %get3A_700 = vector.shape_cast %get3A_699 : vector<1x16xf32> to vector<16xf32>
      %mul3A_701 = vector.broadcast %squeeze3A_271 : f32 to vector<16xf32>
      %mul3A_702 = arith.mulf %mul3A_701, %get3A_700 : vector<16xf32>
      %add3A_703 = arith.addf %add3A_695, %mul3A_702 : vector<16xf32>
      %get3A_704 = arith.constant 0 : i32
      %get3A_705 = arith.index_cast %get3A_704 : i32 to index
      %get3A_706 = arith.index_cast %multiple_of3A_576 : i32 to index
      %get3A_707 = tpu.vector_load %arg9[%get3A_705, %get3A_706] {strides = array<i32>} : memref<2x2048xf32, #tpu.memory_space<vmem>>, vector<1x16xf32>,
      %get3A_708 = vector.shape_cast %get3A_707 : vector<1x16xf32> to vector<16xf32>
      %add3A_709 = arith.addf %add3A_703, %get3A_708 : vector<16xf32>
      %swap3A_710 = arith.constant 0 : i32
      %swap3A_711 = arith.index_cast %swap3A_710 : i32 to index
      %swap3A_712 = arith.index_cast %multiple_of3A_576 : i32 to index
      %swap3A_713 = tpu.vector_load %arg9[%swap3A_711, %swap3A_712] {strides = array<i32>} : memref<2x2048xf32, #tpu.memory_space<vmem>>, vector<1x16xf32>,
      %swap3A_714 = vector.shape_cast %swap3A_713 : vector<1x16xf32> to vector<16xf32>
      %swap3A_715 = vector.shape_cast %add3A_709 : vector<16xf32> to vector<1x16xf32>
      tpu.vector_store %arg9[%swap3A_711, %swap3A_712], %swap3A_715 {strides = array<i32>} : memref<2x2048xf32, #tpu.memory_space<vmem>>, vector<1x16xf32>,
      %scan3A_716 = arith.constant 2 : i32
      %scan3A_717 = arith.addi %scan3A_431, %scan3A_716 : i32
      %mul3A_718 = arith.constant 16 : i32
      %mul3A_719 = arith.muli %scan3A_717, %mul3A_718 : i32
      %multiple_of3A_720 = tpu.assume_multiple %mul3A_719, 16 : i32
      %get3A_721 = arith.constant 0 : i32
      %get3A_722 = arith.index_cast %get3A_721 : i32 to index
      %get3A_723 = arith.index_cast %multiple_of3A_720 : i32 to index
      %get3A_724 = tpu.vector_load %arg7[%get3A_722, %get3A_723] {strides = array<i32>} : memref<16x2048xf32, #tpu.memory_space<vmem>>, vector<1x16xf32>,
      %get3A_725 = vector.shape_cast %get3A_724 : vector<1x16xf32> to vector<16xf32>
      %mul3A_726 = vector.broadcast %squeeze3A_241 : f32 to vector<16xf32>
      %mul3A_727 = arith.mulf %mul3A_726, %get3A_725 : vector<16xf32>
      %get3A_728 = arith.constant 1 : i32
      %get3A_729 = arith.index_cast %get3A_728 : i32 to index
      %get3A_730 = arith.index_cast %multiple_of3A_720 : i32 to index
      %get3A_731 = tpu.vector_load %arg7[%get3A_729, %get3A_730] {strides = array<i32>} : memref<16x2048xf32, #tpu.memory_space<vmem>>, vector<1x16xf32>,
      %get3A_732 = vector.shape_cast %get3A_731 : vector<1x16xf32> to vector<16xf32>
      %mul3A_733 = vector.broadcast %squeeze3A_243 : f32 to vector<16xf32>
      %mul3A_734 = arith.mulf %mul3A_733, %get3A_732 : vector<16xf32>
      %add3A_735 = arith.addf %mul3A_727, %mul3A_734 : vector<16xf32>
      %get3A_736 = arith.constant 2 : i32
      %get3A_737 = arith.index_cast %get3A_736 : i32 to index
      %get3A_738 = arith.index_cast %multiple_of3A_720 : i32 to index
      %get3A_739 = tpu.vector_load %arg7[%get3A_737, %get3A_738] {strides = array<i32>} : memref<16x2048xf32, #tpu.memory_space<vmem>>, vector<1x16xf32>,
      %get3A_740 = vector.shape_cast %get3A_739 : vector<1x16xf32> to vector<16xf32>
      %mul3A_741 = vector.broadcast %squeeze3A_245 : f32 to vector<16xf32>
      %mul3A_742 = arith.mulf %mul3A_741, %get3A_740 : vector<16xf32>
      %add3A_743 = arith.addf %add3A_735, %mul3A_742 : vector<16xf32>
      %get3A_744 = arith.constant 3 : i32
      %get3A_745 = arith.index_cast %get3A_744 : i32 to index
      %get3A_746 = arith.index_cast %multiple_of3A_720 : i32 to index
      %get3A_747 = tpu.vector_load %arg7[%get3A_745, %get3A_746] {strides = array<i32>} : memref<16x2048xf32, #tpu.memory_space<vmem>>, vector<1x16xf32>,
      %get3A_748 = vector.shape_cast %get3A_747 : vector<1x16xf32> to vector<16xf32>
      %mul3A_749 = vector.broadcast %squeeze3A_247 : f32 to vector<16xf32>
      %mul3A_750 = arith.mulf %mul3A_749, %get3A_748 : vector<16xf32>
      %add3A_751 = arith.addf %add3A_743, %mul3A_750 : vector<16xf32>
      %get3A_752 = arith.constant 4 : i32
      %get3A_753 = arith.index_cast %get3A_752 : i32 to index
      %get3A_754 = arith.index_cast %multiple_of3A_720 : i32 to index
      %get3A_755 = tpu.vector_load %arg7[%get3A_753, %get3A_754] {strides = array<i32>} : memref<16x2048xf32, #tpu.memory_space<vmem>>, vector<1x16xf32>,
      %get3A_756 = vector.shape_cast %get3A_755 : vector<1x16xf32> to vector<16xf32>
      %mul3A_757 = vector.broadcast %squeeze3A_249 : f32 to vector<16xf32>
      %mul3A_758 = arith.mulf %mul3A_757, %get3A_756 : vector<16xf32>
      %add3A_759 = arith.addf %add3A_751, %mul3A_758 : vector<16xf32>
      %get3A_760 = arith.constant 5 : i32
      %get3A_761 = arith.index_cast %get3A_760 : i32 to index
      %get3A_762 = arith.index_cast %multiple_of3A_720 : i32 to index
      %get3A_763 = tpu.vector_load %arg7[%get3A_761, %get3A_762] {strides = array<i32>} : memref<16x2048xf32, #tpu.memory_space<vmem>>, vector<1x16xf32>,
      %get3A_764 = vector.shape_cast %get3A_763 : vector<1x16xf32> to vector<16xf32>
      %mul3A_765 = vector.broadcast %squeeze3A_251 : f32 to vector<16xf32>
      %mul3A_766 = arith.mulf %mul3A_765, %get3A_764 : vector<16xf32>
      %add3A_767 = arith.addf %add3A_759, %mul3A_766 : vector<16xf32>
      %get3A_768 = arith.constant 6 : i32
      %get3A_769 = arith.index_cast %get3A_768 : i32 to index
      %get3A_770 = arith.index_cast %multiple_of3A_720 : i32 to index
      %get3A_771 = tpu.vector_load %arg7[%get3A_769, %get3A_770] {strides = array<i32>} : memref<16x2048xf32, #tpu.memory_space<vmem>>, vector<1x16xf32>,
      %get3A_772 = vector.shape_cast %get3A_771 : vector<1x16xf32> to vector<16xf32>
      %mul3A_773 = vector.broadcast %squeeze3A_253 : f32 to vector<16xf32>
      %mul3A_774 = arith.mulf %mul3A_773, %get3A_772 : vector<16xf32>
      %add3A_775 = arith.addf %add3A_767, %mul3A_774 : vector<16xf32>
      %get3A_776 = arith.constant 7 : i32
      %get3A_777 = arith.index_cast %get3A_776 : i32 to index
      %get3A_778 = arith.index_cast %multiple_of3A_720 : i32 to index
      %get3A_779 = tpu.vector_load %arg7[%get3A_777, %get3A_778] {strides = array<i32>} : memref<16x2048xf32, #tpu.memory_space<vmem>>, vector<1x16xf32>,
      %get3A_780 = vector.shape_cast %get3A_779 : vector<1x16xf32> to vector<16xf32>
      %mul3A_781 = vector.broadcast %squeeze3A_255 : f32 to vector<16xf32>
      %mul3A_782 = arith.mulf %mul3A_781, %get3A_780 : vector<16xf32>
      %add3A_783 = arith.addf %add3A_775, %mul3A_782 : vector<16xf32>
      %get3A_784 = arith.constant 8 : i32
      %get3A_785 = arith.index_cast %get3A_784 : i32 to index
      %get3A_786 = arith.index_cast %multiple_of3A_720 : i32 to index
      %get3A_787 = tpu.vector_load %arg7[%get3A_785, %get3A_786] {strides = array<i32>} : memref<16x2048xf32, #tpu.memory_space<vmem>>, vector<1x16xf32>,
      %get3A_788 = vector.shape_cast %get3A_787 : vector<1x16xf32> to vector<16xf32>
      %mul3A_789 = vector.broadcast %squeeze3A_257 : f32 to vector<16xf32>
      %mul3A_790 = arith.mulf %mul3A_789, %get3A_788 : vector<16xf32>
      %add3A_791 = arith.addf %add3A_783, %mul3A_790 : vector<16xf32>
      %get3A_792 = arith.constant 9 : i32
      %get3A_793 = arith.index_cast %get3A_792 : i32 to index
      %get3A_794 = arith.index_cast %multiple_of3A_720 : i32 to index
      %get3A_795 = tpu.vector_load %arg7[%get3A_793, %get3A_794] {strides = array<i32>} : memref<16x2048xf32, #tpu.memory_space<vmem>>, vector<1x16xf32>,
      %get3A_796 = vector.shape_cast %get3A_795 : vector<1x16xf32> to vector<16xf32>
      %mul3A_797 = vector.broadcast %squeeze3A_259 : f32 to vector<16xf32>
      %mul3A_798 = arith.mulf %mul3A_797, %get3A_796 : vector<16xf32>
      %add3A_799 = arith.addf %add3A_791, %mul3A_798 : vector<16xf32>
      %get3A_800 = arith.constant 10 : i32
      %get3A_801 = arith.index_cast %get3A_800 : i32 to index
      %get3A_802 = arith.index_cast %multiple_of3A_720 : i32 to index
      %get3A_803 = tpu.vector_load %arg7[%get3A_801, %get3A_802] {strides = array<i32>} : memref<16x2048xf32, #tpu.memory_space<vmem>>, vector<1x16xf32>,
      %get3A_804 = vector.shape_cast %get3A_803 : vector<1x16xf32> to vector<16xf32>
      %mul3A_805 = vector.broadcast %squeeze3A_261 : f32 to vector<16xf32>
      %mul3A_806 = arith.mulf %mul3A_805, %get3A_804 : vector<16xf32>
      %add3A_807 = arith.addf %add3A_799, %mul3A_806 : vector<16xf32>
      %get3A_808 = arith.constant 11 : i32
      %get3A_809 = arith.index_cast %get3A_808 : i32 to index
      %get3A_810 = arith.index_cast %multiple_of3A_720 : i32 to index
      %get3A_811 = tpu.vector_load %arg7[%get3A_809, %get3A_810] {strides = array<i32>} : memref<16x2048xf32, #tpu.memory_space<vmem>>, vector<1x16xf32>,
      %get3A_812 = vector.shape_cast %get3A_811 : vector<1x16xf32> to vector<16xf32>
      %mul3A_813 = vector.broadcast %squeeze3A_263 : f32 to vector<16xf32>
      %mul3A_814 = arith.mulf %mul3A_813, %get3A_812 : vector<16xf32>
      %add3A_815 = arith.addf %add3A_807, %mul3A_814 : vector<16xf32>
      %get3A_816 = arith.constant 12 : i32
      %get3A_817 = arith.index_cast %get3A_816 : i32 to index
      %get3A_818 = arith.index_cast %multiple_of3A_720 : i32 to index
      %get3A_819 = tpu.vector_load %arg7[%get3A_817, %get3A_818] {strides = array<i32>} : memref<16x2048xf32, #tpu.memory_space<vmem>>, vector<1x16xf32>,
      %get3A_820 = vector.shape_cast %get3A_819 : vector<1x16xf32> to vector<16xf32>
      %mul3A_821 = vector.broadcast %squeeze3A_265 : f32 to vector<16xf32>
      %mul3A_822 = arith.mulf %mul3A_821, %get3A_820 : vector<16xf32>
      %add3A_823 = arith.addf %add3A_815, %mul3A_822 : vector<16xf32>
      %get3A_824 = arith.constant 13 : i32
      %get3A_825 = arith.index_cast %get3A_824 : i32 to index
      %get3A_826 = arith.index_cast %multiple_of3A_720 : i32 to index
      %get3A_827 = tpu.vector_load %arg7[%get3A_825, %get3A_826] {strides = array<i32>} : memref<16x2048xf32, #tpu.memory_space<vmem>>, vector<1x16xf32>,
      %get3A_828 = vector.shape_cast %get3A_827 : vector<1x16xf32> to vector<16xf32>
      %mul3A_829 = vector.broadcast %squeeze3A_267 : f32 to vector<16xf32>
      %mul3A_830 = arith.mulf %mul3A_829, %get3A_828 : vector<16xf32>
      %add3A_831 = arith.addf %add3A_823, %mul3A_830 : vector<16xf32>
      %get3A_832 = arith.constant 14 : i32
      %get3A_833 = arith.index_cast %get3A_832 : i32 to index
      %get3A_834 = arith.index_cast %multiple_of3A_720 : i32 to index
      %get3A_835 = tpu.vector_load %arg7[%get3A_833, %get3A_834] {strides = array<i32>} : memref<16x2048xf32, #tpu.memory_space<vmem>>, vector<1x16xf32>,
      %get3A_836 = vector.shape_cast %get3A_835 : vector<1x16xf32> to vector<16xf32>
      %mul3A_837 = vector.broadcast %squeeze3A_269 : f32 to vector<16xf32>
      %mul3A_838 = arith.mulf %mul3A_837, %get3A_836 : vector<16xf32>
      %add3A_839 = arith.addf %add3A_831, %mul3A_838 : vector<16xf32>
      %get3A_840 = arith.constant 15 : i32
      %get3A_841 = arith.index_cast %get3A_840 : i32 to index
      %get3A_842 = arith.index_cast %multiple_of3A_720 : i32 to index
      %get3A_843 = tpu.vector_load %arg7[%get3A_841, %get3A_842] {strides = array<i32>} : memref<16x2048xf32, #tpu.memory_space<vmem>>, vector<1x16xf32>,
      %get3A_844 = vector.shape_cast %get3A_843 : vector<1x16xf32> to vector<16xf32>
      %mul3A_845 = vector.broadcast %squeeze3A_271 : f32 to vector<16xf32>
      %mul3A_846 = arith.mulf %mul3A_845, %get3A_844 : vector<16xf32>
      %add3A_847 = arith.addf %add3A_839, %mul3A_846 : vector<16xf32>
      %get3A_848 = arith.constant 0 : i32
      %get3A_849 = arith.index_cast %get3A_848 : i32 to index
      %get3A_850 = arith.index_cast %multiple_of3A_720 : i32 to index
      %get3A_851 = tpu.vector_load %arg9[%get3A_849, %get3A_850] {strides = array<i32>} : memref<2x2048xf32, #tpu.memory_space<vmem>>, vector<1x16xf32>,
      %get3A_852 = vector.shape_cast %get3A_851 : vector<1x16xf32> to vector<16xf32>
      %add3A_853 = arith.addf %add3A_847, %get3A_852 : vector<16xf32>
      %swap3A_854 = arith.constant 0 : i32
      %swap3A_855 = arith.index_cast %swap3A_854 : i32 to index
      %swap3A_856 = arith.index_cast %multiple_of3A_720 : i32 to index
      %swap3A_857 = tpu.vector_load %arg9[%swap3A_855, %swap3A_856] {strides = array<i32>} : memref<2x2048xf32, #tpu.memory_space<vmem>>, vector<1x16xf32>,
      %swap3A_858 = vector.shape_cast %swap3A_857 : vector<1x16xf32> to vector<16xf32>
      %swap3A_859 = vector.shape_cast %add3A_853 : vector<16xf32> to vector<1x16xf32>
      tpu.vector_store %arg9[%swap3A_855, %swap3A_856], %swap3A_859 {strides = array<i32>} : memref<2x2048xf32, #tpu.memory_space<vmem>>, vector<1x16xf32>,
      %scan3A_860 = arith.constant 3 : i32
      %scan3A_861 = arith.addi %scan3A_431, %scan3A_860 : i32
      %mul3A_862 = arith.constant 16 : i32
      %mul3A_863 = arith.muli %scan3A_861, %mul3A_862 : i32
      %multiple_of3A_864 = tpu.assume_multiple %mul3A_863, 16 : i32
      %get3A_865 = arith.constant 0 : i32
      %get3A_866 = arith.index_cast %get3A_865 : i32 to index
      %get3A_867 = arith.index_cast %multiple_of3A_864 : i32 to index
      %get3A_868 = tpu.vector_load %arg7[%get3A_866, %get3A_867] {strides = array<i32>} : memref<16x2048xf32, #tpu.memory_space<vmem>>, vector<1x16xf32>,
      %get3A_869 = vector.shape_cast %get3A_868 : vector<1x16xf32> to vector<16xf32>
      %mul3A_870 = vector.broadcast %squeeze3A_241 : f32 to vector<16xf32>
      %mul3A_871 = arith.mulf %mul3A_870, %get3A_869 : vector<16xf32>
      %get3A_872 = arith.constant 1 : i32
      %get3A_873 = arith.index_cast %get3A_872 : i32 to index
      %get3A_874 = arith.index_cast %multiple_of3A_864 : i32 to index
      %get3A_875 = tpu.vector_load %arg7[%get3A_873, %get3A_874] {strides = array<i32>} : memref<16x2048xf32, #tpu.memory_space<vmem>>, vector<1x16xf32>,
      %get3A_876 = vector.shape_cast %get3A_875 : vector<1x16xf32> to vector<16xf32>
      %mul3A_877 = vector.broadcast %squeeze3A_243 : f32 to vector<16xf32>
      %mul3A_878 = arith.mulf %mul3A_877, %get3A_876 : vector<16xf32>
      %add3A_879 = arith.addf %mul3A_871, %mul3A_878 : vector<16xf32>
      %get3A_880 = arith.constant 2 : i32
      %get3A_881 = arith.index_cast %get3A_880 : i32 to index
      %get3A_882 = arith.index_cast %multiple_of3A_864 : i32 to index
      %get3A_883 = tpu.vector_load %arg7[%get3A_881, %get3A_882] {strides = array<i32>} : memref<16x2048xf32, #tpu.memory_space<vmem>>, vector<1x16xf32>,
      %get3A_884 = vector.shape_cast %get3A_883 : vector<1x16xf32> to vector<16xf32>
      %mul3A_885 = vector.broadcast %squeeze3A_245 : f32 to vector<16xf32>
      %mul3A_886 = arith.mulf %mul3A_885, %get3A_884 : vector<16xf32>
      %add3A_887 = arith.addf %add3A_879, %mul3A_886 : vector<16xf32>
      %get3A_888 = arith.constant 3 : i32
      %get3A_889 = arith.index_cast %get3A_888 : i32 to index
      %get3A_890 = arith.index_cast %multiple_of3A_864 : i32 to index
      %get3A_891 = tpu.vector_load %arg7[%get3A_889, %get3A_890] {strides = array<i32>} : memref<16x2048xf32, #tpu.memory_space<vmem>>, vector<1x16xf32>,
      %get3A_892 = vector.shape_cast %get3A_891 : vector<1x16xf32> to vector<16xf32>
      %mul3A_893 = vector.broadcast %squeeze3A_247 : f32 to vector<16xf32>
      %mul3A_894 = arith.mulf %mul3A_893, %get3A_892 : vector<16xf32>
      %add3A_895 = arith.addf %add3A_887, %mul3A_894 : vector<16xf32>
      %get3A_896 = arith.constant 4 : i32
      %get3A_897 = arith.index_cast %get3A_896 : i32 to index
      %get3A_898 = arith.index_cast %multiple_of3A_864 : i32 to index
      %get3A_899 = tpu.vector_load %arg7[%get3A_897, %get3A_898] {strides = array<i32>} : memref<16x2048xf32, #tpu.memory_space<vmem>>, vector<1x16xf32>,
      %get3A_900 = vector.shape_cast %get3A_899 : vector<1x16xf32> to vector<16xf32>
      %mul3A_901 = vector.broadcast %squeeze3A_249 : f32 to vector<16xf32>
      %mul3A_902 = arith.mulf %mul3A_901, %get3A_900 : vector<16xf32>
      %add3A_903 = arith.addf %add3A_895, %mul3A_902 : vector<16xf32>
      %get3A_904 = arith.constant 5 : i32
      %get3A_905 = arith.index_cast %get3A_904 : i32 to index
      %get3A_906 = arith.index_cast %multiple_of3A_864 : i32 to index
      %get3A_907 = tpu.vector_load %arg7[%get3A_905, %get3A_906] {strides = array<i32>} : memref<16x2048xf32, #tpu.memory_space<vmem>>, vector<1x16xf32>,
      %get3A_908 = vector.shape_cast %get3A_907 : vector<1x16xf32> to vector<16xf32>
      %mul3A_909 = vector.broadcast %squeeze3A_251 : f32 to vector<16xf32>
      %mul3A_910 = arith.mulf %mul3A_909, %get3A_908 : vector<16xf32>
      %add3A_911 = arith.addf %add3A_903, %mul3A_910 : vector<16xf32>
      %get3A_912 = arith.constant 6 : i32
      %get3A_913 = arith.index_cast %get3A_912 : i32 to index
      %get3A_914 = arith.index_cast %multiple_of3A_864 : i32 to index
      %get3A_915 = tpu.vector_load %arg7[%get3A_913, %get3A_914] {strides = array<i32>} : memref<16x2048xf32, #tpu.memory_space<vmem>>, vector<1x16xf32>,
      %get3A_916 = vector.shape_cast %get3A_915 : vector<1x16xf32> to vector<16xf32>
      %mul3A_917 = vector.broadcast %squeeze3A_253 : f32 to vector<16xf32>
      %mul3A_918 = arith.mulf %mul3A_917, %get3A_916 : vector<16xf32>
      %add3A_919 = arith.addf %add3A_911, %mul3A_918 : vector<16xf32>
      %get3A_920 = arith.constant 7 : i32
      %get3A_921 = arith.index_cast %get3A_920 : i32 to index
      %get3A_922 = arith.index_cast %multiple_of3A_864 : i32 to index
      %get3A_923 = tpu.vector_load %arg7[%get3A_921, %get3A_922] {strides = array<i32>} : memref<16x2048xf32, #tpu.memory_space<vmem>>, vector<1x16xf32>,
      %get3A_924 = vector.shape_cast %get3A_923 : vector<1x16xf32> to vector<16xf32>
      %mul3A_925 = vector.broadcast %squeeze3A_255 : f32 to vector<16xf32>
      %mul3A_926 = arith.mulf %mul3A_925, %get3A_924 : vector<16xf32>
      %add3A_927 = arith.addf %add3A_919, %mul3A_926 : vector<16xf32>
      %get3A_928 = arith.constant 8 : i32
      %get3A_929 = arith.index_cast %get3A_928 : i32 to index
      %get3A_930 = arith.index_cast %multiple_of3A_864 : i32 to index
      %get3A_931 = tpu.vector_load %arg7[%get3A_929, %get3A_930] {strides = array<i32>} : memref<16x2048xf32, #tpu.memory_space<vmem>>, vector<1x16xf32>,
      %get3A_932 = vector.shape_cast %get3A_931 : vector<1x16xf32> to vector<16xf32>
      %mul3A_933 = vector.broadcast %squeeze3A_257 : f32 to vector<16xf32>
      %mul3A_934 = arith.mulf %mul3A_933, %get3A_932 : vector<16xf32>
      %add3A_935 = arith.addf %add3A_927, %mul3A_934 : vector<16xf32>
      %get3A_936 = arith.constant 9 : i32
      %get3A_937 = arith.index_cast %get3A_936 : i32 to index
      %get3A_938 = arith.index_cast %multiple_of3A_864 : i32 to index
      %get3A_939 = tpu.vector_load %arg7[%get3A_937, %get3A_938] {strides = array<i32>} : memref<16x2048xf32, #tpu.memory_space<vmem>>, vector<1x16xf32>,
      %get3A_940 = vector.shape_cast %get3A_939 : vector<1x16xf32> to vector<16xf32>
      %mul3A_941 = vector.broadcast %squeeze3A_259 : f32 to vector<16xf32>
      %mul3A_942 = arith.mulf %mul3A_941, %get3A_940 : vector<16xf32>
      %add3A_943 = arith.addf %add3A_935, %mul3A_942 : vector<16xf32>
      %get3A_944 = arith.constant 10 : i32
      %get3A_945 = arith.index_cast %get3A_944 : i32 to index
      %get3A_946 = arith.index_cast %multiple_of3A_864 : i32 to index
      %get3A_947 = tpu.vector_load %arg7[%get3A_945, %get3A_946] {strides = array<i32>} : memref<16x2048xf32, #tpu.memory_space<vmem>>, vector<1x16xf32>,
      %get3A_948 = vector.shape_cast %get3A_947 : vector<1x16xf32> to vector<16xf32>
      %mul3A_949 = vector.broadcast %squeeze3A_261 : f32 to vector<16xf32>
      %mul3A_950 = arith.mulf %mul3A_949, %get3A_948 : vector<16xf32>
      %add3A_951 = arith.addf %add3A_943, %mul3A_950 : vector<16xf32>
      %get3A_952 = arith.constant 11 : i32
      %get3A_953 = arith.index_cast %get3A_952 : i32 to index
      %get3A_954 = arith.index_cast %multiple_of3A_864 : i32 to index
      %get3A_955 = tpu.vector_load %arg7[%get3A_953, %get3A_954] {strides = array<i32>} : memref<16x2048xf32, #tpu.memory_space<vmem>>, vector<1x16xf32>,
      %get3A_956 = vector.shape_cast %get3A_955 : vector<1x16xf32> to vector<16xf32>
      %mul3A_957 = vector.broadcast %squeeze3A_263 : f32 to vector<16xf32>
      %mul3A_958 = arith.mulf %mul3A_957, %get3A_956 : vector<16xf32>
      %add3A_959 = arith.addf %add3A_951, %mul3A_958 : vector<16xf32>
      %get3A_960 = arith.constant 12 : i32
      %get3A_961 = arith.index_cast %get3A_960 : i32 to index
      %get3A_962 = arith.index_cast %multiple_of3A_864 : i32 to index
      %get3A_963 = tpu.vector_load %arg7[%get3A_961, %get3A_962] {strides = array<i32>} : memref<16x2048xf32, #tpu.memory_space<vmem>>, vector<1x16xf32>,
      %get3A_964 = vector.shape_cast %get3A_963 : vector<1x16xf32> to vector<16xf32>
      %mul3A_965 = vector.broadcast %squeeze3A_265 : f32 to vector<16xf32>
      %mul3A_966 = arith.mulf %mul3A_965, %get3A_964 : vector<16xf32>
      %add3A_967 = arith.addf %add3A_959, %mul3A_966 : vector<16xf32>
      %get3A_968 = arith.constant 13 : i32
      %get3A_969 = arith.index_cast %get3A_968 : i32 to index
      %get3A_970 = arith.index_cast %multiple_of3A_864 : i32 to index
      %get3A_971 = tpu.vector_load %arg7[%get3A_969, %get3A_970] {strides = array<i32>} : memref<16x2048xf32, #tpu.memory_space<vmem>>, vector<1x16xf32>,
      %get3A_972 = vector.shape_cast %get3A_971 : vector<1x16xf32> to vector<16xf32>
      %mul3A_973 = vector.broadcast %squeeze3A_267 : f32 to vector<16xf32>
      %mul3A_974 = arith.mulf %mul3A_973, %get3A_972 : vector<16xf32>
      %add3A_975 = arith.addf %add3A_967, %mul3A_974 : vector<16xf32>
      %get3A_976 = arith.constant 14 : i32
      %get3A_977 = arith.index_cast %get3A_976 : i32 to index
      %get3A_978 = arith.index_cast %multiple_of3A_864 : i32 to index
      %get3A_979 = tpu.vector_load %arg7[%get3A_977, %get3A_978] {strides = array<i32>} : memref<16x2048xf32, #tpu.memory_space<vmem>>, vector<1x16xf32>,
      %get3A_980 = vector.shape_cast %get3A_979 : vector<1x16xf32> to vector<16xf32>
      %mul3A_981 = vector.broadcast %squeeze3A_269 : f32 to vector<16xf32>
      %mul3A_982 = arith.mulf %mul3A_981, %get3A_980 : vector<16xf32>
      %add3A_983 = arith.addf %add3A_975, %mul3A_982 : vector<16xf32>
      %get3A_984 = arith.constant 15 : i32
      %get3A_985 = arith.index_cast %get3A_984 : i32 to index
      %get3A_986 = arith.index_cast %multiple_of3A_864 : i32 to index
      %get3A_987 = tpu.vector_load %arg7[%get3A_985, %get3A_986] {strides = array<i32>} : memref<16x2048xf32, #tpu.memory_space<vmem>>, vector<1x16xf32>,
      %get3A_988 = vector.shape_cast %get3A_987 : vector<1x16xf32> to vector<16xf32>
      %mul3A_989 = vector.broadcast %squeeze3A_271 : f32 to vector<16xf32>
      %mul3A_990 = arith.mulf %mul3A_989, %get3A_988 : vector<16xf32>
      %add3A_991 = arith.addf %add3A_983, %mul3A_990 : vector<16xf32>
      %get3A_992 = arith.constant 0 : i32
      %get3A_993 = arith.index_cast %get3A_992 : i32 to index
      %get3A_994 = arith.index_cast %multiple_of3A_864 : i32 to index
      %get3A_995 = tpu.vector_load %arg9[%get3A_993, %get3A_994] {strides = array<i32>} : memref<2x2048xf32, #tpu.memory_space<vmem>>, vector<1x16xf32>,
      %get3A_996 = vector.shape_cast %get3A_995 : vector<1x16xf32> to vector<16xf32>
      %add3A_997 = arith.addf %add3A_991, %get3A_996 : vector<16xf32>
      %swap3A_998 = arith.constant 0 : i32
      %swap3A_999 = arith.index_cast %swap3A_998 : i32 to index
      %swap3A_1000 = arith.index_cast %multiple_of3A_864 : i32 to index
      %swap3A_1001 = tpu.vector_load %arg9[%swap3A_999, %swap3A_1000] {strides = array<i32>} : memref<2x2048xf32, #tpu.memory_space<vmem>>, vector<1x16xf32>,
      %swap3A_1002 = vector.shape_cast %swap3A_1001 : vector<1x16xf32> to vector<16xf32>
      %swap3A_1003 = vector.shape_cast %add3A_997 : vector<16xf32> to vector<1x16xf32>
      tpu.vector_store %arg9[%swap3A_999, %swap3A_1000], %swap3A_1003 {strides = array<i32>} : memref<2x2048xf32, #tpu.memory_space<vmem>>, vector<1x16xf32>,
    }
    %scan3A_277 = arith.constant 128 : i32
    %dma_wait3A_278 = arith.constant 0 : i32
    %dma_wait3A_279 = arith.constant 0 : i32
    %dma_wait3A_280 = tpu.memref_slice %arg3[%dma_wait3A_278, %dma_wait3A_279] : memref<2600x2048xf32, #tpu.memory_space<hbm>> -> memref<2600x2048xf32, #tpu.memory_space<hbm>>
    tpu.wait_indirect_dma semaphore(%arg12 : memref<!tpu.dma_semaphore, #tpu.memory_space<semaphore_mem>>) src(%dma_wait3A_280 : memref<2600x2048xf32, #tpu.memory_space<hbm>>) dst(%arg8 : memref<16x2048xf32, #tpu.memory_space<vmem>>)
    %slice3A_281 = vector.extract_strided_slice %select_n3A_141 {offsets = [0], sizes = [1], strides = [1]} : vector<16xf32> to vector<1xf32>
    %squeeze3A_282 = vector.extract %slice3A_281[0] : f32 from vector<1xf32>
    %slice3A_283 = vector.extract_strided_slice %select_n3A_141 {offsets = [1], sizes = [1], strides = [1]} : vector<16xf32> to vector<1xf32>
    %squeeze3A_284 = vector.extract %slice3A_283[0] : f32 from vector<1xf32>
    %slice3A_285 = vector.extract_strided_slice %select_n3A_141 {offsets = [2], sizes = [1], strides = [1]} : vector<16xf32> to vector<1xf32>
    %squeeze3A_286 = vector.extract %slice3A_285[0] : f32 from vector<1xf32>
    %slice3A_287 = vector.extract_strided_slice %select_n3A_141 {offsets = [3], sizes = [1], strides = [1]} : vector<16xf32> to vector<1xf32>
    %squeeze3A_288 = vector.extract %slice3A_287[0] : f32 from vector<1xf32>
    %slice3A_289 = vector.extract_strided_slice %select_n3A_141 {offsets = [4], sizes = [1], strides = [1]} : vector<16xf32> to vector<1xf32>
    %squeeze3A_290 = vector.extract %slice3A_289[0] : f32 from vector<1xf32>
    %slice3A_291 = vector.extract_strided_slice %select_n3A_141 {offsets = [5], sizes = [1], strides = [1]} : vector<16xf32> to vector<1xf32>
    %squeeze3A_292 = vector.extract %slice3A_291[0] : f32 from vector<1xf32>
    %slice3A_293 = vector.extract_strided_slice %select_n3A_141 {offsets = [6], sizes = [1], strides = [1]} : vector<16xf32> to vector<1xf32>
    %squeeze3A_294 = vector.extract %slice3A_293[0] : f32 from vector<1xf32>
    %slice3A_295 = vector.extract_strided_slice %select_n3A_141 {offsets = [7], sizes = [1], strides = [1]} : vector<16xf32> to vector<1xf32>
    %squeeze3A_296 = vector.extract %slice3A_295[0] : f32 from vector<1xf32>
    %slice3A_297 = vector.extract_strided_slice %select_n3A_141 {offsets = [8], sizes = [1], strides = [1]} : vector<16xf32> to vector<1xf32>
    %squeeze3A_298 = vector.extract %slice3A_297[0] : f32 from vector<1xf32>
    %slice3A_299 = vector.extract_strided_slice %select_n3A_141 {offsets = [9], sizes = [1], strides = [1]} : vector<16xf32> to vector<1xf32>
    %squeeze3A_300 = vector.extract %slice3A_299[0] : f32 from vector<1xf32>
    %slice3A_301 = vector.extract_strided_slice %select_n3A_141 {offsets = [10], sizes = [1], strides = [1]} : vector<16xf32> to vector<1xf32>
    %squeeze3A_302 = vector.extract %slice3A_301[0] : f32 from vector<1xf32>
    %slice3A_303 = vector.extract_strided_slice %select_n3A_141 {offsets = [11], sizes = [1], strides = [1]} : vector<16xf32> to vector<1xf32>
    %squeeze3A_304 = vector.extract %slice3A_303[0] : f32 from vector<1xf32>
    %slice3A_305 = vector.extract_strided_slice %select_n3A_141 {offsets = [12], sizes = [1], strides = [1]} : vector<16xf32> to vector<1xf32>
    %squeeze3A_306 = vector.extract %slice3A_305[0] : f32 from vector<1xf32>
    %slice3A_307 = vector.extract_strided_slice %select_n3A_141 {offsets = [13], sizes = [1], strides = [1]} : vector<16xf32> to vector<1xf32>
    %squeeze3A_308 = vector.extract %slice3A_307[0] : f32 from vector<1xf32>
    %slice3A_309 = vector.extract_strided_slice %select_n3A_141 {offsets = [14], sizes = [1], strides = [1]} : vector<16xf32> to vector<1xf32>
    %squeeze3A_310 = vector.extract %slice3A_309[0] : f32 from vector<1xf32>
    %slice3A_311 = vector.extract_strided_slice %select_n3A_141 {offsets = [15], sizes = [1], strides = [1]} : vector<16xf32> to vector<1xf32>
    %squeeze3A_312 = vector.extract %slice3A_311[0] : f32 from vector<1xf32>
    %scan3A_313 = arith.constant 0 : i32
    %scan3A_314 = arith.constant 0 : i32
    %scan3A_315 = arith.constant 128 : i32
    %scan3A_316 = arith.addi %scan3A_314, %scan3A_315 : i32
    %scan3A_317 = arith.constant 4 : i32
    scf.for %scan3A_431 = %scan3A_314 to %scan3A_316 step %scan3A_317  : i32 {
      %mul3A_432 = arith.constant 16 : i32
      %mul3A_433 = arith.muli %scan3A_431, %mul3A_432 : i32
      %multiple_of3A = tpu.assume_multiple %mul3A_433, 16 : i32
      %get3A_434 = arith.constant 0 : i32
      %get3A_435 = arith.index_cast %get3A_434 : i32 to index
      %get3A_436 = arith.index_cast %multiple_of3A : i32 to index
      %get3A_437 = tpu.vector_load %arg8[%get3A_435, %get3A_436] {strides = array<i32>} : memref<16x2048xf32, #tpu.memory_space<vmem>>, vector<1x16xf32>,
      %get3A_438 = vector.shape_cast %get3A_437 : vector<1x16xf32> to vector<16xf32>
      %mul3A_439 = vector.broadcast %squeeze3A_282 : f32 to vector<16xf32>
      %mul3A_440 = arith.mulf %mul3A_439, %get3A_438 : vector<16xf32>
      %get3A_441 = arith.constant 1 : i32
      %get3A_442 = arith.index_cast %get3A_441 : i32 to index
      %get3A_443 = arith.index_cast %multiple_of3A : i32 to index
      %get3A_444 = tpu.vector_load %arg8[%get3A_442, %get3A_443] {strides = array<i32>} : memref<16x2048xf32, #tpu.memory_space<vmem>>, vector<1x16xf32>,
      %get3A_445 = vector.shape_cast %get3A_444 : vector<1x16xf32> to vector<16xf32>
      %mul3A_446 = vector.broadcast %squeeze3A_284 : f32 to vector<16xf32>
      %mul3A_447 = arith.mulf %mul3A_446, %get3A_445 : vector<16xf32>
      %add3A_448 = arith.addf %mul3A_440, %mul3A_447 : vector<16xf32>
      %get3A_449 = arith.constant 2 : i32
      %get3A_450 = arith.index_cast %get3A_449 : i32 to index
      %get3A_451 = arith.index_cast %multiple_of3A : i32 to index
      %get3A_452 = tpu.vector_load %arg8[%get3A_450, %get3A_451] {strides = array<i32>} : memref<16x2048xf32, #tpu.memory_space<vmem>>, vector<1x16xf32>,
      %get3A_453 = vector.shape_cast %get3A_452 : vector<1x16xf32> to vector<16xf32>
      %mul3A_454 = vector.broadcast %squeeze3A_286 : f32 to vector<16xf32>
      %mul3A_455 = arith.mulf %mul3A_454, %get3A_453 : vector<16xf32>
      %add3A_456 = arith.addf %add3A_448, %mul3A_455 : vector<16xf32>
      %get3A_457 = arith.constant 3 : i32
      %get3A_458 = arith.index_cast %get3A_457 : i32 to index
      %get3A_459 = arith.index_cast %multiple_of3A : i32 to index
      %get3A_460 = tpu.vector_load %arg8[%get3A_458, %get3A_459] {strides = array<i32>} : memref<16x2048xf32, #tpu.memory_space<vmem>>, vector<1x16xf32>,
      %get3A_461 = vector.shape_cast %get3A_460 : vector<1x16xf32> to vector<16xf32>
      %mul3A_462 = vector.broadcast %squeeze3A_288 : f32 to vector<16xf32>
      %mul3A_463 = arith.mulf %mul3A_462, %get3A_461 : vector<16xf32>
      %add3A_464 = arith.addf %add3A_456, %mul3A_463 : vector<16xf32>
      %get3A_465 = arith.constant 4 : i32
      %get3A_466 = arith.index_cast %get3A_465 : i32 to index
      %get3A_467 = arith.index_cast %multiple_of3A : i32 to index
      %get3A_468 = tpu.vector_load %arg8[%get3A_466, %get3A_467] {strides = array<i32>} : memref<16x2048xf32, #tpu.memory_space<vmem>>, vector<1x16xf32>,
      %get3A_469 = vector.shape_cast %get3A_468 : vector<1x16xf32> to vector<16xf32>
      %mul3A_470 = vector.broadcast %squeeze3A_290 : f32 to vector<16xf32>
      %mul3A_471 = arith.mulf %mul3A_470, %get3A_469 : vector<16xf32>
      %add3A_472 = arith.addf %add3A_464, %mul3A_471 : vector<16xf32>
      %get3A_473 = arith.constant 5 : i32
      %get3A_474 = arith.index_cast %get3A_473 : i32 to index
      %get3A_475 = arith.index_cast %multiple_of3A : i32 to index
      %get3A_476 = tpu.vector_load %arg8[%get3A_474, %get3A_475] {strides = array<i32>} : memref<16x2048xf32, #tpu.memory_space<vmem>>, vector<1x16xf32>,
      %get3A_477 = vector.shape_cast %get3A_476 : vector<1x16xf32> to vector<16xf32>
      %mul3A_478 = vector.broadcast %squeeze3A_292 : f32 to vector<16xf32>
      %mul3A_479 = arith.mulf %mul3A_478, %get3A_477 : vector<16xf32>
      %add3A_480 = arith.addf %add3A_472, %mul3A_479 : vector<16xf32>
      %get3A_481 = arith.constant 6 : i32
      %get3A_482 = arith.index_cast %get3A_481 : i32 to index
      %get3A_483 = arith.index_cast %multiple_of3A : i32 to index
      %get3A_484 = tpu.vector_load %arg8[%get3A_482, %get3A_483] {strides = array<i32>} : memref<16x2048xf32, #tpu.memory_space<vmem>>, vector<1x16xf32>,
      %get3A_485 = vector.shape_cast %get3A_484 : vector<1x16xf32> to vector<16xf32>
      %mul3A_486 = vector.broadcast %squeeze3A_294 : f32 to vector<16xf32>
      %mul3A_487 = arith.mulf %mul3A_486, %get3A_485 : vector<16xf32>
      %add3A_488 = arith.addf %add3A_480, %mul3A_487 : vector<16xf32>
      %get3A_489 = arith.constant 7 : i32
      %get3A_490 = arith.index_cast %get3A_489 : i32 to index
      %get3A_491 = arith.index_cast %multiple_of3A : i32 to index
      %get3A_492 = tpu.vector_load %arg8[%get3A_490, %get3A_491] {strides = array<i32>} : memref<16x2048xf32, #tpu.memory_space<vmem>>, vector<1x16xf32>,
      %get3A_493 = vector.shape_cast %get3A_492 : vector<1x16xf32> to vector<16xf32>
      %mul3A_494 = vector.broadcast %squeeze3A_296 : f32 to vector<16xf32>
      %mul3A_495 = arith.mulf %mul3A_494, %get3A_493 : vector<16xf32>
      %add3A_496 = arith.addf %add3A_488, %mul3A_495 : vector<16xf32>
      %get3A_497 = arith.constant 8 : i32
      %get3A_498 = arith.index_cast %get3A_497 : i32 to index
      %get3A_499 = arith.index_cast %multiple_of3A : i32 to index
      %get3A_500 = tpu.vector_load %arg8[%get3A_498, %get3A_499] {strides = array<i32>} : memref<16x2048xf32, #tpu.memory_space<vmem>>, vector<1x16xf32>,
      %get3A_501 = vector.shape_cast %get3A_500 : vector<1x16xf32> to vector<16xf32>
      %mul3A_502 = vector.broadcast %squeeze3A_298 : f32 to vector<16xf32>
      %mul3A_503 = arith.mulf %mul3A_502, %get3A_501 : vector<16xf32>
      %add3A_504 = arith.addf %add3A_496, %mul3A_503 : vector<16xf32>
      %get3A_505 = arith.constant 9 : i32
      %get3A_506 = arith.index_cast %get3A_505 : i32 to index
      %get3A_507 = arith.index_cast %multiple_of3A : i32 to index
      %get3A_508 = tpu.vector_load %arg8[%get3A_506, %get3A_507] {strides = array<i32>} : memref<16x2048xf32, #tpu.memory_space<vmem>>, vector<1x16xf32>,
      %get3A_509 = vector.shape_cast %get3A_508 : vector<1x16xf32> to vector<16xf32>
      %mul3A_510 = vector.broadcast %squeeze3A_300 : f32 to vector<16xf32>
      %mul3A_511 = arith.mulf %mul3A_510, %get3A_509 : vector<16xf32>
      %add3A_512 = arith.addf %add3A_504, %mul3A_511 : vector<16xf32>
      %get3A_513 = arith.constant 10 : i32
      %get3A_514 = arith.index_cast %get3A_513 : i32 to index
      %get3A_515 = arith.index_cast %multiple_of3A : i32 to index
      %get3A_516 = tpu.vector_load %arg8[%get3A_514, %get3A_515] {strides = array<i32>} : memref<16x2048xf32, #tpu.memory_space<vmem>>, vector<1x16xf32>,
      %get3A_517 = vector.shape_cast %get3A_516 : vector<1x16xf32> to vector<16xf32>
      %mul3A_518 = vector.broadcast %squeeze3A_302 : f32 to vector<16xf32>
      %mul3A_519 = arith.mulf %mul3A_518, %get3A_517 : vector<16xf32>
      %add3A_520 = arith.addf %add3A_512, %mul3A_519 : vector<16xf32>
      %get3A_521 = arith.constant 11 : i32
      %get3A_522 = arith.index_cast %get3A_521 : i32 to index
      %get3A_523 = arith.index_cast %multiple_of3A : i32 to index
      %get3A_524 = tpu.vector_load %arg8[%get3A_522, %get3A_523] {strides = array<i32>} : memref<16x2048xf32, #tpu.memory_space<vmem>>, vector<1x16xf32>,
      %get3A_525 = vector.shape_cast %get3A_524 : vector<1x16xf32> to vector<16xf32>
      %mul3A_526 = vector.broadcast %squeeze3A_304 : f32 to vector<16xf32>
      %mul3A_527 = arith.mulf %mul3A_526, %get3A_525 : vector<16xf32>
      %add3A_528 = arith.addf %add3A_520, %mul3A_527 : vector<16xf32>
      %get3A_529 = arith.constant 12 : i32
      %get3A_530 = arith.index_cast %get3A_529 : i32 to index
      %get3A_531 = arith.index_cast %multiple_of3A : i32 to index
      %get3A_532 = tpu.vector_load %arg8[%get3A_530, %get3A_531] {strides = array<i32>} : memref<16x2048xf32, #tpu.memory_space<vmem>>, vector<1x16xf32>,
      %get3A_533 = vector.shape_cast %get3A_532 : vector<1x16xf32> to vector<16xf32>
      %mul3A_534 = vector.broadcast %squeeze3A_306 : f32 to vector<16xf32>
      %mul3A_535 = arith.mulf %mul3A_534, %get3A_533 : vector<16xf32>
      %add3A_536 = arith.addf %add3A_528, %mul3A_535 : vector<16xf32>
      %get3A_537 = arith.constant 13 : i32
      %get3A_538 = arith.index_cast %get3A_537 : i32 to index
      %get3A_539 = arith.index_cast %multiple_of3A : i32 to index
      %get3A_540 = tpu.vector_load %arg8[%get3A_538, %get3A_539] {strides = array<i32>} : memref<16x2048xf32, #tpu.memory_space<vmem>>, vector<1x16xf32>,
      %get3A_541 = vector.shape_cast %get3A_540 : vector<1x16xf32> to vector<16xf32>
      %mul3A_542 = vector.broadcast %squeeze3A_308 : f32 to vector<16xf32>
      %mul3A_543 = arith.mulf %mul3A_542, %get3A_541 : vector<16xf32>
      %add3A_544 = arith.addf %add3A_536, %mul3A_543 : vector<16xf32>
      %get3A_545 = arith.constant 14 : i32
      %get3A_546 = arith.index_cast %get3A_545 : i32 to index
      %get3A_547 = arith.index_cast %multiple_of3A : i32 to index
      %get3A_548 = tpu.vector_load %arg8[%get3A_546, %get3A_547] {strides = array<i32>} : memref<16x2048xf32, #tpu.memory_space<vmem>>, vector<1x16xf32>,
      %get3A_549 = vector.shape_cast %get3A_548 : vector<1x16xf32> to vector<16xf32>
      %mul3A_550 = vector.broadcast %squeeze3A_310 : f32 to vector<16xf32>
      %mul3A_551 = arith.mulf %mul3A_550, %get3A_549 : vector<16xf32>
      %add3A_552 = arith.addf %add3A_544, %mul3A_551 : vector<16xf32>
      %get3A_553 = arith.constant 15 : i32
      %get3A_554 = arith.index_cast %get3A_553 : i32 to index
      %get3A_555 = arith.index_cast %multiple_of3A : i32 to index
      %get3A_556 = tpu.vector_load %arg8[%get3A_554, %get3A_555] {strides = array<i32>} : memref<16x2048xf32, #tpu.memory_space<vmem>>, vector<1x16xf32>,
      %get3A_557 = vector.shape_cast %get3A_556 : vector<1x16xf32> to vector<16xf32>
      %mul3A_558 = vector.broadcast %squeeze3A_312 : f32 to vector<16xf32>
      %mul3A_559 = arith.mulf %mul3A_558, %get3A_557 : vector<16xf32>
      %add3A_560 = arith.addf %add3A_552, %mul3A_559 : vector<16xf32>
      %get3A_561 = arith.constant 0 : i32
      %get3A_562 = arith.index_cast %get3A_561 : i32 to index
      %get3A_563 = arith.index_cast %multiple_of3A : i32 to index
      %get3A_564 = tpu.vector_load %arg9[%get3A_562, %get3A_563] {strides = array<i32>} : memref<2x2048xf32, #tpu.memory_space<vmem>>, vector<1x16xf32>,
      %get3A_565 = vector.shape_cast %get3A_564 : vector<1x16xf32> to vector<16xf32>
      %add3A_566 = arith.addf %add3A_560, %get3A_565 : vector<16xf32>
      %swap3A = arith.constant 0 : i32
      %swap3A_567 = arith.index_cast %swap3A : i32 to index
      %swap3A_568 = arith.index_cast %multiple_of3A : i32 to index
      %swap3A_569 = tpu.vector_load %arg9[%swap3A_567, %swap3A_568] {strides = array<i32>} : memref<2x2048xf32, #tpu.memory_space<vmem>>, vector<1x16xf32>,
      %swap3A_570 = vector.shape_cast %swap3A_569 : vector<1x16xf32> to vector<16xf32>
      %swap3A_571 = vector.shape_cast %add3A_566 : vector<16xf32> to vector<1x16xf32>
      tpu.vector_store %arg9[%swap3A_567, %swap3A_568], %swap3A_571 {strides = array<i32>} : memref<2x2048xf32, #tpu.memory_space<vmem>>, vector<1x16xf32>,
      %scan3A_572 = arith.constant 1 : i32
      %scan3A_573 = arith.addi %scan3A_431, %scan3A_572 : i32
      %mul3A_574 = arith.constant 16 : i32
      %mul3A_575 = arith.muli %scan3A_573, %mul3A_574 : i32
      %multiple_of3A_576 = tpu.assume_multiple %mul3A_575, 16 : i32
      %get3A_577 = arith.constant 0 : i32
      %get3A_578 = arith.index_cast %get3A_577 : i32 to index
      %get3A_579 = arith.index_cast %multiple_of3A_576 : i32 to index
      %get3A_580 = tpu.vector_load %arg8[%get3A_578, %get3A_579] {strides = array<i32>} : memref<16x2048xf32, #tpu.memory_space<vmem>>, vector<1x16xf32>,
      %get3A_581 = vector.shape_cast %get3A_580 : vector<1x16xf32> to vector<16xf32>
      %mul3A_582 = vector.broadcast %squeeze3A_282 : f32 to vector<16xf32>
      %mul3A_583 = arith.mulf %mul3A_582, %get3A_581 : vector<16xf32>
      %get3A_584 = arith.constant 1 : i32
      %get3A_585 = arith.index_cast %get3A_584 : i32 to index
      %get3A_586 = arith.index_cast %multiple_of3A_576 : i32 to index
      %get3A_587 = tpu.vector_load %arg8[%get3A_585, %get3A_586] {strides = array<i32>} : memref<16x2048xf32, #tpu.memory_space<vmem>>, vector<1x16xf32>,
      %get3A_588 = vector.shape_cast %get3A_587 : vector<1x16xf32> to vector<16xf32>
      %mul3A_589 = vector.broadcast %squeeze3A_284 : f32 to vector<16xf32>
      %mul3A_590 = arith.mulf %mul3A_589, %get3A_588 : vector<16xf32>
      %add3A_591 = arith.addf %mul3A_583, %mul3A_590 : vector<16xf32>
      %get3A_592 = arith.constant 2 : i32
      %get3A_593 = arith.index_cast %get3A_592 : i32 to index
      %get3A_594 = arith.index_cast %multiple_of3A_576 : i32 to index
      %get3A_595 = tpu.vector_load %arg8[%get3A_593, %get3A_594] {strides = array<i32>} : memref<16x2048xf32, #tpu.memory_space<vmem>>, vector<1x16xf32>,
      %get3A_596 = vector.shape_cast %get3A_595 : vector<1x16xf32> to vector<16xf32>
      %mul3A_597 = vector.broadcast %squeeze3A_286 : f32 to vector<16xf32>
      %mul3A_598 = arith.mulf %mul3A_597, %get3A_596 : vector<16xf32>
      %add3A_599 = arith.addf %add3A_591, %mul3A_598 : vector<16xf32>
      %get3A_600 = arith.constant 3 : i32
      %get3A_601 = arith.index_cast %get3A_600 : i32 to index
      %get3A_602 = arith.index_cast %multiple_of3A_576 : i32 to index
      %get3A_603 = tpu.vector_load %arg8[%get3A_601, %get3A_602] {strides = array<i32>} : memref<16x2048xf32, #tpu.memory_space<vmem>>, vector<1x16xf32>,
      %get3A_604 = vector.shape_cast %get3A_603 : vector<1x16xf32> to vector<16xf32>
      %mul3A_605 = vector.broadcast %squeeze3A_288 : f32 to vector<16xf32>
      %mul3A_606 = arith.mulf %mul3A_605, %get3A_604 : vector<16xf32>
      %add3A_607 = arith.addf %add3A_599, %mul3A_606 : vector<16xf32>
      %get3A_608 = arith.constant 4 : i32
      %get3A_609 = arith.index_cast %get3A_608 : i32 to index
      %get3A_610 = arith.index_cast %multiple_of3A_576 : i32 to index
      %get3A_611 = tpu.vector_load %arg8[%get3A_609, %get3A_610] {strides = array<i32>} : memref<16x2048xf32, #tpu.memory_space<vmem>>, vector<1x16xf32>,
      %get3A_612 = vector.shape_cast %get3A_611 : vector<1x16xf32> to vector<16xf32>
      %mul3A_613 = vector.broadcast %squeeze3A_290 : f32 to vector<16xf32>
      %mul3A_614 = arith.mulf %mul3A_613, %get3A_612 : vector<16xf32>
      %add3A_615 = arith.addf %add3A_607, %mul3A_614 : vector<16xf32>
      %get3A_616 = arith.constant 5 : i32
      %get3A_617 = arith.index_cast %get3A_616 : i32 to index
      %get3A_618 = arith.index_cast %multiple_of3A_576 : i32 to index
      %get3A_619 = tpu.vector_load %arg8[%get3A_617, %get3A_618] {strides = array<i32>} : memref<16x2048xf32, #tpu.memory_space<vmem>>, vector<1x16xf32>,
      %get3A_620 = vector.shape_cast %get3A_619 : vector<1x16xf32> to vector<16xf32>
      %mul3A_621 = vector.broadcast %squeeze3A_292 : f32 to vector<16xf32>
      %mul3A_622 = arith.mulf %mul3A_621, %get3A_620 : vector<16xf32>
      %add3A_623 = arith.addf %add3A_615, %mul3A_622 : vector<16xf32>
      %get3A_624 = arith.constant 6 : i32
      %get3A_625 = arith.index_cast %get3A_624 : i32 to index
      %get3A_626 = arith.index_cast %multiple_of3A_576 : i32 to index
      %get3A_627 = tpu.vector_load %arg8[%get3A_625, %get3A_626] {strides = array<i32>} : memref<16x2048xf32, #tpu.memory_space<vmem>>, vector<1x16xf32>,
      %get3A_628 = vector.shape_cast %get3A_627 : vector<1x16xf32> to vector<16xf32>
      %mul3A_629 = vector.broadcast %squeeze3A_294 : f32 to vector<16xf32>
      %mul3A_630 = arith.mulf %mul3A_629, %get3A_628 : vector<16xf32>
      %add3A_631 = arith.addf %add3A_623, %mul3A_630 : vector<16xf32>
      %get3A_632 = arith.constant 7 : i32
      %get3A_633 = arith.index_cast %get3A_632 : i32 to index
      %get3A_634 = arith.index_cast %multiple_of3A_576 : i32 to index
      %get3A_635 = tpu.vector_load %arg8[%get3A_633, %get3A_634] {strides = array<i32>} : memref<16x2048xf32, #tpu.memory_space<vmem>>, vector<1x16xf32>,
      %get3A_636 = vector.shape_cast %get3A_635 : vector<1x16xf32> to vector<16xf32>
      %mul3A_637 = vector.broadcast %squeeze3A_296 : f32 to vector<16xf32>
      %mul3A_638 = arith.mulf %mul3A_637, %get3A_636 : vector<16xf32>
      %add3A_639 = arith.addf %add3A_631, %mul3A_638 : vector<16xf32>
      %get3A_640 = arith.constant 8 : i32
      %get3A_641 = arith.index_cast %get3A_640 : i32 to index
      %get3A_642 = arith.index_cast %multiple_of3A_576 : i32 to index
      %get3A_643 = tpu.vector_load %arg8[%get3A_641, %get3A_642] {strides = array<i32>} : memref<16x2048xf32, #tpu.memory_space<vmem>>, vector<1x16xf32>,
      %get3A_644 = vector.shape_cast %get3A_643 : vector<1x16xf32> to vector<16xf32>
      %mul3A_645 = vector.broadcast %squeeze3A_298 : f32 to vector<16xf32>
      %mul3A_646 = arith.mulf %mul3A_645, %get3A_644 : vector<16xf32>
      %add3A_647 = arith.addf %add3A_639, %mul3A_646 : vector<16xf32>
      %get3A_648 = arith.constant 9 : i32
      %get3A_649 = arith.index_cast %get3A_648 : i32 to index
      %get3A_650 = arith.index_cast %multiple_of3A_576 : i32 to index
      %get3A_651 = tpu.vector_load %arg8[%get3A_649, %get3A_650] {strides = array<i32>} : memref<16x2048xf32, #tpu.memory_space<vmem>>, vector<1x16xf32>,
      %get3A_652 = vector.shape_cast %get3A_651 : vector<1x16xf32> to vector<16xf32>
      %mul3A_653 = vector.broadcast %squeeze3A_300 : f32 to vector<16xf32>
      %mul3A_654 = arith.mulf %mul3A_653, %get3A_652 : vector<16xf32>
      %add3A_655 = arith.addf %add3A_647, %mul3A_654 : vector<16xf32>
      %get3A_656 = arith.constant 10 : i32
      %get3A_657 = arith.index_cast %get3A_656 : i32 to index
      %get3A_658 = arith.index_cast %multiple_of3A_576 : i32 to index
      %get3A_659 = tpu.vector_load %arg8[%get3A_657, %get3A_658] {strides = array<i32>} : memref<16x2048xf32, #tpu.memory_space<vmem>>, vector<1x16xf32>,
      %get3A_660 = vector.shape_cast %get3A_659 : vector<1x16xf32> to vector<16xf32>
      %mul3A_661 = vector.broadcast %squeeze3A_302 : f32 to vector<16xf32>
      %mul3A_662 = arith.mulf %mul3A_661, %get3A_660 : vector<16xf32>
      %add3A_663 = arith.addf %add3A_655, %mul3A_662 : vector<16xf32>
      %get3A_664 = arith.constant 11 : i32
      %get3A_665 = arith.index_cast %get3A_664 : i32 to index
      %get3A_666 = arith.index_cast %multiple_of3A_576 : i32 to index
      %get3A_667 = tpu.vector_load %arg8[%get3A_665, %get3A_666] {strides = array<i32>} : memref<16x2048xf32, #tpu.memory_space<vmem>>, vector<1x16xf32>,
      %get3A_668 = vector.shape_cast %get3A_667 : vector<1x16xf32> to vector<16xf32>
      %mul3A_669 = vector.broadcast %squeeze3A_304 : f32 to vector<16xf32>
      %mul3A_670 = arith.mulf %mul3A_669, %get3A_668 : vector<16xf32>
      %add3A_671 = arith.addf %add3A_663, %mul3A_670 : vector<16xf32>
      %get3A_672 = arith.constant 12 : i32
      %get3A_673 = arith.index_cast %get3A_672 : i32 to index
      %get3A_674 = arith.index_cast %multiple_of3A_576 : i32 to index
      %get3A_675 = tpu.vector_load %arg8[%get3A_673, %get3A_674] {strides = array<i32>} : memref<16x2048xf32, #tpu.memory_space<vmem>>, vector<1x16xf32>,
      %get3A_676 = vector.shape_cast %get3A_675 : vector<1x16xf32> to vector<16xf32>
      %mul3A_677 = vector.broadcast %squeeze3A_306 : f32 to vector<16xf32>
      %mul3A_678 = arith.mulf %mul3A_677, %get3A_676 : vector<16xf32>
      %add3A_679 = arith.addf %add3A_671, %mul3A_678 : vector<16xf32>
      %get3A_680 = arith.constant 13 : i32
      %get3A_681 = arith.index_cast %get3A_680 : i32 to index
      %get3A_682 = arith.index_cast %multiple_of3A_576 : i32 to index
      %get3A_683 = tpu.vector_load %arg8[%get3A_681, %get3A_682] {strides = array<i32>} : memref<16x2048xf32, #tpu.memory_space<vmem>>, vector<1x16xf32>,
      %get3A_684 = vector.shape_cast %get3A_683 : vector<1x16xf32> to vector<16xf32>
      %mul3A_685 = vector.broadcast %squeeze3A_308 : f32 to vector<16xf32>
      %mul3A_686 = arith.mulf %mul3A_685, %get3A_684 : vector<16xf32>
      %add3A_687 = arith.addf %add3A_679, %mul3A_686 : vector<16xf32>
      %get3A_688 = arith.constant 14 : i32
      %get3A_689 = arith.index_cast %get3A_688 : i32 to index
      %get3A_690 = arith.index_cast %multiple_of3A_576 : i32 to index
      %get3A_691 = tpu.vector_load %arg8[%get3A_689, %get3A_690] {strides = array<i32>} : memref<16x2048xf32, #tpu.memory_space<vmem>>, vector<1x16xf32>,
      %get3A_692 = vector.shape_cast %get3A_691 : vector<1x16xf32> to vector<16xf32>
      %mul3A_693 = vector.broadcast %squeeze3A_310 : f32 to vector<16xf32>
      %mul3A_694 = arith.mulf %mul3A_693, %get3A_692 : vector<16xf32>
      %add3A_695 = arith.addf %add3A_687, %mul3A_694 : vector<16xf32>
      %get3A_696 = arith.constant 15 : i32
      %get3A_697 = arith.index_cast %get3A_696 : i32 to index
      %get3A_698 = arith.index_cast %multiple_of3A_576 : i32 to index
      %get3A_699 = tpu.vector_load %arg8[%get3A_697, %get3A_698] {strides = array<i32>} : memref<16x2048xf32, #tpu.memory_space<vmem>>, vector<1x16xf32>,
      %get3A_700 = vector.shape_cast %get3A_699 : vector<1x16xf32> to vector<16xf32>
      %mul3A_701 = vector.broadcast %squeeze3A_312 : f32 to vector<16xf32>
      %mul3A_702 = arith.mulf %mul3A_701, %get3A_700 : vector<16xf32>
      %add3A_703 = arith.addf %add3A_695, %mul3A_702 : vector<16xf32>
      %get3A_704 = arith.constant 0 : i32
      %get3A_705 = arith.index_cast %get3A_704 : i32 to index
      %get3A_706 = arith.index_cast %multiple_of3A_576 : i32 to index
      %get3A_707 = tpu.vector_load %arg9[%get3A_705, %get3A_706] {strides = array<i32>} : memref<2x2048xf32, #tpu.memory_space<vmem>>, vector<1x16xf32>,
      %get3A_708 = vector.shape_cast %get3A_707 : vector<1x16xf32> to vector<16xf32>
      %add3A_709 = arith.addf %add3A_703, %get3A_708 : vector<16xf32>
      %swap3A_710 = arith.constant 0 : i32
      %swap3A_711 = arith.index_cast %swap3A_710 : i32 to index
      %swap3A_712 = arith.index_cast %multiple_of3A_576 : i32 to index
      %swap3A_713 = tpu.vector_load %arg9[%swap3A_711, %swap3A_712] {strides = array<i32>} : memref<2x2048xf32, #tpu.memory_space<vmem>>, vector<1x16xf32>,
      %swap3A_714 = vector.shape_cast %swap3A_713 : vector<1x16xf32> to vector<16xf32>
      %swap3A_715 = vector.shape_cast %add3A_709 : vector<16xf32> to vector<1x16xf32>
      tpu.vector_store %arg9[%swap3A_711, %swap3A_712], %swap3A_715 {strides = array<i32>} : memref<2x2048xf32, #tpu.memory_space<vmem>>, vector<1x16xf32>,
      %scan3A_716 = arith.constant 2 : i32
      %scan3A_717 = arith.addi %scan3A_431, %scan3A_716 : i32
      %mul3A_718 = arith.constant 16 : i32
      %mul3A_719 = arith.muli %scan3A_717, %mul3A_718 : i32
      %multiple_of3A_720 = tpu.assume_multiple %mul3A_719, 16 : i32
      %get3A_721 = arith.constant 0 : i32
      %get3A_722 = arith.index_cast %get3A_721 : i32 to index
      %get3A_723 = arith.index_cast %multiple_of3A_720 : i32 to index
      %get3A_724 = tpu.vector_load %arg8[%get3A_722, %get3A_723] {strides = array<i32>} : memref<16x2048xf32, #tpu.memory_space<vmem>>, vector<1x16xf32>,
      %get3A_725 = vector.shape_cast %get3A_724 : vector<1x16xf32> to vector<16xf32>
      %mul3A_726 = vector.broadcast %squeeze3A_282 : f32 to vector<16xf32>
      %mul3A_727 = arith.mulf %mul3A_726, %get3A_725 : vector<16xf32>
      %get3A_728 = arith.constant 1 : i32
      %get3A_729 = arith.index_cast %get3A_728 : i32 to index
      %get3A_730 = arith.index_cast %multiple_of3A_720 : i32 to index
      %get3A_731 = tpu.vector_load %arg8[%get3A_729, %get3A_730] {strides = array<i32>} : memref<16x2048xf32, #tpu.memory_space<vmem>>, vector<1x16xf32>,
      %get3A_732 = vector.shape_cast %get3A_731 : vector<1x16xf32> to vector<16xf32>
      %mul3A_733 = vector.broadcast %squeeze3A_284 : f32 to vector<16xf32>
      %mul3A_734 = arith.mulf %mul3A_733, %get3A_732 : vector<16xf32>
      %add3A_735 = arith.addf %mul3A_727, %mul3A_734 : vector<16xf32>
      %get3A_736 = arith.constant 2 : i32
      %get3A_737 = arith.index_cast %get3A_736 : i32 to index
      %get3A_738 = arith.index_cast %multiple_of3A_720 : i32 to index
      %get3A_739 = tpu.vector_load %arg8[%get3A_737, %get3A_738] {strides = array<i32>} : memref<16x2048xf32, #tpu.memory_space<vmem>>, vector<1x16xf32>,
      %get3A_740 = vector.shape_cast %get3A_739 : vector<1x16xf32> to vector<16xf32>
      %mul3A_741 = vector.broadcast %squeeze3A_286 : f32 to vector<16xf32>
      %mul3A_742 = arith.mulf %mul3A_741, %get3A_740 : vector<16xf32>
      %add3A_743 = arith.addf %add3A_735, %mul3A_742 : vector<16xf32>
      %get3A_744 = arith.constant 3 : i32
      %get3A_745 = arith.index_cast %get3A_744 : i32 to index
      %get3A_746 = arith.index_cast %multiple_of3A_720 : i32 to index
      %get3A_747 = tpu.vector_load %arg8[%get3A_745, %get3A_746] {strides = array<i32>} : memref<16x2048xf32, #tpu.memory_space<vmem>>, vector<1x16xf32>,
      %get3A_748 = vector.shape_cast %get3A_747 : vector<1x16xf32> to vector<16xf32>
      %mul3A_749 = vector.broadcast %squeeze3A_288 : f32 to vector<16xf32>
      %mul3A_750 = arith.mulf %mul3A_749, %get3A_748 : vector<16xf32>
      %add3A_751 = arith.addf %add3A_743, %mul3A_750 : vector<16xf32>
      %get3A_752 = arith.constant 4 : i32
      %get3A_753 = arith.index_cast %get3A_752 : i32 to index
      %get3A_754 = arith.index_cast %multiple_of3A_720 : i32 to index
      %get3A_755 = tpu.vector_load %arg8[%get3A_753, %get3A_754] {strides = array<i32>} : memref<16x2048xf32, #tpu.memory_space<vmem>>, vector<1x16xf32>,
      %get3A_756 = vector.shape_cast %get3A_755 : vector<1x16xf32> to vector<16xf32>
      %mul3A_757 = vector.broadcast %squeeze3A_290 : f32 to vector<16xf32>
      %mul3A_758 = arith.mulf %mul3A_757, %get3A_756 : vector<16xf32>
      %add3A_759 = arith.addf %add3A_751, %mul3A_758 : vector<16xf32>
      %get3A_760 = arith.constant 5 : i32
      %get3A_761 = arith.index_cast %get3A_760 : i32 to index
      %get3A_762 = arith.index_cast %multiple_of3A_720 : i32 to index
      %get3A_763 = tpu.vector_load %arg8[%get3A_761, %get3A_762] {strides = array<i32>} : memref<16x2048xf32, #tpu.memory_space<vmem>>, vector<1x16xf32>,
      %get3A_764 = vector.shape_cast %get3A_763 : vector<1x16xf32> to vector<16xf32>
      %mul3A_765 = vector.broadcast %squeeze3A_292 : f32 to vector<16xf32>
      %mul3A_766 = arith.mulf %mul3A_765, %get3A_764 : vector<16xf32>
      %add3A_767 = arith.addf %add3A_759, %mul3A_766 : vector<16xf32>
      %get3A_768 = arith.constant 6 : i32
      %get3A_769 = arith.index_cast %get3A_768 : i32 to index
      %get3A_770 = arith.index_cast %multiple_of3A_720 : i32 to index
      %get3A_771 = tpu.vector_load %arg8[%get3A_769, %get3A_770] {strides = array<i32>} : memref<16x2048xf32, #tpu.memory_space<vmem>>, vector<1x16xf32>,
      %get3A_772 = vector.shape_cast %get3A_771 : vector<1x16xf32> to vector<16xf32>
      %mul3A_773 = vector.broadcast %squeeze3A_294 : f32 to vector<16xf32>
      %mul3A_774 = arith.mulf %mul3A_773, %get3A_772 : vector<16xf32>
      %add3A_775 = arith.addf %add3A_767, %mul3A_774 : vector<16xf32>
      %get3A_776 = arith.constant 7 : i32
      %get3A_777 = arith.index_cast %get3A_776 : i32 to index
      %get3A_778 = arith.index_cast %multiple_of3A_720 : i32 to index
      %get3A_779 = tpu.vector_load %arg8[%get3A_777, %get3A_778] {strides = array<i32>} : memref<16x2048xf32, #tpu.memory_space<vmem>>, vector<1x16xf32>,
      %get3A_780 = vector.shape_cast %get3A_779 : vector<1x16xf32> to vector<16xf32>
      %mul3A_781 = vector.broadcast %squeeze3A_296 : f32 to vector<16xf32>
      %mul3A_782 = arith.mulf %mul3A_781, %get3A_780 : vector<16xf32>
      %add3A_783 = arith.addf %add3A_775, %mul3A_782 : vector<16xf32>
      %get3A_784 = arith.constant 8 : i32
      %get3A_785 = arith.index_cast %get3A_784 : i32 to index
      %get3A_786 = arith.index_cast %multiple_of3A_720 : i32 to index
      %get3A_787 = tpu.vector_load %arg8[%get3A_785, %get3A_786] {strides = array<i32>} : memref<16x2048xf32, #tpu.memory_space<vmem>>, vector<1x16xf32>,
      %get3A_788 = vector.shape_cast %get3A_787 : vector<1x16xf32> to vector<16xf32>
      %mul3A_789 = vector.broadcast %squeeze3A_298 : f32 to vector<16xf32>
      %mul3A_790 = arith.mulf %mul3A_789, %get3A_788 : vector<16xf32>
      %add3A_791 = arith.addf %add3A_783, %mul3A_790 : vector<16xf32>
      %get3A_792 = arith.constant 9 : i32
      %get3A_793 = arith.index_cast %get3A_792 : i32 to index
      %get3A_794 = arith.index_cast %multiple_of3A_720 : i32 to index
      %get3A_795 = tpu.vector_load %arg8[%get3A_793, %get3A_794] {strides = array<i32>} : memref<16x2048xf32, #tpu.memory_space<vmem>>, vector<1x16xf32>,
      %get3A_796 = vector.shape_cast %get3A_795 : vector<1x16xf32> to vector<16xf32>
      %mul3A_797 = vector.broadcast %squeeze3A_300 : f32 to vector<16xf32>
      %mul3A_798 = arith.mulf %mul3A_797, %get3A_796 : vector<16xf32>
      %add3A_799 = arith.addf %add3A_791, %mul3A_798 : vector<16xf32>
      %get3A_800 = arith.constant 10 : i32
      %get3A_801 = arith.index_cast %get3A_800 : i32 to index
      %get3A_802 = arith.index_cast %multiple_of3A_720 : i32 to index
      %get3A_803 = tpu.vector_load %arg8[%get3A_801, %get3A_802] {strides = array<i32>} : memref<16x2048xf32, #tpu.memory_space<vmem>>, vector<1x16xf32>,
      %get3A_804 = vector.shape_cast %get3A_803 : vector<1x16xf32> to vector<16xf32>
      %mul3A_805 = vector.broadcast %squeeze3A_302 : f32 to vector<16xf32>
      %mul3A_806 = arith.mulf %mul3A_805, %get3A_804 : vector<16xf32>
      %add3A_807 = arith.addf %add3A_799, %mul3A_806 : vector<16xf32>
      %get3A_808 = arith.constant 11 : i32
      %get3A_809 = arith.index_cast %get3A_808 : i32 to index
      %get3A_810 = arith.index_cast %multiple_of3A_720 : i32 to index
      %get3A_811 = tpu.vector_load %arg8[%get3A_809, %get3A_810] {strides = array<i32>} : memref<16x2048xf32, #tpu.memory_space<vmem>>, vector<1x16xf32>,
      %get3A_812 = vector.shape_cast %get3A_811 : vector<1x16xf32> to vector<16xf32>
      %mul3A_813 = vector.broadcast %squeeze3A_304 : f32 to vector<16xf32>
      %mul3A_814 = arith.mulf %mul3A_813, %get3A_812 : vector<16xf32>
      %add3A_815 = arith.addf %add3A_807, %mul3A_814 : vector<16xf32>
      %get3A_816 = arith.constant 12 : i32
      %get3A_817 = arith.index_cast %get3A_816 : i32 to index
      %get3A_818 = arith.index_cast %multiple_of3A_720 : i32 to index
      %get3A_819 = tpu.vector_load %arg8[%get3A_817, %get3A_818] {strides = array<i32>} : memref<16x2048xf32, #tpu.memory_space<vmem>>, vector<1x16xf32>,
      %get3A_820 = vector.shape_cast %get3A_819 : vector<1x16xf32> to vector<16xf32>
      %mul3A_821 = vector.broadcast %squeeze3A_306 : f32 to vector<16xf32>
      %mul3A_822 = arith.mulf %mul3A_821, %get3A_820 : vector<16xf32>
      %add3A_823 = arith.addf %add3A_815, %mul3A_822 : vector<16xf32>
      %get3A_824 = arith.constant 13 : i32
      %get3A_825 = arith.index_cast %get3A_824 : i32 to index
      %get3A_826 = arith.index_cast %multiple_of3A_720 : i32 to index
      %get3A_827 = tpu.vector_load %arg8[%get3A_825, %get3A_826] {strides = array<i32>} : memref<16x2048xf32, #tpu.memory_space<vmem>>, vector<1x16xf32>,
      %get3A_828 = vector.shape_cast %get3A_827 : vector<1x16xf32> to vector<16xf32>
      %mul3A_829 = vector.broadcast %squeeze3A_308 : f32 to vector<16xf32>
      %mul3A_830 = arith.mulf %mul3A_829, %get3A_828 : vector<16xf32>
      %add3A_831 = arith.addf %add3A_823, %mul3A_830 : vector<16xf32>
      %get3A_832 = arith.constant 14 : i32
      %get3A_833 = arith.index_cast %get3A_832 : i32 to index
      %get3A_834 = arith.index_cast %multiple_of3A_720 : i32 to index
      %get3A_835 = tpu.vector_load %arg8[%get3A_833, %get3A_834] {strides = array<i32>} : memref<16x2048xf32, #tpu.memory_space<vmem>>, vector<1x16xf32>,
      %get3A_836 = vector.shape_cast %get3A_835 : vector<1x16xf32> to vector<16xf32>
      %mul3A_837 = vector.broadcast %squeeze3A_310 : f32 to vector<16xf32>
      %mul3A_838 = arith.mulf %mul3A_837, %get3A_836 : vector<16xf32>
      %add3A_839 = arith.addf %add3A_831, %mul3A_838 : vector<16xf32>
      %get3A_840 = arith.constant 15 : i32
      %get3A_841 = arith.index_cast %get3A_840 : i32 to index
      %get3A_842 = arith.index_cast %multiple_of3A_720 : i32 to index
      %get3A_843 = tpu.vector_load %arg8[%get3A_841, %get3A_842] {strides = array<i32>} : memref<16x2048xf32, #tpu.memory_space<vmem>>, vector<1x16xf32>,
      %get3A_844 = vector.shape_cast %get3A_843 : vector<1x16xf32> to vector<16xf32>
      %mul3A_845 = vector.broadcast %squeeze3A_312 : f32 to vector<16xf32>
      %mul3A_846 = arith.mulf %mul3A_845, %get3A_844 : vector<16xf32>
      %add3A_847 = arith.addf %add3A_839, %mul3A_846 : vector<16xf32>
      %get3A_848 = arith.constant 0 : i32
      %get3A_849 = arith.index_cast %get3A_848 : i32 to index
      %get3A_850 = arith.index_cast %multiple_of3A_720 : i32 to index
      %get3A_851 = tpu.vector_load %arg9[%get3A_849, %get3A_850] {strides = array<i32>} : memref<2x2048xf32, #tpu.memory_space<vmem>>, vector<1x16xf32>,
      %get3A_852 = vector.shape_cast %get3A_851 : vector<1x16xf32> to vector<16xf32>
      %add3A_853 = arith.addf %add3A_847, %get3A_852 : vector<16xf32>
      %swap3A_854 = arith.constant 0 : i32
      %swap3A_855 = arith.index_cast %swap3A_854 : i32 to index
      %swap3A_856 = arith.index_cast %multiple_of3A_720 : i32 to index
      %swap3A_857 = tpu.vector_load %arg9[%swap3A_855, %swap3A_856] {strides = array<i32>} : memref<2x2048xf32, #tpu.memory_space<vmem>>, vector<1x16xf32>,
      %swap3A_858 = vector.shape_cast %swap3A_857 : vector<1x16xf32> to vector<16xf32>
      %swap3A_859 = vector.shape_cast %add3A_853 : vector<16xf32> to vector<1x16xf32>
      tpu.vector_store %arg9[%swap3A_855, %swap3A_856], %swap3A_859 {strides = array<i32>} : memref<2x2048xf32, #tpu.memory_space<vmem>>, vector<1x16xf32>,
      %scan3A_860 = arith.constant 3 : i32
      %scan3A_861 = arith.addi %scan3A_431, %scan3A_860 : i32
      %mul3A_862 = arith.constant 16 : i32
      %mul3A_863 = arith.muli %scan3A_861, %mul3A_862 : i32
      %multiple_of3A_864 = tpu.assume_multiple %mul3A_863, 16 : i32
      %get3A_865 = arith.constant 0 : i32
      %get3A_866 = arith.index_cast %get3A_865 : i32 to index
      %get3A_867 = arith.index_cast %multiple_of3A_864 : i32 to index
      %get3A_868 = tpu.vector_load %arg8[%get3A_866, %get3A_867] {strides = array<i32>} : memref<16x2048xf32, #tpu.memory_space<vmem>>, vector<1x16xf32>,
      %get3A_869 = vector.shape_cast %get3A_868 : vector<1x16xf32> to vector<16xf32>
      %mul3A_870 = vector.broadcast %squeeze3A_282 : f32 to vector<16xf32>
      %mul3A_871 = arith.mulf %mul3A_870, %get3A_869 : vector<16xf32>
      %get3A_872 = arith.constant 1 : i32
      %get3A_873 = arith.index_cast %get3A_872 : i32 to index
      %get3A_874 = arith.index_cast %multiple_of3A_864 : i32 to index
      %get3A_875 = tpu.vector_load %arg8[%get3A_873, %get3A_874] {strides = array<i32>} : memref<16x2048xf32, #tpu.memory_space<vmem>>, vector<1x16xf32>,
      %get3A_876 = vector.shape_cast %get3A_875 : vector<1x16xf32> to vector<16xf32>
      %mul3A_877 = vector.broadcast %squeeze3A_284 : f32 to vector<16xf32>
      %mul3A_878 = arith.mulf %mul3A_877, %get3A_876 : vector<16xf32>
      %add3A_879 = arith.addf %mul3A_871, %mul3A_878 : vector<16xf32>
      %get3A_880 = arith.constant 2 : i32
      %get3A_881 = arith.index_cast %get3A_880 : i32 to index
      %get3A_882 = arith.index_cast %multiple_of3A_864 : i32 to index
      %get3A_883 = tpu.vector_load %arg8[%get3A_881, %get3A_882] {strides = array<i32>} : memref<16x2048xf32, #tpu.memory_space<vmem>>, vector<1x16xf32>,
      %get3A_884 = vector.shape_cast %get3A_883 : vector<1x16xf32> to vector<16xf32>
      %mul3A_885 = vector.broadcast %squeeze3A_286 : f32 to vector<16xf32>
      %mul3A_886 = arith.mulf %mul3A_885, %get3A_884 : vector<16xf32>
      %add3A_887 = arith.addf %add3A_879, %mul3A_886 : vector<16xf32>
      %get3A_888 = arith.constant 3 : i32
      %get3A_889 = arith.index_cast %get3A_888 : i32 to index
      %get3A_890 = arith.index_cast %multiple_of3A_864 : i32 to index
      %get3A_891 = tpu.vector_load %arg8[%get3A_889, %get3A_890] {strides = array<i32>} : memref<16x2048xf32, #tpu.memory_space<vmem>>, vector<1x16xf32>,
      %get3A_892 = vector.shape_cast %get3A_891 : vector<1x16xf32> to vector<16xf32>
      %mul3A_893 = vector.broadcast %squeeze3A_288 : f32 to vector<16xf32>
      %mul3A_894 = arith.mulf %mul3A_893, %get3A_892 : vector<16xf32>
      %add3A_895 = arith.addf %add3A_887, %mul3A_894 : vector<16xf32>
      %get3A_896 = arith.constant 4 : i32
      %get3A_897 = arith.index_cast %get3A_896 : i32 to index
      %get3A_898 = arith.index_cast %multiple_of3A_864 : i32 to index
      %get3A_899 = tpu.vector_load %arg8[%get3A_897, %get3A_898] {strides = array<i32>} : memref<16x2048xf32, #tpu.memory_space<vmem>>, vector<1x16xf32>,
      %get3A_900 = vector.shape_cast %get3A_899 : vector<1x16xf32> to vector<16xf32>
      %mul3A_901 = vector.broadcast %squeeze3A_290 : f32 to vector<16xf32>
      %mul3A_902 = arith.mulf %mul3A_901, %get3A_900 : vector<16xf32>
      %add3A_903 = arith.addf %add3A_895, %mul3A_902 : vector<16xf32>
      %get3A_904 = arith.constant 5 : i32
      %get3A_905 = arith.index_cast %get3A_904 : i32 to index
      %get3A_906 = arith.index_cast %multiple_of3A_864 : i32 to index
      %get3A_907 = tpu.vector_load %arg8[%get3A_905, %get3A_906] {strides = array<i32>} : memref<16x2048xf32, #tpu.memory_space<vmem>>, vector<1x16xf32>,
      %get3A_908 = vector.shape_cast %get3A_907 : vector<1x16xf32> to vector<16xf32>
      %mul3A_909 = vector.broadcast %squeeze3A_292 : f32 to vector<16xf32>
      %mul3A_910 = arith.mulf %mul3A_909, %get3A_908 : vector<16xf32>
      %add3A_911 = arith.addf %add3A_903, %mul3A_910 : vector<16xf32>
      %get3A_912 = arith.constant 6 : i32
      %get3A_913 = arith.index_cast %get3A_912 : i32 to index
      %get3A_914 = arith.index_cast %multiple_of3A_864 : i32 to index
      %get3A_915 = tpu.vector_load %arg8[%get3A_913, %get3A_914] {strides = array<i32>} : memref<16x2048xf32, #tpu.memory_space<vmem>>, vector<1x16xf32>,
      %get3A_916 = vector.shape_cast %get3A_915 : vector<1x16xf32> to vector<16xf32>
      %mul3A_917 = vector.broadcast %squeeze3A_294 : f32 to vector<16xf32>
      %mul3A_918 = arith.mulf %mul3A_917, %get3A_916 : vector<16xf32>
      %add3A_919 = arith.addf %add3A_911, %mul3A_918 : vector<16xf32>
      %get3A_920 = arith.constant 7 : i32
      %get3A_921 = arith.index_cast %get3A_920 : i32 to index
      %get3A_922 = arith.index_cast %multiple_of3A_864 : i32 to index
      %get3A_923 = tpu.vector_load %arg8[%get3A_921, %get3A_922] {strides = array<i32>} : memref<16x2048xf32, #tpu.memory_space<vmem>>, vector<1x16xf32>,
      %get3A_924 = vector.shape_cast %get3A_923 : vector<1x16xf32> to vector<16xf32>
      %mul3A_925 = vector.broadcast %squeeze3A_296 : f32 to vector<16xf32>
      %mul3A_926 = arith.mulf %mul3A_925, %get3A_924 : vector<16xf32>
      %add3A_927 = arith.addf %add3A_919, %mul3A_926 : vector<16xf32>
      %get3A_928 = arith.constant 8 : i32
      %get3A_929 = arith.index_cast %get3A_928 : i32 to index
      %get3A_930 = arith.index_cast %multiple_of3A_864 : i32 to index
      %get3A_931 = tpu.vector_load %arg8[%get3A_929, %get3A_930] {strides = array<i32>} : memref<16x2048xf32, #tpu.memory_space<vmem>>, vector<1x16xf32>,
      %get3A_932 = vector.shape_cast %get3A_931 : vector<1x16xf32> to vector<16xf32>
      %mul3A_933 = vector.broadcast %squeeze3A_298 : f32 to vector<16xf32>
      %mul3A_934 = arith.mulf %mul3A_933, %get3A_932 : vector<16xf32>
      %add3A_935 = arith.addf %add3A_927, %mul3A_934 : vector<16xf32>
      %get3A_936 = arith.constant 9 : i32
      %get3A_937 = arith.index_cast %get3A_936 : i32 to index
      %get3A_938 = arith.index_cast %multiple_of3A_864 : i32 to index
      %get3A_939 = tpu.vector_load %arg8[%get3A_937, %get3A_938] {strides = array<i32>} : memref<16x2048xf32, #tpu.memory_space<vmem>>, vector<1x16xf32>,
      %get3A_940 = vector.shape_cast %get3A_939 : vector<1x16xf32> to vector<16xf32>
      %mul3A_941 = vector.broadcast %squeeze3A_300 : f32 to vector<16xf32>
      %mul3A_942 = arith.mulf %mul3A_941, %get3A_940 : vector<16xf32>
      %add3A_943 = arith.addf %add3A_935, %mul3A_942 : vector<16xf32>
      %get3A_944 = arith.constant 10 : i32
      %get3A_945 = arith.index_cast %get3A_944 : i32 to index
      %get3A_946 = arith.index_cast %multiple_of3A_864 : i32 to index
      %get3A_947 = tpu.vector_load %arg8[%get3A_945, %get3A_946] {strides = array<i32>} : memref<16x2048xf32, #tpu.memory_space<vmem>>, vector<1x16xf32>,
      %get3A_948 = vector.shape_cast %get3A_947 : vector<1x16xf32> to vector<16xf32>
      %mul3A_949 = vector.broadcast %squeeze3A_302 : f32 to vector<16xf32>
      %mul3A_950 = arith.mulf %mul3A_949, %get3A_948 : vector<16xf32>
      %add3A_951 = arith.addf %add3A_943, %mul3A_950 : vector<16xf32>
      %get3A_952 = arith.constant 11 : i32
      %get3A_953 = arith.index_cast %get3A_952 : i32 to index
      %get3A_954 = arith.index_cast %multiple_of3A_864 : i32 to index
      %get3A_955 = tpu.vector_load %arg8[%get3A_953, %get3A_954] {strides = array<i32>} : memref<16x2048xf32, #tpu.memory_space<vmem>>, vector<1x16xf32>,
      %get3A_956 = vector.shape_cast %get3A_955 : vector<1x16xf32> to vector<16xf32>
      %mul3A_957 = vector.broadcast %squeeze3A_304 : f32 to vector<16xf32>
      %mul3A_958 = arith.mulf %mul3A_957, %get3A_956 : vector<16xf32>
      %add3A_959 = arith.addf %add3A_951, %mul3A_958 : vector<16xf32>
      %get3A_960 = arith.constant 12 : i32
      %get3A_961 = arith.index_cast %get3A_960 : i32 to index
      %get3A_962 = arith.index_cast %multiple_of3A_864 : i32 to index
      %get3A_963 = tpu.vector_load %arg8[%get3A_961, %get3A_962] {strides = array<i32>} : memref<16x2048xf32, #tpu.memory_space<vmem>>, vector<1x16xf32>,
      %get3A_964 = vector.shape_cast %get3A_963 : vector<1x16xf32> to vector<16xf32>
      %mul3A_965 = vector.broadcast %squeeze3A_306 : f32 to vector<16xf32>
      %mul3A_966 = arith.mulf %mul3A_965, %get3A_964 : vector<16xf32>
      %add3A_967 = arith.addf %add3A_959, %mul3A_966 : vector<16xf32>
      %get3A_968 = arith.constant 13 : i32
      %get3A_969 = arith.index_cast %get3A_968 : i32 to index
      %get3A_970 = arith.index_cast %multiple_of3A_864 : i32 to index
      %get3A_971 = tpu.vector_load %arg8[%get3A_969, %get3A_970] {strides = array<i32>} : memref<16x2048xf32, #tpu.memory_space<vmem>>, vector<1x16xf32>,
      %get3A_972 = vector.shape_cast %get3A_971 : vector<1x16xf32> to vector<16xf32>
      %mul3A_973 = vector.broadcast %squeeze3A_308 : f32 to vector<16xf32>
      %mul3A_974 = arith.mulf %mul3A_973, %get3A_972 : vector<16xf32>
      %add3A_975 = arith.addf %add3A_967, %mul3A_974 : vector<16xf32>
      %get3A_976 = arith.constant 14 : i32
      %get3A_977 = arith.index_cast %get3A_976 : i32 to index
      %get3A_978 = arith.index_cast %multiple_of3A_864 : i32 to index
      %get3A_979 = tpu.vector_load %arg8[%get3A_977, %get3A_978] {strides = array<i32>} : memref<16x2048xf32, #tpu.memory_space<vmem>>, vector<1x16xf32>,
      %get3A_980 = vector.shape_cast %get3A_979 : vector<1x16xf32> to vector<16xf32>
      %mul3A_981 = vector.broadcast %squeeze3A_310 : f32 to vector<16xf32>
      %mul3A_982 = arith.mulf %mul3A_981, %get3A_980 : vector<16xf32>
      %add3A_983 = arith.addf %add3A_975, %mul3A_982 : vector<16xf32>
      %get3A_984 = arith.constant 15 : i32
      %get3A_985 = arith.index_cast %get3A_984 : i32 to index
      %get3A_986 = arith.index_cast %multiple_of3A_864 : i32 to index
      %get3A_987 = tpu.vector_load %arg8[%get3A_985, %get3A_986] {strides = array<i32>} : memref<16x2048xf32, #tpu.memory_space<vmem>>, vector<1x16xf32>,
      %get3A_988 = vector.shape_cast %get3A_987 : vector<1x16xf32> to vector<16xf32>
      %mul3A_989 = vector.broadcast %squeeze3A_312 : f32 to vector<16xf32>
      %mul3A_990 = arith.mulf %mul3A_989, %get3A_988 : vector<16xf32>
      %add3A_991 = arith.addf %add3A_983, %mul3A_990 : vector<16xf32>
      %get3A_992 = arith.constant 0 : i32
      %get3A_993 = arith.index_cast %get3A_992 : i32 to index
      %get3A_994 = arith.index_cast %multiple_of3A_864 : i32 to index
      %get3A_995 = tpu.vector_load %arg9[%get3A_993, %get3A_994] {strides = array<i32>} : memref<2x2048xf32, #tpu.memory_space<vmem>>, vector<1x16xf32>,
      %get3A_996 = vector.shape_cast %get3A_995 : vector<1x16xf32> to vector<16xf32>
      %add3A_997 = arith.addf %add3A_991, %get3A_996 : vector<16xf32>
      %swap3A_998 = arith.constant 0 : i32
      %swap3A_999 = arith.index_cast %swap3A_998 : i32 to index
      %swap3A_1000 = arith.index_cast %multiple_of3A_864 : i32 to index
      %swap3A_1001 = tpu.vector_load %arg9[%swap3A_999, %swap3A_1000] {strides = array<i32>} : memref<2x2048xf32, #tpu.memory_space<vmem>>, vector<1x16xf32>,
      %swap3A_1002 = vector.shape_cast %swap3A_1001 : vector<1x16xf32> to vector<16xf32>
      %swap3A_1003 = vector.shape_cast %add3A_997 : vector<16xf32> to vector<1x16xf32>
      tpu.vector_store %arg9[%swap3A_999, %swap3A_1000], %swap3A_1003 {strides = array<i32>} : memref<2x2048xf32, #tpu.memory_space<vmem>>, vector<1x16xf32>,
    }
    %scan3A_318 = arith.constant 128 : i32
    %dma_wait3A_319 = arith.constant 0 : i32
    %dma_wait3A_320 = arith.constant 0 : i32
    %dma_wait3A_321 = tpu.memref_slice %arg3[%dma_wait3A_319, %dma_wait3A_320] : memref<2600x2048xf32, #tpu.memory_space<hbm>> -> memref<2600x2048xf32, #tpu.memory_space<hbm>>
    tpu.wait_indirect_dma semaphore(%arg10 : memref<!tpu.dma_semaphore, #tpu.memory_space<semaphore_mem>>) src(%dma_wait3A_321 : memref<2600x2048xf32, #tpu.memory_space<hbm>>) dst(%arg6 : memref<16x2048xf32, #tpu.memory_space<vmem>>)
    %slice3A_322 = vector.extract_strided_slice %select_n3A_187 {offsets = [0], sizes = [1], strides = [1]} : vector<16xf32> to vector<1xf32>
    %squeeze3A_323 = vector.extract %slice3A_322[0] : f32 from vector<1xf32>
    %slice3A_324 = vector.extract_strided_slice %select_n3A_187 {offsets = [1], sizes = [1], strides = [1]} : vector<16xf32> to vector<1xf32>
    %squeeze3A_325 = vector.extract %slice3A_324[0] : f32 from vector<1xf32>
    %slice3A_326 = vector.extract_strided_slice %select_n3A_187 {offsets = [2], sizes = [1], strides = [1]} : vector<16xf32> to vector<1xf32>
    %squeeze3A_327 = vector.extract %slice3A_326[0] : f32 from vector<1xf32>
    %slice3A_328 = vector.extract_strided_slice %select_n3A_187 {offsets = [3], sizes = [1], strides = [1]} : vector<16xf32> to vector<1xf32>
    %squeeze3A_329 = vector.extract %slice3A_328[0] : f32 from vector<1xf32>
    %slice3A_330 = vector.extract_strided_slice %select_n3A_187 {offsets = [4], sizes = [1], strides = [1]} : vector<16xf32> to vector<1xf32>
    %squeeze3A_331 = vector.extract %slice3A_330[0] : f32 from vector<1xf32>
    %slice3A_332 = vector.extract_strided_slice %select_n3A_187 {offsets = [5], sizes = [1], strides = [1]} : vector<16xf32> to vector<1xf32>
    %squeeze3A_333 = vector.extract %slice3A_332[0] : f32 from vector<1xf32>
    %slice3A_334 = vector.extract_strided_slice %select_n3A_187 {offsets = [6], sizes = [1], strides = [1]} : vector<16xf32> to vector<1xf32>
    %squeeze3A_335 = vector.extract %slice3A_334[0] : f32 from vector<1xf32>
    %slice3A_336 = vector.extract_strided_slice %select_n3A_187 {offsets = [7], sizes = [1], strides = [1]} : vector<16xf32> to vector<1xf32>
    %squeeze3A_337 = vector.extract %slice3A_336[0] : f32 from vector<1xf32>
    %slice3A_338 = vector.extract_strided_slice %select_n3A_187 {offsets = [8], sizes = [1], strides = [1]} : vector<16xf32> to vector<1xf32>
    %squeeze3A_339 = vector.extract %slice3A_338[0] : f32 from vector<1xf32>
    %slice3A_340 = vector.extract_strided_slice %select_n3A_187 {offsets = [9], sizes = [1], strides = [1]} : vector<16xf32> to vector<1xf32>
    %squeeze3A_341 = vector.extract %slice3A_340[0] : f32 from vector<1xf32>
    %slice3A_342 = vector.extract_strided_slice %select_n3A_187 {offsets = [10], sizes = [1], strides = [1]} : vector<16xf32> to vector<1xf32>
    %squeeze3A_343 = vector.extract %slice3A_342[0] : f32 from vector<1xf32>
    %slice3A_344 = vector.extract_strided_slice %select_n3A_187 {offsets = [11], sizes = [1], strides = [1]} : vector<16xf32> to vector<1xf32>
    %squeeze3A_345 = vector.extract %slice3A_344[0] : f32 from vector<1xf32>
    %slice3A_346 = vector.extract_strided_slice %select_n3A_187 {offsets = [12], sizes = [1], strides = [1]} : vector<16xf32> to vector<1xf32>
    %squeeze3A_347 = vector.extract %slice3A_346[0] : f32 from vector<1xf32>
    %slice3A_348 = vector.extract_strided_slice %select_n3A_187 {offsets = [13], sizes = [1], strides = [1]} : vector<16xf32> to vector<1xf32>
    %squeeze3A_349 = vector.extract %slice3A_348[0] : f32 from vector<1xf32>
    %slice3A_350 = vector.extract_strided_slice %select_n3A_187 {offsets = [14], sizes = [1], strides = [1]} : vector<16xf32> to vector<1xf32>
    %squeeze3A_351 = vector.extract %slice3A_350[0] : f32 from vector<1xf32>
    %slice3A_352 = vector.extract_strided_slice %select_n3A_187 {offsets = [15], sizes = [1], strides = [1]} : vector<16xf32> to vector<1xf32>
    %squeeze3A_353 = vector.extract %slice3A_352[0] : f32 from vector<1xf32>
    %scan3A_354 = arith.constant 0 : i32
    %scan3A_355 = arith.constant 0 : i32
    %scan3A_356 = arith.constant 128 : i32
    %scan3A_357 = arith.addi %scan3A_355, %scan3A_356 : i32
    %scan3A_358 = arith.constant 4 : i32
    scf.for %scan3A_431 = %scan3A_355 to %scan3A_357 step %scan3A_358  : i32 {
      %mul3A_432 = arith.constant 16 : i32
      %mul3A_433 = arith.muli %scan3A_431, %mul3A_432 : i32
      %multiple_of3A = tpu.assume_multiple %mul3A_433, 16 : i32
      %get3A_434 = arith.constant 0 : i32
      %get3A_435 = arith.index_cast %get3A_434 : i32 to index
      %get3A_436 = arith.index_cast %multiple_of3A : i32 to index
      %get3A_437 = tpu.vector_load %arg6[%get3A_435, %get3A_436] {strides = array<i32>} : memref<16x2048xf32, #tpu.memory_space<vmem>>, vector<1x16xf32>,
      %get3A_438 = vector.shape_cast %get3A_437 : vector<1x16xf32> to vector<16xf32>
      %mul3A_439 = vector.broadcast %squeeze3A_323 : f32 to vector<16xf32>
      %mul3A_440 = arith.mulf %mul3A_439, %get3A_438 : vector<16xf32>
      %get3A_441 = arith.constant 1 : i32
      %get3A_442 = arith.index_cast %get3A_441 : i32 to index
      %get3A_443 = arith.index_cast %multiple_of3A : i32 to index
      %get3A_444 = tpu.vector_load %arg6[%get3A_442, %get3A_443] {strides = array<i32>} : memref<16x2048xf32, #tpu.memory_space<vmem>>, vector<1x16xf32>,
      %get3A_445 = vector.shape_cast %get3A_444 : vector<1x16xf32> to vector<16xf32>
      %mul3A_446 = vector.broadcast %squeeze3A_325 : f32 to vector<16xf32>
      %mul3A_447 = arith.mulf %mul3A_446, %get3A_445 : vector<16xf32>
      %add3A_448 = arith.addf %mul3A_440, %mul3A_447 : vector<16xf32>
      %get3A_449 = arith.constant 2 : i32
      %get3A_450 = arith.index_cast %get3A_449 : i32 to index
      %get3A_451 = arith.index_cast %multiple_of3A : i32 to index
      %get3A_452 = tpu.vector_load %arg6[%get3A_450, %get3A_451] {strides = array<i32>} : memref<16x2048xf32, #tpu.memory_space<vmem>>, vector<1x16xf32>,
      %get3A_453 = vector.shape_cast %get3A_452 : vector<1x16xf32> to vector<16xf32>
      %mul3A_454 = vector.broadcast %squeeze3A_327 : f32 to vector<16xf32>
      %mul3A_455 = arith.mulf %mul3A_454, %get3A_453 : vector<16xf32>
      %add3A_456 = arith.addf %add3A_448, %mul3A_455 : vector<16xf32>
      %get3A_457 = arith.constant 3 : i32
      %get3A_458 = arith.index_cast %get3A_457 : i32 to index
      %get3A_459 = arith.index_cast %multiple_of3A : i32 to index
      %get3A_460 = tpu.vector_load %arg6[%get3A_458, %get3A_459] {strides = array<i32>} : memref<16x2048xf32, #tpu.memory_space<vmem>>, vector<1x16xf32>,
      %get3A_461 = vector.shape_cast %get3A_460 : vector<1x16xf32> to vector<16xf32>
      %mul3A_462 = vector.broadcast %squeeze3A_329 : f32 to vector<16xf32>
      %mul3A_463 = arith.mulf %mul3A_462, %get3A_461 : vector<16xf32>
      %add3A_464 = arith.addf %add3A_456, %mul3A_463 : vector<16xf32>
      %get3A_465 = arith.constant 4 : i32
      %get3A_466 = arith.index_cast %get3A_465 : i32 to index
      %get3A_467 = arith.index_cast %multiple_of3A : i32 to index
      %get3A_468 = tpu.vector_load %arg6[%get3A_466, %get3A_467] {strides = array<i32>} : memref<16x2048xf32, #tpu.memory_space<vmem>>, vector<1x16xf32>,
      %get3A_469 = vector.shape_cast %get3A_468 : vector<1x16xf32> to vector<16xf32>
      %mul3A_470 = vector.broadcast %squeeze3A_331 : f32 to vector<16xf32>
      %mul3A_471 = arith.mulf %mul3A_470, %get3A_469 : vector<16xf32>
      %add3A_472 = arith.addf %add3A_464, %mul3A_471 : vector<16xf32>
      %get3A_473 = arith.constant 5 : i32
      %get3A_474 = arith.index_cast %get3A_473 : i32 to index
      %get3A_475 = arith.index_cast %multiple_of3A : i32 to index
      %get3A_476 = tpu.vector_load %arg6[%get3A_474, %get3A_475] {strides = array<i32>} : memref<16x2048xf32, #tpu.memory_space<vmem>>, vector<1x16xf32>,
      %get3A_477 = vector.shape_cast %get3A_476 : vector<1x16xf32> to vector<16xf32>
      %mul3A_478 = vector.broadcast %squeeze3A_333 : f32 to vector<16xf32>
      %mul3A_479 = arith.mulf %mul3A_478, %get3A_477 : vector<16xf32>
      %add3A_480 = arith.addf %add3A_472, %mul3A_479 : vector<16xf32>
      %get3A_481 = arith.constant 6 : i32
      %get3A_482 = arith.index_cast %get3A_481 : i32 to index
      %get3A_483 = arith.index_cast %multiple_of3A : i32 to index
      %get3A_484 = tpu.vector_load %arg6[%get3A_482, %get3A_483] {strides = array<i32>} : memref<16x2048xf32, #tpu.memory_space<vmem>>, vector<1x16xf32>,
      %get3A_485 = vector.shape_cast %get3A_484 : vector<1x16xf32> to vector<16xf32>
      %mul3A_486 = vector.broadcast %squeeze3A_335 : f32 to vector<16xf32>
      %mul3A_487 = arith.mulf %mul3A_486, %get3A_485 : vector<16xf32>
      %add3A_488 = arith.addf %add3A_480, %mul3A_487 : vector<16xf32>
      %get3A_489 = arith.constant 7 : i32
      %get3A_490 = arith.index_cast %get3A_489 : i32 to index
      %get3A_491 = arith.index_cast %multiple_of3A : i32 to index
      %get3A_492 = tpu.vector_load %arg6[%get3A_490, %get3A_491] {strides = array<i32>} : memref<16x2048xf32, #tpu.memory_space<vmem>>, vector<1x16xf32>,
      %get3A_493 = vector.shape_cast %get3A_492 : vector<1x16xf32> to vector<16xf32>
      %mul3A_494 = vector.broadcast %squeeze3A_337 : f32 to vector<16xf32>
      %mul3A_495 = arith.mulf %mul3A_494, %get3A_493 : vector<16xf32>
      %add3A_496 = arith.addf %add3A_488, %mul3A_495 : vector<16xf32>
      %get3A_497 = arith.constant 8 : i32
      %get3A_498 = arith.index_cast %get3A_497 : i32 to index
      %get3A_499 = arith.index_cast %multiple_of3A : i32 to index
      %get3A_500 = tpu.vector_load %arg6[%get3A_498, %get3A_499] {strides = array<i32>} : memref<16x2048xf32, #tpu.memory_space<vmem>>, vector<1x16xf32>,
      %get3A_501 = vector.shape_cast %get3A_500 : vector<1x16xf32> to vector<16xf32>
      %mul3A_502 = vector.broadcast %squeeze3A_339 : f32 to vector<16xf32>
      %mul3A_503 = arith.mulf %mul3A_502, %get3A_501 : vector<16xf32>
      %add3A_504 = arith.addf %add3A_496, %mul3A_503 : vector<16xf32>
      %get3A_505 = arith.constant 9 : i32
      %get3A_506 = arith.index_cast %get3A_505 : i32 to index
      %get3A_507 = arith.index_cast %multiple_of3A : i32 to index
      %get3A_508 = tpu.vector_load %arg6[%get3A_506, %get3A_507] {strides = array<i32>} : memref<16x2048xf32, #tpu.memory_space<vmem>>, vector<1x16xf32>,
      %get3A_509 = vector.shape_cast %get3A_508 : vector<1x16xf32> to vector<16xf32>
      %mul3A_510 = vector.broadcast %squeeze3A_341 : f32 to vector<16xf32>
      %mul3A_511 = arith.mulf %mul3A_510, %get3A_509 : vector<16xf32>
      %add3A_512 = arith.addf %add3A_504, %mul3A_511 : vector<16xf32>
      %get3A_513 = arith.constant 10 : i32
      %get3A_514 = arith.index_cast %get3A_513 : i32 to index
      %get3A_515 = arith.index_cast %multiple_of3A : i32 to index
      %get3A_516 = tpu.vector_load %arg6[%get3A_514, %get3A_515] {strides = array<i32>} : memref<16x2048xf32, #tpu.memory_space<vmem>>, vector<1x16xf32>,
      %get3A_517 = vector.shape_cast %get3A_516 : vector<1x16xf32> to vector<16xf32>
      %mul3A_518 = vector.broadcast %squeeze3A_343 : f32 to vector<16xf32>
      %mul3A_519 = arith.mulf %mul3A_518, %get3A_517 : vector<16xf32>
      %add3A_520 = arith.addf %add3A_512, %mul3A_519 : vector<16xf32>
      %get3A_521 = arith.constant 11 : i32
      %get3A_522 = arith.index_cast %get3A_521 : i32 to index
      %get3A_523 = arith.index_cast %multiple_of3A : i32 to index
      %get3A_524 = tpu.vector_load %arg6[%get3A_522, %get3A_523] {strides = array<i32>} : memref<16x2048xf32, #tpu.memory_space<vmem>>, vector<1x16xf32>,
      %get3A_525 = vector.shape_cast %get3A_524 : vector<1x16xf32> to vector<16xf32>
      %mul3A_526 = vector.broadcast %squeeze3A_345 : f32 to vector<16xf32>
      %mul3A_527 = arith.mulf %mul3A_526, %get3A_525 : vector<16xf32>
      %add3A_528 = arith.addf %add3A_520, %mul3A_527 : vector<16xf32>
      %get3A_529 = arith.constant 12 : i32
      %get3A_530 = arith.index_cast %get3A_529 : i32 to index
      %get3A_531 = arith.index_cast %multiple_of3A : i32 to index
      %get3A_532 = tpu.vector_load %arg6[%get3A_530, %get3A_531] {strides = array<i32>} : memref<16x2048xf32, #tpu.memory_space<vmem>>, vector<1x16xf32>,
      %get3A_533 = vector.shape_cast %get3A_532 : vector<1x16xf32> to vector<16xf32>
      %mul3A_534 = vector.broadcast %squeeze3A_347 : f32 to vector<16xf32>
      %mul3A_535 = arith.mulf %mul3A_534, %get3A_533 : vector<16xf32>
      %add3A_536 = arith.addf %add3A_528, %mul3A_535 : vector<16xf32>
      %get3A_537 = arith.constant 13 : i32
      %get3A_538 = arith.index_cast %get3A_537 : i32 to index
      %get3A_539 = arith.index_cast %multiple_of3A : i32 to index
      %get3A_540 = tpu.vector_load %arg6[%get3A_538, %get3A_539] {strides = array<i32>} : memref<16x2048xf32, #tpu.memory_space<vmem>>, vector<1x16xf32>,
      %get3A_541 = vector.shape_cast %get3A_540 : vector<1x16xf32> to vector<16xf32>
      %mul3A_542 = vector.broadcast %squeeze3A_349 : f32 to vector<16xf32>
      %mul3A_543 = arith.mulf %mul3A_542, %get3A_541 : vector<16xf32>
      %add3A_544 = arith.addf %add3A_536, %mul3A_543 : vector<16xf32>
      %get3A_545 = arith.constant 14 : i32
      %get3A_546 = arith.index_cast %get3A_545 : i32 to index
      %get3A_547 = arith.index_cast %multiple_of3A : i32 to index
      %get3A_548 = tpu.vector_load %arg6[%get3A_546, %get3A_547] {strides = array<i32>} : memref<16x2048xf32, #tpu.memory_space<vmem>>, vector<1x16xf32>,
      %get3A_549 = vector.shape_cast %get3A_548 : vector<1x16xf32> to vector<16xf32>
      %mul3A_550 = vector.broadcast %squeeze3A_351 : f32 to vector<16xf32>
      %mul3A_551 = arith.mulf %mul3A_550, %get3A_549 : vector<16xf32>
      %add3A_552 = arith.addf %add3A_544, %mul3A_551 : vector<16xf32>
      %get3A_553 = arith.constant 15 : i32
      %get3A_554 = arith.index_cast %get3A_553 : i32 to index
      %get3A_555 = arith.index_cast %multiple_of3A : i32 to index
      %get3A_556 = tpu.vector_load %arg6[%get3A_554, %get3A_555] {strides = array<i32>} : memref<16x2048xf32, #tpu.memory_space<vmem>>, vector<1x16xf32>,
      %get3A_557 = vector.shape_cast %get3A_556 : vector<1x16xf32> to vector<16xf32>
      %mul3A_558 = vector.broadcast %squeeze3A_353 : f32 to vector<16xf32>
      %mul3A_559 = arith.mulf %mul3A_558, %get3A_557 : vector<16xf32>
      %add3A_560 = arith.addf %add3A_552, %mul3A_559 : vector<16xf32>
      %get3A_561 = arith.constant 0 : i32
      %get3A_562 = arith.index_cast %get3A_561 : i32 to index
      %get3A_563 = arith.index_cast %multiple_of3A : i32 to index
      %get3A_564 = tpu.vector_load %arg9[%get3A_562, %get3A_563] {strides = array<i32>} : memref<2x2048xf32, #tpu.memory_space<vmem>>, vector<1x16xf32>,
      %get3A_565 = vector.shape_cast %get3A_564 : vector<1x16xf32> to vector<16xf32>
      %add3A_566 = arith.addf %add3A_560, %get3A_565 : vector<16xf32>
      %swap3A = arith.constant 0 : i32
      %swap3A_567 = arith.index_cast %swap3A : i32 to index
      %swap3A_568 = arith.index_cast %multiple_of3A : i32 to index
      %swap3A_569 = tpu.vector_load %arg9[%swap3A_567, %swap3A_568] {strides = array<i32>} : memref<2x2048xf32, #tpu.memory_space<vmem>>, vector<1x16xf32>,
      %swap3A_570 = vector.shape_cast %swap3A_569 : vector<1x16xf32> to vector<16xf32>
      %swap3A_571 = vector.shape_cast %add3A_566 : vector<16xf32> to vector<1x16xf32>
      tpu.vector_store %arg9[%swap3A_567, %swap3A_568], %swap3A_571 {strides = array<i32>} : memref<2x2048xf32, #tpu.memory_space<vmem>>, vector<1x16xf32>,
      %scan3A_572 = arith.constant 1 : i32
      %scan3A_573 = arith.addi %scan3A_431, %scan3A_572 : i32
      %mul3A_574 = arith.constant 16 : i32
      %mul3A_575 = arith.muli %scan3A_573, %mul3A_574 : i32
      %multiple_of3A_576 = tpu.assume_multiple %mul3A_575, 16 : i32
      %get3A_577 = arith.constant 0 : i32
      %get3A_578 = arith.index_cast %get3A_577 : i32 to index
      %get3A_579 = arith.index_cast %multiple_of3A_576 : i32 to index
      %get3A_580 = tpu.vector_load %arg6[%get3A_578, %get3A_579] {strides = array<i32>} : memref<16x2048xf32, #tpu.memory_space<vmem>>, vector<1x16xf32>,
      %get3A_581 = vector.shape_cast %get3A_580 : vector<1x16xf32> to vector<16xf32>
      %mul3A_582 = vector.broadcast %squeeze3A_323 : f32 to vector<16xf32>
      %mul3A_583 = arith.mulf %mul3A_582, %get3A_581 : vector<16xf32>
      %get3A_584 = arith.constant 1 : i32
      %get3A_585 = arith.index_cast %get3A_584 : i32 to index
      %get3A_586 = arith.index_cast %multiple_of3A_576 : i32 to index
      %get3A_587 = tpu.vector_load %arg6[%get3A_585, %get3A_586] {strides = array<i32>} : memref<16x2048xf32, #tpu.memory_space<vmem>>, vector<1x16xf32>,
      %get3A_588 = vector.shape_cast %get3A_587 : vector<1x16xf32> to vector<16xf32>
      %mul3A_589 = vector.broadcast %squeeze3A_325 : f32 to vector<16xf32>
      %mul3A_590 = arith.mulf %mul3A_589, %get3A_588 : vector<16xf32>
      %add3A_591 = arith.addf %mul3A_583, %mul3A_590 : vector<16xf32>
      %get3A_592 = arith.constant 2 : i32
      %get3A_593 = arith.index_cast %get3A_592 : i32 to index
      %get3A_594 = arith.index_cast %multiple_of3A_576 : i32 to index
      %get3A_595 = tpu.vector_load %arg6[%get3A_593, %get3A_594] {strides = array<i32>} : memref<16x2048xf32, #tpu.memory_space<vmem>>, vector<1x16xf32>,
      %get3A_596 = vector.shape_cast %get3A_595 : vector<1x16xf32> to vector<16xf32>
      %mul3A_597 = vector.broadcast %squeeze3A_327 : f32 to vector<16xf32>
      %mul3A_598 = arith.mulf %mul3A_597, %get3A_596 : vector<16xf32>
      %add3A_599 = arith.addf %add3A_591, %mul3A_598 : vector<16xf32>
      %get3A_600 = arith.constant 3 : i32
      %get3A_601 = arith.index_cast %get3A_600 : i32 to index
      %get3A_602 = arith.index_cast %multiple_of3A_576 : i32 to index
      %get3A_603 = tpu.vector_load %arg6[%get3A_601, %get3A_602] {strides = array<i32>} : memref<16x2048xf32, #tpu.memory_space<vmem>>, vector<1x16xf32>,
      %get3A_604 = vector.shape_cast %get3A_603 : vector<1x16xf32> to vector<16xf32>
      %mul3A_605 = vector.broadcast %squeeze3A_329 : f32 to vector<16xf32>
      %mul3A_606 = arith.mulf %mul3A_605, %get3A_604 : vector<16xf32>
      %add3A_607 = arith.addf %add3A_599, %mul3A_606 : vector<16xf32>
      %get3A_608 = arith.constant 4 : i32
      %get3A_609 = arith.index_cast %get3A_608 : i32 to index
      %get3A_610 = arith.index_cast %multiple_of3A_576 : i32 to index
      %get3A_611 = tpu.vector_load %arg6[%get3A_609, %get3A_610] {strides = array<i32>} : memref<16x2048xf32, #tpu.memory_space<vmem>>, vector<1x16xf32>,
      %get3A_612 = vector.shape_cast %get3A_611 : vector<1x16xf32> to vector<16xf32>
      %mul3A_613 = vector.broadcast %squeeze3A_331 : f32 to vector<16xf32>
      %mul3A_614 = arith.mulf %mul3A_613, %get3A_612 : vector<16xf32>
      %add3A_615 = arith.addf %add3A_607, %mul3A_614 : vector<16xf32>
      %get3A_616 = arith.constant 5 : i32
      %get3A_617 = arith.index_cast %get3A_616 : i32 to index
      %get3A_618 = arith.index_cast %multiple_of3A_576 : i32 to index
      %get3A_619 = tpu.vector_load %arg6[%get3A_617, %get3A_618] {strides = array<i32>} : memref<16x2048xf32, #tpu.memory_space<vmem>>, vector<1x16xf32>,
      %get3A_620 = vector.shape_cast %get3A_619 : vector<1x16xf32> to vector<16xf32>
      %mul3A_621 = vector.broadcast %squeeze3A_333 : f32 to vector<16xf32>
      %mul3A_622 = arith.mulf %mul3A_621, %get3A_620 : vector<16xf32>
      %add3A_623 = arith.addf %add3A_615, %mul3A_622 : vector<16xf32>
      %get3A_624 = arith.constant 6 : i32
      %get3A_625 = arith.index_cast %get3A_624 : i32 to index
      %get3A_626 = arith.index_cast %multiple_of3A_576 : i32 to index
      %get3A_627 = tpu.vector_load %arg6[%get3A_625, %get3A_626] {strides = array<i32>} : memref<16x2048xf32, #tpu.memory_space<vmem>>, vector<1x16xf32>,
      %get3A_628 = vector.shape_cast %get3A_627 : vector<1x16xf32> to vector<16xf32>
      %mul3A_629 = vector.broadcast %squeeze3A_335 : f32 to vector<16xf32>
      %mul3A_630 = arith.mulf %mul3A_629, %get3A_628 : vector<16xf32>
      %add3A_631 = arith.addf %add3A_623, %mul3A_630 : vector<16xf32>
      %get3A_632 = arith.constant 7 : i32
      %get3A_633 = arith.index_cast %get3A_632 : i32 to index
      %get3A_634 = arith.index_cast %multiple_of3A_576 : i32 to index
      %get3A_635 = tpu.vector_load %arg6[%get3A_633, %get3A_634] {strides = array<i32>} : memref<16x2048xf32, #tpu.memory_space<vmem>>, vector<1x16xf32>,
      %get3A_636 = vector.shape_cast %get3A_635 : vector<1x16xf32> to vector<16xf32>
      %mul3A_637 = vector.broadcast %squeeze3A_337 : f32 to vector<16xf32>
      %mul3A_638 = arith.mulf %mul3A_637, %get3A_636 : vector<16xf32>
      %add3A_639 = arith.addf %add3A_631, %mul3A_638 : vector<16xf32>
      %get3A_640 = arith.constant 8 : i32
      %get3A_641 = arith.index_cast %get3A_640 : i32 to index
      %get3A_642 = arith.index_cast %multiple_of3A_576 : i32 to index
      %get3A_643 = tpu.vector_load %arg6[%get3A_641, %get3A_642] {strides = array<i32>} : memref<16x2048xf32, #tpu.memory_space<vmem>>, vector<1x16xf32>,
      %get3A_644 = vector.shape_cast %get3A_643 : vector<1x16xf32> to vector<16xf32>
      %mul3A_645 = vector.broadcast %squeeze3A_339 : f32 to vector<16xf32>
      %mul3A_646 = arith.mulf %mul3A_645, %get3A_644 : vector<16xf32>
      %add3A_647 = arith.addf %add3A_639, %mul3A_646 : vector<16xf32>
      %get3A_648 = arith.constant 9 : i32
      %get3A_649 = arith.index_cast %get3A_648 : i32 to index
      %get3A_650 = arith.index_cast %multiple_of3A_576 : i32 to index
      %get3A_651 = tpu.vector_load %arg6[%get3A_649, %get3A_650] {strides = array<i32>} : memref<16x2048xf32, #tpu.memory_space<vmem>>, vector<1x16xf32>,
      %get3A_652 = vector.shape_cast %get3A_651 : vector<1x16xf32> to vector<16xf32>
      %mul3A_653 = vector.broadcast %squeeze3A_341 : f32 to vector<16xf32>
      %mul3A_654 = arith.mulf %mul3A_653, %get3A_652 : vector<16xf32>
      %add3A_655 = arith.addf %add3A_647, %mul3A_654 : vector<16xf32>
      %get3A_656 = arith.constant 10 : i32
      %get3A_657 = arith.index_cast %get3A_656 : i32 to index
      %get3A_658 = arith.index_cast %multiple_of3A_576 : i32 to index
      %get3A_659 = tpu.vector_load %arg6[%get3A_657, %get3A_658] {strides = array<i32>} : memref<16x2048xf32, #tpu.memory_space<vmem>>, vector<1x16xf32>,
      %get3A_660 = vector.shape_cast %get3A_659 : vector<1x16xf32> to vector<16xf32>
      %mul3A_661 = vector.broadcast %squeeze3A_343 : f32 to vector<16xf32>
      %mul3A_662 = arith.mulf %mul3A_661, %get3A_660 : vector<16xf32>
      %add3A_663 = arith.addf %add3A_655, %mul3A_662 : vector<16xf32>
      %get3A_664 = arith.constant 11 : i32
      %get3A_665 = arith.index_cast %get3A_664 : i32 to index
      %get3A_666 = arith.index_cast %multiple_of3A_576 : i32 to index
      %get3A_667 = tpu.vector_load %arg6[%get3A_665, %get3A_666] {strides = array<i32>} : memref<16x2048xf32, #tpu.memory_space<vmem>>, vector<1x16xf32>,
      %get3A_668 = vector.shape_cast %get3A_667 : vector<1x16xf32> to vector<16xf32>
      %mul3A_669 = vector.broadcast %squeeze3A_345 : f32 to vector<16xf32>
      %mul3A_670 = arith.mulf %mul3A_669, %get3A_668 : vector<16xf32>
      %add3A_671 = arith.addf %add3A_663, %mul3A_670 : vector<16xf32>
      %get3A_672 = arith.constant 12 : i32
      %get3A_673 = arith.index_cast %get3A_672 : i32 to index
      %get3A_674 = arith.index_cast %multiple_of3A_576 : i32 to index
      %get3A_675 = tpu.vector_load %arg6[%get3A_673, %get3A_674] {strides = array<i32>} : memref<16x2048xf32, #tpu.memory_space<vmem>>, vector<1x16xf32>,
      %get3A_676 = vector.shape_cast %get3A_675 : vector<1x16xf32> to vector<16xf32>
      %mul3A_677 = vector.broadcast %squeeze3A_347 : f32 to vector<16xf32>
      %mul3A_678 = arith.mulf %mul3A_677, %get3A_676 : vector<16xf32>
      %add3A_679 = arith.addf %add3A_671, %mul3A_678 : vector<16xf32>
      %get3A_680 = arith.constant 13 : i32
      %get3A_681 = arith.index_cast %get3A_680 : i32 to index
      %get3A_682 = arith.index_cast %multiple_of3A_576 : i32 to index
      %get3A_683 = tpu.vector_load %arg6[%get3A_681, %get3A_682] {strides = array<i32>} : memref<16x2048xf32, #tpu.memory_space<vmem>>, vector<1x16xf32>,
      %get3A_684 = vector.shape_cast %get3A_683 : vector<1x16xf32> to vector<16xf32>
      %mul3A_685 = vector.broadcast %squeeze3A_349 : f32 to vector<16xf32>
      %mul3A_686 = arith.mulf %mul3A_685, %get3A_684 : vector<16xf32>
      %add3A_687 = arith.addf %add3A_679, %mul3A_686 : vector<16xf32>
      %get3A_688 = arith.constant 14 : i32
      %get3A_689 = arith.index_cast %get3A_688 : i32 to index
      %get3A_690 = arith.index_cast %multiple_of3A_576 : i32 to index
      %get3A_691 = tpu.vector_load %arg6[%get3A_689, %get3A_690] {strides = array<i32>} : memref<16x2048xf32, #tpu.memory_space<vmem>>, vector<1x16xf32>,
      %get3A_692 = vector.shape_cast %get3A_691 : vector<1x16xf32> to vector<16xf32>
      %mul3A_693 = vector.broadcast %squeeze3A_351 : f32 to vector<16xf32>
      %mul3A_694 = arith.mulf %mul3A_693, %get3A_692 : vector<16xf32>
      %add3A_695 = arith.addf %add3A_687, %mul3A_694 : vector<16xf32>
      %get3A_696 = arith.constant 15 : i32
      %get3A_697 = arith.index_cast %get3A_696 : i32 to index
      %get3A_698 = arith.index_cast %multiple_of3A_576 : i32 to index
      %get3A_699 = tpu.vector_load %arg6[%get3A_697, %get3A_698] {strides = array<i32>} : memref<16x2048xf32, #tpu.memory_space<vmem>>, vector<1x16xf32>,
      %get3A_700 = vector.shape_cast %get3A_699 : vector<1x16xf32> to vector<16xf32>
      %mul3A_701 = vector.broadcast %squeeze3A_353 : f32 to vector<16xf32>
      %mul3A_702 = arith.mulf %mul3A_701, %get3A_700 : vector<16xf32>
      %add3A_703 = arith.addf %add3A_695, %mul3A_702 : vector<16xf32>
      %get3A_704 = arith.constant 0 : i32
      %get3A_705 = arith.index_cast %get3A_704 : i32 to index
      %get3A_706 = arith.index_cast %multiple_of3A_576 : i32 to index
      %get3A_707 = tpu.vector_load %arg9[%get3A_705, %get3A_706] {strides = array<i32>} : memref<2x2048xf32, #tpu.memory_space<vmem>>, vector<1x16xf32>,
      %get3A_708 = vector.shape_cast %get3A_707 : vector<1x16xf32> to vector<16xf32>
      %add3A_709 = arith.addf %add3A_703, %get3A_708 : vector<16xf32>
      %swap3A_710 = arith.constant 0 : i32
      %swap3A_711 = arith.index_cast %swap3A_710 : i32 to index
      %swap3A_712 = arith.index_cast %multiple_of3A_576 : i32 to index
      %swap3A_713 = tpu.vector_load %arg9[%swap3A_711, %swap3A_712] {strides = array<i32>} : memref<2x2048xf32, #tpu.memory_space<vmem>>, vector<1x16xf32>,
      %swap3A_714 = vector.shape_cast %swap3A_713 : vector<1x16xf32> to vector<16xf32>
      %swap3A_715 = vector.shape_cast %add3A_709 : vector<16xf32> to vector<1x16xf32>
      tpu.vector_store %arg9[%swap3A_711, %swap3A_712], %swap3A_715 {strides = array<i32>} : memref<2x2048xf32, #tpu.memory_space<vmem>>, vector<1x16xf32>,
      %scan3A_716 = arith.constant 2 : i32
      %scan3A_717 = arith.addi %scan3A_431, %scan3A_716 : i32
      %mul3A_718 = arith.constant 16 : i32
      %mul3A_719 = arith.muli %scan3A_717, %mul3A_718 : i32
      %multiple_of3A_720 = tpu.assume_multiple %mul3A_719, 16 : i32
      %get3A_721 = arith.constant 0 : i32
      %get3A_722 = arith.index_cast %get3A_721 : i32 to index
      %get3A_723 = arith.index_cast %multiple_of3A_720 : i32 to index
      %get3A_724 = tpu.vector_load %arg6[%get3A_722, %get3A_723] {strides = array<i32>} : memref<16x2048xf32, #tpu.memory_space<vmem>>, vector<1x16xf32>,
      %get3A_725 = vector.shape_cast %get3A_724 : vector<1x16xf32> to vector<16xf32>
      %mul3A_726 = vector.broadcast %squeeze3A_323 : f32 to vector<16xf32>
      %mul3A_727 = arith.mulf %mul3A_726, %get3A_725 : vector<16xf32>
      %get3A_728 = arith.constant 1 : i32
      %get3A_729 = arith.index_cast %get3A_728 : i32 to index
      %get3A_730 = arith.index_cast %multiple_of3A_720 : i32 to index
      %get3A_731 = tpu.vector_load %arg6[%get3A_729, %get3A_730] {strides = array<i32>} : memref<16x2048xf32, #tpu.memory_space<vmem>>, vector<1x16xf32>,
      %get3A_732 = vector.shape_cast %get3A_731 : vector<1x16xf32> to vector<16xf32>
      %mul3A_733 = vector.broadcast %squeeze3A_325 : f32 to vector<16xf32>
      %mul3A_734 = arith.mulf %mul3A_733, %get3A_732 : vector<16xf32>
      %add3A_735 = arith.addf %mul3A_727, %mul3A_734 : vector<16xf32>
      %get3A_736 = arith.constant 2 : i32
      %get3A_737 = arith.index_cast %get3A_736 : i32 to index
      %get3A_738 = arith.index_cast %multiple_of3A_720 : i32 to index
      %get3A_739 = tpu.vector_load %arg6[%get3A_737, %get3A_738] {strides = array<i32>} : memref<16x2048xf32, #tpu.memory_space<vmem>>, vector<1x16xf32>,
      %get3A_740 = vector.shape_cast %get3A_739 : vector<1x16xf32> to vector<16xf32>
      %mul3A_741 = vector.broadcast %squeeze3A_327 : f32 to vector<16xf32>
      %mul3A_742 = arith.mulf %mul3A_741, %get3A_740 : vector<16xf32>
      %add3A_743 = arith.addf %add3A_735, %mul3A_742 : vector<16xf32>
      %get3A_744 = arith.constant 3 : i32
      %get3A_745 = arith.index_cast %get3A_744 : i32 to index
      %get3A_746 = arith.index_cast %multiple_of3A_720 : i32 to index
      %get3A_747 = tpu.vector_load %arg6[%get3A_745, %get3A_746] {strides = array<i32>} : memref<16x2048xf32, #tpu.memory_space<vmem>>, vector<1x16xf32>,
      %get3A_748 = vector.shape_cast %get3A_747 : vector<1x16xf32> to vector<16xf32>
      %mul3A_749 = vector.broadcast %squeeze3A_329 : f32 to vector<16xf32>
      %mul3A_750 = arith.mulf %mul3A_749, %get3A_748 : vector<16xf32>
      %add3A_751 = arith.addf %add3A_743, %mul3A_750 : vector<16xf32>
      %get3A_752 = arith.constant 4 : i32
      %get3A_753 = arith.index_cast %get3A_752 : i32 to index
      %get3A_754 = arith.index_cast %multiple_of3A_720 : i32 to index
      %get3A_755 = tpu.vector_load %arg6[%get3A_753, %get3A_754] {strides = array<i32>} : memref<16x2048xf32, #tpu.memory_space<vmem>>, vector<1x16xf32>,
      %get3A_756 = vector.shape_cast %get3A_755 : vector<1x16xf32> to vector<16xf32>
      %mul3A_757 = vector.broadcast %squeeze3A_331 : f32 to vector<16xf32>
      %mul3A_758 = arith.mulf %mul3A_757, %get3A_756 : vector<16xf32>
      %add3A_759 = arith.addf %add3A_751, %mul3A_758 : vector<16xf32>
      %get3A_760 = arith.constant 5 : i32
      %get3A_761 = arith.index_cast %get3A_760 : i32 to index
      %get3A_762 = arith.index_cast %multiple_of3A_720 : i32 to index
      %get3A_763 = tpu.vector_load %arg6[%get3A_761, %get3A_762] {strides = array<i32>} : memref<16x2048xf32, #tpu.memory_space<vmem>>, vector<1x16xf32>,
      %get3A_764 = vector.shape_cast %get3A_763 : vector<1x16xf32> to vector<16xf32>
      %mul3A_765 = vector.broadcast %squeeze3A_333 : f32 to vector<16xf32>
      %mul3A_766 = arith.mulf %mul3A_765, %get3A_764 : vector<16xf32>
      %add3A_767 = arith.addf %add3A_759, %mul3A_766 : vector<16xf32>
      %get3A_768 = arith.constant 6 : i32
      %get3A_769 = arith.index_cast %get3A_768 : i32 to index
      %get3A_770 = arith.index_cast %multiple_of3A_720 : i32 to index
      %get3A_771 = tpu.vector_load %arg6[%get3A_769, %get3A_770] {strides = array<i32>} : memref<16x2048xf32, #tpu.memory_space<vmem>>, vector<1x16xf32>,
      %get3A_772 = vector.shape_cast %get3A_771 : vector<1x16xf32> to vector<16xf32>
      %mul3A_773 = vector.broadcast %squeeze3A_335 : f32 to vector<16xf32>
      %mul3A_774 = arith.mulf %mul3A_773, %get3A_772 : vector<16xf32>
      %add3A_775 = arith.addf %add3A_767, %mul3A_774 : vector<16xf32>
      %get3A_776 = arith.constant 7 : i32
      %get3A_777 = arith.index_cast %get3A_776 : i32 to index
      %get3A_778 = arith.index_cast %multiple_of3A_720 : i32 to index
      %get3A_779 = tpu.vector_load %arg6[%get3A_777, %get3A_778] {strides = array<i32>} : memref<16x2048xf32, #tpu.memory_space<vmem>>, vector<1x16xf32>,
      %get3A_780 = vector.shape_cast %get3A_779 : vector<1x16xf32> to vector<16xf32>
      %mul3A_781 = vector.broadcast %squeeze3A_337 : f32 to vector<16xf32>
      %mul3A_782 = arith.mulf %mul3A_781, %get3A_780 : vector<16xf32>
      %add3A_783 = arith.addf %add3A_775, %mul3A_782 : vector<16xf32>
      %get3A_784 = arith.constant 8 : i32
      %get3A_785 = arith.index_cast %get3A_784 : i32 to index
      %get3A_786 = arith.index_cast %multiple_of3A_720 : i32 to index
      %get3A_787 = tpu.vector_load %arg6[%get3A_785, %get3A_786] {strides = array<i32>} : memref<16x2048xf32, #tpu.memory_space<vmem>>, vector<1x16xf32>,
      %get3A_788 = vector.shape_cast %get3A_787 : vector<1x16xf32> to vector<16xf32>
      %mul3A_789 = vector.broadcast %squeeze3A_339 : f32 to vector<16xf32>
      %mul3A_790 = arith.mulf %mul3A_789, %get3A_788 : vector<16xf32>
      %add3A_791 = arith.addf %add3A_783, %mul3A_790 : vector<16xf32>
      %get3A_792 = arith.constant 9 : i32
      %get3A_793 = arith.index_cast %get3A_792 : i32 to index
      %get3A_794 = arith.index_cast %multiple_of3A_720 : i32 to index
      %get3A_795 = tpu.vector_load %arg6[%get3A_793, %get3A_794] {strides = array<i32>} : memref<16x2048xf32, #tpu.memory_space<vmem>>, vector<1x16xf32>,
      %get3A_796 = vector.shape_cast %get3A_795 : vector<1x16xf32> to vector<16xf32>
      %mul3A_797 = vector.broadcast %squeeze3A_341 : f32 to vector<16xf32>
      %mul3A_798 = arith.mulf %mul3A_797, %get3A_796 : vector<16xf32>
      %add3A_799 = arith.addf %add3A_791, %mul3A_798 : vector<16xf32>
      %get3A_800 = arith.constant 10 : i32
      %get3A_801 = arith.index_cast %get3A_800 : i32 to index
      %get3A_802 = arith.index_cast %multiple_of3A_720 : i32 to index
      %get3A_803 = tpu.vector_load %arg6[%get3A_801, %get3A_802] {strides = array<i32>} : memref<16x2048xf32, #tpu.memory_space<vmem>>, vector<1x16xf32>,
      %get3A_804 = vector.shape_cast %get3A_803 : vector<1x16xf32> to vector<16xf32>
      %mul3A_805 = vector.broadcast %squeeze3A_343 : f32 to vector<16xf32>
      %mul3A_806 = arith.mulf %mul3A_805, %get3A_804 : vector<16xf32>
      %add3A_807 = arith.addf %add3A_799, %mul3A_806 : vector<16xf32>
      %get3A_808 = arith.constant 11 : i32
      %get3A_809 = arith.index_cast %get3A_808 : i32 to index
      %get3A_810 = arith.index_cast %multiple_of3A_720 : i32 to index
      %get3A_811 = tpu.vector_load %arg6[%get3A_809, %get3A_810] {strides = array<i32>} : memref<16x2048xf32, #tpu.memory_space<vmem>>, vector<1x16xf32>,
      %get3A_812 = vector.shape_cast %get3A_811 : vector<1x16xf32> to vector<16xf32>
      %mul3A_813 = vector.broadcast %squeeze3A_345 : f32 to vector<16xf32>
      %mul3A_814 = arith.mulf %mul3A_813, %get3A_812 : vector<16xf32>
      %add3A_815 = arith.addf %add3A_807, %mul3A_814 : vector<16xf32>
      %get3A_816 = arith.constant 12 : i32
      %get3A_817 = arith.index_cast %get3A_816 : i32 to index
      %get3A_818 = arith.index_cast %multiple_of3A_720 : i32 to index
      %get3A_819 = tpu.vector_load %arg6[%get3A_817, %get3A_818] {strides = array<i32>} : memref<16x2048xf32, #tpu.memory_space<vmem>>, vector<1x16xf32>,
      %get3A_820 = vector.shape_cast %get3A_819 : vector<1x16xf32> to vector<16xf32>
      %mul3A_821 = vector.broadcast %squeeze3A_347 : f32 to vector<16xf32>
      %mul3A_822 = arith.mulf %mul3A_821, %get3A_820 : vector<16xf32>
      %add3A_823 = arith.addf %add3A_815, %mul3A_822 : vector<16xf32>
      %get3A_824 = arith.constant 13 : i32
      %get3A_825 = arith.index_cast %get3A_824 : i32 to index
      %get3A_826 = arith.index_cast %multiple_of3A_720 : i32 to index
      %get3A_827 = tpu.vector_load %arg6[%get3A_825, %get3A_826] {strides = array<i32>} : memref<16x2048xf32, #tpu.memory_space<vmem>>, vector<1x16xf32>,
      %get3A_828 = vector.shape_cast %get3A_827 : vector<1x16xf32> to vector<16xf32>
      %mul3A_829 = vector.broadcast %squeeze3A_349 : f32 to vector<16xf32>
      %mul3A_830 = arith.mulf %mul3A_829, %get3A_828 : vector<16xf32>
      %add3A_831 = arith.addf %add3A_823, %mul3A_830 : vector<16xf32>
      %get3A_832 = arith.constant 14 : i32
      %get3A_833 = arith.index_cast %get3A_832 : i32 to index
      %get3A_834 = arith.index_cast %multiple_of3A_720 : i32 to index
      %get3A_835 = tpu.vector_load %arg6[%get3A_833, %get3A_834] {strides = array<i32>} : memref<16x2048xf32, #tpu.memory_space<vmem>>, vector<1x16xf32>,
      %get3A_836 = vector.shape_cast %get3A_835 : vector<1x16xf32> to vector<16xf32>
      %mul3A_837 = vector.broadcast %squeeze3A_351 : f32 to vector<16xf32>
      %mul3A_838 = arith.mulf %mul3A_837, %get3A_836 : vector<16xf32>
      %add3A_839 = arith.addf %add3A_831, %mul3A_838 : vector<16xf32>
      %get3A_840 = arith.constant 15 : i32
      %get3A_841 = arith.index_cast %get3A_840 : i32 to index
      %get3A_842 = arith.index_cast %multiple_of3A_720 : i32 to index
      %get3A_843 = tpu.vector_load %arg6[%get3A_841, %get3A_842] {strides = array<i32>} : memref<16x2048xf32, #tpu.memory_space<vmem>>, vector<1x16xf32>,
      %get3A_844 = vector.shape_cast %get3A_843 : vector<1x16xf32> to vector<16xf32>
      %mul3A_845 = vector.broadcast %squeeze3A_353 : f32 to vector<16xf32>
      %mul3A_846 = arith.mulf %mul3A_845, %get3A_844 : vector<16xf32>
      %add3A_847 = arith.addf %add3A_839, %mul3A_846 : vector<16xf32>
      %get3A_848 = arith.constant 0 : i32
      %get3A_849 = arith.index_cast %get3A_848 : i32 to index
      %get3A_850 = arith.index_cast %multiple_of3A_720 : i32 to index
      %get3A_851 = tpu.vector_load %arg9[%get3A_849, %get3A_850] {strides = array<i32>} : memref<2x2048xf32, #tpu.memory_space<vmem>>, vector<1x16xf32>,
      %get3A_852 = vector.shape_cast %get3A_851 : vector<1x16xf32> to vector<16xf32>
      %add3A_853 = arith.addf %add3A_847, %get3A_852 : vector<16xf32>
      %swap3A_854 = arith.constant 0 : i32
      %swap3A_855 = arith.index_cast %swap3A_854 : i32 to index
      %swap3A_856 = arith.index_cast %multiple_of3A_720 : i32 to index
      %swap3A_857 = tpu.vector_load %arg9[%swap3A_855, %swap3A_856] {strides = array<i32>} : memref<2x2048xf32, #tpu.memory_space<vmem>>, vector<1x16xf32>,
      %swap3A_858 = vector.shape_cast %swap3A_857 : vector<1x16xf32> to vector<16xf32>
      %swap3A_859 = vector.shape_cast %add3A_853 : vector<16xf32> to vector<1x16xf32>
      tpu.vector_store %arg9[%swap3A_855, %swap3A_856], %swap3A_859 {strides = array<i32>} : memref<2x2048xf32, #tpu.memory_space<vmem>>, vector<1x16xf32>,
      %scan3A_860 = arith.constant 3 : i32
      %scan3A_861 = arith.addi %scan3A_431, %scan3A_860 : i32
      %mul3A_862 = arith.constant 16 : i32
      %mul3A_863 = arith.muli %scan3A_861, %mul3A_862 : i32
      %multiple_of3A_864 = tpu.assume_multiple %mul3A_863, 16 : i32
      %get3A_865 = arith.constant 0 : i32
      %get3A_866 = arith.index_cast %get3A_865 : i32 to index
      %get3A_867 = arith.index_cast %multiple_of3A_864 : i32 to index
      %get3A_868 = tpu.vector_load %arg6[%get3A_866, %get3A_867] {strides = array<i32>} : memref<16x2048xf32, #tpu.memory_space<vmem>>, vector<1x16xf32>,
      %get3A_869 = vector.shape_cast %get3A_868 : vector<1x16xf32> to vector<16xf32>
      %mul3A_870 = vector.broadcast %squeeze3A_323 : f32 to vector<16xf32>
      %mul3A_871 = arith.mulf %mul3A_870, %get3A_869 : vector<16xf32>
      %get3A_872 = arith.constant 1 : i32
      %get3A_873 = arith.index_cast %get3A_872 : i32 to index
      %get3A_874 = arith.index_cast %multiple_of3A_864 : i32 to index
      %get3A_875 = tpu.vector_load %arg6[%get3A_873, %get3A_874] {strides = array<i32>} : memref<16x2048xf32, #tpu.memory_space<vmem>>, vector<1x16xf32>,
      %get3A_876 = vector.shape_cast %get3A_875 : vector<1x16xf32> to vector<16xf32>
      %mul3A_877 = vector.broadcast %squeeze3A_325 : f32 to vector<16xf32>
      %mul3A_878 = arith.mulf %mul3A_877, %get3A_876 : vector<16xf32>
      %add3A_879 = arith.addf %mul3A_871, %mul3A_878 : vector<16xf32>
      %get3A_880 = arith.constant 2 : i32
      %get3A_881 = arith.index_cast %get3A_880 : i32 to index
      %get3A_882 = arith.index_cast %multiple_of3A_864 : i32 to index
      %get3A_883 = tpu.vector_load %arg6[%get3A_881, %get3A_882] {strides = array<i32>} : memref<16x2048xf32, #tpu.memory_space<vmem>>, vector<1x16xf32>,
      %get3A_884 = vector.shape_cast %get3A_883 : vector<1x16xf32> to vector<16xf32>
      %mul3A_885 = vector.broadcast %squeeze3A_327 : f32 to vector<16xf32>
      %mul3A_886 = arith.mulf %mul3A_885, %get3A_884 : vector<16xf32>
      %add3A_887 = arith.addf %add3A_879, %mul3A_886 : vector<16xf32>
      %get3A_888 = arith.constant 3 : i32
      %get3A_889 = arith.index_cast %get3A_888 : i32 to index
      %get3A_890 = arith.index_cast %multiple_of3A_864 : i32 to index
      %get3A_891 = tpu.vector_load %arg6[%get3A_889, %get3A_890] {strides = array<i32>} : memref<16x2048xf32, #tpu.memory_space<vmem>>, vector<1x16xf32>,
      %get3A_892 = vector.shape_cast %get3A_891 : vector<1x16xf32> to vector<16xf32>
      %mul3A_893 = vector.broadcast %squeeze3A_329 : f32 to vector<16xf32>
      %mul3A_894 = arith.mulf %mul3A_893, %get3A_892 : vector<16xf32>
      %add3A_895 = arith.addf %add3A_887, %mul3A_894 : vector<16xf32>
      %get3A_896 = arith.constant 4 : i32
      %get3A_897 = arith.index_cast %get3A_896 : i32 to index
      %get3A_898 = arith.index_cast %multiple_of3A_864 : i32 to index
      %get3A_899 = tpu.vector_load %arg6[%get3A_897, %get3A_898] {strides = array<i32>} : memref<16x2048xf32, #tpu.memory_space<vmem>>, vector<1x16xf32>,
      %get3A_900 = vector.shape_cast %get3A_899 : vector<1x16xf32> to vector<16xf32>
      %mul3A_901 = vector.broadcast %squeeze3A_331 : f32 to vector<16xf32>
      %mul3A_902 = arith.mulf %mul3A_901, %get3A_900 : vector<16xf32>
      %add3A_903 = arith.addf %add3A_895, %mul3A_902 : vector<16xf32>
      %get3A_904 = arith.constant 5 : i32
      %get3A_905 = arith.index_cast %get3A_904 : i32 to index
      %get3A_906 = arith.index_cast %multiple_of3A_864 : i32 to index
      %get3A_907 = tpu.vector_load %arg6[%get3A_905, %get3A_906] {strides = array<i32>} : memref<16x2048xf32, #tpu.memory_space<vmem>>, vector<1x16xf32>,
      %get3A_908 = vector.shape_cast %get3A_907 : vector<1x16xf32> to vector<16xf32>
      %mul3A_909 = vector.broadcast %squeeze3A_333 : f32 to vector<16xf32>
      %mul3A_910 = arith.mulf %mul3A_909, %get3A_908 : vector<16xf32>
      %add3A_911 = arith.addf %add3A_903, %mul3A_910 : vector<16xf32>
      %get3A_912 = arith.constant 6 : i32
      %get3A_913 = arith.index_cast %get3A_912 : i32 to index
      %get3A_914 = arith.index_cast %multiple_of3A_864 : i32 to index
      %get3A_915 = tpu.vector_load %arg6[%get3A_913, %get3A_914] {strides = array<i32>} : memref<16x2048xf32, #tpu.memory_space<vmem>>, vector<1x16xf32>,
      %get3A_916 = vector.shape_cast %get3A_915 : vector<1x16xf32> to vector<16xf32>
      %mul3A_917 = vector.broadcast %squeeze3A_335 : f32 to vector<16xf32>
      %mul3A_918 = arith.mulf %mul3A_917, %get3A_916 : vector<16xf32>
      %add3A_919 = arith.addf %add3A_911, %mul3A_918 : vector<16xf32>
      %get3A_920 = arith.constant 7 : i32
      %get3A_921 = arith.index_cast %get3A_920 : i32 to index
      %get3A_922 = arith.index_cast %multiple_of3A_864 : i32 to index
      %get3A_923 = tpu.vector_load %arg6[%get3A_921, %get3A_922] {strides = array<i32>} : memref<16x2048xf32, #tpu.memory_space<vmem>>, vector<1x16xf32>,
      %get3A_924 = vector.shape_cast %get3A_923 : vector<1x16xf32> to vector<16xf32>
      %mul3A_925 = vector.broadcast %squeeze3A_337 : f32 to vector<16xf32>
      %mul3A_926 = arith.mulf %mul3A_925, %get3A_924 : vector<16xf32>
      %add3A_927 = arith.addf %add3A_919, %mul3A_926 : vector<16xf32>
      %get3A_928 = arith.constant 8 : i32
      %get3A_929 = arith.index_cast %get3A_928 : i32 to index
      %get3A_930 = arith.index_cast %multiple_of3A_864 : i32 to index
      %get3A_931 = tpu.vector_load %arg6[%get3A_929, %get3A_930] {strides = array<i32>} : memref<16x2048xf32, #tpu.memory_space<vmem>>, vector<1x16xf32>,
      %get3A_932 = vector.shape_cast %get3A_931 : vector<1x16xf32> to vector<16xf32>
      %mul3A_933 = vector.broadcast %squeeze3A_339 : f32 to vector<16xf32>
      %mul3A_934 = arith.mulf %mul3A_933, %get3A_932 : vector<16xf32>
      %add3A_935 = arith.addf %add3A_927, %mul3A_934 : vector<16xf32>
      %get3A_936 = arith.constant 9 : i32
      %get3A_937 = arith.index_cast %get3A_936 : i32 to index
      %get3A_938 = arith.index_cast %multiple_of3A_864 : i32 to index
      %get3A_939 = tpu.vector_load %arg6[%get3A_937, %get3A_938] {strides = array<i32>} : memref<16x2048xf32, #tpu.memory_space<vmem>>, vector<1x16xf32>,
      %get3A_940 = vector.shape_cast %get3A_939 : vector<1x16xf32> to vector<16xf32>
      %mul3A_941 = vector.broadcast %squeeze3A_341 : f32 to vector<16xf32>
      %mul3A_942 = arith.mulf %mul3A_941, %get3A_940 : vector<16xf32>
      %add3A_943 = arith.addf %add3A_935, %mul3A_942 : vector<16xf32>
      %get3A_944 = arith.constant 10 : i32
      %get3A_945 = arith.index_cast %get3A_944 : i32 to index
      %get3A_946 = arith.index_cast %multiple_of3A_864 : i32 to index
      %get3A_947 = tpu.vector_load %arg6[%get3A_945, %get3A_946] {strides = array<i32>} : memref<16x2048xf32, #tpu.memory_space<vmem>>, vector<1x16xf32>,
      %get3A_948 = vector.shape_cast %get3A_947 : vector<1x16xf32> to vector<16xf32>
      %mul3A_949 = vector.broadcast %squeeze3A_343 : f32 to vector<16xf32>
      %mul3A_950 = arith.mulf %mul3A_949, %get3A_948 : vector<16xf32>
      %add3A_951 = arith.addf %add3A_943, %mul3A_950 : vector<16xf32>
      %get3A_952 = arith.constant 11 : i32
      %get3A_953 = arith.index_cast %get3A_952 : i32 to index
      %get3A_954 = arith.index_cast %multiple_of3A_864 : i32 to index
      %get3A_955 = tpu.vector_load %arg6[%get3A_953, %get3A_954] {strides = array<i32>} : memref<16x2048xf32, #tpu.memory_space<vmem>>, vector<1x16xf32>,
      %get3A_956 = vector.shape_cast %get3A_955 : vector<1x16xf32> to vector<16xf32>
      %mul3A_957 = vector.broadcast %squeeze3A_345 : f32 to vector<16xf32>
      %mul3A_958 = arith.mulf %mul3A_957, %get3A_956 : vector<16xf32>
      %add3A_959 = arith.addf %add3A_951, %mul3A_958 : vector<16xf32>
      %get3A_960 = arith.constant 12 : i32
      %get3A_961 = arith.index_cast %get3A_960 : i32 to index
      %get3A_962 = arith.index_cast %multiple_of3A_864 : i32 to index
      %get3A_963 = tpu.vector_load %arg6[%get3A_961, %get3A_962] {strides = array<i32>} : memref<16x2048xf32, #tpu.memory_space<vmem>>, vector<1x16xf32>,
      %get3A_964 = vector.shape_cast %get3A_963 : vector<1x16xf32> to vector<16xf32>
      %mul3A_965 = vector.broadcast %squeeze3A_347 : f32 to vector<16xf32>
      %mul3A_966 = arith.mulf %mul3A_965, %get3A_964 : vector<16xf32>
      %add3A_967 = arith.addf %add3A_959, %mul3A_966 : vector<16xf32>
      %get3A_968 = arith.constant 13 : i32
      %get3A_969 = arith.index_cast %get3A_968 : i32 to index
      %get3A_970 = arith.index_cast %multiple_of3A_864 : i32 to index
      %get3A_971 = tpu.vector_load %arg6[%get3A_969, %get3A_970] {strides = array<i32>} : memref<16x2048xf32, #tpu.memory_space<vmem>>, vector<1x16xf32>,
      %get3A_972 = vector.shape_cast %get3A_971 : vector<1x16xf32> to vector<16xf32>
      %mul3A_973 = vector.broadcast %squeeze3A_349 : f32 to vector<16xf32>
      %mul3A_974 = arith.mulf %mul3A_973, %get3A_972 : vector<16xf32>
      %add3A_975 = arith.addf %add3A_967, %mul3A_974 : vector<16xf32>
      %get3A_976 = arith.constant 14 : i32
      %get3A_977 = arith.index_cast %get3A_976 : i32 to index
      %get3A_978 = arith.index_cast %multiple_of3A_864 : i32 to index
      %get3A_979 = tpu.vector_load %arg6[%get3A_977, %get3A_978] {strides = array<i32>} : memref<16x2048xf32, #tpu.memory_space<vmem>>, vector<1x16xf32>,
      %get3A_980 = vector.shape_cast %get3A_979 : vector<1x16xf32> to vector<16xf32>
      %mul3A_981 = vector.broadcast %squeeze3A_351 : f32 to vector<16xf32>
      %mul3A_982 = arith.mulf %mul3A_981, %get3A_980 : vector<16xf32>
      %add3A_983 = arith.addf %add3A_975, %mul3A_982 : vector<16xf32>
      %get3A_984 = arith.constant 15 : i32
      %get3A_985 = arith.index_cast %get3A_984 : i32 to index
      %get3A_986 = arith.index_cast %multiple_of3A_864 : i32 to index
      %get3A_987 = tpu.vector_load %arg6[%get3A_985, %get3A_986] {strides = array<i32>} : memref<16x2048xf32, #tpu.memory_space<vmem>>, vector<1x16xf32>,
      %get3A_988 = vector.shape_cast %get3A_987 : vector<1x16xf32> to vector<16xf32>
      %mul3A_989 = vector.broadcast %squeeze3A_353 : f32 to vector<16xf32>
      %mul3A_990 = arith.mulf %mul3A_989, %get3A_988 : vector<16xf32>
      %add3A_991 = arith.addf %add3A_983, %mul3A_990 : vector<16xf32>
      %get3A_992 = arith.constant 0 : i32
      %get3A_993 = arith.index_cast %get3A_992 : i32 to index
      %get3A_994 = arith.index_cast %multiple_of3A_864 : i32 to index
      %get3A_995 = tpu.vector_load %arg9[%get3A_993, %get3A_994] {strides = array<i32>} : memref<2x2048xf32, #tpu.memory_space<vmem>>, vector<1x16xf32>,
      %get3A_996 = vector.shape_cast %get3A_995 : vector<1x16xf32> to vector<16xf32>
      %add3A_997 = arith.addf %add3A_991, %get3A_996 : vector<16xf32>
      %swap3A_998 = arith.constant 0 : i32
      %swap3A_999 = arith.index_cast %swap3A_998 : i32 to index
      %swap3A_1000 = arith.index_cast %multiple_of3A_864 : i32 to index
      %swap3A_1001 = tpu.vector_load %arg9[%swap3A_999, %swap3A_1000] {strides = array<i32>} : memref<2x2048xf32, #tpu.memory_space<vmem>>, vector<1x16xf32>,
      %swap3A_1002 = vector.shape_cast %swap3A_1001 : vector<1x16xf32> to vector<16xf32>
      %swap3A_1003 = vector.shape_cast %add3A_997 : vector<16xf32> to vector<1x16xf32>
      tpu.vector_store %arg9[%swap3A_999, %swap3A_1000], %swap3A_1003 {strides = array<i32>} : memref<2x2048xf32, #tpu.memory_space<vmem>>, vector<1x16xf32>,
    }
    %scan3A_359 = arith.constant 128 : i32
    %scan3A_360 = arith.constant 0 : i32
    %scan3A_361 = arith.constant 128 : i32
    %scan3A_362 = arith.addi %scan3A_360, %scan3A_361 : i32
    %scan3A_363 = arith.constant 8 : i32
    %scan3A_364 = scf.for %scan3A_431 = %scan3A_360 to %scan3A_362 step %scan3A_363 iter_args(%scan3A_432 = %broadcast_in_dim3A_8) -> (vector<16xf32>)  : i32 {
      %mul3A_433 = arith.constant 16 : i32
      %mul3A_434 = arith.muli %scan3A_431, %mul3A_433 : i32
      %multiple_of3A = tpu.assume_multiple %mul3A_434, 16 : i32
      %get3A_435 = arith.constant 0 : i32
      %get3A_436 = arith.index_cast %get3A_435 : i32 to index
      %get3A_437 = arith.index_cast %multiple_of3A : i32 to index
      %get3A_438 = tpu.vector_load %arg9[%get3A_436, %get3A_437] {strides = array<i32>} : memref<2x2048xf32, #tpu.memory_space<vmem>>, vector<1x16xf32>,
      %get3A_439 = vector.shape_cast %get3A_438 : vector<1x16xf32> to vector<16xf32>
      %mul3A_440 = arith.mulf %get3A_439, %get3A_439 : vector<16xf32>
      %add3A_441 = arith.addf %scan3A_432, %mul3A_440 : vector<16xf32>
      %scan3A_442 = arith.constant 1 : i32
      %scan3A_443 = arith.addi %scan3A_431, %scan3A_442 : i32
      %mul3A_444 = arith.constant 16 : i32
      %mul3A_445 = arith.muli %scan3A_443, %mul3A_444 : i32
      %multiple_of3A_446 = tpu.assume_multiple %mul3A_445, 16 : i32
      %get3A_447 = arith.constant 0 : i32
      %get3A_448 = arith.index_cast %get3A_447 : i32 to index
      %get3A_449 = arith.index_cast %multiple_of3A_446 : i32 to index
      %get3A_450 = tpu.vector_load %arg9[%get3A_448, %get3A_449] {strides = array<i32>} : memref<2x2048xf32, #tpu.memory_space<vmem>>, vector<1x16xf32>,
      %get3A_451 = vector.shape_cast %get3A_450 : vector<1x16xf32> to vector<16xf32>
      %mul3A_452 = arith.mulf %get3A_451, %get3A_451 : vector<16xf32>
      %add3A_453 = arith.addf %add3A_441, %mul3A_452 : vector<16xf32>
      %scan3A_454 = arith.constant 2 : i32
      %scan3A_455 = arith.addi %scan3A_431, %scan3A_454 : i32
      %mul3A_456 = arith.constant 16 : i32
      %mul3A_457 = arith.muli %scan3A_455, %mul3A_456 : i32
      %multiple_of3A_458 = tpu.assume_multiple %mul3A_457, 16 : i32
      %get3A_459 = arith.constant 0 : i32
      %get3A_460 = arith.index_cast %get3A_459 : i32 to index
      %get3A_461 = arith.index_cast %multiple_of3A_458 : i32 to index
      %get3A_462 = tpu.vector_load %arg9[%get3A_460, %get3A_461] {strides = array<i32>} : memref<2x2048xf32, #tpu.memory_space<vmem>>, vector<1x16xf32>,
      %get3A_463 = vector.shape_cast %get3A_462 : vector<1x16xf32> to vector<16xf32>
      %mul3A_464 = arith.mulf %get3A_463, %get3A_463 : vector<16xf32>
      %add3A_465 = arith.addf %add3A_453, %mul3A_464 : vector<16xf32>
      %scan3A_466 = arith.constant 3 : i32
      %scan3A_467 = arith.addi %scan3A_431, %scan3A_466 : i32
      %mul3A_468 = arith.constant 16 : i32
      %mul3A_469 = arith.muli %scan3A_467, %mul3A_468 : i32
      %multiple_of3A_470 = tpu.assume_multiple %mul3A_469, 16 : i32
      %get3A_471 = arith.constant 0 : i32
      %get3A_472 = arith.index_cast %get3A_471 : i32 to index
      %get3A_473 = arith.index_cast %multiple_of3A_470 : i32 to index
      %get3A_474 = tpu.vector_load %arg9[%get3A_472, %get3A_473] {strides = array<i32>} : memref<2x2048xf32, #tpu.memory_space<vmem>>, vector<1x16xf32>,
      %get3A_475 = vector.shape_cast %get3A_474 : vector<1x16xf32> to vector<16xf32>
      %mul3A_476 = arith.mulf %get3A_475, %get3A_475 : vector<16xf32>
      %add3A_477 = arith.addf %add3A_465, %mul3A_476 : vector<16xf32>
      %scan3A_478 = arith.constant 4 : i32
      %scan3A_479 = arith.addi %scan3A_431, %scan3A_478 : i32
      %mul3A_480 = arith.constant 16 : i32
      %mul3A_481 = arith.muli %scan3A_479, %mul3A_480 : i32
      %multiple_of3A_482 = tpu.assume_multiple %mul3A_481, 16 : i32
      %get3A_483 = arith.constant 0 : i32
      %get3A_484 = arith.index_cast %get3A_483 : i32 to index
      %get3A_485 = arith.index_cast %multiple_of3A_482 : i32 to index
      %get3A_486 = tpu.vector_load %arg9[%get3A_484, %get3A_485] {strides = array<i32>} : memref<2x2048xf32, #tpu.memory_space<vmem>>, vector<1x16xf32>,
      %get3A_487 = vector.shape_cast %get3A_486 : vector<1x16xf32> to vector<16xf32>
      %mul3A_488 = arith.mulf %get3A_487, %get3A_487 : vector<16xf32>
      %add3A_489 = arith.addf %add3A_477, %mul3A_488 : vector<16xf32>
      %scan3A_490 = arith.constant 5 : i32
      %scan3A_491 = arith.addi %scan3A_431, %scan3A_490 : i32
      %mul3A_492 = arith.constant 16 : i32
      %mul3A_493 = arith.muli %scan3A_491, %mul3A_492 : i32
      %multiple_of3A_494 = tpu.assume_multiple %mul3A_493, 16 : i32
      %get3A_495 = arith.constant 0 : i32
      %get3A_496 = arith.index_cast %get3A_495 : i32 to index
      %get3A_497 = arith.index_cast %multiple_of3A_494 : i32 to index
      %get3A_498 = tpu.vector_load %arg9[%get3A_496, %get3A_497] {strides = array<i32>} : memref<2x2048xf32, #tpu.memory_space<vmem>>, vector<1x16xf32>,
      %get3A_499 = vector.shape_cast %get3A_498 : vector<1x16xf32> to vector<16xf32>
      %mul3A_500 = arith.mulf %get3A_499, %get3A_499 : vector<16xf32>
      %add3A_501 = arith.addf %add3A_489, %mul3A_500 : vector<16xf32>
      %scan3A_502 = arith.constant 6 : i32
      %scan3A_503 = arith.addi %scan3A_431, %scan3A_502 : i32
      %mul3A_504 = arith.constant 16 : i32
      %mul3A_505 = arith.muli %scan3A_503, %mul3A_504 : i32
      %multiple_of3A_506 = tpu.assume_multiple %mul3A_505, 16 : i32
      %get3A_507 = arith.constant 0 : i32
      %get3A_508 = arith.index_cast %get3A_507 : i32 to index
      %get3A_509 = arith.index_cast %multiple_of3A_506 : i32 to index
      %get3A_510 = tpu.vector_load %arg9[%get3A_508, %get3A_509] {strides = array<i32>} : memref<2x2048xf32, #tpu.memory_space<vmem>>, vector<1x16xf32>,
      %get3A_511 = vector.shape_cast %get3A_510 : vector<1x16xf32> to vector<16xf32>
      %mul3A_512 = arith.mulf %get3A_511, %get3A_511 : vector<16xf32>
      %add3A_513 = arith.addf %add3A_501, %mul3A_512 : vector<16xf32>
      %scan3A_514 = arith.constant 7 : i32
      %scan3A_515 = arith.addi %scan3A_431, %scan3A_514 : i32
      %mul3A_516 = arith.constant 16 : i32
      %mul3A_517 = arith.muli %scan3A_515, %mul3A_516 : i32
      %multiple_of3A_518 = tpu.assume_multiple %mul3A_517, 16 : i32
      %get3A_519 = arith.constant 0 : i32
      %get3A_520 = arith.index_cast %get3A_519 : i32 to index
      %get3A_521 = arith.index_cast %multiple_of3A_518 : i32 to index
      %get3A_522 = tpu.vector_load %arg9[%get3A_520, %get3A_521] {strides = array<i32>} : memref<2x2048xf32, #tpu.memory_space<vmem>>, vector<1x16xf32>,
      %get3A_523 = vector.shape_cast %get3A_522 : vector<1x16xf32> to vector<16xf32>
      %mul3A_524 = arith.mulf %get3A_523, %get3A_523 : vector<16xf32>
      %add3A_525 = arith.addf %add3A_513, %mul3A_524 : vector<16xf32>
      scf.yield %add3A_525 : vector<16xf32>
    }
    %scan3A_365 = arith.constant 128 : i32
    %xor3A = arith.constant 1 : i32
    %xor3A_366 = vector.broadcast %xor3A : i32 to vector<16xi32>
    %xor3A_367 = arith.xori %iota3A, %xor3A_366 : vector<16xi32>
    %broadcast_in_dim3A_368 = vector.shape_cast %xor3A_367 : vector<16xi32> to vector<16x1xi32>
    %gather3A = vector.shape_cast %broadcast_in_dim3A_368 : vector<16x1xi32> to vector<16xi32>
    %gather3A_369 = tpu.dynamic_gather %scan3A_364[%gather3A] in [0] : vector<16xf32>, vector<16xi32> -> vector<16xf32>
    %add3A_370 = arith.addf %scan3A_364, %gather3A_369 : vector<16xf32>
    %xor3A_371 = arith.constant 2 : i32
    %xor3A_372 = vector.broadcast %xor3A_371 : i32 to vector<16xi32>
    %xor3A_373 = arith.xori %iota3A, %xor3A_372 : vector<16xi32>
    %broadcast_in_dim3A_374 = vector.shape_cast %xor3A_373 : vector<16xi32> to vector<16x1xi32>
    %gather3A_375 = vector.shape_cast %broadcast_in_dim3A_374 : vector<16x1xi32> to vector<16xi32>
    %gather3A_376 = tpu.dynamic_gather %add3A_370[%gather3A_375] in [0] : vector<16xf32>, vector<16xi32> -> vector<16xf32>
    %add3A_377 = arith.addf %add3A_370, %gather3A_376 : vector<16xf32>
    %xor3A_378 = arith.constant 4 : i32
    %xor3A_379 = vector.broadcast %xor3A_378 : i32 to vector<16xi32>
    %xor3A_380 = arith.xori %iota3A, %xor3A_379 : vector<16xi32>
    %broadcast_in_dim3A_381 = vector.shape_cast %xor3A_380 : vector<16xi32> to vector<16x1xi32>
    %gather3A_382 = vector.shape_cast %broadcast_in_dim3A_381 : vector<16x1xi32> to vector<16xi32>
    %gather3A_383 = tpu.dynamic_gather %add3A_377[%gather3A_382] in [0] : vector<16xf32>, vector<16xi32> -> vector<16xf32>
    %add3A_384 = arith.addf %add3A_377, %gather3A_383 : vector<16xf32>
    %xor3A_385 = arith.constant 8 : i32
    %xor3A_386 = vector.broadcast %xor3A_385 : i32 to vector<16xi32>
    %xor3A_387 = arith.xori %iota3A, %xor3A_386 : vector<16xi32>
    %broadcast_in_dim3A_388 = vector.shape_cast %xor3A_387 : vector<16xi32> to vector<16x1xi32>
    %gather3A_389 = vector.shape_cast %broadcast_in_dim3A_388 : vector<16x1xi32> to vector<16xi32>
    %gather3A_390 = tpu.dynamic_gather %add3A_384[%gather3A_389] in [0] : vector<16xf32>, vector<16xi32> -> vector<16xf32>
    %add3A_391 = arith.addf %add3A_384, %gather3A_390 : vector<16xf32>
    %bitcast_convert_type3A = tpu.bitcast %add3A_391 : vector<16xf32> -> vector<16xi32>
    %shift_right_arithmetic3A = arith.constant 1 : i32
    %shift_right_arithmetic3A_392 = vector.broadcast %shift_right_arithmetic3A : i32 to vector<16xi32>
    %shift_right_arithmetic3A_393 = arith.shrsi %bitcast_convert_type3A, %shift_right_arithmetic3A_392 : vector<16xi32>
    %sub3A_394 = arith.constant 1597463007 : i32
    %sub3A_395 = vector.broadcast %sub3A_394 : i32 to vector<16xi32>
    %sub3A_396 = arith.subi %sub3A_395, %shift_right_arithmetic3A_393 : vector<16xi32>
    %bitcast_convert_type3A_397 = tpu.bitcast %sub3A_396 : vector<16xi32> -> vector<16xf32>
    %mul3A_398 = arith.constant 5.000000e-01 : f32
    %mul3A_399 = vector.broadcast %mul3A_398 : f32 to vector<16xf32>
    %mul3A_400 = arith.mulf %add3A_391, %mul3A_399 : vector<16xf32>
    %mul3A_401 = arith.mulf %mul3A_400, %bitcast_convert_type3A_397 : vector<16xf32>
    %mul3A_402 = arith.mulf %mul3A_401, %bitcast_convert_type3A_397 : vector<16xf32>
    %sub3A_403 = arith.constant 1.500000e+00 : f32
    %sub3A_404 = vector.broadcast %sub3A_403 : f32 to vector<16xf32>
    %sub3A_405 = arith.subf %sub3A_404, %mul3A_402 : vector<16xf32>
    %mul3A_406 = arith.mulf %bitcast_convert_type3A_397, %sub3A_405 : vector<16xf32>
    %mul3A_407 = arith.mulf %mul3A_400, %mul3A_406 : vector<16xf32>
    %mul3A_408 = arith.mulf %mul3A_407, %mul3A_406 : vector<16xf32>
    %sub3A_409 = arith.constant 1.500000e+00 : f32
    %sub3A_410 = vector.broadcast %sub3A_409 : f32 to vector<16xf32>
    %sub3A_411 = arith.subf %sub3A_410, %mul3A_408 : vector<16xf32>
    %mul3A_412 = arith.mulf %mul3A_406, %sub3A_411 : vector<16xf32>
    %mul3A_413 = arith.mulf %mul3A_400, %mul3A_412 : vector<16xf32>
    %mul3A_414 = arith.mulf %mul3A_413, %mul3A_412 : vector<16xf32>
    %sub3A_415 = arith.constant 1.500000e+00 : f32
    %sub3A_416 = vector.broadcast %sub3A_415 : f32 to vector<16xf32>
    %sub3A_417 = arith.subf %sub3A_416, %mul3A_414 : vector<16xf32>
    %mul3A_418 = arith.mulf %mul3A_412, %sub3A_417 : vector<16xf32>
    %scan3A_419 = arith.constant 0 : i32
    %scan3A_420 = arith.constant 0 : i32
    %scan3A_421 = arith.constant 128 : i32
    %scan3A_422 = arith.addi %scan3A_420, %scan3A_421 : i32
    %scan3A_423 = arith.constant 8 : i32
    scf.for %scan3A_431 = %scan3A_420 to %scan3A_422 step %scan3A_423  : i32 {
      %mul3A_432 = arith.constant 16 : i32
      %mul3A_433 = arith.muli %scan3A_431, %mul3A_432 : i32
      %multiple_of3A = tpu.assume_multiple %mul3A_433, 16 : i32
      %get3A_434 = arith.constant 0 : i32
      %get3A_435 = arith.index_cast %get3A_434 : i32 to index
      %get3A_436 = arith.index_cast %multiple_of3A : i32 to index
      %get3A_437 = tpu.vector_load %arg9[%get3A_435, %get3A_436] {strides = array<i32>} : memref<2x2048xf32, #tpu.memory_space<vmem>>, vector<1x16xf32>,
      %get3A_438 = vector.shape_cast %get3A_437 : vector<1x16xf32> to vector<16xf32>
      %mul3A_439 = arith.mulf %get3A_438, %mul3A_418 : vector<16xf32>
      %swap3A = arith.constant 0 : i32
      %swap3A_440 = arith.index_cast %swap3A : i32 to index
      %swap3A_441 = arith.index_cast %multiple_of3A : i32 to index
      %swap3A_442 = tpu.vector_load %arg9[%swap3A_440, %swap3A_441] {strides = array<i32>} : memref<2x2048xf32, #tpu.memory_space<vmem>>, vector<1x16xf32>,
      %swap3A_443 = vector.shape_cast %swap3A_442 : vector<1x16xf32> to vector<16xf32>
      %swap3A_444 = vector.shape_cast %mul3A_439 : vector<16xf32> to vector<1x16xf32>
      tpu.vector_store %arg9[%swap3A_440, %swap3A_441], %swap3A_444 {strides = array<i32>} : memref<2x2048xf32, #tpu.memory_space<vmem>>, vector<1x16xf32>,
      %scan3A_445 = arith.constant 1 : i32
      %scan3A_446 = arith.addi %scan3A_431, %scan3A_445 : i32
      %mul3A_447 = arith.constant 16 : i32
      %mul3A_448 = arith.muli %scan3A_446, %mul3A_447 : i32
      %multiple_of3A_449 = tpu.assume_multiple %mul3A_448, 16 : i32
      %get3A_450 = arith.constant 0 : i32
      %get3A_451 = arith.index_cast %get3A_450 : i32 to index
      %get3A_452 = arith.index_cast %multiple_of3A_449 : i32 to index
      %get3A_453 = tpu.vector_load %arg9[%get3A_451, %get3A_452] {strides = array<i32>} : memref<2x2048xf32, #tpu.memory_space<vmem>>, vector<1x16xf32>,
      %get3A_454 = vector.shape_cast %get3A_453 : vector<1x16xf32> to vector<16xf32>
      %mul3A_455 = arith.mulf %get3A_454, %mul3A_418 : vector<16xf32>
      %swap3A_456 = arith.constant 0 : i32
      %swap3A_457 = arith.index_cast %swap3A_456 : i32 to index
      %swap3A_458 = arith.index_cast %multiple_of3A_449 : i32 to index
      %swap3A_459 = tpu.vector_load %arg9[%swap3A_457, %swap3A_458] {strides = array<i32>} : memref<2x2048xf32, #tpu.memory_space<vmem>>, vector<1x16xf32>,
      %swap3A_460 = vector.shape_cast %swap3A_459 : vector<1x16xf32> to vector<16xf32>
      %swap3A_461 = vector.shape_cast %mul3A_455 : vector<16xf32> to vector<1x16xf32>
      tpu.vector_store %arg9[%swap3A_457, %swap3A_458], %swap3A_461 {strides = array<i32>} : memref<2x2048xf32, #tpu.memory_space<vmem>>, vector<1x16xf32>,
      %scan3A_462 = arith.constant 2 : i32
      %scan3A_463 = arith.addi %scan3A_431, %scan3A_462 : i32
      %mul3A_464 = arith.constant 16 : i32
      %mul3A_465 = arith.muli %scan3A_463, %mul3A_464 : i32
      %multiple_of3A_466 = tpu.assume_multiple %mul3A_465, 16 : i32
      %get3A_467 = arith.constant 0 : i32
      %get3A_468 = arith.index_cast %get3A_467 : i32 to index
      %get3A_469 = arith.index_cast %multiple_of3A_466 : i32 to index
      %get3A_470 = tpu.vector_load %arg9[%get3A_468, %get3A_469] {strides = array<i32>} : memref<2x2048xf32, #tpu.memory_space<vmem>>, vector<1x16xf32>,
      %get3A_471 = vector.shape_cast %get3A_470 : vector<1x16xf32> to vector<16xf32>
      %mul3A_472 = arith.mulf %get3A_471, %mul3A_418 : vector<16xf32>
      %swap3A_473 = arith.constant 0 : i32
      %swap3A_474 = arith.index_cast %swap3A_473 : i32 to index
      %swap3A_475 = arith.index_cast %multiple_of3A_466 : i32 to index
      %swap3A_476 = tpu.vector_load %arg9[%swap3A_474, %swap3A_475] {strides = array<i32>} : memref<2x2048xf32, #tpu.memory_space<vmem>>, vector<1x16xf32>,
      %swap3A_477 = vector.shape_cast %swap3A_476 : vector<1x16xf32> to vector<16xf32>
      %swap3A_478 = vector.shape_cast %mul3A_472 : vector<16xf32> to vector<1x16xf32>
      tpu.vector_store %arg9[%swap3A_474, %swap3A_475], %swap3A_478 {strides = array<i32>} : memref<2x2048xf32, #tpu.memory_space<vmem>>, vector<1x16xf32>,
      %scan3A_479 = arith.constant 3 : i32
      %scan3A_480 = arith.addi %scan3A_431, %scan3A_479 : i32
      %mul3A_481 = arith.constant 16 : i32
      %mul3A_482 = arith.muli %scan3A_480, %mul3A_481 : i32
      %multiple_of3A_483 = tpu.assume_multiple %mul3A_482, 16 : i32
      %get3A_484 = arith.constant 0 : i32
      %get3A_485 = arith.index_cast %get3A_484 : i32 to index
      %get3A_486 = arith.index_cast %multiple_of3A_483 : i32 to index
      %get3A_487 = tpu.vector_load %arg9[%get3A_485, %get3A_486] {strides = array<i32>} : memref<2x2048xf32, #tpu.memory_space<vmem>>, vector<1x16xf32>,
      %get3A_488 = vector.shape_cast %get3A_487 : vector<1x16xf32> to vector<16xf32>
      %mul3A_489 = arith.mulf %get3A_488, %mul3A_418 : vector<16xf32>
      %swap3A_490 = arith.constant 0 : i32
      %swap3A_491 = arith.index_cast %swap3A_490 : i32 to index
      %swap3A_492 = arith.index_cast %multiple_of3A_483 : i32 to index
      %swap3A_493 = tpu.vector_load %arg9[%swap3A_491, %swap3A_492] {strides = array<i32>} : memref<2x2048xf32, #tpu.memory_space<vmem>>, vector<1x16xf32>,
      %swap3A_494 = vector.shape_cast %swap3A_493 : vector<1x16xf32> to vector<16xf32>
      %swap3A_495 = vector.shape_cast %mul3A_489 : vector<16xf32> to vector<1x16xf32>
      tpu.vector_store %arg9[%swap3A_491, %swap3A_492], %swap3A_495 {strides = array<i32>} : memref<2x2048xf32, #tpu.memory_space<vmem>>, vector<1x16xf32>,
      %scan3A_496 = arith.constant 4 : i32
      %scan3A_497 = arith.addi %scan3A_431, %scan3A_496 : i32
      %mul3A_498 = arith.constant 16 : i32
      %mul3A_499 = arith.muli %scan3A_497, %mul3A_498 : i32
      %multiple_of3A_500 = tpu.assume_multiple %mul3A_499, 16 : i32
      %get3A_501 = arith.constant 0 : i32
      %get3A_502 = arith.index_cast %get3A_501 : i32 to index
      %get3A_503 = arith.index_cast %multiple_of3A_500 : i32 to index
      %get3A_504 = tpu.vector_load %arg9[%get3A_502, %get3A_503] {strides = array<i32>} : memref<2x2048xf32, #tpu.memory_space<vmem>>, vector<1x16xf32>,
      %get3A_505 = vector.shape_cast %get3A_504 : vector<1x16xf32> to vector<16xf32>
      %mul3A_506 = arith.mulf %get3A_505, %mul3A_418 : vector<16xf32>
      %swap3A_507 = arith.constant 0 : i32
      %swap3A_508 = arith.index_cast %swap3A_507 : i32 to index
      %swap3A_509 = arith.index_cast %multiple_of3A_500 : i32 to index
      %swap3A_510 = tpu.vector_load %arg9[%swap3A_508, %swap3A_509] {strides = array<i32>} : memref<2x2048xf32, #tpu.memory_space<vmem>>, vector<1x16xf32>,
      %swap3A_511 = vector.shape_cast %swap3A_510 : vector<1x16xf32> to vector<16xf32>
      %swap3A_512 = vector.shape_cast %mul3A_506 : vector<16xf32> to vector<1x16xf32>
      tpu.vector_store %arg9[%swap3A_508, %swap3A_509], %swap3A_512 {strides = array<i32>} : memref<2x2048xf32, #tpu.memory_space<vmem>>, vector<1x16xf32>,
      %scan3A_513 = arith.constant 5 : i32
      %scan3A_514 = arith.addi %scan3A_431, %scan3A_513 : i32
      %mul3A_515 = arith.constant 16 : i32
      %mul3A_516 = arith.muli %scan3A_514, %mul3A_515 : i32
      %multiple_of3A_517 = tpu.assume_multiple %mul3A_516, 16 : i32
      %get3A_518 = arith.constant 0 : i32
      %get3A_519 = arith.index_cast %get3A_518 : i32 to index
      %get3A_520 = arith.index_cast %multiple_of3A_517 : i32 to index
      %get3A_521 = tpu.vector_load %arg9[%get3A_519, %get3A_520] {strides = array<i32>} : memref<2x2048xf32, #tpu.memory_space<vmem>>, vector<1x16xf32>,
      %get3A_522 = vector.shape_cast %get3A_521 : vector<1x16xf32> to vector<16xf32>
      %mul3A_523 = arith.mulf %get3A_522, %mul3A_418 : vector<16xf32>
      %swap3A_524 = arith.constant 0 : i32
      %swap3A_525 = arith.index_cast %swap3A_524 : i32 to index
      %swap3A_526 = arith.index_cast %multiple_of3A_517 : i32 to index
      %swap3A_527 = tpu.vector_load %arg9[%swap3A_525, %swap3A_526] {strides = array<i32>} : memref<2x2048xf32, #tpu.memory_space<vmem>>, vector<1x16xf32>,
      %swap3A_528 = vector.shape_cast %swap3A_527 : vector<1x16xf32> to vector<16xf32>
      %swap3A_529 = vector.shape_cast %mul3A_523 : vector<16xf32> to vector<1x16xf32>
      tpu.vector_store %arg9[%swap3A_525, %swap3A_526], %swap3A_529 {strides = array<i32>} : memref<2x2048xf32, #tpu.memory_space<vmem>>, vector<1x16xf32>,
      %scan3A_530 = arith.constant 6 : i32
      %scan3A_531 = arith.addi %scan3A_431, %scan3A_530 : i32
      %mul3A_532 = arith.constant 16 : i32
      %mul3A_533 = arith.muli %scan3A_531, %mul3A_532 : i32
      %multiple_of3A_534 = tpu.assume_multiple %mul3A_533, 16 : i32
      %get3A_535 = arith.constant 0 : i32
      %get3A_536 = arith.index_cast %get3A_535 : i32 to index
      %get3A_537 = arith.index_cast %multiple_of3A_534 : i32 to index
      %get3A_538 = tpu.vector_load %arg9[%get3A_536, %get3A_537] {strides = array<i32>} : memref<2x2048xf32, #tpu.memory_space<vmem>>, vector<1x16xf32>,
      %get3A_539 = vector.shape_cast %get3A_538 : vector<1x16xf32> to vector<16xf32>
      %mul3A_540 = arith.mulf %get3A_539, %mul3A_418 : vector<16xf32>
      %swap3A_541 = arith.constant 0 : i32
      %swap3A_542 = arith.index_cast %swap3A_541 : i32 to index
      %swap3A_543 = arith.index_cast %multiple_of3A_534 : i32 to index
      %swap3A_544 = tpu.vector_load %arg9[%swap3A_542, %swap3A_543] {strides = array<i32>} : memref<2x2048xf32, #tpu.memory_space<vmem>>, vector<1x16xf32>,
      %swap3A_545 = vector.shape_cast %swap3A_544 : vector<1x16xf32> to vector<16xf32>
      %swap3A_546 = vector.shape_cast %mul3A_540 : vector<16xf32> to vector<1x16xf32>
      tpu.vector_store %arg9[%swap3A_542, %swap3A_543], %swap3A_546 {strides = array<i32>} : memref<2x2048xf32, #tpu.memory_space<vmem>>, vector<1x16xf32>,
      %scan3A_547 = arith.constant 7 : i32
      %scan3A_548 = arith.addi %scan3A_431, %scan3A_547 : i32
      %mul3A_549 = arith.constant 16 : i32
      %mul3A_550 = arith.muli %scan3A_548, %mul3A_549 : i32
      %multiple_of3A_551 = tpu.assume_multiple %mul3A_550, 16 : i32
      %get3A_552 = arith.constant 0 : i32
      %get3A_553 = arith.index_cast %get3A_552 : i32 to index
      %get3A_554 = arith.index_cast %multiple_of3A_551 : i32 to index
      %get3A_555 = tpu.vector_load %arg9[%get3A_553, %get3A_554] {strides = array<i32>} : memref<2x2048xf32, #tpu.memory_space<vmem>>, vector<1x16xf32>,
      %get3A_556 = vector.shape_cast %get3A_555 : vector<1x16xf32> to vector<16xf32>
      %mul3A_557 = arith.mulf %get3A_556, %mul3A_418 : vector<16xf32>
      %swap3A_558 = arith.constant 0 : i32
      %swap3A_559 = arith.index_cast %swap3A_558 : i32 to index
      %swap3A_560 = arith.index_cast %multiple_of3A_551 : i32 to index
      %swap3A_561 = tpu.vector_load %arg9[%swap3A_559, %swap3A_560] {strides = array<i32>} : memref<2x2048xf32, #tpu.memory_space<vmem>>, vector<1x16xf32>,
      %swap3A_562 = vector.shape_cast %swap3A_561 : vector<1x16xf32> to vector<16xf32>
      %swap3A_563 = vector.shape_cast %mul3A_557 : vector<16xf32> to vector<1x16xf32>
      tpu.vector_store %arg9[%swap3A_559, %swap3A_560], %swap3A_563 {strides = array<i32>} : memref<2x2048xf32, #tpu.memory_space<vmem>>, vector<1x16xf32>,
    }
    %scan3A_424 = arith.constant 128 : i32
    %mul3A_425 = arith.constant 1 : i32
    %mul3A_426 = arith.muli %add3A, %mul3A_425 : i32
    %mul3A_427 = arith.constant 1 : i32
    %mul3A_428 = arith.muli %scan3A_9, %mul3A_427 : i32
    %add3A_429 = arith.addi %mul3A_426, %mul3A_428 : i32
    "tpu.region"() ({
      %run_scoped3A = tpu.sem_alloc : memref<!tpu.dma_semaphore, #tpu.memory_space<semaphore_mem>>
      %dma_start3A_431 = arith.constant 0 : i32
      %dma_start3A_432 = arith.constant 0 : i32
      %dma_start3A_433 = tpu.memref_slice %arg9[%dma_start3A_431, %dma_start3A_432] : memref<2x2048xf32, #tpu.memory_space<vmem>> -> memref<1x2048xf32, #tpu.memory_space<vmem>>
      %dma_start3A_434 = arith.constant 0 : i32
      %dma_start3A_435 = tpu.memref_slice %arg4[%add3A_429, %dma_start3A_434] : memref<32x2048xf32, #tpu.memory_space<hbm>> -> memref<1x2048xf32, #tpu.memory_space<hbm>>
      %dma_start3A_436 = arith.constant 0 : i32
      %dma_start3A_437 = tpu.memref_slice %arg4[%add3A_429, %dma_start3A_436] : memref<32x2048xf32, #tpu.memory_space<hbm>> -> memref<1x2048xf32, #tpu.memory_space<hbm>>
      %dma_start3A_438 = arith.constant 0 : i32
      %dma_start3A_439 = arith.constant 0 : i32
      %dma_start3A_440 = tpu.memref_slice %arg9[%dma_start3A_438, %dma_start3A_439] : memref<2x2048xf32, #tpu.memory_space<vmem>> -> memref<1x2048xf32, #tpu.memory_space<vmem>>
      tpu.enqueue_dma source(%dma_start3A_440 : memref<1x2048xf32, #tpu.memory_space<vmem>>) target(%dma_start3A_437 : memref<1x2048xf32, #tpu.memory_space<hbm>>) target_semaphore(%run_scoped3A : memref<!tpu.dma_semaphore, #tpu.memory_space<semaphore_mem>>)
      %dma_wait3A_441 = arith.constant 0 : i32
      %dma_wait3A_442 = arith.constant 0 : i32
      %dma_wait3A_443 = tpu.memref_slice %arg9[%dma_wait3A_441, %dma_wait3A_442] : memref<2x2048xf32, #tpu.memory_space<vmem>> -> memref<1x2048xf32, #tpu.memory_space<vmem>>
      %dma_wait3A_444 = arith.constant 0 : i32
      %dma_wait3A_445 = tpu.memref_slice %arg4[%add3A_429, %dma_wait3A_444] : memref<32x2048xf32, #tpu.memory_space<hbm>> -> memref<1x2048xf32, #tpu.memory_space<hbm>>
      %dma_wait3A_446 = arith.constant 0 : i32
      %dma_wait3A_447 = tpu.memref_slice %arg4[%add3A_429, %dma_wait3A_446] : memref<32x2048xf32, #tpu.memory_space<hbm>> -> memref<1x2048xf32, #tpu.memory_space<hbm>>
      %dma_wait3A_448 = arith.constant 0 : i32
      %dma_wait3A_449 = arith.constant 0 : i32
      %dma_wait3A_450 = tpu.memref_slice %arg9[%dma_wait3A_448, %dma_wait3A_449] : memref<2x2048xf32, #tpu.memory_space<vmem>> -> memref<1x2048xf32, #tpu.memory_space<vmem>>
      tpu.wait_dma2 semaphore(%run_scoped3A : memref<!tpu.dma_semaphore, #tpu.memory_space<semaphore_mem>>) src(%dma_wait3A_450 : memref<1x2048xf32, #tpu.memory_space<vmem>>) dst(%dma_wait3A_447 : memref<1x2048xf32, #tpu.memory_space<hbm>>)
      tpu.yield
    }) : () -> ()
    %scan3A_430 = arith.constant 1 : i32
    return
  }
}

module attributes {stable_mosaic.version = 14 : i64} {
  func.func @_tc_body(%arg0: i32, %arg1: memref<248x26xf32, #tpu.memory_space<vmem>>, %arg2: memref<26x100x2048xf32, #tpu.memory_space<vmem>>, %arg3: memref<248x2048xf32, #tpu.memory_space<vmem>>) attributes {dimension_semantics = [#tpu.dimension_semantics<arbitrary>], iteration_bounds = array<i64: 4>, scalar_prefetch = 0 : i64, scratch_operands = 0 : i64, tpu.core_type = #tpu.core_type<tc>, window_params = [{transform_indices = @transform_0, window_bounds = array<i64: 248, 26>}, {pipeline_mode = #tpu.pipeline_mode<synchronous>, transform_indices = @transform_1, window_bounds = array<i64: 26, 100, 2048>}, {transform_indices = @transform_2, window_bounds = array<i64: 248, 2048>}]} {
    %get3A = arith.constant 0 : index
    %get3A_0 = arith.constant 0 : index
    %get3A_1 = vector.load %arg1[%get3A, %get3A_0] : memref<248x26xf32, #tpu.memory_space<vmem>>, vector<248x26xf32>
    %mul3A = arith.constant 9.900000e+01 : f32
    %mul3A_2 = vector.broadcast %mul3A : f32 to vector<248x26xf32>
    %mul3A_3 = arith.mulf %get3A_1, %mul3A_2 : vector<248x26xf32>
    %jit3A = arith.constant 0.000000e+00 : f32
    %jit3A_4 = arith.constant 9.900000e+01 : f32
    %max3A = vector.broadcast %jit3A : f32 to vector<248x26xf32>
    %max3A_5 = arith.maximumf %max3A, %mul3A_3 : vector<248x26xf32>
    %min3A = vector.broadcast %jit3A_4 : f32 to vector<248x26xf32>
    %min3A_6 = arith.minimumf %min3A, %max3A_5 : vector<248x26xf32>
    %floor3A = math.floor %min3A_6 : vector<248x26xf32>
    %sub3A = arith.subf %min3A_6, %floor3A : vector<248x26xf32>
    %convert_element_type3A = arith.fptosi %floor3A : vector<248x26xf32> to vector<248x26xi32>
    %add3A = arith.constant 1 : i32
    %add3A_7 = vector.broadcast %add3A : i32 to vector<248x26xi32>
    %add3A_8 = arith.addi %convert_element_type3A, %add3A_7 : vector<248x26xi32>
    %min3A_9 = arith.constant 99 : i32
    %min3A_10 = vector.broadcast %min3A_9 : i32 to vector<248x26xi32>
    %min3A_11 = arith.minsi %add3A_8, %min3A_10 : vector<248x26xi32>
    %iota3A = tpu.iota {dimensions = array<i32: 1>} : vector<248x100xi32>
    %broadcast_in_dim3A = arith.constant 0.000000e+00 : f32
    %broadcast_in_dim3A_12 = vector.broadcast %broadcast_in_dim3A : f32 to vector<248x2048xf32>
    %slice3A = vector.extract_strided_slice %convert_element_type3A {offsets = [0, 0], sizes = [248, 1], strides = [1, 1]} : vector<248x26xi32> to vector<248x1xi32>
    %eq3A = vector.broadcast %slice3A : vector<248x1xi32> to vector<248x100xi32>
    %eq3A_13 = arith.cmpi eq, %iota3A, %eq3A : vector<248x100xi32>
    %slice3A_14 = vector.extract_strided_slice %sub3A {offsets = [0, 0], sizes = [248, 1], strides = [1, 1]} : vector<248x26xf32> to vector<248x1xf32>
    %sub3A_15 = arith.constant 1.000000e+00 : f32
    %sub3A_16 = vector.broadcast %sub3A_15 : f32 to vector<248x1xf32>
    %sub3A_17 = arith.subf %sub3A_16, %slice3A_14 : vector<248x1xf32>
    %jit3A_18 = arith.constant 0.000000e+00 : f32
    %broadcast_in_dim3A_19 = vector.shape_cast %sub3A_17 : vector<248x1xf32> to vector<248x1xf32>
    %broadcast_in_dim3A_20 = vector.broadcast %broadcast_in_dim3A_19 : vector<248x1xf32> to vector<248x100xf32>
    %broadcast_in_dim3A_21 = vector.broadcast %jit3A_18 : f32 to vector<248x100xf32>
    %select_n3A = arith.select %eq3A_13, %broadcast_in_dim3A_20, %broadcast_in_dim3A_21 : vector<248x100xi1>, vector<248x100xf32>
    %slice3A_22 = vector.extract_strided_slice %min3A_11 {offsets = [0, 0], sizes = [248, 1], strides = [1, 1]} : vector<248x26xi32> to vector<248x1xi32>
    %eq3A_23 = vector.broadcast %slice3A_22 : vector<248x1xi32> to vector<248x100xi32>
    %eq3A_24 = arith.cmpi eq, %iota3A, %eq3A_23 : vector<248x100xi32>
    %slice3A_25 = vector.extract_strided_slice %sub3A {offsets = [0, 0], sizes = [248, 1], strides = [1, 1]} : vector<248x26xf32> to vector<248x1xf32>
    %jit3A_26 = arith.constant 0.000000e+00 : f32
    %broadcast_in_dim3A_27 = vector.shape_cast %slice3A_25 : vector<248x1xf32> to vector<248x1xf32>
    %broadcast_in_dim3A_28 = vector.broadcast %broadcast_in_dim3A_27 : vector<248x1xf32> to vector<248x100xf32>
    %broadcast_in_dim3A_29 = vector.broadcast %jit3A_26 : f32 to vector<248x100xf32>
    %select_n3A_30 = arith.select %eq3A_24, %broadcast_in_dim3A_28, %broadcast_in_dim3A_29 : vector<248x100xi1>, vector<248x100xf32>
    %add3A_31 = arith.addf %select_n3A, %select_n3A_30 : vector<248x100xf32>
    %get3A_32 = arith.constant 0 : index
    %get3A_33 = arith.constant 0 : index
    %get3A_34 = arith.constant 0 : index
    %get3A_35 = vector.load %arg2[%get3A_32, %get3A_33, %get3A_34] : memref<26x100x2048xf32, #tpu.memory_space<vmem>>, vector<1x100x2048xf32>
    %get3A_36 = vector.shape_cast %get3A_35 : vector<1x100x2048xf32> to vector<100x2048xf32>
    %dot_general3A = arith.constant dense<0.000000e+00> : vector<248x2048xf32>
    %dot_general3A_37 = tpu.matmul %add3A_31, %get3A_36, %dot_general3A {dimension_numbers = #tpu.dot_dimension_numbers<[1], [0], [0], [1], [0, 0, 1, 1], [], []>, transpose_lhs_hint = false} : vector<248x100xf32>, vector<100x2048xf32>, vector<248x2048xf32> -> vector<248x2048xf32>
    %add3A_38 = arith.addf %broadcast_in_dim3A_12, %dot_general3A_37 : vector<248x2048xf32>
    %slice3A_39 = vector.extract_strided_slice %convert_element_type3A {offsets = [0, 1], sizes = [248, 1], strides = [1, 1]} : vector<248x26xi32> to vector<248x1xi32>
    %eq3A_40 = vector.broadcast %slice3A_39 : vector<248x1xi32> to vector<248x100xi32>
    %eq3A_41 = arith.cmpi eq, %iota3A, %eq3A_40 : vector<248x100xi32>
    %slice3A_42 = vector.extract_strided_slice %sub3A {offsets = [0, 1], sizes = [248, 1], strides = [1, 1]} : vector<248x26xf32> to vector<248x1xf32>
    %sub3A_43 = arith.constant 1.000000e+00 : f32
    %sub3A_44 = vector.broadcast %sub3A_43 : f32 to vector<248x1xf32>
    %sub3A_45 = arith.subf %sub3A_44, %slice3A_42 : vector<248x1xf32>
    %jit3A_46 = arith.constant 0.000000e+00 : f32
    %broadcast_in_dim3A_47 = vector.shape_cast %sub3A_45 : vector<248x1xf32> to vector<248x1xf32>
    %broadcast_in_dim3A_48 = vector.broadcast %broadcast_in_dim3A_47 : vector<248x1xf32> to vector<248x100xf32>
    %broadcast_in_dim3A_49 = vector.broadcast %jit3A_46 : f32 to vector<248x100xf32>
    %select_n3A_50 = arith.select %eq3A_41, %broadcast_in_dim3A_48, %broadcast_in_dim3A_49 : vector<248x100xi1>, vector<248x100xf32>
    %slice3A_51 = vector.extract_strided_slice %min3A_11 {offsets = [0, 1], sizes = [248, 1], strides = [1, 1]} : vector<248x26xi32> to vector<248x1xi32>
    %eq3A_52 = vector.broadcast %slice3A_51 : vector<248x1xi32> to vector<248x100xi32>
    %eq3A_53 = arith.cmpi eq, %iota3A, %eq3A_52 : vector<248x100xi32>
    %slice3A_54 = vector.extract_strided_slice %sub3A {offsets = [0, 1], sizes = [248, 1], strides = [1, 1]} : vector<248x26xf32> to vector<248x1xf32>
    %jit3A_55 = arith.constant 0.000000e+00 : f32
    %broadcast_in_dim3A_56 = vector.shape_cast %slice3A_54 : vector<248x1xf32> to vector<248x1xf32>
    %broadcast_in_dim3A_57 = vector.broadcast %broadcast_in_dim3A_56 : vector<248x1xf32> to vector<248x100xf32>
    %broadcast_in_dim3A_58 = vector.broadcast %jit3A_55 : f32 to vector<248x100xf32>
    %select_n3A_59 = arith.select %eq3A_53, %broadcast_in_dim3A_57, %broadcast_in_dim3A_58 : vector<248x100xi1>, vector<248x100xf32>
    %add3A_60 = arith.addf %select_n3A_50, %select_n3A_59 : vector<248x100xf32>
    %get3A_61 = arith.constant 1 : index
    %get3A_62 = arith.constant 0 : index
    %get3A_63 = arith.constant 0 : index
    %get3A_64 = vector.load %arg2[%get3A_61, %get3A_62, %get3A_63] : memref<26x100x2048xf32, #tpu.memory_space<vmem>>, vector<1x100x2048xf32>
    %get3A_65 = vector.shape_cast %get3A_64 : vector<1x100x2048xf32> to vector<100x2048xf32>
    %dot_general3A_66 = arith.constant dense<0.000000e+00> : vector<248x2048xf32>
    %dot_general3A_67 = tpu.matmul %add3A_60, %get3A_65, %dot_general3A_66 {dimension_numbers = #tpu.dot_dimension_numbers<[1], [0], [0], [1], [0, 0, 1, 1], [], []>, transpose_lhs_hint = false} : vector<248x100xf32>, vector<100x2048xf32>, vector<248x2048xf32> -> vector<248x2048xf32>
    %add3A_68 = arith.addf %add3A_38, %dot_general3A_67 : vector<248x2048xf32>
    %slice3A_69 = vector.extract_strided_slice %convert_element_type3A {offsets = [0, 2], sizes = [248, 1], strides = [1, 1]} : vector<248x26xi32> to vector<248x1xi32>
    %eq3A_70 = vector.broadcast %slice3A_69 : vector<248x1xi32> to vector<248x100xi32>
    %eq3A_71 = arith.cmpi eq, %iota3A, %eq3A_70 : vector<248x100xi32>
    %slice3A_72 = vector.extract_strided_slice %sub3A {offsets = [0, 2], sizes = [248, 1], strides = [1, 1]} : vector<248x26xf32> to vector<248x1xf32>
    %sub3A_73 = arith.constant 1.000000e+00 : f32
    %sub3A_74 = vector.broadcast %sub3A_73 : f32 to vector<248x1xf32>
    %sub3A_75 = arith.subf %sub3A_74, %slice3A_72 : vector<248x1xf32>
    %jit3A_76 = arith.constant 0.000000e+00 : f32
    %broadcast_in_dim3A_77 = vector.shape_cast %sub3A_75 : vector<248x1xf32> to vector<248x1xf32>
    %broadcast_in_dim3A_78 = vector.broadcast %broadcast_in_dim3A_77 : vector<248x1xf32> to vector<248x100xf32>
    %broadcast_in_dim3A_79 = vector.broadcast %jit3A_76 : f32 to vector<248x100xf32>
    %select_n3A_80 = arith.select %eq3A_71, %broadcast_in_dim3A_78, %broadcast_in_dim3A_79 : vector<248x100xi1>, vector<248x100xf32>
    %slice3A_81 = vector.extract_strided_slice %min3A_11 {offsets = [0, 2], sizes = [248, 1], strides = [1, 1]} : vector<248x26xi32> to vector<248x1xi32>
    %eq3A_82 = vector.broadcast %slice3A_81 : vector<248x1xi32> to vector<248x100xi32>
    %eq3A_83 = arith.cmpi eq, %iota3A, %eq3A_82 : vector<248x100xi32>
    %slice3A_84 = vector.extract_strided_slice %sub3A {offsets = [0, 2], sizes = [248, 1], strides = [1, 1]} : vector<248x26xf32> to vector<248x1xf32>
    %jit3A_85 = arith.constant 0.000000e+00 : f32
    %broadcast_in_dim3A_86 = vector.shape_cast %slice3A_84 : vector<248x1xf32> to vector<248x1xf32>
    %broadcast_in_dim3A_87 = vector.broadcast %broadcast_in_dim3A_86 : vector<248x1xf32> to vector<248x100xf32>
    %broadcast_in_dim3A_88 = vector.broadcast %jit3A_85 : f32 to vector<248x100xf32>
    %select_n3A_89 = arith.select %eq3A_83, %broadcast_in_dim3A_87, %broadcast_in_dim3A_88 : vector<248x100xi1>, vector<248x100xf32>
    %add3A_90 = arith.addf %select_n3A_80, %select_n3A_89 : vector<248x100xf32>
    %get3A_91 = arith.constant 2 : index
    %get3A_92 = arith.constant 0 : index
    %get3A_93 = arith.constant 0 : index
    %get3A_94 = vector.load %arg2[%get3A_91, %get3A_92, %get3A_93] : memref<26x100x2048xf32, #tpu.memory_space<vmem>>, vector<1x100x2048xf32>
    %get3A_95 = vector.shape_cast %get3A_94 : vector<1x100x2048xf32> to vector<100x2048xf32>
    %dot_general3A_96 = arith.constant dense<0.000000e+00> : vector<248x2048xf32>
    %dot_general3A_97 = tpu.matmul %add3A_90, %get3A_95, %dot_general3A_96 {dimension_numbers = #tpu.dot_dimension_numbers<[1], [0], [0], [1], [0, 0, 1, 1], [], []>, transpose_lhs_hint = false} : vector<248x100xf32>, vector<100x2048xf32>, vector<248x2048xf32> -> vector<248x2048xf32>
    %add3A_98 = arith.addf %add3A_68, %dot_general3A_97 : vector<248x2048xf32>
    %slice3A_99 = vector.extract_strided_slice %convert_element_type3A {offsets = [0, 3], sizes = [248, 1], strides = [1, 1]} : vector<248x26xi32> to vector<248x1xi32>
    %eq3A_100 = vector.broadcast %slice3A_99 : vector<248x1xi32> to vector<248x100xi32>
    %eq3A_101 = arith.cmpi eq, %iota3A, %eq3A_100 : vector<248x100xi32>
    %slice3A_102 = vector.extract_strided_slice %sub3A {offsets = [0, 3], sizes = [248, 1], strides = [1, 1]} : vector<248x26xf32> to vector<248x1xf32>
    %sub3A_103 = arith.constant 1.000000e+00 : f32
    %sub3A_104 = vector.broadcast %sub3A_103 : f32 to vector<248x1xf32>
    %sub3A_105 = arith.subf %sub3A_104, %slice3A_102 : vector<248x1xf32>
    %jit3A_106 = arith.constant 0.000000e+00 : f32
    %broadcast_in_dim3A_107 = vector.shape_cast %sub3A_105 : vector<248x1xf32> to vector<248x1xf32>
    %broadcast_in_dim3A_108 = vector.broadcast %broadcast_in_dim3A_107 : vector<248x1xf32> to vector<248x100xf32>
    %broadcast_in_dim3A_109 = vector.broadcast %jit3A_106 : f32 to vector<248x100xf32>
    %select_n3A_110 = arith.select %eq3A_101, %broadcast_in_dim3A_108, %broadcast_in_dim3A_109 : vector<248x100xi1>, vector<248x100xf32>
    %slice3A_111 = vector.extract_strided_slice %min3A_11 {offsets = [0, 3], sizes = [248, 1], strides = [1, 1]} : vector<248x26xi32> to vector<248x1xi32>
    %eq3A_112 = vector.broadcast %slice3A_111 : vector<248x1xi32> to vector<248x100xi32>
    %eq3A_113 = arith.cmpi eq, %iota3A, %eq3A_112 : vector<248x100xi32>
    %slice3A_114 = vector.extract_strided_slice %sub3A {offsets = [0, 3], sizes = [248, 1], strides = [1, 1]} : vector<248x26xf32> to vector<248x1xf32>
    %jit3A_115 = arith.constant 0.000000e+00 : f32
    %broadcast_in_dim3A_116 = vector.shape_cast %slice3A_114 : vector<248x1xf32> to vector<248x1xf32>
    %broadcast_in_dim3A_117 = vector.broadcast %broadcast_in_dim3A_116 : vector<248x1xf32> to vector<248x100xf32>
    %broadcast_in_dim3A_118 = vector.broadcast %jit3A_115 : f32 to vector<248x100xf32>
    %select_n3A_119 = arith.select %eq3A_113, %broadcast_in_dim3A_117, %broadcast_in_dim3A_118 : vector<248x100xi1>, vector<248x100xf32>
    %add3A_120 = arith.addf %select_n3A_110, %select_n3A_119 : vector<248x100xf32>
    %get3A_121 = arith.constant 3 : index
    %get3A_122 = arith.constant 0 : index
    %get3A_123 = arith.constant 0 : index
    %get3A_124 = vector.load %arg2[%get3A_121, %get3A_122, %get3A_123] : memref<26x100x2048xf32, #tpu.memory_space<vmem>>, vector<1x100x2048xf32>
    %get3A_125 = vector.shape_cast %get3A_124 : vector<1x100x2048xf32> to vector<100x2048xf32>
    %dot_general3A_126 = arith.constant dense<0.000000e+00> : vector<248x2048xf32>
    %dot_general3A_127 = tpu.matmul %add3A_120, %get3A_125, %dot_general3A_126 {dimension_numbers = #tpu.dot_dimension_numbers<[1], [0], [0], [1], [0, 0, 1, 1], [], []>, transpose_lhs_hint = false} : vector<248x100xf32>, vector<100x2048xf32>, vector<248x2048xf32> -> vector<248x2048xf32>
    %add3A_128 = arith.addf %add3A_98, %dot_general3A_127 : vector<248x2048xf32>
    %slice3A_129 = vector.extract_strided_slice %convert_element_type3A {offsets = [0, 4], sizes = [248, 1], strides = [1, 1]} : vector<248x26xi32> to vector<248x1xi32>
    %eq3A_130 = vector.broadcast %slice3A_129 : vector<248x1xi32> to vector<248x100xi32>
    %eq3A_131 = arith.cmpi eq, %iota3A, %eq3A_130 : vector<248x100xi32>
    %slice3A_132 = vector.extract_strided_slice %sub3A {offsets = [0, 4], sizes = [248, 1], strides = [1, 1]} : vector<248x26xf32> to vector<248x1xf32>
    %sub3A_133 = arith.constant 1.000000e+00 : f32
    %sub3A_134 = vector.broadcast %sub3A_133 : f32 to vector<248x1xf32>
    %sub3A_135 = arith.subf %sub3A_134, %slice3A_132 : vector<248x1xf32>
    %jit3A_136 = arith.constant 0.000000e+00 : f32
    %broadcast_in_dim3A_137 = vector.shape_cast %sub3A_135 : vector<248x1xf32> to vector<248x1xf32>
    %broadcast_in_dim3A_138 = vector.broadcast %broadcast_in_dim3A_137 : vector<248x1xf32> to vector<248x100xf32>
    %broadcast_in_dim3A_139 = vector.broadcast %jit3A_136 : f32 to vector<248x100xf32>
    %select_n3A_140 = arith.select %eq3A_131, %broadcast_in_dim3A_138, %broadcast_in_dim3A_139 : vector<248x100xi1>, vector<248x100xf32>
    %slice3A_141 = vector.extract_strided_slice %min3A_11 {offsets = [0, 4], sizes = [248, 1], strides = [1, 1]} : vector<248x26xi32> to vector<248x1xi32>
    %eq3A_142 = vector.broadcast %slice3A_141 : vector<248x1xi32> to vector<248x100xi32>
    %eq3A_143 = arith.cmpi eq, %iota3A, %eq3A_142 : vector<248x100xi32>
    %slice3A_144 = vector.extract_strided_slice %sub3A {offsets = [0, 4], sizes = [248, 1], strides = [1, 1]} : vector<248x26xf32> to vector<248x1xf32>
    %jit3A_145 = arith.constant 0.000000e+00 : f32
    %broadcast_in_dim3A_146 = vector.shape_cast %slice3A_144 : vector<248x1xf32> to vector<248x1xf32>
    %broadcast_in_dim3A_147 = vector.broadcast %broadcast_in_dim3A_146 : vector<248x1xf32> to vector<248x100xf32>
    %broadcast_in_dim3A_148 = vector.broadcast %jit3A_145 : f32 to vector<248x100xf32>
    %select_n3A_149 = arith.select %eq3A_143, %broadcast_in_dim3A_147, %broadcast_in_dim3A_148 : vector<248x100xi1>, vector<248x100xf32>
    %add3A_150 = arith.addf %select_n3A_140, %select_n3A_149 : vector<248x100xf32>
    %get3A_151 = arith.constant 4 : index
    %get3A_152 = arith.constant 0 : index
    %get3A_153 = arith.constant 0 : index
    %get3A_154 = vector.load %arg2[%get3A_151, %get3A_152, %get3A_153] : memref<26x100x2048xf32, #tpu.memory_space<vmem>>, vector<1x100x2048xf32>
    %get3A_155 = vector.shape_cast %get3A_154 : vector<1x100x2048xf32> to vector<100x2048xf32>
    %dot_general3A_156 = arith.constant dense<0.000000e+00> : vector<248x2048xf32>
    %dot_general3A_157 = tpu.matmul %add3A_150, %get3A_155, %dot_general3A_156 {dimension_numbers = #tpu.dot_dimension_numbers<[1], [0], [0], [1], [0, 0, 1, 1], [], []>, transpose_lhs_hint = false} : vector<248x100xf32>, vector<100x2048xf32>, vector<248x2048xf32> -> vector<248x2048xf32>
    %add3A_158 = arith.addf %add3A_128, %dot_general3A_157 : vector<248x2048xf32>
    %slice3A_159 = vector.extract_strided_slice %convert_element_type3A {offsets = [0, 5], sizes = [248, 1], strides = [1, 1]} : vector<248x26xi32> to vector<248x1xi32>
    %eq3A_160 = vector.broadcast %slice3A_159 : vector<248x1xi32> to vector<248x100xi32>
    %eq3A_161 = arith.cmpi eq, %iota3A, %eq3A_160 : vector<248x100xi32>
    %slice3A_162 = vector.extract_strided_slice %sub3A {offsets = [0, 5], sizes = [248, 1], strides = [1, 1]} : vector<248x26xf32> to vector<248x1xf32>
    %sub3A_163 = arith.constant 1.000000e+00 : f32
    %sub3A_164 = vector.broadcast %sub3A_163 : f32 to vector<248x1xf32>
    %sub3A_165 = arith.subf %sub3A_164, %slice3A_162 : vector<248x1xf32>
    %jit3A_166 = arith.constant 0.000000e+00 : f32
    %broadcast_in_dim3A_167 = vector.shape_cast %sub3A_165 : vector<248x1xf32> to vector<248x1xf32>
    %broadcast_in_dim3A_168 = vector.broadcast %broadcast_in_dim3A_167 : vector<248x1xf32> to vector<248x100xf32>
    %broadcast_in_dim3A_169 = vector.broadcast %jit3A_166 : f32 to vector<248x100xf32>
    %select_n3A_170 = arith.select %eq3A_161, %broadcast_in_dim3A_168, %broadcast_in_dim3A_169 : vector<248x100xi1>, vector<248x100xf32>
    %slice3A_171 = vector.extract_strided_slice %min3A_11 {offsets = [0, 5], sizes = [248, 1], strides = [1, 1]} : vector<248x26xi32> to vector<248x1xi32>
    %eq3A_172 = vector.broadcast %slice3A_171 : vector<248x1xi32> to vector<248x100xi32>
    %eq3A_173 = arith.cmpi eq, %iota3A, %eq3A_172 : vector<248x100xi32>
    %slice3A_174 = vector.extract_strided_slice %sub3A {offsets = [0, 5], sizes = [248, 1], strides = [1, 1]} : vector<248x26xf32> to vector<248x1xf32>
    %jit3A_175 = arith.constant 0.000000e+00 : f32
    %broadcast_in_dim3A_176 = vector.shape_cast %slice3A_174 : vector<248x1xf32> to vector<248x1xf32>
    %broadcast_in_dim3A_177 = vector.broadcast %broadcast_in_dim3A_176 : vector<248x1xf32> to vector<248x100xf32>
    %broadcast_in_dim3A_178 = vector.broadcast %jit3A_175 : f32 to vector<248x100xf32>
    %select_n3A_179 = arith.select %eq3A_173, %broadcast_in_dim3A_177, %broadcast_in_dim3A_178 : vector<248x100xi1>, vector<248x100xf32>
    %add3A_180 = arith.addf %select_n3A_170, %select_n3A_179 : vector<248x100xf32>
    %get3A_181 = arith.constant 5 : index
    %get3A_182 = arith.constant 0 : index
    %get3A_183 = arith.constant 0 : index
    %get3A_184 = vector.load %arg2[%get3A_181, %get3A_182, %get3A_183] : memref<26x100x2048xf32, #tpu.memory_space<vmem>>, vector<1x100x2048xf32>
    %get3A_185 = vector.shape_cast %get3A_184 : vector<1x100x2048xf32> to vector<100x2048xf32>
    %dot_general3A_186 = arith.constant dense<0.000000e+00> : vector<248x2048xf32>
    %dot_general3A_187 = tpu.matmul %add3A_180, %get3A_185, %dot_general3A_186 {dimension_numbers = #tpu.dot_dimension_numbers<[1], [0], [0], [1], [0, 0, 1, 1], [], []>, transpose_lhs_hint = false} : vector<248x100xf32>, vector<100x2048xf32>, vector<248x2048xf32> -> vector<248x2048xf32>
    %add3A_188 = arith.addf %add3A_158, %dot_general3A_187 : vector<248x2048xf32>
    %slice3A_189 = vector.extract_strided_slice %convert_element_type3A {offsets = [0, 6], sizes = [248, 1], strides = [1, 1]} : vector<248x26xi32> to vector<248x1xi32>
    %eq3A_190 = vector.broadcast %slice3A_189 : vector<248x1xi32> to vector<248x100xi32>
    %eq3A_191 = arith.cmpi eq, %iota3A, %eq3A_190 : vector<248x100xi32>
    %slice3A_192 = vector.extract_strided_slice %sub3A {offsets = [0, 6], sizes = [248, 1], strides = [1, 1]} : vector<248x26xf32> to vector<248x1xf32>
    %sub3A_193 = arith.constant 1.000000e+00 : f32
    %sub3A_194 = vector.broadcast %sub3A_193 : f32 to vector<248x1xf32>
    %sub3A_195 = arith.subf %sub3A_194, %slice3A_192 : vector<248x1xf32>
    %jit3A_196 = arith.constant 0.000000e+00 : f32
    %broadcast_in_dim3A_197 = vector.shape_cast %sub3A_195 : vector<248x1xf32> to vector<248x1xf32>
    %broadcast_in_dim3A_198 = vector.broadcast %broadcast_in_dim3A_197 : vector<248x1xf32> to vector<248x100xf32>
    %broadcast_in_dim3A_199 = vector.broadcast %jit3A_196 : f32 to vector<248x100xf32>
    %select_n3A_200 = arith.select %eq3A_191, %broadcast_in_dim3A_198, %broadcast_in_dim3A_199 : vector<248x100xi1>, vector<248x100xf32>
    %slice3A_201 = vector.extract_strided_slice %min3A_11 {offsets = [0, 6], sizes = [248, 1], strides = [1, 1]} : vector<248x26xi32> to vector<248x1xi32>
    %eq3A_202 = vector.broadcast %slice3A_201 : vector<248x1xi32> to vector<248x100xi32>
    %eq3A_203 = arith.cmpi eq, %iota3A, %eq3A_202 : vector<248x100xi32>
    %slice3A_204 = vector.extract_strided_slice %sub3A {offsets = [0, 6], sizes = [248, 1], strides = [1, 1]} : vector<248x26xf32> to vector<248x1xf32>
    %jit3A_205 = arith.constant 0.000000e+00 : f32
    %broadcast_in_dim3A_206 = vector.shape_cast %slice3A_204 : vector<248x1xf32> to vector<248x1xf32>
    %broadcast_in_dim3A_207 = vector.broadcast %broadcast_in_dim3A_206 : vector<248x1xf32> to vector<248x100xf32>
    %broadcast_in_dim3A_208 = vector.broadcast %jit3A_205 : f32 to vector<248x100xf32>
    %select_n3A_209 = arith.select %eq3A_203, %broadcast_in_dim3A_207, %broadcast_in_dim3A_208 : vector<248x100xi1>, vector<248x100xf32>
    %add3A_210 = arith.addf %select_n3A_200, %select_n3A_209 : vector<248x100xf32>
    %get3A_211 = arith.constant 6 : index
    %get3A_212 = arith.constant 0 : index
    %get3A_213 = arith.constant 0 : index
    %get3A_214 = vector.load %arg2[%get3A_211, %get3A_212, %get3A_213] : memref<26x100x2048xf32, #tpu.memory_space<vmem>>, vector<1x100x2048xf32>
    %get3A_215 = vector.shape_cast %get3A_214 : vector<1x100x2048xf32> to vector<100x2048xf32>
    %dot_general3A_216 = arith.constant dense<0.000000e+00> : vector<248x2048xf32>
    %dot_general3A_217 = tpu.matmul %add3A_210, %get3A_215, %dot_general3A_216 {dimension_numbers = #tpu.dot_dimension_numbers<[1], [0], [0], [1], [0, 0, 1, 1], [], []>, transpose_lhs_hint = false} : vector<248x100xf32>, vector<100x2048xf32>, vector<248x2048xf32> -> vector<248x2048xf32>
    %add3A_218 = arith.addf %add3A_188, %dot_general3A_217 : vector<248x2048xf32>
    %slice3A_219 = vector.extract_strided_slice %convert_element_type3A {offsets = [0, 7], sizes = [248, 1], strides = [1, 1]} : vector<248x26xi32> to vector<248x1xi32>
    %eq3A_220 = vector.broadcast %slice3A_219 : vector<248x1xi32> to vector<248x100xi32>
    %eq3A_221 = arith.cmpi eq, %iota3A, %eq3A_220 : vector<248x100xi32>
    %slice3A_222 = vector.extract_strided_slice %sub3A {offsets = [0, 7], sizes = [248, 1], strides = [1, 1]} : vector<248x26xf32> to vector<248x1xf32>
    %sub3A_223 = arith.constant 1.000000e+00 : f32
    %sub3A_224 = vector.broadcast %sub3A_223 : f32 to vector<248x1xf32>
    %sub3A_225 = arith.subf %sub3A_224, %slice3A_222 : vector<248x1xf32>
    %jit3A_226 = arith.constant 0.000000e+00 : f32
    %broadcast_in_dim3A_227 = vector.shape_cast %sub3A_225 : vector<248x1xf32> to vector<248x1xf32>
    %broadcast_in_dim3A_228 = vector.broadcast %broadcast_in_dim3A_227 : vector<248x1xf32> to vector<248x100xf32>
    %broadcast_in_dim3A_229 = vector.broadcast %jit3A_226 : f32 to vector<248x100xf32>
    %select_n3A_230 = arith.select %eq3A_221, %broadcast_in_dim3A_228, %broadcast_in_dim3A_229 : vector<248x100xi1>, vector<248x100xf32>
    %slice3A_231 = vector.extract_strided_slice %min3A_11 {offsets = [0, 7], sizes = [248, 1], strides = [1, 1]} : vector<248x26xi32> to vector<248x1xi32>
    %eq3A_232 = vector.broadcast %slice3A_231 : vector<248x1xi32> to vector<248x100xi32>
    %eq3A_233 = arith.cmpi eq, %iota3A, %eq3A_232 : vector<248x100xi32>
    %slice3A_234 = vector.extract_strided_slice %sub3A {offsets = [0, 7], sizes = [248, 1], strides = [1, 1]} : vector<248x26xf32> to vector<248x1xf32>
    %jit3A_235 = arith.constant 0.000000e+00 : f32
    %broadcast_in_dim3A_236 = vector.shape_cast %slice3A_234 : vector<248x1xf32> to vector<248x1xf32>
    %broadcast_in_dim3A_237 = vector.broadcast %broadcast_in_dim3A_236 : vector<248x1xf32> to vector<248x100xf32>
    %broadcast_in_dim3A_238 = vector.broadcast %jit3A_235 : f32 to vector<248x100xf32>
    %select_n3A_239 = arith.select %eq3A_233, %broadcast_in_dim3A_237, %broadcast_in_dim3A_238 : vector<248x100xi1>, vector<248x100xf32>
    %add3A_240 = arith.addf %select_n3A_230, %select_n3A_239 : vector<248x100xf32>
    %get3A_241 = arith.constant 7 : index
    %get3A_242 = arith.constant 0 : index
    %get3A_243 = arith.constant 0 : index
    %get3A_244 = vector.load %arg2[%get3A_241, %get3A_242, %get3A_243] : memref<26x100x2048xf32, #tpu.memory_space<vmem>>, vector<1x100x2048xf32>
    %get3A_245 = vector.shape_cast %get3A_244 : vector<1x100x2048xf32> to vector<100x2048xf32>
    %dot_general3A_246 = arith.constant dense<0.000000e+00> : vector<248x2048xf32>
    %dot_general3A_247 = tpu.matmul %add3A_240, %get3A_245, %dot_general3A_246 {dimension_numbers = #tpu.dot_dimension_numbers<[1], [0], [0], [1], [0, 0, 1, 1], [], []>, transpose_lhs_hint = false} : vector<248x100xf32>, vector<100x2048xf32>, vector<248x2048xf32> -> vector<248x2048xf32>
    %add3A_248 = arith.addf %add3A_218, %dot_general3A_247 : vector<248x2048xf32>
    %slice3A_249 = vector.extract_strided_slice %convert_element_type3A {offsets = [0, 8], sizes = [248, 1], strides = [1, 1]} : vector<248x26xi32> to vector<248x1xi32>
    %eq3A_250 = vector.broadcast %slice3A_249 : vector<248x1xi32> to vector<248x100xi32>
    %eq3A_251 = arith.cmpi eq, %iota3A, %eq3A_250 : vector<248x100xi32>
    %slice3A_252 = vector.extract_strided_slice %sub3A {offsets = [0, 8], sizes = [248, 1], strides = [1, 1]} : vector<248x26xf32> to vector<248x1xf32>
    %sub3A_253 = arith.constant 1.000000e+00 : f32
    %sub3A_254 = vector.broadcast %sub3A_253 : f32 to vector<248x1xf32>
    %sub3A_255 = arith.subf %sub3A_254, %slice3A_252 : vector<248x1xf32>
    %jit3A_256 = arith.constant 0.000000e+00 : f32
    %broadcast_in_dim3A_257 = vector.shape_cast %sub3A_255 : vector<248x1xf32> to vector<248x1xf32>
    %broadcast_in_dim3A_258 = vector.broadcast %broadcast_in_dim3A_257 : vector<248x1xf32> to vector<248x100xf32>
    %broadcast_in_dim3A_259 = vector.broadcast %jit3A_256 : f32 to vector<248x100xf32>
    %select_n3A_260 = arith.select %eq3A_251, %broadcast_in_dim3A_258, %broadcast_in_dim3A_259 : vector<248x100xi1>, vector<248x100xf32>
    %slice3A_261 = vector.extract_strided_slice %min3A_11 {offsets = [0, 8], sizes = [248, 1], strides = [1, 1]} : vector<248x26xi32> to vector<248x1xi32>
    %eq3A_262 = vector.broadcast %slice3A_261 : vector<248x1xi32> to vector<248x100xi32>
    %eq3A_263 = arith.cmpi eq, %iota3A, %eq3A_262 : vector<248x100xi32>
    %slice3A_264 = vector.extract_strided_slice %sub3A {offsets = [0, 8], sizes = [248, 1], strides = [1, 1]} : vector<248x26xf32> to vector<248x1xf32>
    %jit3A_265 = arith.constant 0.000000e+00 : f32
    %broadcast_in_dim3A_266 = vector.shape_cast %slice3A_264 : vector<248x1xf32> to vector<248x1xf32>
    %broadcast_in_dim3A_267 = vector.broadcast %broadcast_in_dim3A_266 : vector<248x1xf32> to vector<248x100xf32>
    %broadcast_in_dim3A_268 = vector.broadcast %jit3A_265 : f32 to vector<248x100xf32>
    %select_n3A_269 = arith.select %eq3A_263, %broadcast_in_dim3A_267, %broadcast_in_dim3A_268 : vector<248x100xi1>, vector<248x100xf32>
    %add3A_270 = arith.addf %select_n3A_260, %select_n3A_269 : vector<248x100xf32>
    %get3A_271 = arith.constant 8 : index
    %get3A_272 = arith.constant 0 : index
    %get3A_273 = arith.constant 0 : index
    %get3A_274 = vector.load %arg2[%get3A_271, %get3A_272, %get3A_273] : memref<26x100x2048xf32, #tpu.memory_space<vmem>>, vector<1x100x2048xf32>
    %get3A_275 = vector.shape_cast %get3A_274 : vector<1x100x2048xf32> to vector<100x2048xf32>
    %dot_general3A_276 = arith.constant dense<0.000000e+00> : vector<248x2048xf32>
    %dot_general3A_277 = tpu.matmul %add3A_270, %get3A_275, %dot_general3A_276 {dimension_numbers = #tpu.dot_dimension_numbers<[1], [0], [0], [1], [0, 0, 1, 1], [], []>, transpose_lhs_hint = false} : vector<248x100xf32>, vector<100x2048xf32>, vector<248x2048xf32> -> vector<248x2048xf32>
    %add3A_278 = arith.addf %add3A_248, %dot_general3A_277 : vector<248x2048xf32>
    %slice3A_279 = vector.extract_strided_slice %convert_element_type3A {offsets = [0, 9], sizes = [248, 1], strides = [1, 1]} : vector<248x26xi32> to vector<248x1xi32>
    %eq3A_280 = vector.broadcast %slice3A_279 : vector<248x1xi32> to vector<248x100xi32>
    %eq3A_281 = arith.cmpi eq, %iota3A, %eq3A_280 : vector<248x100xi32>
    %slice3A_282 = vector.extract_strided_slice %sub3A {offsets = [0, 9], sizes = [248, 1], strides = [1, 1]} : vector<248x26xf32> to vector<248x1xf32>
    %sub3A_283 = arith.constant 1.000000e+00 : f32
    %sub3A_284 = vector.broadcast %sub3A_283 : f32 to vector<248x1xf32>
    %sub3A_285 = arith.subf %sub3A_284, %slice3A_282 : vector<248x1xf32>
    %jit3A_286 = arith.constant 0.000000e+00 : f32
    %broadcast_in_dim3A_287 = vector.shape_cast %sub3A_285 : vector<248x1xf32> to vector<248x1xf32>
    %broadcast_in_dim3A_288 = vector.broadcast %broadcast_in_dim3A_287 : vector<248x1xf32> to vector<248x100xf32>
    %broadcast_in_dim3A_289 = vector.broadcast %jit3A_286 : f32 to vector<248x100xf32>
    %select_n3A_290 = arith.select %eq3A_281, %broadcast_in_dim3A_288, %broadcast_in_dim3A_289 : vector<248x100xi1>, vector<248x100xf32>
    %slice3A_291 = vector.extract_strided_slice %min3A_11 {offsets = [0, 9], sizes = [248, 1], strides = [1, 1]} : vector<248x26xi32> to vector<248x1xi32>
    %eq3A_292 = vector.broadcast %slice3A_291 : vector<248x1xi32> to vector<248x100xi32>
    %eq3A_293 = arith.cmpi eq, %iota3A, %eq3A_292 : vector<248x100xi32>
    %slice3A_294 = vector.extract_strided_slice %sub3A {offsets = [0, 9], sizes = [248, 1], strides = [1, 1]} : vector<248x26xf32> to vector<248x1xf32>
    %jit3A_295 = arith.constant 0.000000e+00 : f32
    %broadcast_in_dim3A_296 = vector.shape_cast %slice3A_294 : vector<248x1xf32> to vector<248x1xf32>
    %broadcast_in_dim3A_297 = vector.broadcast %broadcast_in_dim3A_296 : vector<248x1xf32> to vector<248x100xf32>
    %broadcast_in_dim3A_298 = vector.broadcast %jit3A_295 : f32 to vector<248x100xf32>
    %select_n3A_299 = arith.select %eq3A_293, %broadcast_in_dim3A_297, %broadcast_in_dim3A_298 : vector<248x100xi1>, vector<248x100xf32>
    %add3A_300 = arith.addf %select_n3A_290, %select_n3A_299 : vector<248x100xf32>
    %get3A_301 = arith.constant 9 : index
    %get3A_302 = arith.constant 0 : index
    %get3A_303 = arith.constant 0 : index
    %get3A_304 = vector.load %arg2[%get3A_301, %get3A_302, %get3A_303] : memref<26x100x2048xf32, #tpu.memory_space<vmem>>, vector<1x100x2048xf32>
    %get3A_305 = vector.shape_cast %get3A_304 : vector<1x100x2048xf32> to vector<100x2048xf32>
    %dot_general3A_306 = arith.constant dense<0.000000e+00> : vector<248x2048xf32>
    %dot_general3A_307 = tpu.matmul %add3A_300, %get3A_305, %dot_general3A_306 {dimension_numbers = #tpu.dot_dimension_numbers<[1], [0], [0], [1], [0, 0, 1, 1], [], []>, transpose_lhs_hint = false} : vector<248x100xf32>, vector<100x2048xf32>, vector<248x2048xf32> -> vector<248x2048xf32>
    %add3A_308 = arith.addf %add3A_278, %dot_general3A_307 : vector<248x2048xf32>
    %slice3A_309 = vector.extract_strided_slice %convert_element_type3A {offsets = [0, 10], sizes = [248, 1], strides = [1, 1]} : vector<248x26xi32> to vector<248x1xi32>
    %eq3A_310 = vector.broadcast %slice3A_309 : vector<248x1xi32> to vector<248x100xi32>
    %eq3A_311 = arith.cmpi eq, %iota3A, %eq3A_310 : vector<248x100xi32>
    %slice3A_312 = vector.extract_strided_slice %sub3A {offsets = [0, 10], sizes = [248, 1], strides = [1, 1]} : vector<248x26xf32> to vector<248x1xf32>
    %sub3A_313 = arith.constant 1.000000e+00 : f32
    %sub3A_314 = vector.broadcast %sub3A_313 : f32 to vector<248x1xf32>
    %sub3A_315 = arith.subf %sub3A_314, %slice3A_312 : vector<248x1xf32>
    %jit3A_316 = arith.constant 0.000000e+00 : f32
    %broadcast_in_dim3A_317 = vector.shape_cast %sub3A_315 : vector<248x1xf32> to vector<248x1xf32>
    %broadcast_in_dim3A_318 = vector.broadcast %broadcast_in_dim3A_317 : vector<248x1xf32> to vector<248x100xf32>
    %broadcast_in_dim3A_319 = vector.broadcast %jit3A_316 : f32 to vector<248x100xf32>
    %select_n3A_320 = arith.select %eq3A_311, %broadcast_in_dim3A_318, %broadcast_in_dim3A_319 : vector<248x100xi1>, vector<248x100xf32>
    %slice3A_321 = vector.extract_strided_slice %min3A_11 {offsets = [0, 10], sizes = [248, 1], strides = [1, 1]} : vector<248x26xi32> to vector<248x1xi32>
    %eq3A_322 = vector.broadcast %slice3A_321 : vector<248x1xi32> to vector<248x100xi32>
    %eq3A_323 = arith.cmpi eq, %iota3A, %eq3A_322 : vector<248x100xi32>
    %slice3A_324 = vector.extract_strided_slice %sub3A {offsets = [0, 10], sizes = [248, 1], strides = [1, 1]} : vector<248x26xf32> to vector<248x1xf32>
    %jit3A_325 = arith.constant 0.000000e+00 : f32
    %broadcast_in_dim3A_326 = vector.shape_cast %slice3A_324 : vector<248x1xf32> to vector<248x1xf32>
    %broadcast_in_dim3A_327 = vector.broadcast %broadcast_in_dim3A_326 : vector<248x1xf32> to vector<248x100xf32>
    %broadcast_in_dim3A_328 = vector.broadcast %jit3A_325 : f32 to vector<248x100xf32>
    %select_n3A_329 = arith.select %eq3A_323, %broadcast_in_dim3A_327, %broadcast_in_dim3A_328 : vector<248x100xi1>, vector<248x100xf32>
    %add3A_330 = arith.addf %select_n3A_320, %select_n3A_329 : vector<248x100xf32>
    %get3A_331 = arith.constant 10 : index
    %get3A_332 = arith.constant 0 : index
    %get3A_333 = arith.constant 0 : index
    %get3A_334 = vector.load %arg2[%get3A_331, %get3A_332, %get3A_333] : memref<26x100x2048xf32, #tpu.memory_space<vmem>>, vector<1x100x2048xf32>
    %get3A_335 = vector.shape_cast %get3A_334 : vector<1x100x2048xf32> to vector<100x2048xf32>
    %dot_general3A_336 = arith.constant dense<0.000000e+00> : vector<248x2048xf32>
    %dot_general3A_337 = tpu.matmul %add3A_330, %get3A_335, %dot_general3A_336 {dimension_numbers = #tpu.dot_dimension_numbers<[1], [0], [0], [1], [0, 0, 1, 1], [], []>, transpose_lhs_hint = false} : vector<248x100xf32>, vector<100x2048xf32>, vector<248x2048xf32> -> vector<248x2048xf32>
    %add3A_338 = arith.addf %add3A_308, %dot_general3A_337 : vector<248x2048xf32>
    %slice3A_339 = vector.extract_strided_slice %convert_element_type3A {offsets = [0, 11], sizes = [248, 1], strides = [1, 1]} : vector<248x26xi32> to vector<248x1xi32>
    %eq3A_340 = vector.broadcast %slice3A_339 : vector<248x1xi32> to vector<248x100xi32>
    %eq3A_341 = arith.cmpi eq, %iota3A, %eq3A_340 : vector<248x100xi32>
    %slice3A_342 = vector.extract_strided_slice %sub3A {offsets = [0, 11], sizes = [248, 1], strides = [1, 1]} : vector<248x26xf32> to vector<248x1xf32>
    %sub3A_343 = arith.constant 1.000000e+00 : f32
    %sub3A_344 = vector.broadcast %sub3A_343 : f32 to vector<248x1xf32>
    %sub3A_345 = arith.subf %sub3A_344, %slice3A_342 : vector<248x1xf32>
    %jit3A_346 = arith.constant 0.000000e+00 : f32
    %broadcast_in_dim3A_347 = vector.shape_cast %sub3A_345 : vector<248x1xf32> to vector<248x1xf32>
    %broadcast_in_dim3A_348 = vector.broadcast %broadcast_in_dim3A_347 : vector<248x1xf32> to vector<248x100xf32>
    %broadcast_in_dim3A_349 = vector.broadcast %jit3A_346 : f32 to vector<248x100xf32>
    %select_n3A_350 = arith.select %eq3A_341, %broadcast_in_dim3A_348, %broadcast_in_dim3A_349 : vector<248x100xi1>, vector<248x100xf32>
    %slice3A_351 = vector.extract_strided_slice %min3A_11 {offsets = [0, 11], sizes = [248, 1], strides = [1, 1]} : vector<248x26xi32> to vector<248x1xi32>
    %eq3A_352 = vector.broadcast %slice3A_351 : vector<248x1xi32> to vector<248x100xi32>
    %eq3A_353 = arith.cmpi eq, %iota3A, %eq3A_352 : vector<248x100xi32>
    %slice3A_354 = vector.extract_strided_slice %sub3A {offsets = [0, 11], sizes = [248, 1], strides = [1, 1]} : vector<248x26xf32> to vector<248x1xf32>
    %jit3A_355 = arith.constant 0.000000e+00 : f32
    %broadcast_in_dim3A_356 = vector.shape_cast %slice3A_354 : vector<248x1xf32> to vector<248x1xf32>
    %broadcast_in_dim3A_357 = vector.broadcast %broadcast_in_dim3A_356 : vector<248x1xf32> to vector<248x100xf32>
    %broadcast_in_dim3A_358 = vector.broadcast %jit3A_355 : f32 to vector<248x100xf32>
    %select_n3A_359 = arith.select %eq3A_353, %broadcast_in_dim3A_357, %broadcast_in_dim3A_358 : vector<248x100xi1>, vector<248x100xf32>
    %add3A_360 = arith.addf %select_n3A_350, %select_n3A_359 : vector<248x100xf32>
    %get3A_361 = arith.constant 11 : index
    %get3A_362 = arith.constant 0 : index
    %get3A_363 = arith.constant 0 : index
    %get3A_364 = vector.load %arg2[%get3A_361, %get3A_362, %get3A_363] : memref<26x100x2048xf32, #tpu.memory_space<vmem>>, vector<1x100x2048xf32>
    %get3A_365 = vector.shape_cast %get3A_364 : vector<1x100x2048xf32> to vector<100x2048xf32>
    %dot_general3A_366 = arith.constant dense<0.000000e+00> : vector<248x2048xf32>
    %dot_general3A_367 = tpu.matmul %add3A_360, %get3A_365, %dot_general3A_366 {dimension_numbers = #tpu.dot_dimension_numbers<[1], [0], [0], [1], [0, 0, 1, 1], [], []>, transpose_lhs_hint = false} : vector<248x100xf32>, vector<100x2048xf32>, vector<248x2048xf32> -> vector<248x2048xf32>
    %add3A_368 = arith.addf %add3A_338, %dot_general3A_367 : vector<248x2048xf32>
    %slice3A_369 = vector.extract_strided_slice %convert_element_type3A {offsets = [0, 12], sizes = [248, 1], strides = [1, 1]} : vector<248x26xi32> to vector<248x1xi32>
    %eq3A_370 = vector.broadcast %slice3A_369 : vector<248x1xi32> to vector<248x100xi32>
    %eq3A_371 = arith.cmpi eq, %iota3A, %eq3A_370 : vector<248x100xi32>
    %slice3A_372 = vector.extract_strided_slice %sub3A {offsets = [0, 12], sizes = [248, 1], strides = [1, 1]} : vector<248x26xf32> to vector<248x1xf32>
    %sub3A_373 = arith.constant 1.000000e+00 : f32
    %sub3A_374 = vector.broadcast %sub3A_373 : f32 to vector<248x1xf32>
    %sub3A_375 = arith.subf %sub3A_374, %slice3A_372 : vector<248x1xf32>
    %jit3A_376 = arith.constant 0.000000e+00 : f32
    %broadcast_in_dim3A_377 = vector.shape_cast %sub3A_375 : vector<248x1xf32> to vector<248x1xf32>
    %broadcast_in_dim3A_378 = vector.broadcast %broadcast_in_dim3A_377 : vector<248x1xf32> to vector<248x100xf32>
    %broadcast_in_dim3A_379 = vector.broadcast %jit3A_376 : f32 to vector<248x100xf32>
    %select_n3A_380 = arith.select %eq3A_371, %broadcast_in_dim3A_378, %broadcast_in_dim3A_379 : vector<248x100xi1>, vector<248x100xf32>
    %slice3A_381 = vector.extract_strided_slice %min3A_11 {offsets = [0, 12], sizes = [248, 1], strides = [1, 1]} : vector<248x26xi32> to vector<248x1xi32>
    %eq3A_382 = vector.broadcast %slice3A_381 : vector<248x1xi32> to vector<248x100xi32>
    %eq3A_383 = arith.cmpi eq, %iota3A, %eq3A_382 : vector<248x100xi32>
    %slice3A_384 = vector.extract_strided_slice %sub3A {offsets = [0, 12], sizes = [248, 1], strides = [1, 1]} : vector<248x26xf32> to vector<248x1xf32>
    %jit3A_385 = arith.constant 0.000000e+00 : f32
    %broadcast_in_dim3A_386 = vector.shape_cast %slice3A_384 : vector<248x1xf32> to vector<248x1xf32>
    %broadcast_in_dim3A_387 = vector.broadcast %broadcast_in_dim3A_386 : vector<248x1xf32> to vector<248x100xf32>
    %broadcast_in_dim3A_388 = vector.broadcast %jit3A_385 : f32 to vector<248x100xf32>
    %select_n3A_389 = arith.select %eq3A_383, %broadcast_in_dim3A_387, %broadcast_in_dim3A_388 : vector<248x100xi1>, vector<248x100xf32>
    %add3A_390 = arith.addf %select_n3A_380, %select_n3A_389 : vector<248x100xf32>
    %get3A_391 = arith.constant 12 : index
    %get3A_392 = arith.constant 0 : index
    %get3A_393 = arith.constant 0 : index
    %get3A_394 = vector.load %arg2[%get3A_391, %get3A_392, %get3A_393] : memref<26x100x2048xf32, #tpu.memory_space<vmem>>, vector<1x100x2048xf32>
    %get3A_395 = vector.shape_cast %get3A_394 : vector<1x100x2048xf32> to vector<100x2048xf32>
    %dot_general3A_396 = arith.constant dense<0.000000e+00> : vector<248x2048xf32>
    %dot_general3A_397 = tpu.matmul %add3A_390, %get3A_395, %dot_general3A_396 {dimension_numbers = #tpu.dot_dimension_numbers<[1], [0], [0], [1], [0, 0, 1, 1], [], []>, transpose_lhs_hint = false} : vector<248x100xf32>, vector<100x2048xf32>, vector<248x2048xf32> -> vector<248x2048xf32>
    %add3A_398 = arith.addf %add3A_368, %dot_general3A_397 : vector<248x2048xf32>
    %slice3A_399 = vector.extract_strided_slice %convert_element_type3A {offsets = [0, 13], sizes = [248, 1], strides = [1, 1]} : vector<248x26xi32> to vector<248x1xi32>
    %eq3A_400 = vector.broadcast %slice3A_399 : vector<248x1xi32> to vector<248x100xi32>
    %eq3A_401 = arith.cmpi eq, %iota3A, %eq3A_400 : vector<248x100xi32>
    %slice3A_402 = vector.extract_strided_slice %sub3A {offsets = [0, 13], sizes = [248, 1], strides = [1, 1]} : vector<248x26xf32> to vector<248x1xf32>
    %sub3A_403 = arith.constant 1.000000e+00 : f32
    %sub3A_404 = vector.broadcast %sub3A_403 : f32 to vector<248x1xf32>
    %sub3A_405 = arith.subf %sub3A_404, %slice3A_402 : vector<248x1xf32>
    %jit3A_406 = arith.constant 0.000000e+00 : f32
    %broadcast_in_dim3A_407 = vector.shape_cast %sub3A_405 : vector<248x1xf32> to vector<248x1xf32>
    %broadcast_in_dim3A_408 = vector.broadcast %broadcast_in_dim3A_407 : vector<248x1xf32> to vector<248x100xf32>
    %broadcast_in_dim3A_409 = vector.broadcast %jit3A_406 : f32 to vector<248x100xf32>
    %select_n3A_410 = arith.select %eq3A_401, %broadcast_in_dim3A_408, %broadcast_in_dim3A_409 : vector<248x100xi1>, vector<248x100xf32>
    %slice3A_411 = vector.extract_strided_slice %min3A_11 {offsets = [0, 13], sizes = [248, 1], strides = [1, 1]} : vector<248x26xi32> to vector<248x1xi32>
    %eq3A_412 = vector.broadcast %slice3A_411 : vector<248x1xi32> to vector<248x100xi32>
    %eq3A_413 = arith.cmpi eq, %iota3A, %eq3A_412 : vector<248x100xi32>
    %slice3A_414 = vector.extract_strided_slice %sub3A {offsets = [0, 13], sizes = [248, 1], strides = [1, 1]} : vector<248x26xf32> to vector<248x1xf32>
    %jit3A_415 = arith.constant 0.000000e+00 : f32
    %broadcast_in_dim3A_416 = vector.shape_cast %slice3A_414 : vector<248x1xf32> to vector<248x1xf32>
    %broadcast_in_dim3A_417 = vector.broadcast %broadcast_in_dim3A_416 : vector<248x1xf32> to vector<248x100xf32>
    %broadcast_in_dim3A_418 = vector.broadcast %jit3A_415 : f32 to vector<248x100xf32>
    %select_n3A_419 = arith.select %eq3A_413, %broadcast_in_dim3A_417, %broadcast_in_dim3A_418 : vector<248x100xi1>, vector<248x100xf32>
    %add3A_420 = arith.addf %select_n3A_410, %select_n3A_419 : vector<248x100xf32>
    %get3A_421 = arith.constant 13 : index
    %get3A_422 = arith.constant 0 : index
    %get3A_423 = arith.constant 0 : index
    %get3A_424 = vector.load %arg2[%get3A_421, %get3A_422, %get3A_423] : memref<26x100x2048xf32, #tpu.memory_space<vmem>>, vector<1x100x2048xf32>
    %get3A_425 = vector.shape_cast %get3A_424 : vector<1x100x2048xf32> to vector<100x2048xf32>
    %dot_general3A_426 = arith.constant dense<0.000000e+00> : vector<248x2048xf32>
    %dot_general3A_427 = tpu.matmul %add3A_420, %get3A_425, %dot_general3A_426 {dimension_numbers = #tpu.dot_dimension_numbers<[1], [0], [0], [1], [0, 0, 1, 1], [], []>, transpose_lhs_hint = false} : vector<248x100xf32>, vector<100x2048xf32>, vector<248x2048xf32> -> vector<248x2048xf32>
    %add3A_428 = arith.addf %add3A_398, %dot_general3A_427 : vector<248x2048xf32>
    %slice3A_429 = vector.extract_strided_slice %convert_element_type3A {offsets = [0, 14], sizes = [248, 1], strides = [1, 1]} : vector<248x26xi32> to vector<248x1xi32>
    %eq3A_430 = vector.broadcast %slice3A_429 : vector<248x1xi32> to vector<248x100xi32>
    %eq3A_431 = arith.cmpi eq, %iota3A, %eq3A_430 : vector<248x100xi32>
    %slice3A_432 = vector.extract_strided_slice %sub3A {offsets = [0, 14], sizes = [248, 1], strides = [1, 1]} : vector<248x26xf32> to vector<248x1xf32>
    %sub3A_433 = arith.constant 1.000000e+00 : f32
    %sub3A_434 = vector.broadcast %sub3A_433 : f32 to vector<248x1xf32>
    %sub3A_435 = arith.subf %sub3A_434, %slice3A_432 : vector<248x1xf32>
    %jit3A_436 = arith.constant 0.000000e+00 : f32
    %broadcast_in_dim3A_437 = vector.shape_cast %sub3A_435 : vector<248x1xf32> to vector<248x1xf32>
    %broadcast_in_dim3A_438 = vector.broadcast %broadcast_in_dim3A_437 : vector<248x1xf32> to vector<248x100xf32>
    %broadcast_in_dim3A_439 = vector.broadcast %jit3A_436 : f32 to vector<248x100xf32>
    %select_n3A_440 = arith.select %eq3A_431, %broadcast_in_dim3A_438, %broadcast_in_dim3A_439 : vector<248x100xi1>, vector<248x100xf32>
    %slice3A_441 = vector.extract_strided_slice %min3A_11 {offsets = [0, 14], sizes = [248, 1], strides = [1, 1]} : vector<248x26xi32> to vector<248x1xi32>
    %eq3A_442 = vector.broadcast %slice3A_441 : vector<248x1xi32> to vector<248x100xi32>
    %eq3A_443 = arith.cmpi eq, %iota3A, %eq3A_442 : vector<248x100xi32>
    %slice3A_444 = vector.extract_strided_slice %sub3A {offsets = [0, 14], sizes = [248, 1], strides = [1, 1]} : vector<248x26xf32> to vector<248x1xf32>
    %jit3A_445 = arith.constant 0.000000e+00 : f32
    %broadcast_in_dim3A_446 = vector.shape_cast %slice3A_444 : vector<248x1xf32> to vector<248x1xf32>
    %broadcast_in_dim3A_447 = vector.broadcast %broadcast_in_dim3A_446 : vector<248x1xf32> to vector<248x100xf32>
    %broadcast_in_dim3A_448 = vector.broadcast %jit3A_445 : f32 to vector<248x100xf32>
    %select_n3A_449 = arith.select %eq3A_443, %broadcast_in_dim3A_447, %broadcast_in_dim3A_448 : vector<248x100xi1>, vector<248x100xf32>
    %add3A_450 = arith.addf %select_n3A_440, %select_n3A_449 : vector<248x100xf32>
    %get3A_451 = arith.constant 14 : index
    %get3A_452 = arith.constant 0 : index
    %get3A_453 = arith.constant 0 : index
    %get3A_454 = vector.load %arg2[%get3A_451, %get3A_452, %get3A_453] : memref<26x100x2048xf32, #tpu.memory_space<vmem>>, vector<1x100x2048xf32>
    %get3A_455 = vector.shape_cast %get3A_454 : vector<1x100x2048xf32> to vector<100x2048xf32>
    %dot_general3A_456 = arith.constant dense<0.000000e+00> : vector<248x2048xf32>
    %dot_general3A_457 = tpu.matmul %add3A_450, %get3A_455, %dot_general3A_456 {dimension_numbers = #tpu.dot_dimension_numbers<[1], [0], [0], [1], [0, 0, 1, 1], [], []>, transpose_lhs_hint = false} : vector<248x100xf32>, vector<100x2048xf32>, vector<248x2048xf32> -> vector<248x2048xf32>
    %add3A_458 = arith.addf %add3A_428, %dot_general3A_457 : vector<248x2048xf32>
    %slice3A_459 = vector.extract_strided_slice %convert_element_type3A {offsets = [0, 15], sizes = [248, 1], strides = [1, 1]} : vector<248x26xi32> to vector<248x1xi32>
    %eq3A_460 = vector.broadcast %slice3A_459 : vector<248x1xi32> to vector<248x100xi32>
    %eq3A_461 = arith.cmpi eq, %iota3A, %eq3A_460 : vector<248x100xi32>
    %slice3A_462 = vector.extract_strided_slice %sub3A {offsets = [0, 15], sizes = [248, 1], strides = [1, 1]} : vector<248x26xf32> to vector<248x1xf32>
    %sub3A_463 = arith.constant 1.000000e+00 : f32
    %sub3A_464 = vector.broadcast %sub3A_463 : f32 to vector<248x1xf32>
    %sub3A_465 = arith.subf %sub3A_464, %slice3A_462 : vector<248x1xf32>
    %jit3A_466 = arith.constant 0.000000e+00 : f32
    %broadcast_in_dim3A_467 = vector.shape_cast %sub3A_465 : vector<248x1xf32> to vector<248x1xf32>
    %broadcast_in_dim3A_468 = vector.broadcast %broadcast_in_dim3A_467 : vector<248x1xf32> to vector<248x100xf32>
    %broadcast_in_dim3A_469 = vector.broadcast %jit3A_466 : f32 to vector<248x100xf32>
    %select_n3A_470 = arith.select %eq3A_461, %broadcast_in_dim3A_468, %broadcast_in_dim3A_469 : vector<248x100xi1>, vector<248x100xf32>
    %slice3A_471 = vector.extract_strided_slice %min3A_11 {offsets = [0, 15], sizes = [248, 1], strides = [1, 1]} : vector<248x26xi32> to vector<248x1xi32>
    %eq3A_472 = vector.broadcast %slice3A_471 : vector<248x1xi32> to vector<248x100xi32>
    %eq3A_473 = arith.cmpi eq, %iota3A, %eq3A_472 : vector<248x100xi32>
    %slice3A_474 = vector.extract_strided_slice %sub3A {offsets = [0, 15], sizes = [248, 1], strides = [1, 1]} : vector<248x26xf32> to vector<248x1xf32>
    %jit3A_475 = arith.constant 0.000000e+00 : f32
    %broadcast_in_dim3A_476 = vector.shape_cast %slice3A_474 : vector<248x1xf32> to vector<248x1xf32>
    %broadcast_in_dim3A_477 = vector.broadcast %broadcast_in_dim3A_476 : vector<248x1xf32> to vector<248x100xf32>
    %broadcast_in_dim3A_478 = vector.broadcast %jit3A_475 : f32 to vector<248x100xf32>
    %select_n3A_479 = arith.select %eq3A_473, %broadcast_in_dim3A_477, %broadcast_in_dim3A_478 : vector<248x100xi1>, vector<248x100xf32>
    %add3A_480 = arith.addf %select_n3A_470, %select_n3A_479 : vector<248x100xf32>
    %get3A_481 = arith.constant 15 : index
    %get3A_482 = arith.constant 0 : index
    %get3A_483 = arith.constant 0 : index
    %get3A_484 = vector.load %arg2[%get3A_481, %get3A_482, %get3A_483] : memref<26x100x2048xf32, #tpu.memory_space<vmem>>, vector<1x100x2048xf32>
    %get3A_485 = vector.shape_cast %get3A_484 : vector<1x100x2048xf32> to vector<100x2048xf32>
    %dot_general3A_486 = arith.constant dense<0.000000e+00> : vector<248x2048xf32>
    %dot_general3A_487 = tpu.matmul %add3A_480, %get3A_485, %dot_general3A_486 {dimension_numbers = #tpu.dot_dimension_numbers<[1], [0], [0], [1], [0, 0, 1, 1], [], []>, transpose_lhs_hint = false} : vector<248x100xf32>, vector<100x2048xf32>, vector<248x2048xf32> -> vector<248x2048xf32>
    %add3A_488 = arith.addf %add3A_458, %dot_general3A_487 : vector<248x2048xf32>
    %slice3A_489 = vector.extract_strided_slice %convert_element_type3A {offsets = [0, 16], sizes = [248, 1], strides = [1, 1]} : vector<248x26xi32> to vector<248x1xi32>
    %eq3A_490 = vector.broadcast %slice3A_489 : vector<248x1xi32> to vector<248x100xi32>
    %eq3A_491 = arith.cmpi eq, %iota3A, %eq3A_490 : vector<248x100xi32>
    %slice3A_492 = vector.extract_strided_slice %sub3A {offsets = [0, 16], sizes = [248, 1], strides = [1, 1]} : vector<248x26xf32> to vector<248x1xf32>
    %sub3A_493 = arith.constant 1.000000e+00 : f32
    %sub3A_494 = vector.broadcast %sub3A_493 : f32 to vector<248x1xf32>
    %sub3A_495 = arith.subf %sub3A_494, %slice3A_492 : vector<248x1xf32>
    %jit3A_496 = arith.constant 0.000000e+00 : f32
    %broadcast_in_dim3A_497 = vector.shape_cast %sub3A_495 : vector<248x1xf32> to vector<248x1xf32>
    %broadcast_in_dim3A_498 = vector.broadcast %broadcast_in_dim3A_497 : vector<248x1xf32> to vector<248x100xf32>
    %broadcast_in_dim3A_499 = vector.broadcast %jit3A_496 : f32 to vector<248x100xf32>
    %select_n3A_500 = arith.select %eq3A_491, %broadcast_in_dim3A_498, %broadcast_in_dim3A_499 : vector<248x100xi1>, vector<248x100xf32>
    %slice3A_501 = vector.extract_strided_slice %min3A_11 {offsets = [0, 16], sizes = [248, 1], strides = [1, 1]} : vector<248x26xi32> to vector<248x1xi32>
    %eq3A_502 = vector.broadcast %slice3A_501 : vector<248x1xi32> to vector<248x100xi32>
    %eq3A_503 = arith.cmpi eq, %iota3A, %eq3A_502 : vector<248x100xi32>
    %slice3A_504 = vector.extract_strided_slice %sub3A {offsets = [0, 16], sizes = [248, 1], strides = [1, 1]} : vector<248x26xf32> to vector<248x1xf32>
    %jit3A_505 = arith.constant 0.000000e+00 : f32
    %broadcast_in_dim3A_506 = vector.shape_cast %slice3A_504 : vector<248x1xf32> to vector<248x1xf32>
    %broadcast_in_dim3A_507 = vector.broadcast %broadcast_in_dim3A_506 : vector<248x1xf32> to vector<248x100xf32>
    %broadcast_in_dim3A_508 = vector.broadcast %jit3A_505 : f32 to vector<248x100xf32>
    %select_n3A_509 = arith.select %eq3A_503, %broadcast_in_dim3A_507, %broadcast_in_dim3A_508 : vector<248x100xi1>, vector<248x100xf32>
    %add3A_510 = arith.addf %select_n3A_500, %select_n3A_509 : vector<248x100xf32>
    %get3A_511 = arith.constant 16 : index
    %get3A_512 = arith.constant 0 : index
    %get3A_513 = arith.constant 0 : index
    %get3A_514 = vector.load %arg2[%get3A_511, %get3A_512, %get3A_513] : memref<26x100x2048xf32, #tpu.memory_space<vmem>>, vector<1x100x2048xf32>
    %get3A_515 = vector.shape_cast %get3A_514 : vector<1x100x2048xf32> to vector<100x2048xf32>
    %dot_general3A_516 = arith.constant dense<0.000000e+00> : vector<248x2048xf32>
    %dot_general3A_517 = tpu.matmul %add3A_510, %get3A_515, %dot_general3A_516 {dimension_numbers = #tpu.dot_dimension_numbers<[1], [0], [0], [1], [0, 0, 1, 1], [], []>, transpose_lhs_hint = false} : vector<248x100xf32>, vector<100x2048xf32>, vector<248x2048xf32> -> vector<248x2048xf32>
    %add3A_518 = arith.addf %add3A_488, %dot_general3A_517 : vector<248x2048xf32>
    %slice3A_519 = vector.extract_strided_slice %convert_element_type3A {offsets = [0, 17], sizes = [248, 1], strides = [1, 1]} : vector<248x26xi32> to vector<248x1xi32>
    %eq3A_520 = vector.broadcast %slice3A_519 : vector<248x1xi32> to vector<248x100xi32>
    %eq3A_521 = arith.cmpi eq, %iota3A, %eq3A_520 : vector<248x100xi32>
    %slice3A_522 = vector.extract_strided_slice %sub3A {offsets = [0, 17], sizes = [248, 1], strides = [1, 1]} : vector<248x26xf32> to vector<248x1xf32>
    %sub3A_523 = arith.constant 1.000000e+00 : f32
    %sub3A_524 = vector.broadcast %sub3A_523 : f32 to vector<248x1xf32>
    %sub3A_525 = arith.subf %sub3A_524, %slice3A_522 : vector<248x1xf32>
    %jit3A_526 = arith.constant 0.000000e+00 : f32
    %broadcast_in_dim3A_527 = vector.shape_cast %sub3A_525 : vector<248x1xf32> to vector<248x1xf32>
    %broadcast_in_dim3A_528 = vector.broadcast %broadcast_in_dim3A_527 : vector<248x1xf32> to vector<248x100xf32>
    %broadcast_in_dim3A_529 = vector.broadcast %jit3A_526 : f32 to vector<248x100xf32>
    %select_n3A_530 = arith.select %eq3A_521, %broadcast_in_dim3A_528, %broadcast_in_dim3A_529 : vector<248x100xi1>, vector<248x100xf32>
    %slice3A_531 = vector.extract_strided_slice %min3A_11 {offsets = [0, 17], sizes = [248, 1], strides = [1, 1]} : vector<248x26xi32> to vector<248x1xi32>
    %eq3A_532 = vector.broadcast %slice3A_531 : vector<248x1xi32> to vector<248x100xi32>
    %eq3A_533 = arith.cmpi eq, %iota3A, %eq3A_532 : vector<248x100xi32>
    %slice3A_534 = vector.extract_strided_slice %sub3A {offsets = [0, 17], sizes = [248, 1], strides = [1, 1]} : vector<248x26xf32> to vector<248x1xf32>
    %jit3A_535 = arith.constant 0.000000e+00 : f32
    %broadcast_in_dim3A_536 = vector.shape_cast %slice3A_534 : vector<248x1xf32> to vector<248x1xf32>
    %broadcast_in_dim3A_537 = vector.broadcast %broadcast_in_dim3A_536 : vector<248x1xf32> to vector<248x100xf32>
    %broadcast_in_dim3A_538 = vector.broadcast %jit3A_535 : f32 to vector<248x100xf32>
    %select_n3A_539 = arith.select %eq3A_533, %broadcast_in_dim3A_537, %broadcast_in_dim3A_538 : vector<248x100xi1>, vector<248x100xf32>
    %add3A_540 = arith.addf %select_n3A_530, %select_n3A_539 : vector<248x100xf32>
    %get3A_541 = arith.constant 17 : index
    %get3A_542 = arith.constant 0 : index
    %get3A_543 = arith.constant 0 : index
    %get3A_544 = vector.load %arg2[%get3A_541, %get3A_542, %get3A_543] : memref<26x100x2048xf32, #tpu.memory_space<vmem>>, vector<1x100x2048xf32>
    %get3A_545 = vector.shape_cast %get3A_544 : vector<1x100x2048xf32> to vector<100x2048xf32>
    %dot_general3A_546 = arith.constant dense<0.000000e+00> : vector<248x2048xf32>
    %dot_general3A_547 = tpu.matmul %add3A_540, %get3A_545, %dot_general3A_546 {dimension_numbers = #tpu.dot_dimension_numbers<[1], [0], [0], [1], [0, 0, 1, 1], [], []>, transpose_lhs_hint = false} : vector<248x100xf32>, vector<100x2048xf32>, vector<248x2048xf32> -> vector<248x2048xf32>
    %add3A_548 = arith.addf %add3A_518, %dot_general3A_547 : vector<248x2048xf32>
    %slice3A_549 = vector.extract_strided_slice %convert_element_type3A {offsets = [0, 18], sizes = [248, 1], strides = [1, 1]} : vector<248x26xi32> to vector<248x1xi32>
    %eq3A_550 = vector.broadcast %slice3A_549 : vector<248x1xi32> to vector<248x100xi32>
    %eq3A_551 = arith.cmpi eq, %iota3A, %eq3A_550 : vector<248x100xi32>
    %slice3A_552 = vector.extract_strided_slice %sub3A {offsets = [0, 18], sizes = [248, 1], strides = [1, 1]} : vector<248x26xf32> to vector<248x1xf32>
    %sub3A_553 = arith.constant 1.000000e+00 : f32
    %sub3A_554 = vector.broadcast %sub3A_553 : f32 to vector<248x1xf32>
    %sub3A_555 = arith.subf %sub3A_554, %slice3A_552 : vector<248x1xf32>
    %jit3A_556 = arith.constant 0.000000e+00 : f32
    %broadcast_in_dim3A_557 = vector.shape_cast %sub3A_555 : vector<248x1xf32> to vector<248x1xf32>
    %broadcast_in_dim3A_558 = vector.broadcast %broadcast_in_dim3A_557 : vector<248x1xf32> to vector<248x100xf32>
    %broadcast_in_dim3A_559 = vector.broadcast %jit3A_556 : f32 to vector<248x100xf32>
    %select_n3A_560 = arith.select %eq3A_551, %broadcast_in_dim3A_558, %broadcast_in_dim3A_559 : vector<248x100xi1>, vector<248x100xf32>
    %slice3A_561 = vector.extract_strided_slice %min3A_11 {offsets = [0, 18], sizes = [248, 1], strides = [1, 1]} : vector<248x26xi32> to vector<248x1xi32>
    %eq3A_562 = vector.broadcast %slice3A_561 : vector<248x1xi32> to vector<248x100xi32>
    %eq3A_563 = arith.cmpi eq, %iota3A, %eq3A_562 : vector<248x100xi32>
    %slice3A_564 = vector.extract_strided_slice %sub3A {offsets = [0, 18], sizes = [248, 1], strides = [1, 1]} : vector<248x26xf32> to vector<248x1xf32>
    %jit3A_565 = arith.constant 0.000000e+00 : f32
    %broadcast_in_dim3A_566 = vector.shape_cast %slice3A_564 : vector<248x1xf32> to vector<248x1xf32>
    %broadcast_in_dim3A_567 = vector.broadcast %broadcast_in_dim3A_566 : vector<248x1xf32> to vector<248x100xf32>
    %broadcast_in_dim3A_568 = vector.broadcast %jit3A_565 : f32 to vector<248x100xf32>
    %select_n3A_569 = arith.select %eq3A_563, %broadcast_in_dim3A_567, %broadcast_in_dim3A_568 : vector<248x100xi1>, vector<248x100xf32>
    %add3A_570 = arith.addf %select_n3A_560, %select_n3A_569 : vector<248x100xf32>
    %get3A_571 = arith.constant 18 : index
    %get3A_572 = arith.constant 0 : index
    %get3A_573 = arith.constant 0 : index
    %get3A_574 = vector.load %arg2[%get3A_571, %get3A_572, %get3A_573] : memref<26x100x2048xf32, #tpu.memory_space<vmem>>, vector<1x100x2048xf32>
    %get3A_575 = vector.shape_cast %get3A_574 : vector<1x100x2048xf32> to vector<100x2048xf32>
    %dot_general3A_576 = arith.constant dense<0.000000e+00> : vector<248x2048xf32>
    %dot_general3A_577 = tpu.matmul %add3A_570, %get3A_575, %dot_general3A_576 {dimension_numbers = #tpu.dot_dimension_numbers<[1], [0], [0], [1], [0, 0, 1, 1], [], []>, transpose_lhs_hint = false} : vector<248x100xf32>, vector<100x2048xf32>, vector<248x2048xf32> -> vector<248x2048xf32>
    %add3A_578 = arith.addf %add3A_548, %dot_general3A_577 : vector<248x2048xf32>
    %slice3A_579 = vector.extract_strided_slice %convert_element_type3A {offsets = [0, 19], sizes = [248, 1], strides = [1, 1]} : vector<248x26xi32> to vector<248x1xi32>
    %eq3A_580 = vector.broadcast %slice3A_579 : vector<248x1xi32> to vector<248x100xi32>
    %eq3A_581 = arith.cmpi eq, %iota3A, %eq3A_580 : vector<248x100xi32>
    %slice3A_582 = vector.extract_strided_slice %sub3A {offsets = [0, 19], sizes = [248, 1], strides = [1, 1]} : vector<248x26xf32> to vector<248x1xf32>
    %sub3A_583 = arith.constant 1.000000e+00 : f32
    %sub3A_584 = vector.broadcast %sub3A_583 : f32 to vector<248x1xf32>
    %sub3A_585 = arith.subf %sub3A_584, %slice3A_582 : vector<248x1xf32>
    %jit3A_586 = arith.constant 0.000000e+00 : f32
    %broadcast_in_dim3A_587 = vector.shape_cast %sub3A_585 : vector<248x1xf32> to vector<248x1xf32>
    %broadcast_in_dim3A_588 = vector.broadcast %broadcast_in_dim3A_587 : vector<248x1xf32> to vector<248x100xf32>
    %broadcast_in_dim3A_589 = vector.broadcast %jit3A_586 : f32 to vector<248x100xf32>
    %select_n3A_590 = arith.select %eq3A_581, %broadcast_in_dim3A_588, %broadcast_in_dim3A_589 : vector<248x100xi1>, vector<248x100xf32>
    %slice3A_591 = vector.extract_strided_slice %min3A_11 {offsets = [0, 19], sizes = [248, 1], strides = [1, 1]} : vector<248x26xi32> to vector<248x1xi32>
    %eq3A_592 = vector.broadcast %slice3A_591 : vector<248x1xi32> to vector<248x100xi32>
    %eq3A_593 = arith.cmpi eq, %iota3A, %eq3A_592 : vector<248x100xi32>
    %slice3A_594 = vector.extract_strided_slice %sub3A {offsets = [0, 19], sizes = [248, 1], strides = [1, 1]} : vector<248x26xf32> to vector<248x1xf32>
    %jit3A_595 = arith.constant 0.000000e+00 : f32
    %broadcast_in_dim3A_596 = vector.shape_cast %slice3A_594 : vector<248x1xf32> to vector<248x1xf32>
    %broadcast_in_dim3A_597 = vector.broadcast %broadcast_in_dim3A_596 : vector<248x1xf32> to vector<248x100xf32>
    %broadcast_in_dim3A_598 = vector.broadcast %jit3A_595 : f32 to vector<248x100xf32>
    %select_n3A_599 = arith.select %eq3A_593, %broadcast_in_dim3A_597, %broadcast_in_dim3A_598 : vector<248x100xi1>, vector<248x100xf32>
    %add3A_600 = arith.addf %select_n3A_590, %select_n3A_599 : vector<248x100xf32>
    %get3A_601 = arith.constant 19 : index
    %get3A_602 = arith.constant 0 : index
    %get3A_603 = arith.constant 0 : index
    %get3A_604 = vector.load %arg2[%get3A_601, %get3A_602, %get3A_603] : memref<26x100x2048xf32, #tpu.memory_space<vmem>>, vector<1x100x2048xf32>
    %get3A_605 = vector.shape_cast %get3A_604 : vector<1x100x2048xf32> to vector<100x2048xf32>
    %dot_general3A_606 = arith.constant dense<0.000000e+00> : vector<248x2048xf32>
    %dot_general3A_607 = tpu.matmul %add3A_600, %get3A_605, %dot_general3A_606 {dimension_numbers = #tpu.dot_dimension_numbers<[1], [0], [0], [1], [0, 0, 1, 1], [], []>, transpose_lhs_hint = false} : vector<248x100xf32>, vector<100x2048xf32>, vector<248x2048xf32> -> vector<248x2048xf32>
    %add3A_608 = arith.addf %add3A_578, %dot_general3A_607 : vector<248x2048xf32>
    %slice3A_609 = vector.extract_strided_slice %convert_element_type3A {offsets = [0, 20], sizes = [248, 1], strides = [1, 1]} : vector<248x26xi32> to vector<248x1xi32>
    %eq3A_610 = vector.broadcast %slice3A_609 : vector<248x1xi32> to vector<248x100xi32>
    %eq3A_611 = arith.cmpi eq, %iota3A, %eq3A_610 : vector<248x100xi32>
    %slice3A_612 = vector.extract_strided_slice %sub3A {offsets = [0, 20], sizes = [248, 1], strides = [1, 1]} : vector<248x26xf32> to vector<248x1xf32>
    %sub3A_613 = arith.constant 1.000000e+00 : f32
    %sub3A_614 = vector.broadcast %sub3A_613 : f32 to vector<248x1xf32>
    %sub3A_615 = arith.subf %sub3A_614, %slice3A_612 : vector<248x1xf32>
    %jit3A_616 = arith.constant 0.000000e+00 : f32
    %broadcast_in_dim3A_617 = vector.shape_cast %sub3A_615 : vector<248x1xf32> to vector<248x1xf32>
    %broadcast_in_dim3A_618 = vector.broadcast %broadcast_in_dim3A_617 : vector<248x1xf32> to vector<248x100xf32>
    %broadcast_in_dim3A_619 = vector.broadcast %jit3A_616 : f32 to vector<248x100xf32>
    %select_n3A_620 = arith.select %eq3A_611, %broadcast_in_dim3A_618, %broadcast_in_dim3A_619 : vector<248x100xi1>, vector<248x100xf32>
    %slice3A_621 = vector.extract_strided_slice %min3A_11 {offsets = [0, 20], sizes = [248, 1], strides = [1, 1]} : vector<248x26xi32> to vector<248x1xi32>
    %eq3A_622 = vector.broadcast %slice3A_621 : vector<248x1xi32> to vector<248x100xi32>
    %eq3A_623 = arith.cmpi eq, %iota3A, %eq3A_622 : vector<248x100xi32>
    %slice3A_624 = vector.extract_strided_slice %sub3A {offsets = [0, 20], sizes = [248, 1], strides = [1, 1]} : vector<248x26xf32> to vector<248x1xf32>
    %jit3A_625 = arith.constant 0.000000e+00 : f32
    %broadcast_in_dim3A_626 = vector.shape_cast %slice3A_624 : vector<248x1xf32> to vector<248x1xf32>
    %broadcast_in_dim3A_627 = vector.broadcast %broadcast_in_dim3A_626 : vector<248x1xf32> to vector<248x100xf32>
    %broadcast_in_dim3A_628 = vector.broadcast %jit3A_625 : f32 to vector<248x100xf32>
    %select_n3A_629 = arith.select %eq3A_623, %broadcast_in_dim3A_627, %broadcast_in_dim3A_628 : vector<248x100xi1>, vector<248x100xf32>
    %add3A_630 = arith.addf %select_n3A_620, %select_n3A_629 : vector<248x100xf32>
    %get3A_631 = arith.constant 20 : index
    %get3A_632 = arith.constant 0 : index
    %get3A_633 = arith.constant 0 : index
    %get3A_634 = vector.load %arg2[%get3A_631, %get3A_632, %get3A_633] : memref<26x100x2048xf32, #tpu.memory_space<vmem>>, vector<1x100x2048xf32>
    %get3A_635 = vector.shape_cast %get3A_634 : vector<1x100x2048xf32> to vector<100x2048xf32>
    %dot_general3A_636 = arith.constant dense<0.000000e+00> : vector<248x2048xf32>
    %dot_general3A_637 = tpu.matmul %add3A_630, %get3A_635, %dot_general3A_636 {dimension_numbers = #tpu.dot_dimension_numbers<[1], [0], [0], [1], [0, 0, 1, 1], [], []>, transpose_lhs_hint = false} : vector<248x100xf32>, vector<100x2048xf32>, vector<248x2048xf32> -> vector<248x2048xf32>
    %add3A_638 = arith.addf %add3A_608, %dot_general3A_637 : vector<248x2048xf32>
    %slice3A_639 = vector.extract_strided_slice %convert_element_type3A {offsets = [0, 21], sizes = [248, 1], strides = [1, 1]} : vector<248x26xi32> to vector<248x1xi32>
    %eq3A_640 = vector.broadcast %slice3A_639 : vector<248x1xi32> to vector<248x100xi32>
    %eq3A_641 = arith.cmpi eq, %iota3A, %eq3A_640 : vector<248x100xi32>
    %slice3A_642 = vector.extract_strided_slice %sub3A {offsets = [0, 21], sizes = [248, 1], strides = [1, 1]} : vector<248x26xf32> to vector<248x1xf32>
    %sub3A_643 = arith.constant 1.000000e+00 : f32
    %sub3A_644 = vector.broadcast %sub3A_643 : f32 to vector<248x1xf32>
    %sub3A_645 = arith.subf %sub3A_644, %slice3A_642 : vector<248x1xf32>
    %jit3A_646 = arith.constant 0.000000e+00 : f32
    %broadcast_in_dim3A_647 = vector.shape_cast %sub3A_645 : vector<248x1xf32> to vector<248x1xf32>
    %broadcast_in_dim3A_648 = vector.broadcast %broadcast_in_dim3A_647 : vector<248x1xf32> to vector<248x100xf32>
    %broadcast_in_dim3A_649 = vector.broadcast %jit3A_646 : f32 to vector<248x100xf32>
    %select_n3A_650 = arith.select %eq3A_641, %broadcast_in_dim3A_648, %broadcast_in_dim3A_649 : vector<248x100xi1>, vector<248x100xf32>
    %slice3A_651 = vector.extract_strided_slice %min3A_11 {offsets = [0, 21], sizes = [248, 1], strides = [1, 1]} : vector<248x26xi32> to vector<248x1xi32>
    %eq3A_652 = vector.broadcast %slice3A_651 : vector<248x1xi32> to vector<248x100xi32>
    %eq3A_653 = arith.cmpi eq, %iota3A, %eq3A_652 : vector<248x100xi32>
    %slice3A_654 = vector.extract_strided_slice %sub3A {offsets = [0, 21], sizes = [248, 1], strides = [1, 1]} : vector<248x26xf32> to vector<248x1xf32>
    %jit3A_655 = arith.constant 0.000000e+00 : f32
    %broadcast_in_dim3A_656 = vector.shape_cast %slice3A_654 : vector<248x1xf32> to vector<248x1xf32>
    %broadcast_in_dim3A_657 = vector.broadcast %broadcast_in_dim3A_656 : vector<248x1xf32> to vector<248x100xf32>
    %broadcast_in_dim3A_658 = vector.broadcast %jit3A_655 : f32 to vector<248x100xf32>
    %select_n3A_659 = arith.select %eq3A_653, %broadcast_in_dim3A_657, %broadcast_in_dim3A_658 : vector<248x100xi1>, vector<248x100xf32>
    %add3A_660 = arith.addf %select_n3A_650, %select_n3A_659 : vector<248x100xf32>
    %get3A_661 = arith.constant 21 : index
    %get3A_662 = arith.constant 0 : index
    %get3A_663 = arith.constant 0 : index
    %get3A_664 = vector.load %arg2[%get3A_661, %get3A_662, %get3A_663] : memref<26x100x2048xf32, #tpu.memory_space<vmem>>, vector<1x100x2048xf32>
    %get3A_665 = vector.shape_cast %get3A_664 : vector<1x100x2048xf32> to vector<100x2048xf32>
    %dot_general3A_666 = arith.constant dense<0.000000e+00> : vector<248x2048xf32>
    %dot_general3A_667 = tpu.matmul %add3A_660, %get3A_665, %dot_general3A_666 {dimension_numbers = #tpu.dot_dimension_numbers<[1], [0], [0], [1], [0, 0, 1, 1], [], []>, transpose_lhs_hint = false} : vector<248x100xf32>, vector<100x2048xf32>, vector<248x2048xf32> -> vector<248x2048xf32>
    %add3A_668 = arith.addf %add3A_638, %dot_general3A_667 : vector<248x2048xf32>
    %slice3A_669 = vector.extract_strided_slice %convert_element_type3A {offsets = [0, 22], sizes = [248, 1], strides = [1, 1]} : vector<248x26xi32> to vector<248x1xi32>
    %eq3A_670 = vector.broadcast %slice3A_669 : vector<248x1xi32> to vector<248x100xi32>
    %eq3A_671 = arith.cmpi eq, %iota3A, %eq3A_670 : vector<248x100xi32>
    %slice3A_672 = vector.extract_strided_slice %sub3A {offsets = [0, 22], sizes = [248, 1], strides = [1, 1]} : vector<248x26xf32> to vector<248x1xf32>
    %sub3A_673 = arith.constant 1.000000e+00 : f32
    %sub3A_674 = vector.broadcast %sub3A_673 : f32 to vector<248x1xf32>
    %sub3A_675 = arith.subf %sub3A_674, %slice3A_672 : vector<248x1xf32>
    %jit3A_676 = arith.constant 0.000000e+00 : f32
    %broadcast_in_dim3A_677 = vector.shape_cast %sub3A_675 : vector<248x1xf32> to vector<248x1xf32>
    %broadcast_in_dim3A_678 = vector.broadcast %broadcast_in_dim3A_677 : vector<248x1xf32> to vector<248x100xf32>
    %broadcast_in_dim3A_679 = vector.broadcast %jit3A_676 : f32 to vector<248x100xf32>
    %select_n3A_680 = arith.select %eq3A_671, %broadcast_in_dim3A_678, %broadcast_in_dim3A_679 : vector<248x100xi1>, vector<248x100xf32>
    %slice3A_681 = vector.extract_strided_slice %min3A_11 {offsets = [0, 22], sizes = [248, 1], strides = [1, 1]} : vector<248x26xi32> to vector<248x1xi32>
    %eq3A_682 = vector.broadcast %slice3A_681 : vector<248x1xi32> to vector<248x100xi32>
    %eq3A_683 = arith.cmpi eq, %iota3A, %eq3A_682 : vector<248x100xi32>
    %slice3A_684 = vector.extract_strided_slice %sub3A {offsets = [0, 22], sizes = [248, 1], strides = [1, 1]} : vector<248x26xf32> to vector<248x1xf32>
    %jit3A_685 = arith.constant 0.000000e+00 : f32
    %broadcast_in_dim3A_686 = vector.shape_cast %slice3A_684 : vector<248x1xf32> to vector<248x1xf32>
    %broadcast_in_dim3A_687 = vector.broadcast %broadcast_in_dim3A_686 : vector<248x1xf32> to vector<248x100xf32>
    %broadcast_in_dim3A_688 = vector.broadcast %jit3A_685 : f32 to vector<248x100xf32>
    %select_n3A_689 = arith.select %eq3A_683, %broadcast_in_dim3A_687, %broadcast_in_dim3A_688 : vector<248x100xi1>, vector<248x100xf32>
    %add3A_690 = arith.addf %select_n3A_680, %select_n3A_689 : vector<248x100xf32>
    %get3A_691 = arith.constant 22 : index
    %get3A_692 = arith.constant 0 : index
    %get3A_693 = arith.constant 0 : index
    %get3A_694 = vector.load %arg2[%get3A_691, %get3A_692, %get3A_693] : memref<26x100x2048xf32, #tpu.memory_space<vmem>>, vector<1x100x2048xf32>
    %get3A_695 = vector.shape_cast %get3A_694 : vector<1x100x2048xf32> to vector<100x2048xf32>
    %dot_general3A_696 = arith.constant dense<0.000000e+00> : vector<248x2048xf32>
    %dot_general3A_697 = tpu.matmul %add3A_690, %get3A_695, %dot_general3A_696 {dimension_numbers = #tpu.dot_dimension_numbers<[1], [0], [0], [1], [0, 0, 1, 1], [], []>, transpose_lhs_hint = false} : vector<248x100xf32>, vector<100x2048xf32>, vector<248x2048xf32> -> vector<248x2048xf32>
    %add3A_698 = arith.addf %add3A_668, %dot_general3A_697 : vector<248x2048xf32>
    %slice3A_699 = vector.extract_strided_slice %convert_element_type3A {offsets = [0, 23], sizes = [248, 1], strides = [1, 1]} : vector<248x26xi32> to vector<248x1xi32>
    %eq3A_700 = vector.broadcast %slice3A_699 : vector<248x1xi32> to vector<248x100xi32>
    %eq3A_701 = arith.cmpi eq, %iota3A, %eq3A_700 : vector<248x100xi32>
    %slice3A_702 = vector.extract_strided_slice %sub3A {offsets = [0, 23], sizes = [248, 1], strides = [1, 1]} : vector<248x26xf32> to vector<248x1xf32>
    %sub3A_703 = arith.constant 1.000000e+00 : f32
    %sub3A_704 = vector.broadcast %sub3A_703 : f32 to vector<248x1xf32>
    %sub3A_705 = arith.subf %sub3A_704, %slice3A_702 : vector<248x1xf32>
    %jit3A_706 = arith.constant 0.000000e+00 : f32
    %broadcast_in_dim3A_707 = vector.shape_cast %sub3A_705 : vector<248x1xf32> to vector<248x1xf32>
    %broadcast_in_dim3A_708 = vector.broadcast %broadcast_in_dim3A_707 : vector<248x1xf32> to vector<248x100xf32>
    %broadcast_in_dim3A_709 = vector.broadcast %jit3A_706 : f32 to vector<248x100xf32>
    %select_n3A_710 = arith.select %eq3A_701, %broadcast_in_dim3A_708, %broadcast_in_dim3A_709 : vector<248x100xi1>, vector<248x100xf32>
    %slice3A_711 = vector.extract_strided_slice %min3A_11 {offsets = [0, 23], sizes = [248, 1], strides = [1, 1]} : vector<248x26xi32> to vector<248x1xi32>
    %eq3A_712 = vector.broadcast %slice3A_711 : vector<248x1xi32> to vector<248x100xi32>
    %eq3A_713 = arith.cmpi eq, %iota3A, %eq3A_712 : vector<248x100xi32>
    %slice3A_714 = vector.extract_strided_slice %sub3A {offsets = [0, 23], sizes = [248, 1], strides = [1, 1]} : vector<248x26xf32> to vector<248x1xf32>
    %jit3A_715 = arith.constant 0.000000e+00 : f32
    %broadcast_in_dim3A_716 = vector.shape_cast %slice3A_714 : vector<248x1xf32> to vector<248x1xf32>
    %broadcast_in_dim3A_717 = vector.broadcast %broadcast_in_dim3A_716 : vector<248x1xf32> to vector<248x100xf32>
    %broadcast_in_dim3A_718 = vector.broadcast %jit3A_715 : f32 to vector<248x100xf32>
    %select_n3A_719 = arith.select %eq3A_713, %broadcast_in_dim3A_717, %broadcast_in_dim3A_718 : vector<248x100xi1>, vector<248x100xf32>
    %add3A_720 = arith.addf %select_n3A_710, %select_n3A_719 : vector<248x100xf32>
    %get3A_721 = arith.constant 23 : index
    %get3A_722 = arith.constant 0 : index
    %get3A_723 = arith.constant 0 : index
    %get3A_724 = vector.load %arg2[%get3A_721, %get3A_722, %get3A_723] : memref<26x100x2048xf32, #tpu.memory_space<vmem>>, vector<1x100x2048xf32>
    %get3A_725 = vector.shape_cast %get3A_724 : vector<1x100x2048xf32> to vector<100x2048xf32>
    %dot_general3A_726 = arith.constant dense<0.000000e+00> : vector<248x2048xf32>
    %dot_general3A_727 = tpu.matmul %add3A_720, %get3A_725, %dot_general3A_726 {dimension_numbers = #tpu.dot_dimension_numbers<[1], [0], [0], [1], [0, 0, 1, 1], [], []>, transpose_lhs_hint = false} : vector<248x100xf32>, vector<100x2048xf32>, vector<248x2048xf32> -> vector<248x2048xf32>
    %add3A_728 = arith.addf %add3A_698, %dot_general3A_727 : vector<248x2048xf32>
    %slice3A_729 = vector.extract_strided_slice %convert_element_type3A {offsets = [0, 24], sizes = [248, 1], strides = [1, 1]} : vector<248x26xi32> to vector<248x1xi32>
    %eq3A_730 = vector.broadcast %slice3A_729 : vector<248x1xi32> to vector<248x100xi32>
    %eq3A_731 = arith.cmpi eq, %iota3A, %eq3A_730 : vector<248x100xi32>
    %slice3A_732 = vector.extract_strided_slice %sub3A {offsets = [0, 24], sizes = [248, 1], strides = [1, 1]} : vector<248x26xf32> to vector<248x1xf32>
    %sub3A_733 = arith.constant 1.000000e+00 : f32
    %sub3A_734 = vector.broadcast %sub3A_733 : f32 to vector<248x1xf32>
    %sub3A_735 = arith.subf %sub3A_734, %slice3A_732 : vector<248x1xf32>
    %jit3A_736 = arith.constant 0.000000e+00 : f32
    %broadcast_in_dim3A_737 = vector.shape_cast %sub3A_735 : vector<248x1xf32> to vector<248x1xf32>
    %broadcast_in_dim3A_738 = vector.broadcast %broadcast_in_dim3A_737 : vector<248x1xf32> to vector<248x100xf32>
    %broadcast_in_dim3A_739 = vector.broadcast %jit3A_736 : f32 to vector<248x100xf32>
    %select_n3A_740 = arith.select %eq3A_731, %broadcast_in_dim3A_738, %broadcast_in_dim3A_739 : vector<248x100xi1>, vector<248x100xf32>
    %slice3A_741 = vector.extract_strided_slice %min3A_11 {offsets = [0, 24], sizes = [248, 1], strides = [1, 1]} : vector<248x26xi32> to vector<248x1xi32>
    %eq3A_742 = vector.broadcast %slice3A_741 : vector<248x1xi32> to vector<248x100xi32>
    %eq3A_743 = arith.cmpi eq, %iota3A, %eq3A_742 : vector<248x100xi32>
    %slice3A_744 = vector.extract_strided_slice %sub3A {offsets = [0, 24], sizes = [248, 1], strides = [1, 1]} : vector<248x26xf32> to vector<248x1xf32>
    %jit3A_745 = arith.constant 0.000000e+00 : f32
    %broadcast_in_dim3A_746 = vector.shape_cast %slice3A_744 : vector<248x1xf32> to vector<248x1xf32>
    %broadcast_in_dim3A_747 = vector.broadcast %broadcast_in_dim3A_746 : vector<248x1xf32> to vector<248x100xf32>
    %broadcast_in_dim3A_748 = vector.broadcast %jit3A_745 : f32 to vector<248x100xf32>
    %select_n3A_749 = arith.select %eq3A_743, %broadcast_in_dim3A_747, %broadcast_in_dim3A_748 : vector<248x100xi1>, vector<248x100xf32>
    %add3A_750 = arith.addf %select_n3A_740, %select_n3A_749 : vector<248x100xf32>
    %get3A_751 = arith.constant 24 : index
    %get3A_752 = arith.constant 0 : index
    %get3A_753 = arith.constant 0 : index
    %get3A_754 = vector.load %arg2[%get3A_751, %get3A_752, %get3A_753] : memref<26x100x2048xf32, #tpu.memory_space<vmem>>, vector<1x100x2048xf32>
    %get3A_755 = vector.shape_cast %get3A_754 : vector<1x100x2048xf32> to vector<100x2048xf32>
    %dot_general3A_756 = arith.constant dense<0.000000e+00> : vector<248x2048xf32>
    %dot_general3A_757 = tpu.matmul %add3A_750, %get3A_755, %dot_general3A_756 {dimension_numbers = #tpu.dot_dimension_numbers<[1], [0], [0], [1], [0, 0, 1, 1], [], []>, transpose_lhs_hint = false} : vector<248x100xf32>, vector<100x2048xf32>, vector<248x2048xf32> -> vector<248x2048xf32>
    %add3A_758 = arith.addf %add3A_728, %dot_general3A_757 : vector<248x2048xf32>
    %slice3A_759 = vector.extract_strided_slice %convert_element_type3A {offsets = [0, 25], sizes = [248, 1], strides = [1, 1]} : vector<248x26xi32> to vector<248x1xi32>
    %eq3A_760 = vector.broadcast %slice3A_759 : vector<248x1xi32> to vector<248x100xi32>
    %eq3A_761 = arith.cmpi eq, %iota3A, %eq3A_760 : vector<248x100xi32>
    %slice3A_762 = vector.extract_strided_slice %sub3A {offsets = [0, 25], sizes = [248, 1], strides = [1, 1]} : vector<248x26xf32> to vector<248x1xf32>
    %sub3A_763 = arith.constant 1.000000e+00 : f32
    %sub3A_764 = vector.broadcast %sub3A_763 : f32 to vector<248x1xf32>
    %sub3A_765 = arith.subf %sub3A_764, %slice3A_762 : vector<248x1xf32>
    %jit3A_766 = arith.constant 0.000000e+00 : f32
    %broadcast_in_dim3A_767 = vector.shape_cast %sub3A_765 : vector<248x1xf32> to vector<248x1xf32>
    %broadcast_in_dim3A_768 = vector.broadcast %broadcast_in_dim3A_767 : vector<248x1xf32> to vector<248x100xf32>
    %broadcast_in_dim3A_769 = vector.broadcast %jit3A_766 : f32 to vector<248x100xf32>
    %select_n3A_770 = arith.select %eq3A_761, %broadcast_in_dim3A_768, %broadcast_in_dim3A_769 : vector<248x100xi1>, vector<248x100xf32>
    %slice3A_771 = vector.extract_strided_slice %min3A_11 {offsets = [0, 25], sizes = [248, 1], strides = [1, 1]} : vector<248x26xi32> to vector<248x1xi32>
    %eq3A_772 = vector.broadcast %slice3A_771 : vector<248x1xi32> to vector<248x100xi32>
    %eq3A_773 = arith.cmpi eq, %iota3A, %eq3A_772 : vector<248x100xi32>
    %slice3A_774 = vector.extract_strided_slice %sub3A {offsets = [0, 25], sizes = [248, 1], strides = [1, 1]} : vector<248x26xf32> to vector<248x1xf32>
    %jit3A_775 = arith.constant 0.000000e+00 : f32
    %broadcast_in_dim3A_776 = vector.shape_cast %slice3A_774 : vector<248x1xf32> to vector<248x1xf32>
    %broadcast_in_dim3A_777 = vector.broadcast %broadcast_in_dim3A_776 : vector<248x1xf32> to vector<248x100xf32>
    %broadcast_in_dim3A_778 = vector.broadcast %jit3A_775 : f32 to vector<248x100xf32>
    %select_n3A_779 = arith.select %eq3A_773, %broadcast_in_dim3A_777, %broadcast_in_dim3A_778 : vector<248x100xi1>, vector<248x100xf32>
    %add3A_780 = arith.addf %select_n3A_770, %select_n3A_779 : vector<248x100xf32>
    %get3A_781 = arith.constant 25 : index
    %get3A_782 = arith.constant 0 : index
    %get3A_783 = arith.constant 0 : index
    %get3A_784 = vector.load %arg2[%get3A_781, %get3A_782, %get3A_783] : memref<26x100x2048xf32, #tpu.memory_space<vmem>>, vector<1x100x2048xf32>
    %get3A_785 = vector.shape_cast %get3A_784 : vector<1x100x2048xf32> to vector<100x2048xf32>
    %dot_general3A_786 = arith.constant dense<0.000000e+00> : vector<248x2048xf32>
    %dot_general3A_787 = tpu.matmul %add3A_780, %get3A_785, %dot_general3A_786 {dimension_numbers = #tpu.dot_dimension_numbers<[1], [0], [0], [1], [0, 0, 1, 1], [], []>, transpose_lhs_hint = false} : vector<248x100xf32>, vector<100x2048xf32>, vector<248x2048xf32> -> vector<248x2048xf32>
    %add3A_788 = arith.addf %add3A_758, %dot_general3A_787 : vector<248x2048xf32>
    %mul3A_789 = arith.mulf %add3A_788, %add3A_788 : vector<248x2048xf32>
    %reduce_sum3A = arith.constant dense<0.000000e+00> : vector<248xf32>
    %reduce_sum3A_790 = vector.multi_reduction <add>, %mul3A_789, %reduce_sum3A [1] : vector<248x2048xf32> to vector<248xf32>
    %broadcast_in_dim3A_791 = vector.shape_cast %reduce_sum3A_790 : vector<248xf32> to vector<248x1xf32>
    %sqrt3A = math.sqrt %broadcast_in_dim3A_791 : vector<248x1xf32>
    %div3A = vector.broadcast %sqrt3A : vector<248x1xf32> to vector<248x2048xf32>
    %div3A_792 = arith.divf %add3A_788, %div3A : vector<248x2048xf32>
    %swap3A = arith.constant 0 : index
    %swap3A_793 = arith.constant 0 : index
    %swap3A_794 = vector.load %arg3[%swap3A, %swap3A_793] : memref<248x2048xf32, #tpu.memory_space<vmem>>, vector<248x2048xf32>
    tpu.vector_store %arg3[%swap3A, %swap3A_793], %div3A_792 {strides = array<i32>} : memref<248x2048xf32, #tpu.memory_space<vmem>>, vector<248x2048xf32>,
    return
  }
  func.func @transform_0(%arg0: i32) -> (i32, i32) {
    %c0_i32 = arith.constant 0 : i32
    %c0_i32_0 = arith.constant 0 : i32
    return %arg0, %c0_i32 : i32, i32
  }
  func.func @transform_1(%arg0: i32) -> (i32, i32, i32) {
    %c0_i32 = arith.constant 0 : i32
    %c0_i32_0 = arith.constant 0 : i32
    %c0_i32_1 = arith.constant 0 : i32
    %c0_i32_2 = arith.constant 0 : i32
    return %c0_i32, %c0_i32_0, %c0_i32_1 : i32, i32, i32
  }
  func.func @transform_2(%arg0: i32) -> (i32, i32) {
    %c0_i32 = arith.constant 0 : i32
    %c0_i32_0 = arith.constant 0 : i32
    return %arg0, %c0_i32 : i32, i32
  }
}

</mosaic_0001>

<sc_bundles>
// kernel: kernel.4.cloned.1.call-start
scs
__scs_entry_jumppad:
0x0: {  	(pc) =	sbr.rel $0x88, $3  }
0x1: {  	(tag) =	ssettag $0x0;
	lr =	simm.s32 $0x1  }
0x2: {  	[smem:$0x3F9F] =	sst lr;
	_ =	strace $0xD0000000  }
0x3: {  	_ = 	snop  }
0x4: {  	_ = 	snop  }
0x5: {  	_ = 	snop  }
0x6: {  	_ = 	snop  }
0x7: {  	_ = 	snop  }
__scs_overlays_trampoline_lowered:
0x8: {  	[smem:$0x3FAE] =	sst s0  }
0x9: {  	[smem:$0x3FAF] =	sst s1  }
0xa: {  	[smem:$0x3FB0] =	sst s2  }
0xb: {  	[smem:$0x3FB1] =	sst s3  }
0xc: {  	[smem:$0x3FB2] =	sst s4  }
0xd: {  	[smem:$0x3FB3] =	sst s5  }
0xe: {  	[smem:$0x3FB4] =	sst s6  }
0xf: {  	[smem:$0x3FB5] =	sst s7  }
0x10: {  	[smem:$0x3FB6] =	sst s8  }
0x11: {  	[smem:$0x3FB7] =	sst s9;
	s0 =	simm.s32 @!p0 $0x0  }
0x12: {  	s1 =	sld [smem:$0x3F9D];
	s0 =	simm.s32 @p0 $0x1  }
0x13: {  	[smem:$0x3FB8] =	sst s0;
	s0 =	simm.s32 @!p1 $0x0  }
0x14: {  	s2 =	sld [smem:$0x3F9C];
	s0 =	simm.s32 @p1 $0x1  }
0x15: {  	[smem:$0x3FB9] =	sst s0;
	s0 =	simm.s32 @!p2 $0x0  }
0x16: {  	s3 =	sld [smem:$0x3FDB];
	s0 =	simm.s32 @p2 $0x1  }
0x17: {  	s4 =	simm.s32 $0x1BF5;
	[smem:$0x3FBB] =	sst s0  }
0x18: {  	s0 =	sld [smem:$0x3F9E];
	_ =	swait.ge [sflag:s4], $0x0  }
0x19: {  	s7 =	sld [smem:$0x3F9F]  }
0x1a: {  	s8 =	sadd.s32 $0xFFFFE003, lr  }
0x1b: {  	s9 =	sadd.s32 $0xFFFFFEF7, lr;
	s5 =	simm.s32 $0xFFFFFFFF;
	p2 =	slt.u32 s8, $0xFFFFF086  }
0x1c: {  	p1 =	slt.u32 s9, $0xF7A;
	s5 =	simm.s32 @!p2 $0x0  }
0x1d: {  	s5 =	simm.s32 @p1 $0x1;
	p0 =	seq.s32 s7, s2  }
0x1e: {  	s7 =	smul.u32 @!p0 $0xF7A, s2;
	p2 =	seq.s32 @!p0 s5, $0x0  }
0x1f: {  	s9 =	smul.u32 $0xF7A, s1;
	s8 =	simm.s32 @!p0 $0x1BF5;
	p2 =	por !p2, p0  }
0x20: {  	[sflag:s8] =	ssyncset.s32 @!p0 $0xFFFFF086;
	s6 =	sadd.s32 @!p0 s3, s7;
	s7 =	simm.s32 @!p0 $0x108  }
0x21: {  	s3 =	sadd.s32 s3, s9;
	s6 =	sadd.s32 @!p0 $0x88, s6;
	s7 =	simm.s32 @p2 $0x1082  }
0x22: {  	[simem:s7], [sflag:s8] =	dma.local @!p0 [hbm:s6], $0xF7A  }
0x23: {  	s9 =	sor.u32 $0xD0000000, s2;
	s6 =	simm.s32 $0x108;
	_ =	swait.ge @!p0 [sflag:s8], $0x0  }
0x24: {  	s3 =	sadd.s32 $0x88, s3;
	s6 =	simm.s32 @!p1 $0x1082;
	[sflag:s4] =	ssyncset.s32 $0xFFFFF086  }
0x25: {  	[simem:s6], [sflag:s4] =	dma.local [hbm:s3], $0xF7A  }
0x26: {  	[smem:$0x3F9F] =	sst s1;
	(tag) =	ssettag s2;
	_ =	strace s9  }
0x27: {  	s1 =	sld [smem:$0x3FAF]  }
0x28: {  	s2 =	sld [smem:$0x3FB0]  }
0x29: {  	s4 =	sld [smem:$0x3FB2]  }
0x2a: {  	p0 =	seq.s32 s5, $0x0;
	s5 =	sld [smem:$0x3FB3]  }
0x2b: {  	s6 =	sld [smem:$0x3FB4]  }
0x2c: {  	s7 =	sld [smem:$0x3FB5]  }
0x2d: {  	s3 =	simm.s32 $0x108;
	s8 =	sld [smem:$0x3FB6]  }
0x2e: {  	s3 =	simm.s32 @!p0 $0x1082;
	s9 =	sld [smem:$0x3FB7]  }
0x2f: {  	lr =	sadd.s32 s0, s3;
	s0 =	sld [smem:$0x3FAE]  }
0x30: {  	s3 =	sld [smem:$0x3FB1]  }
0x31: {  	[smem:$0x3FBA] =	sst s10  }
0x32: {  	s10 =	sld [smem:$0x3FB8];
	_ =	sdelay $0x3  }
0x33: {  	p0 =	seq.s32 s10, $0x1;
	s10 =	sld [smem:$0x3FBA];
	_ =	sdelay $0x3  }
0x34: {  	[smem:$0x3FBA] =	sst s10  }
0x35: {  	s10 =	sld [smem:$0x3FB9];
	_ =	sdelay $0x3  }
0x36: {  	p1 =	seq.s32 s10, $0x1;
	s10 =	sld [smem:$0x3FBA];
	_ =	sdelay $0x3  }
0x37: {  	[smem:$0x3FBA] =	sst s10  }
0x38: {  	s10 =	sld [smem:$0x3FBB]  }
0x39: {  	_ = 	snop;
	(pc) =	sbr.ind lr, $3  }
0x3a: {  	_ = 	snop  }
0x3b: {  	_ = 	snop  }
0x3c: {  	p2 =	seq.s32 s10, $0x1;
	s10 =	sld [smem:$0x3FBA]  }
0x3d: {  	_ =	shalt  }
0x3e: {  	_ =	shalt  }
0x3f: {  	_ =	shalt  }
0x40: {  	_ =	shalt  }
0x41: {  	_ =	shalt  }
0x42: {  	_ =	shalt  }
0x43: {  	_ =	shalt  }
0x44: {  	_ =	shalt  }
0x45: {  	_ =	shalt  }
0x46: {  	_ =	shalt  }
0x47: {  	_ =	shalt  }
0x48: {  	_ =	shalt  }
0x49: {  	_ =	shalt  }
0x4a: {  	_ =	shalt  }
0x4b: {  	_ =	shalt  }
0x4c: {  	_ =	shalt  }
0x4d: {  	_ =	shalt  }
0x4e: {  	_ =	shalt  }
0x4f: {  	_ =	shalt  }
0x50: {  	_ =	shalt  }
0x51: {  	_ =	shalt  }
0x52: {  	_ =	shalt  }
0x53: {  	_ =	shalt  }
0x54: {  	_ =	shalt  }
0x55: {  	_ =	shalt  }
0x56: {  	_ =	shalt  }
0x57: {  	_ =	shalt  }
0x58: {  	_ =	shalt  }
0x59: {  	_ =	shalt  }
0x5a: {  	_ =	shalt  }
0x5b: {  	_ =	shalt  }
0x5c: {  	_ =	shalt  }
0x5d: {  	_ =	shalt  }
0x5e: {  	_ =	shalt  }
0x5f: {  	_ =	shalt  }
0x60: {  	_ =	shalt  }
0x61: {  	_ =	shalt  }
0x62: {  	_ =	shalt  }
0x63: {  	_ =	shalt  }
0x64: {  	_ =	shalt  }
0x65: {  	_ =	shalt  }
0x66: {  	_ =	shalt  }
0x67: {  	_ =	shalt  }
0x68: {  	_ =	shalt  }
0x69: {  	_ =	shalt  }
0x6a: {  	_ =	shalt  }
0x6b: {  	_ =	shalt  }
0x6c: {  	_ =	shalt  }
0x6d: {  	_ =	shalt  }
0x6e: {  	_ =	shalt  }
0x6f: {  	_ =	shalt  }
0x70: {  	_ =	shalt  }
0x71: {  	_ =	shalt  }
0x72: {  	_ =	shalt  }
0x73: {  	_ =	shalt  }
0x74: {  	_ =	shalt  }
0x75: {  	_ =	shalt  }
0x76: {  	_ =	shalt  }
0x77: {  	_ =	shalt  }
0x78: {  	_ =	shalt  }
0x79: {  	_ =	shalt  }
0x7a: {  	_ =	shalt  }
0x7b: {  	_ =	shalt  }
0x7c: {  	_ =	shalt  }
0x7d: {  	_ =	shalt  }
0x7e: {  	_ =	shalt  }
0x7f: {  	_ =	shalt  }
0x80: {  	_ =	shalt  }
0x81: {  	_ =	shalt  }
0x82: {  	_ =	shalt  }
0x83: {  	_ =	shalt  }
0x84: {  	_ =	shalt  }
0x85: {  	_ =	shalt  }
0x86: {  	_ =	shalt  }
0x87: {  	_ =	shalt  }
.Lfunc_end0:
.L_simem_size_0:
called_computation_lowered:
.L_overlay_start_0:
0x88: {  	s2 =	sld [smem:$0x3FD9]  }
0x89: {  	s3 =	sld [smem:$0x3FFE];
	_ =	sdelay $0x1  }
0x8a: {  	s1 =	srdreg.scid  }
0x8b: {  	s0 =	sand.u32 $0x1, s1  }
0x8c: {  	s16 =	sshll.u32 s0, $0xA;
	s2 =	sadd.s32 s3, s2  }
0x8d: {  	s2 =	sadd.s32 s2, s16  }
0x8e: {  	[smem:$0x3FC6] =	sst s2  }
0x8f: {  	_ = 	snop  }
0x90: {  	(tm) =	ssettm $0x1  }
0x91: {  	s17 =	sld [smem:$0x3FFB];
	_ =	sdelay $0x3  }
0x92: {  	_ =	strace s17  }
0x93: {  	s2 =	sld [smem:$0x3FFC];
	_ =	sdelay $0x3  }
0x94: {  	_ =	strace s2  }
0x95: {  	s2 =	sld [smem:$0x3FFD];
	_ =	sdelay $0x3  }
0x96: {  	_ =	strace s2  }
0x97: {  	_ =	strace $0x8FFFFFFF  }
0x98: {  	s18 =	sld [smem:$0x3FDB];
	_ =	sdelay $0x1  }
0x99: {  	s19 =	simm.s32 $_scs_section_size  }
0x9a: {  	s4 =	simm.s32 $_size__tile_overlayer_lowered;
	s5 =	simm.s32 $_tile_overlayer_lowered  }
0x9b: {  	s22 =	simm.s32 $0x1BFF;
	s21 =	sshll.u32 s5, $0x1;
	s2 =	sadd.s32 s19, s18  }
0x9c: {  	s6 =	simm.s32 $0x0;
	s20 =	sshll.u32 s4, $0x1;
	s4 =	sadd.s32 s21, s2  }
0x9d: {  	[timem:s6], [sflag:s22] =	dma.local [hbm:s4], s20  }
0x9e: {  	_ =	swait.ge [sflag:s22], s20  }
0x9f: {  	s3 =	ssub.s32 $0x0, s20;
	[sflag:s22] =	ssyncset.done $0x0  }
0xa0: {  	[sflag:s22] =	ssyncadd.s32 s3;
	_ =	sdelay $0x1  }
0xa1: {  	s23 =	simm.s32 $0x1B8B  }
0xa2: {  	_ =	swait.ge [sflag:s23], $0x1  }
0xa3: {  	[sflag:s23] =	ssyncset.done $0x0  }
0xa4: {  	s25 =	simm.s32 $0x1B8E;
	s24 =	sld [smem:$0x3FFE];
	[sflag:s23] =	ssyncadd.s32 $0xFFFFFFFF  }
0xa5: {  	s26 =	simm.s32 $execute0_lowered;
	[smem:$0x3FD2] =	sst s25  }
0xa6: {  	s4 =	sshll.u32 s26, $0x1;
	_ =	strace $0x80000046;
	[dreg:$0x1] =	wrdreg $0xFFFFFFFF  }
0xa7: {  	s28 =	simm.s32 $_size_execute0_lowered;
	s2 =	sadd.s32 s2, s4;
	[dreg:$0x0] =	wrdreg $0x0  }
0xa8: {  	s4 =	sshll.u32 s28, $0x1;
	[dreg:$0x2] =	wrdreg s2  }
0xa9: {  	[dreg:$0x3] =	wrdreg s4  }
0xaa: {  	[dreg:$0x4] =	wrdreg $0xC0  }
0xab: {  	_ =	task [dreg:s6], $0x5FFFF  }
0xac: {  	[dreg:$0x1] =	wrdreg $0xFFFFFFFF  }
0xad: {  	[dreg:$0x0] =	wrdreg $0x60  }
0xae: {  	[dreg:$0x2] =	wrdreg s24  }
0xaf: {  	[dreg:$0x3] =	wrdreg $0x9  }
0xb0: {  	_ =	task.clear_ibuf [dreg:s6], $0x4FFFF;
	_ =	strace $0x90000046  }
0xb1: {  	s29 =	simm.s32 $0x9;
	_ =	strace $0x80000048  }
0xb2: {  	_ =	swait.ge [sflag:s29], $0x1  }
0xb3: {  	[sflag:s29] =	ssyncadd.s32 $0xFFFFFFFF  }
0xb4: {  	_ =	strace $0x90000048  }
0xb5: {  	_ =	sfence  }
0xb6: {  	s30 =	sld [smem:$0x0];
	_ =	sdelay $0x2  }
0xb7: {  	s31 =	sshll.u32 s1, $0xD;
	s1 =	sshrl.u32 s1, $0x2  }
0xb8: {  	s3 =	sand.u32 $0x4000, s31;
	s1 =	sadd.s32 s1, s30  }
0xb9: {  	s0 =	sor.u32 s3, s0;
	s1 =	sshll.u32 s1, $0x11  }
0xba: {  	s0 =	sor.u32 s1, s0  }
0xbb: {  	s0 =	sadd.s32 $0x8F2B, s0  }
0xbc: {  	[sflag:s0] =	ssyncadd.remote.s32 $0x1  }
0xbd: {  	_ =	sfence.sel $0xFFFF  }
0xbe: {  	[dreg:$0x0] =	wrdreg $0xFFFFFFFF;
	(pc) =	sbr.abs _section_cstart, $3  }
0xbf: {  	[dreg:$0x1] =	wrdreg $0xFFFFFFFF  }
0xc0: {  	_ =	task.clear_ibuf [dreg:s6], $0x2FFFF;
	_ =	strace $0x9FFFFFFF  }
0xc1: {  	(tm) =	ssettm $0x7FFFFFFF  }
tec
execute0_lowered:
.L_overlay_start_1:
0x0: {  	(tag) =	ssettag $0x1  }
0x1: {  	s0 =	rddreg [dreg:$0x0]  }
0x2: {  	s1 =	srdreg.scid;
	s3 =	stileid.u32;
	s5 =	simm.s32 $0x0  }
0x3: {  	v3 =	vimm.s32 $0xEFCDAB89;
	v4 =	vimm.s32 $0x67452301;
	v6 =	vimm.s32 $0xDCFE98BA;
	s1 =	sand.u32 $0x1, s1;
	s2 =	sshll.u32 s3, $0x8;
	s3 =	sshrl.u32 s3, $0x2  }
0x4: {  	v5 =	vlaneseq.u32;
	v8 =	vimm.s32 $0x54761032;
	[smem:$0x7FF] =	sst s5;
	s20 =	sadd.s32 $0x1E00, s0;
	s23 =	sadd.s32 $0x1F00, s0  }
0x5: {  	vm0 =	vmmov $0xff;
	vm1 =	vmmov $0xffff;
	v11 =	vimm.s32 $0x76543210;
	s24 =	sadd.s32 $0x2000, s0;
	_ =	strace $0x80000047;
	[smem:$0x7F3] =	sst s20  }
0x6: {  	vm2 =	vcmask $0x2720;
	s25 =	sadd.s32 $0x2100, s0;
	s26 =	sadd.s32 $0x2200, s0;
	v7 =	vunpack.c.l.s4.s8 v3;
	v4 =	vunpack.c.l.s4.s8 v4;
	[smem:$0x7F5] =	sst s23  }
0x7: {  	vm3 =	vcmask $0x700;
	s28 =	sadd.s32 $0x2300, s0;
	s29 =	sadd.s32 $0x2400, s0;
	v6 =	vunpack.c.l.s4.s8 v6;
	v8 =	vunpack.c.l.s4.s8 v8;
	[smem:$0x7F6] =	sst s24  }
0x8: {  	v9 =	vshrl.u32 v5, $0x3;
	s4 =	sshll.u32 s1, $0x7;
	s2 =	sand.u32 $0x300, s2;
	[smem:$0x7F7] =	sst s25;
	v7 =	vunpack.c.0.s8.s32 v7;
	v10 =	vunpack.c.0.s8.s32 v4  }
0x9: {  	s19 =	sshll.u32 s3, $0xA;
	s3 =	sshll.u32 s3, $0xE;
	[smem:$0x7F8] =	sst s26;
	v4 =	vmul.u32 $0x8, v9;
	v9 =	vunpack.c.0.s8.s32 v6;
	v8 =	vunpack.c.0.s8.s32 v8  }
0xa: {  	v0 =	vand.u32 $0x7, v5;
	v5 =	vor.u32 $0x8, v5;
	v11 =	vunpack.c.l.s4.s8 v11;
	s1 =	ssub.s32 $0x2, s1;
	[smem:$0x7F9] =	sst s28;
	s2 =	sor.u32 s4, s2  }
0xb: {  	[smem:$0x7FA] =	sst s29;
	s21 =	sshrl.u32 s1, $0x1;
	s4 =	sor.u32 s19, s2;
	v6 =	vcombine.low v10, v7;
	v7 =	vcombine.low v8, v9;
	v9 =	vimm.s32 $0xFEDCBA98  }
0xc: {  	s2 =	sor.u32 s3, s2;
	s1 =	ssub.s32 s1, s21;
	s4 =	sshrl.u32 s4, $0x3;
	v8 =	vimm.s32 $0xBA98FEDC;
	v10 =	vimm.s32 $0x32107654;
	v9 =	vunpack.c.l.s4.s8 v9  }
0xd: {  	vm2 =	vmor vm3, vm2;
	s2 =	sshrl.u32 s2, $0x3;
	s31 =	smax.u32 s1, $0x1;
	s4 =	sadd.s32 s4, s0;
	v8 =	vunpack.c.l.s4.s8 v8;
	v10 =	vunpack.c.l.s4.s8 v10  }
0xe: {  	vm3 =	vmmov $0x3;
	v1 =	vmul.u32 $0x64, v0;
	s2 =	sadd.s32 s2, s0;
	s0 =	sadd.s32 $0x2500, s0;
	[smem:$0x7FD] =	sst s31;
	v9 =	vunpack.c.0.s8.s32 v9  }
0xf: {  	v11 =	vunpack.c.0.s8.s32 v11;
	s22 =	sadd.s32 $0xA4600, s4;
	[smem:$0x7FB] =	sst s0;
	v8 =	vunpack.c.0.s8.s32 v8;
	v10 =	vunpack.c.0.s8.s32 v10  }
0x10: {  	v2 =	vadd.s32 $0x320, v1;
	v3 =	vadd.s32 $0x640, v1;
	s30 =	sadd.s32 $0xA4800, s2;
	[smem:$0x7F4] =	sst s22;
	v12 =	vand.u32 $0xF, v9  }
0x11: {  	s1 =	simm.s32 $0x4;
	s2 =	simm.s32 $0x0;
	[smem:$0x7FC] =	sst s30;
	v8 =	vcombine.low v10, v8;
	v9 =	vadd.s32 $0x960, v1;
	v10 =	vcombine.low v12, v11  }
.LBB2_1:
0x12: {  	s0 =	sld [smem:$0x7F4];
	_ =	sdelay $0x1  }
0x13: {  	[smem:$0x7F2] =	sst s2  }
0x14: {  	[tilespmem:s5], [sflag:$0x4] =	stream.linear.gather [hbm4b:s0+s5], $0x80, $0x38;
	[tilespmem:$0x19080] =	vst v63  }
0x15: {  	_ =	swait.ge [sflag:s1], $0x80  }
0x16: {  	[sflag:s1] =	ssyncset.done $0x0  }
0x17: {  	[sflag:s1] =	ssyncadd.s32 $0xFFFFFF80  }
0x18: {  	v11 =	vld [tilespmem:$0x0];
	_ =	sdelay $0x4  }
0x19: {  	v11 =	vmul.f32 $9.900000000e+01, v11;
	_ =	sdelay $0x1  }
0x1a: {  	v11 =	vmax.f32 v11, $0.0e+00  }
0x1b: {  	v14 =	vmin.f32 v11, $9.900000000e+01  }
0x1c: {  	v11 =	vtrunc.f32 v14  }
0x1d: {  	v17 =	vcvt.f32.s32 v11;
	_ =	sdelay $0x1  }
0x1e: {  	v11 =	vadd.s32 $0x1, v17  }
0x1f: {  	vm4 =	vlt.s32 v11, $0x63  }
0x20: {  	v11 =	vnsel vm4, $0x63, v11  }
0x21: {  	v11 =	vsel vm0, v17, v11  }
0x22: {  	v11 =	vadd.s32 v1, v11  }
0x23: {  	v12 =	vshll.u32 v11, $0x4  }
0x24: {  	v11 =	vand.u32 $0x7, v11;
	v12 =	vand.u32 $0xFFFFFF80, v12  }
0x25: {  	v11 =	vor.u32 v11, v12  }
0x26: {  	v12 =	vperm.xlane v11, v0;
	_ =	sdelay $0x1  }
0x27: {  	v12 =	vadd.s32 v4, v12;
	_ =	sdelay $0x1  }
0x28: {  	s0 =	sld [smem:$0x7F3]  }
0x29: {  	v15 =	vld [tilespmem:$0x10]  }
0x2a: {  	s16 =	simm.s32 $0x80;
	s1 =	sld [smem:$0x7F5];
	v18 =	vld [tilespmem:$0x20]  }
0x2b: {  	v13 =	vld [tilespmem:$0x30];
	[tilespmem:s16], [sflag:$0x1] =	stream.indirect_vreg.gather [hbm4b:s0+s5], $0x80, v12, vm1, $0xb8  }
0x2c: {  	s17 =	simm.s32 $0x880;
	s2 =	sld [smem:$0x7F6]  }
0x2d: {  	[tilespmem:s17], [sflag:$0x1] =	stream.indirect_vreg.gather [hbm4b:s1+s5], $0x80, v12, vm1, $0xb8;
	[tilespmem:$0x19080] =	vst v63  }
0x2e: {  	s3 =	simm.s32 $0x1080  }
0x2f: {  	[tilespmem:s3], [sflag:$0x1] =	stream.indirect_vreg.gather [hbm4b:s2+s5], $0x80, v12, vm1, $0xb8;
	[tilespmem:$0x19080] =	vst v63  }
0x30: {  	s3 =	sld [smem:$0x7F7];
	_ =	sdelay $0x1  }
0x31: {  	s4 =	simm.s32 $0x1880  }
0x32: {  	[tilespmem:s4], [sflag:$0x1] =	stream.indirect_vreg.gather [hbm4b:s3+s5], $0x80, v12, vm1, $0xb8;
	[tilespmem:$0x19080] =	vst v63  }
0x33: {  	s4 =	sld [smem:$0x7F8];
	_ =	sdelay $0x1  }
0x34: {  	s6 =	simm.s32 $0x2080  }
0x35: {  	[tilespmem:s6], [sflag:$0x1] =	stream.indirect_vreg.gather [hbm4b:s4+s5], $0x80, v12, vm1, $0xb8;
	[tilespmem:$0x19080] =	vst v63  }
0x36: {  	s6 =	sld [smem:$0x7F9];
	_ =	sdelay $0x1  }
0x37: {  	s7 =	simm.s32 $0x2880  }
0x38: {  	[tilespmem:s7], [sflag:$0x1] =	stream.indirect_vreg.gather [hbm4b:s6+s5], $0x80, v12, vm1, $0xb8;
	[tilespmem:$0x19080] =	vst v63  }
0x39: {  	s7 =	sld [smem:$0x7FA];
	_ =	sdelay $0x1  }
0x3a: {  	s8 =	simm.s32 $0x3080;
	v11 =	vperm.xlane v11, v5  }
0x3b: {  	v15 =	vmul.f32 $9.900000000e+01, v15;
	[tilespmem:s8], [sflag:$0x1] =	stream.indirect_vreg.gather [hbm4b:s7+s5], $0x80, v12, vm1, $0xb8;
	[tilespmem:$0x19080] =	vst v63  }
0x3c: {  	v11 =	vadd.s32 v4, v11;
	s8 =	sld [smem:$0x7FB]  }
0x3d: {  	v15 =	vmax.f32 v15, $0.0e+00  }
0x3e: {  	s9 =	simm.s32 $0x3880;
	v15 =	vmin.f32 v15, $9.900000000e+01  }
0x3f: {  	v16 =	vtrunc.f32 v15;
	[tilespmem:s9], [sflag:$0x1] =	stream.indirect_vreg.gather [hbm4b:s8+s5], $0x80, v12, vm1, $0xb8;
	[tilespmem:$0x19080] =	vst v63  }
0x40: {  	s18 =	simm.s32 $0x4080;
	v16 =	vcvt.f32.s32 v16  }
0x41: {  	[tilespmem:s18], [sflag:$0x1] =	stream.indirect_vreg.gather [hbm4b:s0+s5], $0x80, v11, vm1, $0xb8;
	[tilespmem:$0x19080] =	vst v63  }
0x42: {  	s19 =	simm.s32 $0x4880;
	v12 =	vadd.s32 $0x1, v16  }
0x43: {  	vm4 =	vlt.s32 v12, $0x63;
	[tilespmem:s19], [sflag:$0x1] =	stream.indirect_vreg.gather [hbm4b:s1+s5], $0x80, v11, vm1, $0xb8;
	[tilespmem:$0x19080] =	vst v63  }
0x44: {  	s20 =	simm.s32 $0x5080;
	v12 =	vnsel vm4, $0x63, v12  }
0x45: {  	v12 =	vsel vm0, v16, v12;
	[tilespmem:s20], [sflag:$0x1] =	stream.indirect_vreg.gather [hbm4b:s2+s5], $0x80, v11, vm1, $0xb8;
	[tilespmem:$0x19080] =	vst v63  }
0x46: {  	s21 =	simm.s32 $0x5880;
	v12 =	vadd.s32 v2, v12  }
0x47: {  	v19 =	vshll.u32 v12, $0x4;
	[tilespmem:s21], [sflag:$0x1] =	stream.indirect_vreg.gather [hbm4b:s3+s5], $0x80, v11, vm1, $0xb8;
	[tilespmem:$0x19080] =	vst v63  }
0x48: {  	s22 =	simm.s32 $0x6080;
	v12 =	vand.u32 $0x7, v12;
	v19 =	vand.u32 $0xFFFFFF80, v19  }
0x49: {  	v12 =	vor.u32 v12, v19;
	[tilespmem:s22], [sflag:$0x1] =	stream.indirect_vreg.gather [hbm4b:s4+s5], $0x80, v11, vm1, $0xb8;
	[tilespmem:$0x19080] =	vst v63  }
0x4a: {  	s23 =	simm.s32 $0x6880;
	v19 =	vperm.xlane v12, v0  }
0x4b: {  	[tilespmem:s23], [sflag:$0x1] =	stream.indirect_vreg.gather [hbm4b:s6+s5], $0x80, v11, vm1, $0xb8;
	[tilespmem:$0x19080] =	vst v63  }
0x4c: {  	s24 =	simm.s32 $0x7080;
	v19 =	vadd.s32 v4, v19  }
0x4d: {  	[tilespmem:s24], [sflag:$0x1] =	stream.indirect_vreg.gather [hbm4b:s7+s5], $0x80, v11, vm1, $0xb8;
	[tilespmem:$0x19080] =	vst v63  }
0x4e: {  	s25 =	simm.s32 $0x7880  }
0x4f: {  	[tilespmem:s25], [sflag:$0x1] =	stream.indirect_vreg.gather [hbm4b:s8+s5], $0x80, v11, vm1, $0xb8;
	[tilespmem:$0x19080] =	vst v63  }
0x50: {  	s26 =	simm.s32 $0x8080  }
0x51: {  	[tilespmem:s26], [sflag:$0x2] =	stream.indirect_vreg.gather [hbm4b:s0+s5], $0x80, v19, vm1, $0xb8;
	[tilespmem:$0x19080] =	vst v63  }
0x52: {  	s28 =	simm.s32 $0x8880  }
0x53: {  	[tilespmem:s28], [sflag:$0x2] =	stream.indirect_vreg.gather [hbm4b:s1+s5], $0x80, v19, vm1, $0xb8;
	[tilespmem:$0x19080] =	vst v63  }
0x54: {  	s29 =	simm.s32 $0x9080  }
0x55: {  	[tilespmem:s29], [sflag:$0x2] =	stream.indirect_vreg.gather [hbm4b:s2+s5], $0x80, v19, vm1, $0xb8;
	[tilespmem:$0x19080] =	vst v63  }
0x56: {  	s30 =	simm.s32 $0x9880  }
0x57: {  	[tilespmem:s30], [sflag:$0x2] =	stream.indirect_vreg.gather [hbm4b:s3+s5], $0x80, v19, vm1, $0xb8;
	[tilespmem:$0x19080] =	vst v63  }
0x58: {  	s31 =	simm.s32 $0xA080  }
0x59: {  	[tilespmem:s31], [sflag:$0x2] =	stream.indirect_vreg.gather [hbm4b:s4+s5], $0x80, v19, vm1, $0xb8;
	[tilespmem:$0x19080] =	vst v63  }
0x5a: {  	s10 =	simm.s32 $0xA880;
	v11 =	vperm.xlane v12, v5  }
0x5b: {  	v12 =	vmul.f32 $9.900000000e+01, v18;
	[tilespmem:s10], [sflag:$0x2] =	stream.indirect_vreg.gather [hbm4b:s6+s5], $0x80, v19, vm1, $0xb8;
	[tilespmem:$0x19080] =	vst v63  }
0x5c: {  	s11 =	simm.s32 $0xB080;
	v18 =	vadd.s32 v4, v11  }
0x5d: {  	v11 =	vmax.f32 v12, $0.0e+00;
	[tilespmem:s11], [sflag:$0x2] =	stream.indirect_vreg.gather [hbm4b:s7+s5], $0x80, v19, vm1, $0xb8;
	[tilespmem:$0x19080] =	vst v63  }
0x5e: {  	s12 =	simm.s32 $0xB880;
	v11 =	vmin.f32 v11, $9.900000000e+01  }
0x5f: {  	v12 =	vtrunc.f32 v11;
	[tilespmem:s12], [sflag:$0x2] =	stream.indirect_vreg.gather [hbm4b:s8+s5], $0x80, v19, vm1, $0xb8;
	[tilespmem:$0x19080] =	vst v63  }
0x60: {  	s13 =	simm.s32 $0xC080;
	v12 =	vcvt.f32.s32 v12  }
0x61: {  	[tilespmem:s13], [sflag:$0x2] =	stream.indirect_vreg.gather [hbm4b:s0+s5], $0x80, v18, vm1, $0xb8;
	[tilespmem:$0x19080] =	vst v63  }
0x62: {  	s14 =	simm.s32 $0xC880;
	v19 =	vadd.s32 $0x1, v12  }
0x63: {  	vm4 =	vlt.s32 v19, $0x63;
	[tilespmem:s14], [sflag:$0x2] =	stream.indirect_vreg.gather [hbm4b:s1+s5], $0x80, v18, vm1, $0xb8;
	[tilespmem:$0x19080] =	vst v63  }
0x64: {  	s15 =	simm.s32 $0xD080;
	v19 =	vnsel vm4, $0x63, v19  }
0x65: {  	v19 =	vsel vm0, v12, v19;
	[tilespmem:s15], [sflag:$0x2] =	stream.indirect_vreg.gather [hbm4b:s2+s5], $0x80, v18, vm1, $0xb8;
	[tilespmem:$0x19080] =	vst v63  }
0x66: {  	s16 =	simm.s32 $0xD880;
	v19 =	vadd.s32 v3, v19  }
0x67: {  	v20 =	vshll.u32 v19, $0x4;
	[tilespmem:s16], [sflag:$0x2] =	stream.indirect_vreg.gather [hbm4b:s3+s5], $0x80, v18, vm1, $0xb8;
	[tilespmem:$0x19080] =	vst v63  }
0x68: {  	s17 =	simm.s32 $0xE080;
	v19 =	vand.u32 $0x7, v19;
	v20 =	vand.u32 $0xFFFFFF80, v20  }
0x69: {  	v19 =	vor.u32 v19, v20;
	[tilespmem:s17], [sflag:$0x2] =	stream.indirect_vreg.gather [hbm4b:s4+s5], $0x80, v18, vm1, $0xb8;
	[tilespmem:$0x19080] =	vst v63  }
0x6a: {  	s18 =	simm.s32 $0xE880;
	v20 =	vperm.xlane v19, v0  }
0x6b: {  	[tilespmem:s18], [sflag:$0x2] =	stream.indirect_vreg.gather [hbm4b:s6+s5], $0x80, v18, vm1, $0xb8;
	[tilespmem:$0x19080] =	vst v63  }
0x6c: {  	s19 =	simm.s32 $0xF080;
	v20 =	vadd.s32 v4, v20  }
0x6d: {  	[tilespmem:s19], [sflag:$0x2] =	stream.indirect_vreg.gather [hbm4b:s7+s5], $0x80, v18, vm1, $0xb8;
	[tilespmem:$0x19080] =	vst v63  }
0x6e: {  	s20 =	simm.s32 $0xF880  }
0x6f: {  	[tilespmem:s20], [sflag:$0x2] =	stream.indirect_vreg.gather [hbm4b:s8+s5], $0x80, v18, vm1, $0xb8;
	[tilespmem:$0x19080] =	vst v63  }
0x70: {  	s21 =	simm.s32 $0x10080  }
0x71: {  	[tilespmem:s21], [sflag:$0x3] =	stream.indirect_vreg.gather [hbm4b:s0+s5], $0x80, v20, vm1, $0xb8;
	[tilespmem:$0x19080] =	vst v63  }
0x72: {  	s22 =	simm.s32 $0x10880  }
0x73: {  	[tilespmem:s22], [sflag:$0x3] =	stream.indirect_vreg.gather [hbm4b:s1+s5], $0x80, v20, vm1, $0xb8;
	[tilespmem:$0x19080] =	vst v63  }
0x74: {  	s23 =	simm.s32 $0x11080  }
0x75: {  	[tilespmem:s23], [sflag:$0x3] =	stream.indirect_vreg.gather [hbm4b:s2+s5], $0x80, v20, vm1, $0xb8;
	[tilespmem:$0x19080] =	vst v63  }
0x76: {  	s24 =	simm.s32 $0x11880  }
0x77: {  	[tilespmem:s24], [sflag:$0x3] =	stream.indirect_vreg.gather [hbm4b:s3+s5], $0x80, v20, vm1, $0xb8;
	[tilespmem:$0x19080] =	vst v63  }
0x78: {  	s25 =	simm.s32 $0x12080  }
0x79: {  	[tilespmem:s25], [sflag:$0x3] =	stream.indirect_vreg.gather [hbm4b:s4+s5], $0x80, v20, vm1, $0xb8;
	[tilespmem:$0x19080] =	vst v63  }
0x7a: {  	s26 =	simm.s32 $0x12880;
	v18 =	vperm.xlane v19, v5  }
0x7b: {  	[tilespmem:s26], [sflag:$0x3] =	stream.indirect_vreg.gather [hbm4b:s6+s5], $0x80, v20, vm1, $0xb8;
	[tilespmem:$0x19080] =	vst v63  }
0x7c: {  	s28 =	simm.s32 $0x13080;
	v18 =	vadd.s32 v4, v18  }
0x7d: {  	[tilespmem:s28], [sflag:$0x3] =	stream.indirect_vreg.gather [hbm4b:s7+s5], $0x80, v20, vm1, $0xb8;
	[tilespmem:$0x19080] =	vst v63  }
0x7e: {  	s29 =	simm.s32 $0x13880  }
0x7f: {  	[tilespmem:s29], [sflag:$0x3] =	stream.indirect_vreg.gather [hbm4b:s8+s5], $0x80, v20, vm1, $0xb8;
	[tilespmem:$0x19080] =	vst v63  }
0x80: {  	s30 =	simm.s32 $0x14080  }
0x81: {  	[tilespmem:s30], [sflag:$0x3] =	stream.indirect_vreg.gather [hbm4b:s0+s5], $0x80, v18, vm1, $0xb8;
	[tilespmem:$0x19080] =	vst v63  }
0x82: {  	s31 =	simm.s32 $0x14880  }
0x83: {  	[tilespmem:s31], [sflag:$0x3] =	stream.indirect_vreg.gather [hbm4b:s1+s5], $0x80, v18, vm1, $0xb8;
	[tilespmem:$0x19080] =	vst v63  }
0x84: {  	s1 =	simm.s32 $0x15080  }
0x85: {  	[tilespmem:s1], [sflag:$0x3] =	stream.indirect_vreg.gather [hbm4b:s2+s5], $0x80, v18, vm1, $0xb8;
	[tilespmem:$0x19080] =	vst v63  }
0x86: {  	s2 =	simm.s32 $0x15880  }
0x87: {  	[tilespmem:s2], [sflag:$0x3] =	stream.indirect_vreg.gather [hbm4b:s3+s5], $0x80, v18, vm1, $0xb8;
	[tilespmem:$0x19080] =	vst v63  }
0x88: {  	s3 =	simm.s32 $0x16080  }
0x89: {  	[tilespmem:s3], [sflag:$0x3] =	stream.indirect_vreg.gather [hbm4b:s4+s5], $0x80, v18, vm1, $0xb8;
	[tilespmem:$0x19080] =	vst v63  }
0x8a: {  	s4 =	simm.s32 $0x16880  }
0x8b: {  	[tilespmem:s4], [sflag:$0x3] =	stream.indirect_vreg.gather [hbm4b:s6+s5], $0x80, v18, vm1, $0xb8;
	[tilespmem:$0x19080] =	vst v63  }
0x8c: {  	s6 =	simm.s32 $0x17080  }
0x8d: {  	[tilespmem:s6], [sflag:$0x3] =	stream.indirect_vreg.gather [hbm4b:s7+s5], $0x80, v18, vm1, $0xb8;
	[tilespmem:$0x19080] =	vst v63  }
0x8e: {  	s9 =	simm.s32 $0x1;
	s7 =	simm.s32 $0x17880  }
0x8f: {  	[tilespmem:s7], [sflag:$0x3] =	stream.indirect_vreg.gather [hbm4b:s8+s5], $0x80, v18, vm1, $0xb8;
	[tilespmem:$0x19080] =	vst v63  }
0x90: {  	s10 =	sand.u32 $0x3C00, s5;
	_ =	swait.ge [sflag:s9], $0x8000  }
0x91: {  	v17 =	vcvt.s32.f32 v17;
	s0 =	sor.u32 $0x80, s10;
	s1 =	sand.u32 $0x40, s5;
	[sflag:s9] =	ssyncset.done $0x0  }
0x92: {  	s11 =	sor.u32 s1, s0;
	[sflag:s9] =	ssyncadd.s32 $0xFFFF8000  }
0x93: {  	v31 =	vsub.f32 v14, v17;
	v19 =	vld [tilespmem:s11+$0x0]  }
0x94: {  	v20 =	vld [tilespmem:s11+$0x80]  }
0x95: {  	v23 =	vsub.f32 $1.000000000e+00, v31  }
0x96: {  	v21 =	vld [tilespmem:s11+$0x100]  }
0x97: {  	v14 =	vbroadcast v23, $0x0;
	v17 =	vbroadcast v23, $0x1  }
0x98: {  	v18 =	vbroadcast v23, $0x2;
	v22 =	vld [tilespmem:s11+$0x180]  }
0x99: {  	v24 =	vmul.f32 v19, v14;
	v20 =	vmul.f32 v20, v17  }
0x9a: {  	v25 =	vld [tilespmem:s11+$0x200]  }
0x9b: {  	v19 =	vbroadcast v23, $0x3;
	v21 =	vmul.f32 v21, v18;
	v24 =	vadd.f32 v20, v24  }
0x9c: {  	v26 =	vld [tilespmem:s11+$0x280]  }
0x9d: {  	v20 =	vbroadcast v23, $0x4;
	v22 =	vmul.f32 v22, v19;
	v24 =	vadd.f32 v21, v24  }
0x9e: {  	v27 =	vld [tilespmem:s11+$0x300]  }
0x9f: {  	v21 =	vbroadcast v23, $0x5;
	v25 =	vmul.f32 v25, v20;
	v24 =	vadd.f32 v22, v24  }
0xa0: {  	s3 =	sor.u32 $0x4080, s10;
	v28 =	vld [tilespmem:s11+$0x380]  }
0xa1: {  	s5 =	sor.u32 s1, s3;
	v22 =	vbroadcast v23, $0x6;
	v24 =	vadd.f32 v25, v24;
	v25 =	vmul.f32 v26, v21  }
0xa2: {  	s4 =	sor.u32 $0x4100, s10;
	v26 =	vld [tilespmem:s5+$0x0]  }
0xa3: {  	s12 =	sor.u32 s1, s4;
	v23 =	vbroadcast v23, $0x7;
	v27 =	vmul.f32 v27, v22;
	v25 =	vadd.f32 v25, v24  }
0xa4: {  	v29 =	vld [tilespmem:s12+$0x0];
	s5 =	sor.u32 $0x4180, s10  }
0xa5: {  	v28 =	vmul.f32 v28, v23;
	s13 =	sor.u32 s1, s5;
	v24 =	vbroadcast v31, $0x8;
	v27 =	vadd.f32 v27, v25  }
0xa6: {  	s6 =	sor.u32 $0x4200, s10;
	v30 =	vld [tilespmem:s13+$0x0]  }
0xa7: {  	s14 =	sor.u32 s1, s6;
	v25 =	vbroadcast v31, $0x9;
	v27 =	vadd.f32 v28, v27;
	v28 =	vmul.f32 v26, v24  }
0xa8: {  	s7 =	sor.u32 $0x4280, s10;
	v32 =	vld [tilespmem:s14+$0x0]  }
0xa9: {  	s15 =	sor.u32 s1, s7;
	v26 =	vbroadcast v31, $0xA;
	v29 =	vmul.f32 v29, v25;
	v28 =	vadd.f32 v28, v27  }
0xaa: {  	v33 =	vld [tilespmem:s15+$0x0];
	s13 =	sor.u32 $0x4300, s10  }
0xab: {  	s16 =	sor.u32 s1, s13;
	v27 =	vbroadcast v31, $0xB;
	v30 =	vmul.f32 v30, v26;
	v29 =	vadd.f32 v29, v28  }
0xac: {  	s14 =	sor.u32 $0x4380, s10;
	v34 =	vld [tilespmem:s16+$0x0]  }
0xad: {  	s17 =	sor.u32 s1, s14;
	v28 =	vbroadcast v31, $0xC;
	v32 =	vmul.f32 v32, v27;
	v30 =	vadd.f32 v30, v29  }
0xae: {  	s15 =	sadd.s32 $0x4400, s10;
	v35 =	vld [tilespmem:s17+$0x0]  }
0xaf: {  	s18 =	sor.u32 s1, s15;
	v29 =	vbroadcast v31, $0xD;
	v33 =	vmul.f32 v33, v28;
	v32 =	vadd.f32 v32, v30  }
0xb0: {  	v36 =	vld [tilespmem:s18+$0x0]  }
0xb1: {  	v30 =	vbroadcast v31, $0xE;
	v39 =	vmul.f32 v34, v29;
	v32 =	vadd.f32 v33, v32;
	_ =	sdelay $0x1  }
0xb2: {  	v31 =	vbroadcast v31, $0xF;
	v40 =	vmul.f32 v35, v30;
	v32 =	vadd.f32 v39, v32;
	_ =	sdelay $0x1  }
0xb3: {  	v41 =	vmul.f32 v36, v31;
	v32 =	vadd.f32 v40, v32  }
0xb4: {  	s2 =	sshrl.u32 s10, $0x2  }
0xb5: {  	s16 =	sor.u32 $0x18080, s2;
	v32 =	vadd.f32 v41, v32  }
0xb6: {  	s19 =	sor.u32 $0x10, s1;
	s20 =	sor.u32 s1, s16  }
0xb7: {  	s21 =	sor.u32 s19, s0;
	[tilespmem:s20+$0x0] =	vst v32  }
0xb8: {  	v32 =	vld [tilespmem:s21+$0x0]  }
0xb9: {  	v42 =	vld [tilespmem:s21+$0x80];
	_ =	sdelay $0x1  }
0xba: {  	v43 =	vld [tilespmem:s21+$0x100];
	_ =	sdelay $0x1  }
0xbb: {  	v44 =	vld [tilespmem:s21+$0x180]  }
0xbc: {  	v32 =	vmul.f32 v32, v14;
	v33 =	vmul.f32 v42, v17  }
0xbd: {  	v45 =	vld [tilespmem:s21+$0x200]  }
0xbe: {  	v46 =	vmul.f32 v43, v18;
	v32 =	vadd.f32 v33, v32  }
0xbf: {  	v47 =	vld [tilespmem:s21+$0x280]  }
0xc0: {  	v48 =	vmul.f32 v44, v19;
	v32 =	vadd.f32 v46, v32  }
0xc1: {  	v49 =	vld [tilespmem:s21+$0x300]  }
0xc2: {  	v50 =	vmul.f32 v45, v20;
	v32 =	vadd.f32 v48, v32  }
0xc3: {  	v51 =	vld [tilespmem:s21+$0x380]  }
0xc4: {  	s22 =	sor.u32 s19, s3;
	v52 =	vmul.f32 v47, v21;
	v32 =	vadd.f32 v50, v32  }
0xc5: {  	v53 =	vld [tilespmem:s22+$0x0]  }
0xc6: {  	s23 =	sor.u32 s19, s4;
	v54 =	vmul.f32 v49, v22;
	v32 =	vadd.f32 v52, v32  }
0xc7: {  	v55 =	vld [tilespmem:s23+$0x0]  }
0xc8: {  	s24 =	sor.u32 s19, s5;
	v56 =	vmul.f32 v51, v23;
	v32 =	vadd.f32 v54, v32  }
0xc9: {  	v57 =	vld [tilespmem:s24+$0x0]  }
0xca: {  	s25 =	sor.u32 s19, s6;
	v58 =	vmul.f32 v53, v24;
	v32 =	vadd.f32 v56, v32  }
0xcb: {  	v59 =	vld [tilespmem:s25+$0x0]  }
0xcc: {  	s26 =	sor.u32 s19, s7;
	v60 =	vmul.f32 v55, v25;
	v32 =	vadd.f32 v58, v32  }
0xcd: {  	v61 =	vld [tilespmem:s26+$0x0]  }
0xce: {  	s28 =	sor.u32 s19, s13;
	v62 =	vmul.f32 v57, v26;
	v32 =	vadd.f32 v60, v32  }
0xcf: {  	v63 =	vld [tilespmem:s28+$0x0]  }
0xd0: {  	s29 =	sor.u32 s19, s14;
	v37 =	vmul.f32 v59, v27;
	v32 =	vadd.f32 v62, v32  }
0xd1: {  	v38 =	vld [tilespmem:s29+$0x0]  }
0xd2: {  	s30 =	sor.u32 s19, s15;
	v39 =	vmul.f32 v61, v28;
	v32 =	vadd.f32 v37, v32  }
0xd3: {  	v40 =	vld [tilespmem:s30+$0x0]  }
0xd4: {  	v41 =	vmul.f32 v63, v29;
	v32 =	vadd.f32 v39, v32;
	_ =	sdelay $0x1  }
0xd5: {  	v42 =	vmul.f32 v38, v30;
	v32 =	vadd.f32 v41, v32;
	_ =	sdelay $0x1  }
0xd6: {  	v43 =	vmul.f32 v40, v31;
	v32 =	vadd.f32 v42, v32;
	_ =	sdelay $0x1  }
0xd7: {  	v32 =	vadd.f32 v43, v32  }
0xd8: {  	s31 =	sor.u32 $0x20, s1;
	s2 =	sor.u32 s19, s16  }
0xd9: {  	s9 =	sor.u32 s31, s0;
	[tilespmem:s2+$0x0] =	vst v32  }
0xda: {  	v32 =	vld [tilespmem:s9+$0x0]  }
0xdb: {  	v44 =	vld [tilespmem:s9+$0x80];
	_ =	sdelay $0x1  }
0xdc: {  	v45 =	vld [tilespmem:s9+$0x100];
	_ =	sdelay $0x1  }
0xdd: {  	v46 =	vld [tilespmem:s9+$0x180]  }
0xde: {  	v32 =	vmul.f32 v32, v14;
	v33 =	vmul.f32 v44, v17  }
0xdf: {  	v47 =	vld [tilespmem:s9+$0x200]  }
0xe0: {  	v48 =	vmul.f32 v45, v18;
	v32 =	vadd.f32 v33, v32  }
0xe1: {  	v49 =	vld [tilespmem:s9+$0x280]  }
0xe2: {  	v50 =	vmul.f32 v46, v19;
	v32 =	vadd.f32 v48, v32  }
0xe3: {  	v51 =	vld [tilespmem:s9+$0x300]  }
0xe4: {  	v52 =	vmul.f32 v47, v20;
	v32 =	vadd.f32 v50, v32  }
0xe5: {  	v53 =	vld [tilespmem:s9+$0x380]  }
0xe6: {  	s10 =	sor.u32 s31, s3;
	v54 =	vmul.f32 v49, v21;
	v32 =	vadd.f32 v52, v32  }
0xe7: {  	v55 =	vld [tilespmem:s10+$0x0]  }
0xe8: {  	s11 =	sor.u32 s31, s4;
	v56 =	vmul.f32 v51, v22;
	v32 =	vadd.f32 v54, v32  }
0xe9: {  	v57 =	vld [tilespmem:s11+$0x0]  }
0xea: {  	s12 =	sor.u32 s31, s5;
	v58 =	vmul.f32 v53, v23;
	v32 =	vadd.f32 v56, v32  }
0xeb: {  	v59 =	vld [tilespmem:s12+$0x0]  }
0xec: {  	s17 =	sor.u32 s31, s6;
	v60 =	vmul.f32 v55, v24;
	v32 =	vadd.f32 v58, v32  }
0xed: {  	v61 =	vld [tilespmem:s17+$0x0]  }
0xee: {  	s18 =	sor.u32 s31, s7;
	v62 =	vmul.f32 v57, v25;
	v32 =	vadd.f32 v60, v32  }
0xef: {  	v63 =	vld [tilespmem:s18+$0x0]  }
0xf0: {  	s19 =	sor.u32 s31, s13;
	v40 =	vmul.f32 v59, v26;
	v32 =	vadd.f32 v62, v32  }
0xf1: {  	v41 =	vld [tilespmem:s19+$0x0]  }
0xf2: {  	s20 =	sor.u32 s31, s14;
	v42 =	vmul.f32 v61, v27;
	v32 =	vadd.f32 v40, v32  }
0xf3: {  	v43 =	vld [tilespmem:s20+$0x0]  }
0xf4: {  	s21 =	sor.u32 s31, s15;
	v44 =	vmul.f32 v63, v28;
	v32 =	vadd.f32 v42, v32  }
0xf5: {  	v45 =	vld [tilespmem:s21+$0x0]  }
0xf6: {  	v46 =	vmul.f32 v41, v29;
	v32 =	vadd.f32 v44, v32;
	_ =	sdelay $0x1  }
0xf7: {  	v47 =	vmul.f32 v43, v30;
	v32 =	vadd.f32 v46, v32;
	_ =	sdelay $0x1  }
0xf8: {  	v48 =	vmul.f32 v45, v31;
	v32 =	vadd.f32 v47, v32;
	_ =	sdelay $0x1  }
0xf9: {  	v32 =	vadd.f32 v48, v32  }
0xfa: {  	s1 =	sor.u32 $0x30, s1;
	s22 =	sor.u32 s31, s16  }
0xfb: {  	s0 =	sor.u32 s1, s0;
	[tilespmem:s22+$0x0] =	vst v32  }
0xfc: {  	v32 =	vld [tilespmem:s0+$0x0]  }
0xfd: {  	v49 =	vld [tilespmem:s0+$0x80];
	_ =	sdelay $0x1  }
0xfe: {  	v50 =	vld [tilespmem:s0+$0x100];
	_ =	sdelay $0x1  }
0xff: {  	v51 =	vld [tilespmem:s0+$0x180]  }
0x100: {  	v32 =	vmul.f32 v32, v14;
	v33 =	vmul.f32 v49, v17  }
0x101: {  	v52 =	vld [tilespmem:s0+$0x200]  }
0x102: {  	v34 =	vmul.f32 v50, v18;
	v32 =	vadd.f32 v33, v32  }
0x103: {  	v53 =	vld [tilespmem:s0+$0x280]  }
0x104: {  	v35 =	vmul.f32 v51, v19;
	v32 =	vadd.f32 v34, v32  }
0x105: {  	v54 =	vld [tilespmem:s0+$0x300]  }
0x106: {  	v36 =	vmul.f32 v52, v20;
	v32 =	vadd.f32 v35, v32  }
0x107: {  	v55 =	vld [tilespmem:s0+$0x380]  }
0x108: {  	s23 =	sor.u32 s1, s3;
	v33 =	vmul.f32 v53, v21;
	v32 =	vadd.f32 v36, v32  }
0x109: {  	v56 =	vld [tilespmem:s23+$0x0]  }
0x10a: {  	s24 =	sor.u32 s1, s4;
	v34 =	vmul.f32 v54, v22;
	v32 =	vadd.f32 v33, v32  }
0x10b: {  	v57 =	vld [tilespmem:s24+$0x0]  }
0x10c: {  	s25 =	sor.u32 s1, s5;
	v35 =	vmul.f32 v55, v23;
	v32 =	vadd.f32 v34, v32  }
0x10d: {  	v58 =	vld [tilespmem:s25+$0x0]  }
0x10e: {  	s26 =	sor.u32 s1, s6;
	v36 =	vmul.f32 v56, v24;
	v32 =	vadd.f32 v35, v32  }
0x10f: {  	v59 =	vld [tilespmem:s26+$0x0]  }
0x110: {  	s28 =	sor.u32 s1, s7;
	v33 =	vmul.f32 v57, v25;
	v32 =	vadd.f32 v36, v32  }
0x111: {  	v60 =	vld [tilespmem:s28+$0x0]  }
0x112: {  	s29 =	sor.u32 s1, s13;
	v34 =	vmul.f32 v58, v26;
	v32 =	vadd.f32 v33, v32  }
0x113: {  	s30 =	sor.u32 s1, s14;
	v61 =	vld [tilespmem:s29+$0x0]  }
0x114: {  	s31 =	sor.u32 s1, s15;
	v37 =	vld [tilespmem:s30+$0x0];
	v35 =	vmul.f32 v59, v27;
	v32 =	vadd.f32 v34, v32  }
0x115: {  	v62 =	vld [tilespmem:s31+$0x0]  }
0x116: {  	v36 =	vmul.f32 v60, v28;
	v32 =	vadd.f32 v35, v32;
	_ =	sdelay $0x1  }
0x117: {  	v63 =	vmul.f32 v61, v29;
	v36 =	vadd.f32 v36, v32  }
0x118: {  	s16 =	sor.u32 s1, s16  }
0x119: {  	s10 =	simm.s32 $0x0;
	s18 =	simm.s32 $0x0;
	s19 =	simm.s32 $0x0;
	v33 =	vmul.f32 v37, v30;
	v32 =	vmul.f32 v62, v31;
	v34 =	vadd.f32 v63, v36  }
.LBB2_2:
0x11a: {  	_ = 	snop  }
0x11b: {  	v33 =	vadd.f32 v33, v34  }
0x11c: {  	s19 =	sadd.s32 $0x200, s19  }
0x11d: {  	s18 =	sadd.s32 $0x40, s18;
	s2 =	sand.u32 $0x3C00, s19;
	v32 =	vadd.f32 v32, v33  }
0x11e: {  	s30 =	sand.u32 $0x40, s18;
	s21 =	sor.u32 $0x80, s2  }
0x11f: {  	s14 =	sor.u32 s30, s21;
	[tilespmem:s16+$0x0] =	vst v32  }
0x120: {  	v32 =	vld [tilespmem:s14+$0x0]  }
0x121: {  	v42 =	vld [tilespmem:s14+$0x80];
	_ =	sdelay $0x1  }
0x122: {  	v43 =	vld [tilespmem:s14+$0x100];
	_ =	sdelay $0x1  }
0x123: {  	v35 =	vld [tilespmem:s14+$0x180]  }
0x124: {  	v32 =	vmul.f32 v32, v14;
	v33 =	vmul.f32 v42, v17  }
0x125: {  	v36 =	vld [tilespmem:s14+$0x200]  }
0x126: {  	v44 =	vmul.f32 v43, v18;
	v32 =	vadd.f32 v33, v32  }
0x127: {  	v45 =	vld [tilespmem:s14+$0x280]  }
0x128: {  	v46 =	vmul.f32 v35, v19;
	v32 =	vadd.f32 v44, v32  }
0x129: {  	v47 =	vld [tilespmem:s14+$0x300]  }
0x12a: {  	v48 =	vmul.f32 v36, v20;
	v32 =	vadd.f32 v46, v32  }
0x12b: {  	s15 =	sor.u32 $0x4080, s2;
	v49 =	vld [tilespmem:s14+$0x380]  }
0x12c: {  	s1 =	sor.u32 s30, s15;
	v50 =	vmul.f32 v45, v21;
	v32 =	vadd.f32 v48, v32  }
0x12d: {  	s3 =	sor.u32 $0x4100, s2;
	v51 =	vld [tilespmem:s1+$0x0]  }
0x12e: {  	s13 =	sor.u32 s30, s3;
	v52 =	vmul.f32 v47, v22;
	v32 =	vadd.f32 v50, v32  }
0x12f: {  	s6 =	sor.u32 $0x4180, s2;
	v53 =	vld [tilespmem:s13+$0x0]  }
0x130: {  	s4 =	sor.u32 s30, s6;
	v54 =	vmul.f32 v49, v23;
	v32 =	vadd.f32 v52, v32  }
0x131: {  	s5 =	sor.u32 $0x4200, s2;
	v55 =	vld [tilespmem:s4+$0x0]  }
0x132: {  	s29 =	sor.u32 s30, s5;
	v56 =	vmul.f32 v51, v24;
	v32 =	vadd.f32 v54, v32  }
0x133: {  	s16 =	sor.u32 $0x4280, s2;
	v57 =	vld [tilespmem:s29+$0x0]  }
0x134: {  	s28 =	sor.u32 s30, s16;
	v58 =	vmul.f32 v53, v25;
	v32 =	vadd.f32 v56, v32  }
0x135: {  	s17 =	sor.u32 $0x4300, s2;
	v59 =	vld [tilespmem:s28+$0x0]  }
0x136: {  	s26 =	sor.u32 s30, s17;
	v60 =	vmul.f32 v55, v26;
	v32 =	vadd.f32 v58, v32  }
0x137: {  	s0 =	sor.u32 $0x4380, s2;
	v61 =	vld [tilespmem:s26+$0x0]  }
0x138: {  	s25 =	sor.u32 s30, s0;
	v62 =	vmul.f32 v57, v27;
	v32 =	vadd.f32 v60, v32  }
0x139: {  	s8 =	sadd.s32 $0x4400, s2;
	v63 =	vld [tilespmem:s25+$0x0]  }
0x13a: {  	s24 =	sor.u32 s30, s8;
	v37 =	vmul.f32 v59, v28;
	v32 =	vadd.f32 v62, v32  }
0x13b: {  	v38 =	vld [tilespmem:s24+$0x0]  }
0x13c: {  	v39 =	vmul.f32 v61, v29;
	v32 =	vadd.f32 v37, v32;
	_ =	sdelay $0x1  }
0x13d: {  	v40 =	vmul.f32 v63, v30;
	v32 =	vadd.f32 v39, v32;
	_ =	sdelay $0x1  }
0x13e: {  	v41 =	vmul.f32 v38, v31;
	v32 =	vadd.f32 v40, v32  }
0x13f: {  	s2 =	sshrl.u32 s2, $0x2  }
0x140: {  	s9 =	sor.u32 $0x18080, s2;
	v32 =	vadd.f32 v41, v32  }
0x141: {  	s22 =	sor.u32 $0x10, s30;
	s23 =	sor.u32 s30, s9  }
0x142: {  	s1 =	sor.u32 s22, s21;
	[tilespmem:s23+$0x0] =	vst v32  }
0x143: {  	v32 =	vld [tilespmem:s1+$0x0]  }
0x144: {  	v42 =	vld [tilespmem:s1+$0x80];
	_ =	sdelay $0x1  }
0x145: {  	v43 =	vld [tilespmem:s1+$0x100];
	_ =	sdelay $0x1  }
0x146: {  	v44 =	vld [tilespmem:s1+$0x180]  }
0x147: {  	v32 =	vmul.f32 v32, v14;
	v33 =	vmul.f32 v42, v17  }
0x148: {  	v45 =	vld [tilespmem:s1+$0x200]  }
0x149: {  	v46 =	vmul.f32 v43, v18;
	v32 =	vadd.f32 v33, v32  }
0x14a: {  	s31 =	sor.u32 s22, s17;
	v47 =	vld [tilespmem:s1+$0x280]  }
0x14b: {  	[smem:$0x7E9] =	sst s31;
	s31 =	sor.u32 s22, s0;
	v48 =	vmul.f32 v44, v19;
	v32 =	vadd.f32 v46, v32  }
0x14c: {  	[smem:$0x7EA] =	sst s31;
	s31 =	sor.u32 s22, s8;
	v49 =	vld [tilespmem:s1+$0x300]  }
0x14d: {  	[smem:$0x7EB] =	sst s31;
	v50 =	vmul.f32 v45, v20;
	v32 =	vadd.f32 v48, v32  }
0x14e: {  	s20 =	sor.u32 s22, s15;
	s4 =	sld [smem:$0x7E9];
	s31 =	sor.u32 s22, s9;
	v51 =	vld [tilespmem:s1+$0x380]  }
0x14f: {  	s11 =	sor.u32 s22, s16;
	[smem:$0x7EC] =	sst s31;
	s31 =	sor.u32 $0x20, s30;
	v52 =	vmul.f32 v47, v21;
	v32 =	vadd.f32 v50, v32  }
0x150: {  	s2 =	sor.u32 s22, s3;
	[smem:$0x7E8] =	sst s11;
	s11 =	sor.u32 s31, s15;
	v53 =	vld [tilespmem:s20+$0x0]  }
0x151: {  	s30 =	sor.u32 $0x30, s30;
	[smem:$0x7ED] =	sst s11;
	s11 =	sor.u32 s31, s3;
	v54 =	vmul.f32 v49, v22;
	v32 =	vadd.f32 v52, v32  }
0x152: {  	s3 =	sor.u32 s30, s3;
	[smem:$0x7EE] =	sst s11;
	v55 =	vld [tilespmem:s2+$0x0]  }
0x153: {  	s7 =	sor.u32 s22, s6;
	s11 =	sor.u32 s31, s6;
	[dreg:$0xc] =	wrdreg s3;
	v56 =	vmul.f32 v51, v23;
	v32 =	vadd.f32 v54, v32  }
0x154: {  	[smem:$0x7EF] =	sst s11;
	v57 =	vld [tilespmem:s7+$0x0]  }
0x155: {  	s12 =	sor.u32 s22, s5;
	s11 =	sor.u32 s31, s5;
	s2 =	sld [smem:$0x7E8];
	v58 =	vmul.f32 v53, v24;
	v32 =	vadd.f32 v56, v32  }
0x156: {  	[smem:$0x7F0] =	sst s11;
	s11 =	sor.u32 s31, s16;
	v59 =	vld [tilespmem:s12+$0x0]  }
0x157: {  	[smem:$0x7F1] =	sst s11;
	s11 =	sor.u32 s31, s17;
	v60 =	vmul.f32 v55, v25;
	v32 =	vadd.f32 v58, v32  }
0x158: {  	[dreg:$0x1d] =	wrdreg s11;
	v61 =	vld [tilespmem:s2+$0x0]  }
0x159: {  	s11 =	sor.u32 s31, s0;
	s7 =	sld [smem:$0x7EA];
	v62 =	vmul.f32 v57, v26;
	v32 =	vadd.f32 v60, v32  }
0x15a: {  	[dreg:$0x1c] =	wrdreg s11;
	v63 =	vld [tilespmem:s4+$0x0]  }
0x15b: {  	s3 =	sor.u32 s30, s8;
	s11 =	sor.u32 s31, s8;
	s8 =	sld [smem:$0x7EB];
	v39 =	vmul.f32 v59, v27;
	v32 =	vadd.f32 v62, v32  }
0x15c: {  	v40 =	vld [tilespmem:s7+$0x0]  }
0x15d: {  	v41 =	vmul.f32 v61, v28;
	v32 =	vadd.f32 v39, v32  }
0x15e: {  	v42 =	vld [tilespmem:s8+$0x0]  }
0x15f: {  	v43 =	vmul.f32 v63, v29;
	v32 =	vadd.f32 v41, v32;
	_ =	sdelay $0x1  }
0x160: {  	s14 =	sor.u32 s30, s5;
	v44 =	vmul.f32 v40, v30;
	v32 =	vadd.f32 v43, v32  }
0x161: {  	[dreg:$0xb] =	wrdreg s14  }
0x162: {  	s14 =	sor.u32 s30, s16;
	[dreg:$0x18] =	wrdreg s11;
	v45 =	vmul.f32 v42, v31;
	v32 =	vadd.f32 v44, v32  }
0x163: {  	s16 =	sor.u32 s30, s9;
	s11 =	sor.u32 s31, s9;
	s9 =	sld [smem:$0x7EC]  }
0x164: {  	v32 =	vadd.f32 v45, v32;
	_ =	sdelay $0x1  }
0x165: {  	[dreg:$0xe] =	wrdreg s11;
	s11 =	sor.u32 s31, s21;
	[tilespmem:s9+$0x0] =	vst v32  }
0x166: {  	v32 =	vld [tilespmem:s11+$0x0]  }
0x167: {  	v46 =	vld [tilespmem:s11+$0x80];
	_ =	sdelay $0x1  }
0x168: {  	v47 =	vld [tilespmem:s11+$0x100];
	_ =	sdelay $0x1  }
0x169: {  	v48 =	vld [tilespmem:s11+$0x180]  }
0x16a: {  	v32 =	vmul.f32 v32, v14;
	v33 =	vmul.f32 v46, v17  }
0x16b: {  	v49 =	vld [tilespmem:s11+$0x200]  }
0x16c: {  	v50 =	vmul.f32 v47, v18;
	v32 =	vadd.f32 v33, v32  }
0x16d: {  	v51 =	vld [tilespmem:s11+$0x280]  }
0x16e: {  	v52 =	vmul.f32 v48, v19;
	v32 =	vadd.f32 v50, v32  }
0x16f: {  	v53 =	vld [tilespmem:s11+$0x300]  }
0x170: {  	s12 =	sld [smem:$0x7ED];
	v54 =	vmul.f32 v49, v20;
	v32 =	vadd.f32 v52, v32  }
0x171: {  	v55 =	vld [tilespmem:s11+$0x380]  }
0x172: {  	s13 =	sld [smem:$0x7EE];
	v56 =	vmul.f32 v51, v21;
	v32 =	vadd.f32 v54, v32  }
0x173: {  	v57 =	vld [tilespmem:s12+$0x0]  }
0x174: {  	s5 =	sor.u32 s30, s17;
	s17 =	sld [smem:$0x7EF];
	v58 =	vmul.f32 v53, v22;
	v32 =	vadd.f32 v56, v32  }
0x175: {  	v59 =	vld [tilespmem:s13+$0x0]  }
0x176: {  	s20 =	sld [smem:$0x7F0];
	v60 =	vmul.f32 v55, v23;
	v32 =	vadd.f32 v58, v32  }
0x177: {  	v61 =	vld [tilespmem:s17+$0x0]  }
0x178: {  	s22 =	sld [smem:$0x7F1];
	v62 =	vmul.f32 v57, v24;
	v32 =	vadd.f32 v60, v32  }
0x179: {  	v63 =	vld [tilespmem:s20+$0x0]  }
0x17a: {  	v40 =	vmul.f32 v59, v25;
	v32 =	vadd.f32 v62, v32  }
0x17b: {  	v41 =	vld [tilespmem:s22+$0x0]  }
0x17c: {  	s23 =	rddreg [dreg:$0x1d];
	v42 =	vmul.f32 v61, v26;
	v32 =	vadd.f32 v40, v32  }
0x17d: {  	v43 =	vld [tilespmem:s23+$0x0]  }
0x17e: {  	s24 =	rddreg [dreg:$0x1c];
	v44 =	vmul.f32 v63, v27;
	v32 =	vadd.f32 v42, v32  }
0x17f: {  	v45 =	vld [tilespmem:s24+$0x0]  }
0x180: {  	s25 =	rddreg [dreg:$0x18];
	v46 =	vmul.f32 v41, v28;
	v32 =	vadd.f32 v44, v32  }
0x181: {  	v47 =	vld [tilespmem:s25+$0x0]  }
0x182: {  	v48 =	vmul.f32 v43, v29;
	v32 =	vadd.f32 v46, v32;
	_ =	sdelay $0x1  }
0x183: {  	v49 =	vmul.f32 v45, v30;
	v32 =	vadd.f32 v48, v32;
	_ =	sdelay $0x1  }
0x184: {  	v50 =	vmul.f32 v47, v31;
	v32 =	vadd.f32 v49, v32;
	_ =	sdelay $0x1  }
0x185: {  	v32 =	vadd.f32 v50, v32  }
0x186: {  	s26 =	rddreg [dreg:$0xe]  }
0x187: {  	s28 =	sor.u32 s30, s21;
	[tilespmem:s26+$0x0] =	vst v32  }
0x188: {  	v32 =	vld [tilespmem:s28+$0x0]  }
0x189: {  	v51 =	vld [tilespmem:s28+$0x80];
	_ =	sdelay $0x1  }
0x18a: {  	v52 =	vld [tilespmem:s28+$0x100];
	_ =	sdelay $0x1  }
0x18b: {  	v53 =	vld [tilespmem:s28+$0x180]  }
0x18c: {  	v32 =	vmul.f32 v32, v14;
	v33 =	vmul.f32 v51, v17  }
0x18d: {  	v54 =	vld [tilespmem:s28+$0x200]  }
0x18e: {  	v34 =	vmul.f32 v52, v18;
	v32 =	vadd.f32 v33, v32  }
0x18f: {  	v37 =	vld [tilespmem:s28+$0x280]  }
0x190: {  	v35 =	vmul.f32 v53, v19;
	v32 =	vadd.f32 v34, v32  }
0x191: {  	v38 =	vld [tilespmem:s28+$0x300]  }
0x192: {  	s15 =	sor.u32 s30, s15;
	v36 =	vmul.f32 v54, v20;
	v32 =	vadd.f32 v35, v32  }
0x193: {  	[dreg:$0xd] =	wrdreg s15;
	v39 =	vld [tilespmem:s28+$0x380]  }
0x194: {  	s29 =	rddreg [dreg:$0xd];
	v37 =	vmul.f32 v37, v21;
	v32 =	vadd.f32 v36, v32  }
0x195: {  	v55 =	vld [tilespmem:s29+$0x0]  }
0x196: {  	s15 =	sor.u32 s30, s6;
	s6 =	sor.u32 s30, s0;
	s30 =	rddreg [dreg:$0xc];
	v38 =	vmul.f32 v38, v22;
	v32 =	vadd.f32 v37, v32  }
0x197: {  	v40 =	vld [tilespmem:s30+$0x0]  }
0x198: {  	v59 =	vmul.f32 v39, v23;
	v32 =	vadd.f32 v38, v32  }
0x199: {  	v56 =	vld [tilespmem:s15+$0x0]  }
0x19a: {  	s31 =	rddreg [dreg:$0xb];
	v33 =	vmul.f32 v55, v24;
	v37 =	vadd.f32 v59, v32  }
0x19b: {  	v41 =	vld [tilespmem:s31+$0x0]  }
0x19c: {  	v60 =	vmul.f32 v40, v25;
	v33 =	vadd.f32 v33, v37  }
0x19d: {  	v57 =	vld [tilespmem:s14+$0x0]  }
0x19e: {  	v34 =	vmul.f32 v56, v26;
	v33 =	vadd.f32 v60, v33  }
0x19f: {  	v42 =	vld [tilespmem:s5+$0x0]  }
0x1a0: {  	s10 =	sadd.s32 $0x4, s10;
	v58 =	vld [tilespmem:s6+$0x0];
	v61 =	vmul.f32 v41, v27;
	v33 =	vadd.f32 v34, v33  }
0x1a1: {  	p0 =	slt.u32 s10, $0x7C;
	v43 =	vld [tilespmem:s3+$0x0]  }
.Ltmp0:
0x1a2: {  	v62 =	vmul.f32 v57, v28;
	v33 =	vadd.f32 v61, v33;
	(pc) =	sbr.rel @p0 .LBB2_2-.Ltmp0, $3  }
0x1a3: {  	_ = 	snop  }
0x1a4: {  	v63 =	vmul.f32 v42, v29;
	v34 =	vadd.f32 v62, v33;
	_ =	sdelay $0x1  }
0x1a5: {  	v32 =	vmul.f32 v43, v31;
	v33 =	vmul.f32 v58, v30;
	v34 =	vadd.f32 v63, v34  }
0x1a6: {  	v13 =	vmul.f32 $9.900000000e+01, v13;
	_ =	sdelay $0x1  }
0x1a7: {  	v13 =	vmax.f32 v13, $0.0e+00  }
0x1a8: {  	v13 =	vmin.f32 v13, $9.900000000e+01  }
0x1a9: {  	v14 =	vtrunc.f32 v13  }
0x1aa: {  	v14 =	vcvt.f32.s32 v14;
	_ =	sdelay $0x1  }
0x1ab: {  	v17 =	vadd.s32 $0x1, v14  }
0x1ac: {  	vm4 =	vlt.s32 v17, $0x63  }
0x1ad: {  	v17 =	vnsel vm4, $0x63, v17  }
0x1ae: {  	v17 =	vsel vm3, v14, v17  }
0x1af: {  	v17 =	vadd.s32 v9, v17  }
0x1b0: {  	v17 =	vnsel vm2, $0x0, v17  }
0x1b1: {  	v18 =	vshll.u32 v17, $0x4  }
0x1b2: {  	v17 =	vand.u32 $0x7, v17;
	v18 =	vand.u32 $0xFFFFFF80, v18  }
0x1b3: {  	v17 =	vor.u32 v17, v18  }
0x1b4: {  	v18 =	vperm.xlane v17, v0;
	_ =	sdelay $0x1  }
0x1b5: {  	v19 =	vadd.f32 v33, v34;
	v18 =	vadd.s32 v4, v18;
	_ =	sdelay $0x1  }
0x1b6: {  	s0 =	sld [smem:$0x7F3];
	v19 =	vadd.f32 v32, v19;
	_ =	sdelay $0x1  }
0x1b7: {  	s14 =	simm.s32 $0x0;
	s1 =	simm.s32 $0x80;
	s19 =	sld [smem:$0x7F5];
	[tilespmem:s16+$0x0] =	vst v19  }
0x1b8: {  	[tilespmem:s1], [sflag:$0x1] =	stream.indirect_vreg.gather [hbm4b:s0+s14], $0x80, v18, vm1, $0xb8;
	[tilespmem:$0x19080] =	vst v63  }
0x1b9: {  	s2 =	simm.s32 $0x880;
	s20 =	sld [smem:$0x7F6]  }
0x1ba: {  	[tilespmem:s2], [sflag:$0x1] =	stream.indirect_vreg.gather [hbm4b:s19+s14], $0x80, v18, vm1, $0xb8;
	[tilespmem:$0x19080] =	vst v63  }
0x1bb: {  	s3 =	simm.s32 $0x1080;
	s21 =	sld [smem:$0x7F7]  }
0x1bc: {  	[tilespmem:s3], [sflag:$0x1] =	stream.indirect_vreg.gather [hbm4b:s20+s14], $0x80, v18, vm1, $0xb8;
	[tilespmem:$0x19080] =	vst v63  }
0x1bd: {  	s4 =	simm.s32 $0x1880;
	s22 =	sld [smem:$0x7F8]  }
0x1be: {  	[tilespmem:s4], [sflag:$0x1] =	stream.indirect_vreg.gather [hbm4b:s21+s14], $0x80, v18, vm1, $0xb8;
	[tilespmem:$0x19080] =	vst v63  }
0x1bf: {  	s5 =	simm.s32 $0x2080;
	s23 =	sld [smem:$0x7F9]  }
0x1c0: {  	[tilespmem:s5], [sflag:$0x1] =	stream.indirect_vreg.gather [hbm4b:s22+s14], $0x80, v18, vm1, $0xb8;
	[tilespmem:$0x19080] =	vst v63  }
0x1c1: {  	s6 =	simm.s32 $0x2880;
	s24 =	sld [smem:$0x7FA];
	v17 =	vperm.xlane v17, v5  }
0x1c2: {  	[tilespmem:s6], [sflag:$0x1] =	stream.indirect_vreg.gather [hbm4b:s23+s14], $0x80, v18, vm1, $0xb8;
	[tilespmem:$0x19080] =	vst v63  }
0x1c3: {  	s7 =	simm.s32 $0x3080;
	s25 =	sld [smem:$0x7FB];
	v17 =	vadd.s32 v4, v17  }
0x1c4: {  	[tilespmem:s7], [sflag:$0x1] =	stream.indirect_vreg.gather [hbm4b:s24+s14], $0x80, v18, vm1, $0xb8;
	[tilespmem:$0x19080] =	vst v63  }
0x1c5: {  	s8 =	simm.s32 $0x3880  }
0x1c6: {  	[tilespmem:s8], [sflag:$0x1] =	stream.indirect_vreg.gather [hbm4b:s25+s14], $0x80, v18, vm1, $0xb8;
	[tilespmem:$0x19080] =	vst v63  }
0x1c7: {  	s26 =	simm.s32 $0x4080  }
0x1c8: {  	[tilespmem:s26], [sflag:$0x1] =	stream.indirect_vreg.gather [hbm4b:s0+s14], $0x80, v17, vm1, $0xb8;
	[tilespmem:$0x19080] =	vst v63  }
0x1c9: {  	s28 =	simm.s32 $0x4880  }
0x1ca: {  	[tilespmem:s28], [sflag:$0x1] =	stream.indirect_vreg.gather [hbm4b:s19+s14], $0x80, v17, vm1, $0xb8;
	[tilespmem:$0x19080] =	vst v63  }
0x1cb: {  	s29 =	simm.s32 $0x5080  }
0x1cc: {  	[tilespmem:s29], [sflag:$0x1] =	stream.indirect_vreg.gather [hbm4b:s20+s14], $0x80, v17, vm1, $0xb8;
	[tilespmem:$0x19080] =	vst v63  }
0x1cd: {  	s30 =	simm.s32 $0x5880  }
0x1ce: {  	[tilespmem:s30], [sflag:$0x1] =	stream.indirect_vreg.gather [hbm4b:s21+s14], $0x80, v17, vm1, $0xb8;
	[tilespmem:$0x19080] =	vst v63  }
0x1cf: {  	s31 =	simm.s32 $0x6080  }
0x1d0: {  	[tilespmem:s31], [sflag:$0x1] =	stream.indirect_vreg.gather [hbm4b:s22+s14], $0x80, v17, vm1, $0xb8;
	[tilespmem:$0x19080] =	vst v63  }
0x1d1: {  	s1 =	simm.s32 $0x6880  }
0x1d2: {  	[tilespmem:s1], [sflag:$0x1] =	stream.indirect_vreg.gather [hbm4b:s23+s14], $0x80, v17, vm1, $0xb8;
	[tilespmem:$0x19080] =	vst v63  }
0x1d3: {  	s2 =	simm.s32 $0x7080  }
0x1d4: {  	[tilespmem:s2], [sflag:$0x1] =	stream.indirect_vreg.gather [hbm4b:s24+s14], $0x80, v17, vm1, $0xb8;
	[tilespmem:$0x19080] =	vst v63  }
0x1d5: {  	s3 =	simm.s32 $0x7880;
	s4 =	simm.s32 $0x2  }
0x1d6: {  	[tilespmem:s3], [sflag:$0x1] =	stream.indirect_vreg.gather [hbm4b:s25+s14], $0x80, v17, vm1, $0xb8;
	[tilespmem:$0x19080] =	vst v63  }
0x1d7: {  	s5 =	sand.u32 $0x3C00, s14;
	_ =	swait.ge [sflag:s4], $0x8000  }
0x1d8: {  	v16 =	vcvt.s32.f32 v16;
	s11 =	sand.u32 $0x40, s14;
	s0 =	sor.u32 $0x8080, s5;
	[sflag:s4] =	ssyncset.done $0x0  }
0x1d9: {  	s6 =	sor.u32 s11, s0;
	[sflag:s4] =	ssyncadd.s32 $0xFFFF8000  }
0x1da: {  	v30 =	vsub.f32 v15, v16;
	v18 =	vld [tilespmem:s6+$0x0]  }
0x1db: {  	v19 =	vld [tilespmem:s6+$0x80]  }
0x1dc: {  	v22 =	vsub.f32 $1.000000000e+00, v30  }
0x1dd: {  	v20 =	vld [tilespmem:s6+$0x100]  }
0x1de: {  	v15 =	vbroadcast v22, $0x0;
	v16 =	vbroadcast v22, $0x1  }
0x1df: {  	v17 =	vbroadcast v22, $0x2;
	v21 =	vld [tilespmem:s6+$0x180]  }
0x1e0: {  	v23 =	vmul.f32 v18, v15;
	v19 =	vmul.f32 v19, v16  }
0x1e1: {  	v24 =	vld [tilespmem:s6+$0x200]  }
0x1e2: {  	v18 =	vbroadcast v22, $0x3;
	v20 =	vmul.f32 v20, v17;
	v23 =	vadd.f32 v19, v23  }
0x1e3: {  	v25 =	vld [tilespmem:s6+$0x280]  }
0x1e4: {  	v19 =	vbroadcast v22, $0x4;
	v21 =	vmul.f32 v21, v18;
	v23 =	vadd.f32 v20, v23  }
0x1e5: {  	v26 =	vld [tilespmem:s6+$0x300]  }
0x1e6: {  	v20 =	vbroadcast v22, $0x5;
	v24 =	vmul.f32 v24, v19;
	v23 =	vadd.f32 v21, v23  }
0x1e7: {  	s3 =	sor.u32 $0xC080, s5;
	v27 =	vld [tilespmem:s6+$0x380]  }
0x1e8: {  	s7 =	sor.u32 s11, s3;
	v21 =	vbroadcast v22, $0x6;
	v23 =	vadd.f32 v24, v23;
	v24 =	vmul.f32 v25, v20  }
0x1e9: {  	s4 =	sor.u32 $0xC100, s5;
	v25 =	vld [tilespmem:s7+$0x0]  }
0x1ea: {  	s9 =	sor.u32 s11, s4;
	v22 =	vbroadcast v22, $0x7;
	v26 =	vmul.f32 v26, v21;
	v24 =	vadd.f32 v24, v23  }
0x1eb: {  	s13 =	sor.u32 $0xC180, s5;
	v28 =	vld [tilespmem:s9+$0x0]  }
0x1ec: {  	s10 =	sor.u32 s11, s13;
	v27 =	vmul.f32 v27, v22;
	v23 =	vbroadcast v30, $0x8;
	v26 =	vadd.f32 v26, v24  }
0x1ed: {  	s6 =	sor.u32 $0xC200, s5;
	v29 =	vld [tilespmem:s10+$0x0]  }
0x1ee: {  	s12 =	sor.u32 s11, s6;
	v24 =	vbroadcast v30, $0x9;
	v26 =	vadd.f32 v27, v26;
	v27 =	vmul.f32 v25, v23  }
0x1ef: {  	s2 =	sor.u32 $0xC280, s5;
	v31 =	vld [tilespmem:s12+$0x0]  }
0x1f0: {  	s15 =	sor.u32 s11, s2;
	v25 =	vbroadcast v30, $0xA;
	v28 =	vmul.f32 v28, v24;
	v27 =	vadd.f32 v27, v26  }
0x1f1: {  	s10 =	sor.u32 $0xC300, s5;
	v38 =	vld [tilespmem:s15+$0x0]  }
0x1f2: {  	s16 =	sor.u32 s11, s10;
	v26 =	vbroadcast v30, $0xB;
	v29 =	vmul.f32 v29, v25;
	v28 =	vadd.f32 v28, v27  }
0x1f3: {  	s9 =	sor.u32 $0xC380, s5;
	v39 =	vld [tilespmem:s16+$0x0]  }
0x1f4: {  	s12 =	sor.u32 s11, s9;
	v27 =	vbroadcast v30, $0xC;
	v31 =	vmul.f32 v31, v26;
	v29 =	vadd.f32 v29, v28  }
0x1f5: {  	v40 =	vld [tilespmem:s12+$0x0];
	s7 =	sadd.s32 $0xC400, s5  }
0x1f6: {  	s17 =	sor.u32 s11, s7;
	v28 =	vbroadcast v30, $0xD;
	v32 =	vmul.f32 v38, v27;
	v31 =	vadd.f32 v31, v29  }
0x1f7: {  	v35 =	vld [tilespmem:s17+$0x0]  }
0x1f8: {  	s8 =	sshrl.u32 s5, $0x2;
	v29 =	vbroadcast v30, $0xE;
	v41 =	vmul.f32 v39, v28;
	v31 =	vadd.f32 v32, v31  }
0x1f9: {  	s1 =	sor.u32 $0x18080, s8  }
0x1fa: {  	s8 =	sor.u32 s11, s1;
	v30 =	vbroadcast v30, $0xF;
	v42 =	vmul.f32 v40, v29;
	v31 =	vadd.f32 v41, v31  }
0x1fb: {  	v43 =	vld [tilespmem:s8+$0x0]  }
0x1fc: {  	v44 =	vmul.f32 v35, v30;
	v31 =	vadd.f32 v42, v31;
	_ =	sdelay $0x1  }
0x1fd: {  	v31 =	vadd.f32 v44, v31;
	_ =	sdelay $0x1  }
0x1fe: {  	v31 =	vadd.f32 v31, v43  }
0x1ff: {  	s18 =	sor.u32 $0x10, s11  }
0x200: {  	s19 =	sor.u32 s18, s0;
	[tilespmem:s8+$0x0] =	vst v31  }
0x201: {  	v31 =	vld [tilespmem:s19+$0x0]  }
0x202: {  	v45 =	vld [tilespmem:s19+$0x80];
	_ =	sdelay $0x1  }
0x203: {  	v46 =	vld [tilespmem:s19+$0x100];
	_ =	sdelay $0x1  }
0x204: {  	v47 =	vld [tilespmem:s19+$0x180]  }
0x205: {  	v31 =	vmul.f32 v31, v15;
	v32 =	vmul.f32 v45, v16  }
0x206: {  	v48 =	vld [tilespmem:s19+$0x200]  }
0x207: {  	v49 =	vmul.f32 v46, v17;
	v31 =	vadd.f32 v32, v31  }
0x208: {  	v50 =	vld [tilespmem:s19+$0x280]  }
0x209: {  	v51 =	vmul.f32 v47, v18;
	v31 =	vadd.f32 v49, v31  }
0x20a: {  	v52 =	vld [tilespmem:s19+$0x300]  }
0x20b: {  	v53 =	vmul.f32 v48, v19;
	v31 =	vadd.f32 v51, v31  }
0x20c: {  	v54 =	vld [tilespmem:s19+$0x380]  }
0x20d: {  	s20 =	sor.u32 s18, s3;
	v55 =	vmul.f32 v50, v20;
	v31 =	vadd.f32 v53, v31  }
0x20e: {  	v56 =	vld [tilespmem:s20+$0x0]  }
0x20f: {  	s21 =	sor.u32 s18, s4;
	v57 =	vmul.f32 v52, v21;
	v31 =	vadd.f32 v55, v31  }
0x210: {  	v58 =	vld [tilespmem:s21+$0x0]  }
0x211: {  	s22 =	sor.u32 s18, s13;
	v59 =	vmul.f32 v54, v22;
	v31 =	vadd.f32 v57, v31  }
0x212: {  	v60 =	vld [tilespmem:s22+$0x0]  }
0x213: {  	s23 =	sor.u32 s18, s6;
	v61 =	vmul.f32 v56, v23;
	v31 =	vadd.f32 v59, v31  }
0x214: {  	v62 =	vld [tilespmem:s23+$0x0]  }
0x215: {  	s24 =	sor.u32 s18, s2;
	v63 =	vmul.f32 v58, v24;
	v31 =	vadd.f32 v61, v31  }
0x216: {  	v36 =	vld [tilespmem:s24+$0x0]  }
0x217: {  	s25 =	sor.u32 s18, s10;
	v37 =	vmul.f32 v60, v25;
	v31 =	vadd.f32 v63, v31  }
0x218: {  	v38 =	vld [tilespmem:s25+$0x0]  }
0x219: {  	s26 =	sor.u32 s18, s9;
	v39 =	vmul.f32 v62, v26;
	v31 =	vadd.f32 v37, v31  }
0x21a: {  	v40 =	vld [tilespmem:s26+$0x0]  }
0x21b: {  	s28 =	sor.u32 s18, s7;
	v41 =	vmul.f32 v36, v27;
	v31 =	vadd.f32 v39, v31  }
0x21c: {  	v42 =	vld [tilespmem:s28+$0x0]  }
0x21d: {  	v43 =	vmul.f32 v38, v28;
	v31 =	vadd.f32 v41, v31;
	_ =	sdelay $0x1  }
0x21e: {  	s29 =	sor.u32 s18, s1;
	v44 =	vmul.f32 v40, v29;
	v31 =	vadd.f32 v43, v31  }
0x21f: {  	v45 =	vld [tilespmem:s29+$0x0]  }
0x220: {  	v46 =	vmul.f32 v42, v30;
	v31 =	vadd.f32 v44, v31;
	_ =	sdelay $0x1  }
0x221: {  	v31 =	vadd.f32 v46, v31;
	_ =	sdelay $0x1  }
0x222: {  	v31 =	vadd.f32 v31, v45  }
0x223: {  	s30 =	sor.u32 $0x20, s11  }
0x224: {  	s31 =	sor.u32 s30, s0;
	[tilespmem:s29+$0x0] =	vst v31  }
0x225: {  	v31 =	vld [tilespmem:s31+$0x0]  }
0x226: {  	v47 =	vld [tilespmem:s31+$0x80];
	_ =	sdelay $0x1  }
0x227: {  	v48 =	vld [tilespmem:s31+$0x100];
	_ =	sdelay $0x1  }
0x228: {  	v49 =	vld [tilespmem:s31+$0x180]  }
0x229: {  	v31 =	vmul.f32 v31, v15;
	v32 =	vmul.f32 v47, v16  }
0x22a: {  	v50 =	vld [tilespmem:s31+$0x200]  }
0x22b: {  	v51 =	vmul.f32 v48, v17;
	v31 =	vadd.f32 v32, v31  }
0x22c: {  	v52 =	vld [tilespmem:s31+$0x280]  }
0x22d: {  	v53 =	vmul.f32 v49, v18;
	v31 =	vadd.f32 v51, v31  }
0x22e: {  	v54 =	vld [tilespmem:s31+$0x300]  }
0x22f: {  	v55 =	vmul.f32 v50, v19;
	v31 =	vadd.f32 v53, v31  }
0x230: {  	v56 =	vld [tilespmem:s31+$0x380]  }
0x231: {  	s5 =	sor.u32 s30, s3;
	v57 =	vmul.f32 v52, v20;
	v31 =	vadd.f32 v55, v31  }
0x232: {  	v58 =	vld [tilespmem:s5+$0x0]  }
0x233: {  	s15 =	sor.u32 s30, s4;
	v59 =	vmul.f32 v54, v21;
	v31 =	vadd.f32 v57, v31  }
0x234: {  	v60 =	vld [tilespmem:s15+$0x0]  }
0x235: {  	s16 =	sor.u32 s30, s13;
	v61 =	vmul.f32 v56, v22;
	v31 =	vadd.f32 v59, v31  }
0x236: {  	v62 =	vld [tilespmem:s16+$0x0]  }
0x237: {  	s17 =	sor.u32 s30, s6;
	v63 =	vmul.f32 v58, v23;
	v31 =	vadd.f32 v61, v31  }
0x238: {  	v36 =	vld [tilespmem:s17+$0x0]  }
0x239: {  	s18 =	sor.u32 s30, s2;
	v37 =	vmul.f32 v60, v24;
	v31 =	vadd.f32 v63, v31  }
0x23a: {  	v38 =	vld [tilespmem:s18+$0x0]  }
0x23b: {  	s19 =	sor.u32 s30, s10;
	v39 =	vmul.f32 v62, v25;
	v31 =	vadd.f32 v37, v31  }
0x23c: {  	v40 =	vld [tilespmem:s19+$0x0]  }
0x23d: {  	s20 =	sor.u32 s30, s9;
	v41 =	vmul.f32 v36, v26;
	v31 =	vadd.f32 v39, v31  }
0x23e: {  	v42 =	vld [tilespmem:s20+$0x0]  }
0x23f: {  	s21 =	sor.u32 s30, s7;
	v43 =	vmul.f32 v38, v27;
	v31 =	vadd.f32 v41, v31  }
0x240: {  	v44 =	vld [tilespmem:s21+$0x0]  }
0x241: {  	v45 =	vmul.f32 v40, v28;
	v31 =	vadd.f32 v43, v31;
	_ =	sdelay $0x1  }
0x242: {  	s22 =	sor.u32 s30, s1;
	v46 =	vmul.f32 v42, v29;
	v31 =	vadd.f32 v45, v31  }
0x243: {  	v47 =	vld [tilespmem:s22+$0x0]  }
0x244: {  	v48 =	vmul.f32 v44, v30;
	v31 =	vadd.f32 v46, v31;
	_ =	sdelay $0x1  }
0x245: {  	v31 =	vadd.f32 v48, v31;
	_ =	sdelay $0x1  }
0x246: {  	v31 =	vadd.f32 v31, v47  }
0x247: {  	s11 =	sor.u32 $0x30, s11  }
0x248: {  	s0 =	sor.u32 s11, s0;
	[tilespmem:s22+$0x0] =	vst v31  }
0x249: {  	v31 =	vld [tilespmem:s0+$0x0]  }
0x24a: {  	v49 =	vld [tilespmem:s0+$0x80];
	_ =	sdelay $0x1  }
0x24b: {  	v50 =	vld [tilespmem:s0+$0x100];
	_ =	sdelay $0x1  }
0x24c: {  	v51 =	vld [tilespmem:s0+$0x180]  }
0x24d: {  	v31 =	vmul.f32 v31, v15;
	v32 =	vmul.f32 v49, v16  }
0x24e: {  	v52 =	vld [tilespmem:s0+$0x200]  }
0x24f: {  	v33 =	vmul.f32 v50, v17;
	v31 =	vadd.f32 v32, v31  }
0x250: {  	v53 =	vld [tilespmem:s0+$0x280]  }
0x251: {  	v34 =	vmul.f32 v51, v18;
	v31 =	vadd.f32 v33, v31  }
0x252: {  	v54 =	vld [tilespmem:s0+$0x300]  }
0x253: {  	v35 =	vmul.f32 v52, v19;
	v31 =	vadd.f32 v34, v31  }
0x254: {  	v55 =	vld [tilespmem:s0+$0x380]  }
0x255: {  	s23 =	sor.u32 s11, s3;
	v32 =	vmul.f32 v53, v20;
	v31 =	vadd.f32 v35, v31  }
0x256: {  	v56 =	vld [tilespmem:s23+$0x0]  }
0x257: {  	s24 =	sor.u32 s11, s4;
	v33 =	vmul.f32 v54, v21;
	v31 =	vadd.f32 v32, v31  }
0x258: {  	v57 =	vld [tilespmem:s24+$0x0]  }
0x259: {  	s25 =	sor.u32 s11, s13;
	v34 =	vmul.f32 v55, v22;
	v31 =	vadd.f32 v33, v31  }
0x25a: {  	v58 =	vld [tilespmem:s25+$0x0]  }
0x25b: {  	s26 =	sor.u32 s11, s6;
	v35 =	vmul.f32 v56, v23;
	v31 =	vadd.f32 v34, v31  }
0x25c: {  	v59 =	vld [tilespmem:s26+$0x0]  }
0x25d: {  	s28 =	sor.u32 s11, s2;
	v32 =	vmul.f32 v57, v24;
	v31 =	vadd.f32 v35, v31  }
0x25e: {  	v60 =	vld [tilespmem:s28+$0x0]  }
0x25f: {  	s29 =	sor.u32 s11, s10;
	v33 =	vmul.f32 v58, v25;
	v31 =	vadd.f32 v32, v31  }
0x260: {  	v61 =	vld [tilespmem:s29+$0x0]  }
0x261: {  	s30 =	sor.u32 s11, s9;
	v34 =	vmul.f32 v59, v26;
	v31 =	vadd.f32 v33, v31  }
0x262: {  	v62 =	vld [tilespmem:s30+$0x0]  }
0x263: {  	s31 =	sor.u32 s11, s7;
	v35 =	vmul.f32 v60, v27;
	v31 =	vadd.f32 v34, v31  }
0x264: {  	v63 =	vld [tilespmem:s31+$0x0]  }
0x265: {  	v32 =	vmul.f32 v61, v28;
	v31 =	vadd.f32 v35, v31;
	_ =	sdelay $0x1  }
0x266: {  	v33 =	vmul.f32 v62, v29;
	v35 =	vadd.f32 v32, v31  }
0x267: {  	s0 =	sor.u32 s11, s1  }
0x268: {  	s9 =	simm.s32 $0x0;
	s19 =	simm.s32 $0x0;
	v31 =	vld [tilespmem:s0+$0x0];
	v32 =	vmul.f32 v63, v30;
	v33 =	vadd.f32 v33, v35  }
.LBB2_4:
0x269: {  	_ =	sdelay $0x1  }
0x26a: {  	v32 =	vadd.f32 v32, v33  }
0x26b: {  	s19 =	sadd.s32 $0x200, s19  }
0x26c: {  	s7 =	sadd.s32 $0x40, s14;
	s2 =	sand.u32 $0x3C00, s19;
	v31 =	vadd.f32 v32, v31  }
0x26d: {  	s3 =	sand.u32 $0x40, s7;
	s21 =	sor.u32 $0x8080, s2  }
0x26e: {  	s13 =	sor.u32 s3, s21;
	[tilespmem:s0+$0x0] =	vst v31  }
0x26f: {  	v31 =	vld [tilespmem:s13+$0x0]  }
0x270: {  	v47 =	vld [tilespmem:s13+$0x80];
	_ =	sdelay $0x1  }
0x271: {  	v48 =	vld [tilespmem:s13+$0x100];
	_ =	sdelay $0x1  }
0x272: {  	v34 =	vld [tilespmem:s13+$0x180]  }
0x273: {  	v31 =	vmul.f32 v31, v15;
	v32 =	vmul.f32 v47, v16  }
0x274: {  	v35 =	vld [tilespmem:s13+$0x200]  }
0x275: {  	v49 =	vmul.f32 v48, v17;
	v31 =	vadd.f32 v32, v31  }
0x276: {  	v50 =	vld [tilespmem:s13+$0x280]  }
0x277: {  	v51 =	vmul.f32 v34, v18;
	v31 =	vadd.f32 v49, v31  }
0x278: {  	v52 =	vld [tilespmem:s13+$0x300]  }
0x279: {  	v53 =	vmul.f32 v35, v19;
	v31 =	vadd.f32 v51, v31  }
0x27a: {  	s15 =	sor.u32 $0xC080, s2;
	v54 =	vld [tilespmem:s13+$0x380]  }
0x27b: {  	s23 =	sor.u32 s3, s15;
	v55 =	vmul.f32 v50, v20;
	v31 =	vadd.f32 v53, v31  }
0x27c: {  	s14 =	sor.u32 $0xC100, s2;
	v56 =	vld [tilespmem:s23+$0x0]  }
0x27d: {  	s30 =	sor.u32 s3, s14;
	v57 =	vmul.f32 v52, v21;
	v31 =	vadd.f32 v55, v31  }
0x27e: {  	s1 =	sor.u32 $0xC180, s2;
	v58 =	vld [tilespmem:s30+$0x0]  }
0x27f: {  	s31 =	sor.u32 s3, s1;
	v59 =	vmul.f32 v54, v22;
	v31 =	vadd.f32 v57, v31  }
0x280: {  	s16 =	sor.u32 $0xC200, s2;
	v60 =	vld [tilespmem:s31+$0x0]  }
0x281: {  	s29 =	sor.u32 s3, s16;
	v61 =	vmul.f32 v56, v23;
	v31 =	vadd.f32 v59, v31  }
0x282: {  	s5 =	sor.u32 $0xC280, s2;
	v62 =	vld [tilespmem:s29+$0x0]  }
0x283: {  	s28 =	sor.u32 s3, s5;
	v63 =	vmul.f32 v58, v24;
	v31 =	vadd.f32 v61, v31  }
0x284: {  	s0 =	sor.u32 $0xC300, s2;
	v36 =	vld [tilespmem:s28+$0x0]  }
0x285: {  	s26 =	sor.u32 s3, s0;
	v37 =	vmul.f32 v60, v25;
	v31 =	vadd.f32 v63, v31  }
0x286: {  	s18 =	sor.u32 $0xC380, s2;
	v38 =	vld [tilespmem:s26+$0x0]  }
0x287: {  	s25 =	sor.u32 s3, s18;
	v39 =	vmul.f32 v62, v26;
	v31 =	vadd.f32 v37, v31  }
0x288: {  	s8 =	sadd.s32 $0xC400, s2;
	v40 =	vld [tilespmem:s25+$0x0]  }
0x289: {  	s24 =	sor.u32 s3, s8;
	v41 =	vmul.f32 v36, v27;
	v31 =	vadd.f32 v39, v31  }
0x28a: {  	v42 =	vld [tilespmem:s24+$0x0]  }
0x28b: {  	s2 =	sshrl.u32 s2, $0x2;
	v43 =	vmul.f32 v38, v28;
	v31 =	vadd.f32 v41, v31  }
0x28c: {  	s20 =	sor.u32 $0x18080, s2  }
0x28d: {  	s17 =	sor.u32 s3, s20;
	v44 =	vmul.f32 v40, v29;
	v31 =	vadd.f32 v43, v31  }
0x28e: {  	v45 =	vld [tilespmem:s17+$0x0]  }
0x28f: {  	v46 =	vmul.f32 v42, v30;
	v31 =	vadd.f32 v44, v31;
	_ =	sdelay $0x1  }
0x290: {  	v31 =	vadd.f32 v46, v31;
	_ =	sdelay $0x1  }
0x291: {  	v31 =	vadd.f32 v31, v45  }
0x292: {  	s6 =	sor.u32 $0x10, s3  }
0x293: {  	s29 =	sor.u32 s6, s21;
	[tilespmem:s17+$0x0] =	vst v31  }
0x294: {  	v31 =	vld [tilespmem:s29+$0x0]  }
0x295: {  	v47 =	vld [tilespmem:s29+$0x80];
	_ =	sdelay $0x1  }
0x296: {  	v48 =	vld [tilespmem:s29+$0x100];
	_ =	sdelay $0x1  }
0x297: {  	v49 =	vld [tilespmem:s29+$0x180]  }
0x298: {  	v31 =	vmul.f32 v31, v15;
	v32 =	vmul.f32 v47, v16  }
0x299: {  	v50 =	vld [tilespmem:s29+$0x200]  }
0x29a: {  	v51 =	vmul.f32 v48, v17;
	v31 =	vadd.f32 v32, v31  }
0x29b: {  	v52 =	vld [tilespmem:s29+$0x280]  }
0x29c: {  	s4 =	sor.u32 s6, s5;
	v53 =	vmul.f32 v49, v18;
	v31 =	vadd.f32 v51, v31  }
0x29d: {  	[smem:$0x7E1] =	sst s4;
	v54 =	vld [tilespmem:s29+$0x300]  }
0x29e: {  	s22 =	sor.u32 s6, s0;
	s30 =	sld [smem:$0x7E1];
	v55 =	vmul.f32 v50, v19;
	v31 =	vadd.f32 v53, v31  }
0x29f: {  	[smem:$0x7E2] =	sst s22;
	s22 =	sor.u32 s6, s18;
	v56 =	vld [tilespmem:s29+$0x380]  }
0x2a0: {  	s10 =	sor.u32 s6, s14;
	s2 =	sor.u32 s6, s15;
	[smem:$0x7E3] =	sst s22;
	v57 =	vmul.f32 v52, v20;
	v31 =	vadd.f32 v55, v31  }
0x2a1: {  	s4 =	sor.u32 $0x20, s3;
	s22 =	sor.u32 s6, s8;
	s31 =	sld [smem:$0x7E2];
	v58 =	vld [tilespmem:s2+$0x0]  }
0x2a2: {  	[smem:$0x7E4] =	sst s22;
	s22 =	sor.u32 $0x30, s3;
	s3 =	sor.u32 s4, s15;
	v59 =	vmul.f32 v54, v21;
	v31 =	vadd.f32 v57, v31  }
0x2a3: {  	[smem:$0x7E5] =	sst s3;
	s3 =	sor.u32 s4, s14;
	v60 =	vld [tilespmem:s10+$0x0]  }
0x2a4: {  	s12 =	sor.u32 s6, s1;
	[smem:$0x7E6] =	sst s3;
	s3 =	sor.u32 s4, s1;
	v61 =	vmul.f32 v56, v22;
	v31 =	vadd.f32 v59, v31  }
0x2a5: {  	[smem:$0x7E7] =	sst s3;
	s3 =	sor.u32 s4, s16;
	v62 =	vld [tilespmem:s12+$0x0]  }
0x2a6: {  	s11 =	sor.u32 s6, s16;
	[dreg:$0x1e] =	wrdreg s3;
	s3 =	sor.u32 s4, s5;
	v63 =	vmul.f32 v58, v23;
	v31 =	vadd.f32 v61, v31  }
0x2a7: {  	[dreg:$0x19] =	wrdreg s3;
	s3 =	sor.u32 s4, s0;
	v36 =	vld [tilespmem:s11+$0x0]  }
0x2a8: {  	[dreg:$0x15] =	wrdreg s3;
	s3 =	sor.u32 s4, s18;
	v37 =	vmul.f32 v60, v24;
	v31 =	vadd.f32 v63, v31  }
0x2a9: {  	[dreg:$0x12] =	wrdreg s3;
	v38 =	vld [tilespmem:s30+$0x0]  }
0x2aa: {  	s3 =	sor.u32 s4, s8;
	s2 =	sld [smem:$0x7E3];
	v39 =	vmul.f32 v62, v25;
	v31 =	vadd.f32 v37, v31  }
0x2ab: {  	[dreg:$0xf] =	wrdreg s3;
	v40 =	vld [tilespmem:s31+$0x0]  }
0x2ac: {  	s3 =	sld [smem:$0x7E4];
	v41 =	vmul.f32 v36, v26;
	v31 =	vadd.f32 v39, v31  }
0x2ad: {  	v42 =	vld [tilespmem:s2+$0x0]  }
0x2ae: {  	v43 =	vmul.f32 v38, v27;
	v31 =	vadd.f32 v41, v31  }
0x2af: {  	v44 =	vld [tilespmem:s3+$0x0]  }
0x2b0: {  	s15 =	sor.u32 s22, s15;
	v45 =	vmul.f32 v40, v28;
	v31 =	vadd.f32 v43, v31  }
0x2b1: {  	[dreg:$0x5] =	wrdreg s15;
	s15 =	sor.u32 s22, s16  }
0x2b2: {  	s16 =	sor.u32 s22, s5;
	s5 =	sor.u32 s22, s8;
	s8 =	sor.u32 s6, s20;
	v46 =	vmul.f32 v42, v29;
	v31 =	vadd.f32 v45, v31  }
0x2b3: {  	v47 =	vld [tilespmem:s8+$0x0]  }
0x2b4: {  	v48 =	vmul.f32 v44, v30;
	v31 =	vadd.f32 v46, v31;
	_ =	sdelay $0x1  }
0x2b5: {  	v31 =	vadd.f32 v48, v31;
	_ =	sdelay $0x1  }
0x2b6: {  	v31 =	vadd.f32 v31, v47;
	_ =	sdelay $0x1  }
0x2b7: {  	s10 =	sor.u32 s4, s21;
	[tilespmem:s8+$0x0] =	vst v31  }
0x2b8: {  	v31 =	vld [tilespmem:s10+$0x0]  }
0x2b9: {  	v49 =	vld [tilespmem:s10+$0x80];
	_ =	sdelay $0x1  }
0x2ba: {  	v50 =	vld [tilespmem:s10+$0x100];
	_ =	sdelay $0x1  }
0x2bb: {  	v51 =	vld [tilespmem:s10+$0x180]  }
0x2bc: {  	v31 =	vmul.f32 v31, v15;
	v32 =	vmul.f32 v49, v16  }
0x2bd: {  	v52 =	vld [tilespmem:s10+$0x200]  }
0x2be: {  	v53 =	vmul.f32 v50, v17;
	v31 =	vadd.f32 v32, v31  }
0x2bf: {  	v54 =	vld [tilespmem:s10+$0x280]  }
0x2c0: {  	v55 =	vmul.f32 v51, v18;
	v31 =	vadd.f32 v53, v31  }
0x2c1: {  	v56 =	vld [tilespmem:s10+$0x300]  }
0x2c2: {  	s11 =	sld [smem:$0x7E5];
	v57 =	vmul.f32 v52, v19;
	v31 =	vadd.f32 v55, v31  }
0x2c3: {  	v58 =	vld [tilespmem:s10+$0x380]  }
0x2c4: {  	s12 =	sld [smem:$0x7E6];
	v59 =	vmul.f32 v54, v20;
	v31 =	vadd.f32 v57, v31  }
0x2c5: {  	v60 =	vld [tilespmem:s11+$0x0]  }
0x2c6: {  	s13 =	sld [smem:$0x7E7];
	v61 =	vmul.f32 v56, v21;
	v31 =	vadd.f32 v59, v31  }
0x2c7: {  	v62 =	vld [tilespmem:s12+$0x0]  }
0x2c8: {  	v63 =	vmul.f32 v58, v22;
	v31 =	vadd.f32 v61, v31  }
0x2c9: {  	v36 =	vld [tilespmem:s13+$0x0]  }
0x2ca: {  	s1 =	sor.u32 s22, s1;
	s17 =	rddreg [dreg:$0x1e];
	v37 =	vmul.f32 v60, v23;
	v31 =	vadd.f32 v63, v31  }
0x2cb: {  	[dreg:$0x2] =	wrdreg s1;
	v38 =	vld [tilespmem:s17+$0x0]  }
0x2cc: {  	s1 =	sor.u32 s22, s18;
	s18 =	rddreg [dreg:$0x19];
	v39 =	vmul.f32 v62, v24;
	v31 =	vadd.f32 v37, v31  }
0x2cd: {  	v40 =	vld [tilespmem:s18+$0x0]  }
0x2ce: {  	s23 =	rddreg [dreg:$0x15];
	v41 =	vmul.f32 v36, v25;
	v31 =	vadd.f32 v39, v31  }
0x2cf: {  	v42 =	vld [tilespmem:s23+$0x0]  }
0x2d0: {  	s24 =	rddreg [dreg:$0x12];
	v43 =	vmul.f32 v38, v26;
	v31 =	vadd.f32 v41, v31  }
0x2d1: {  	v44 =	vld [tilespmem:s24+$0x0]  }
0x2d2: {  	s25 =	rddreg [dreg:$0xf];
	v45 =	vmul.f32 v40, v27;
	v31 =	vadd.f32 v43, v31  }
0x2d3: {  	v46 =	vld [tilespmem:s25+$0x0]  }
0x2d4: {  	v47 =	vmul.f32 v42, v28;
	v31 =	vadd.f32 v45, v31;
	_ =	sdelay $0x1  }
0x2d5: {  	s26 =	sor.u32 s4, s20;
	v48 =	vmul.f32 v44, v29;
	v31 =	vadd.f32 v47, v31  }
0x2d6: {  	v49 =	vld [tilespmem:s26+$0x0]  }
0x2d7: {  	v50 =	vmul.f32 v46, v30;
	v31 =	vadd.f32 v48, v31;
	_ =	sdelay $0x1  }
0x2d8: {  	v31 =	vadd.f32 v50, v31;
	_ =	sdelay $0x1  }
0x2d9: {  	v31 =	vadd.f32 v31, v49;
	_ =	sdelay $0x1  }
0x2da: {  	s28 =	sor.u32 s22, s21;
	[tilespmem:s26+$0x0] =	vst v31  }
0x2db: {  	v31 =	vld [tilespmem:s28+$0x0]  }
0x2dc: {  	v51 =	vld [tilespmem:s28+$0x80];
	_ =	sdelay $0x1  }
0x2dd: {  	v52 =	vld [tilespmem:s28+$0x100];
	_ =	sdelay $0x1  }
0x2de: {  	v53 =	vld [tilespmem:s28+$0x180]  }
0x2df: {  	v31 =	vmul.f32 v31, v15;
	v32 =	vmul.f32 v51, v16  }
0x2e0: {  	v54 =	vld [tilespmem:s28+$0x200]  }
0x2e1: {  	v33 =	vmul.f32 v52, v17;
	v31 =	vadd.f32 v32, v31  }
0x2e2: {  	v36 =	vld [tilespmem:s28+$0x280]  }
0x2e3: {  	v34 =	vmul.f32 v53, v18;
	v31 =	vadd.f32 v33, v31  }
0x2e4: {  	v37 =	vld [tilespmem:s28+$0x300]  }
0x2e5: {  	v35 =	vmul.f32 v54, v19;
	v31 =	vadd.f32 v34, v31  }
0x2e6: {  	v38 =	vld [tilespmem:s28+$0x380]  }
0x2e7: {  	s14 =	sor.u32 s22, s14;
	s29 =	rddreg [dreg:$0x5];
	v36 =	vmul.f32 v36, v20;
	v31 =	vadd.f32 v35, v31  }
0x2e8: {  	[dreg:$0x6] =	wrdreg s14;
	v55 =	vld [tilespmem:s29+$0x0]  }
0x2e9: {  	s30 =	rddreg [dreg:$0x6];
	v37 =	vmul.f32 v37, v21;
	v36 =	vadd.f32 v36, v31  }
0x2ea: {  	v39 =	vld [tilespmem:s30+$0x0]  }
0x2eb: {  	s31 =	rddreg [dreg:$0x2];
	v38 =	vmul.f32 v38, v22;
	v36 =	vadd.f32 v37, v36  }
0x2ec: {  	v56 =	vld [tilespmem:s31+$0x0]  }
0x2ed: {  	v32 =	vmul.f32 v55, v23;
	v36 =	vadd.f32 v38, v36  }
0x2ee: {  	v40 =	vld [tilespmem:s15+$0x0]  }
0x2ef: {  	v59 =	vmul.f32 v39, v24;
	v32 =	vadd.f32 v32, v36  }
0x2f0: {  	v57 =	vld [tilespmem:s16+$0x0]  }
0x2f1: {  	s14 =	smov.u32 s7;
	s7 =	sor.u32 s22, s0;
	v33 =	vmul.f32 v56, v25;
	v32 =	vadd.f32 v59, v32  }
0x2f2: {  	v41 =	vld [tilespmem:s7+$0x0]  }
0x2f3: {  	v60 =	vmul.f32 v40, v26;
	v32 =	vadd.f32 v33, v32  }
0x2f4: {  	v58 =	vld [tilespmem:s1+$0x0]  }
0x2f5: {  	s9 =	sadd.s32 $0x4, s9;
	v61 =	vmul.f32 v57, v27;
	v32 =	vadd.f32 v60, v32  }
0x2f6: {  	p0 =	slt.u32 s9, $0x7C;
	v42 =	vld [tilespmem:s5+$0x0]  }
.Ltmp1:
0x2f7: {  	v62 =	vmul.f32 v41, v28;
	v32 =	vadd.f32 v61, v32;
	(pc) =	sbr.rel @p0 .LBB2_4-.Ltmp1, $4  }
0x2f8: {  	_ = 	snop  }
0x2f9: {  	v63 =	vmul.f32 v58, v29;
	v34 =	vadd.f32 v62, v32  }
0x2fa: {  	s0 =	sor.u32 s22, s20  }
0x2fb: {  	v31 =	vld [tilespmem:s0+$0x0];
	v32 =	vmul.f32 v42, v30;
	v33 =	vadd.f32 v63, v34  }
0x2fc: {  	_ =	sdelay $0x1  }
0x2fd: {  	v15 =	vadd.f32 v32, v33;
	_ =	sdelay $0x1  }
0x2fe: {  	v15 =	vadd.f32 v15, v31;
	_ =	sdelay $0x1  }
0x2ff: {  	s5 =	simm.s32 $0x0;
	s1 =	simm.s32 $0x3;
	[tilespmem:s0+$0x0] =	vst v15  }
0x300: {  	s8 =	sand.u32 $0x3C00, s5;
	_ =	swait.ge [sflag:s1], $0x8000  }
0x301: {  	v12 =	vcvt.s32.f32 v12;
	s11 =	sand.u32 $0x40, s5;
	s0 =	sor.u32 $0x10080, s8;
	[sflag:s1] =	ssyncset.done $0x0  }
0x302: {  	s2 =	sor.u32 s11, s0;
	[sflag:s1] =	ssyncadd.s32 $0xFFFF8000  }
0x303: {  	v28 =	vsub.f32 v11, v12;
	v16 =	vld [tilespmem:s2+$0x0]  }
0x304: {  	v17 =	vld [tilespmem:s2+$0x80]  }
0x305: {  	v20 =	vsub.f32 $1.000000000e+00, v28  }
0x306: {  	v18 =	vld [tilespmem:s2+$0x100]  }
0x307: {  	v11 =	vbroadcast v20, $0x0;
	v12 =	vbroadcast v20, $0x1  }
0x308: {  	v15 =	vbroadcast v20, $0x2;
	v19 =	vld [tilespmem:s2+$0x180]  }
0x309: {  	v21 =	vmul.f32 v16, v11;
	v17 =	vmul.f32 v17, v12  }
0x30a: {  	v22 =	vld [tilespmem:s2+$0x200]  }
0x30b: {  	v16 =	vbroadcast v20, $0x3;
	v18 =	vmul.f32 v18, v15;
	v21 =	vadd.f32 v17, v21  }
0x30c: {  	v23 =	vld [tilespmem:s2+$0x280]  }
0x30d: {  	v17 =	vbroadcast v20, $0x4;
	v19 =	vmul.f32 v19, v16;
	v21 =	vadd.f32 v18, v21  }
0x30e: {  	v24 =	vld [tilespmem:s2+$0x300]  }
0x30f: {  	v18 =	vbroadcast v20, $0x5;
	v22 =	vmul.f32 v22, v17;
	v21 =	vadd.f32 v19, v21  }
0x310: {  	s3 =	sor.u32 $0x14080, s8;
	v25 =	vld [tilespmem:s2+$0x380]  }
0x311: {  	s10 =	sor.u32 s11, s3;
	v19 =	vbroadcast v20, $0x6;
	v21 =	vadd.f32 v22, v21;
	v22 =	vmul.f32 v23, v18  }
0x312: {  	s4 =	sor.u32 $0x14100, s8;
	v23 =	vld [tilespmem:s10+$0x0]  }
0x313: {  	s12 =	sor.u32 s11, s4;
	v20 =	vbroadcast v20, $0x7;
	v24 =	vmul.f32 v24, v19;
	v22 =	vadd.f32 v22, v21  }
0x314: {  	s13 =	sor.u32 $0x14180, s8;
	v26 =	vld [tilespmem:s12+$0x0]  }
0x315: {  	s14 =	sor.u32 s11, s13;
	v25 =	vmul.f32 v25, v20;
	v21 =	vbroadcast v28, $0x8;
	v24 =	vadd.f32 v24, v22  }
0x316: {  	s6 =	sor.u32 $0x14200, s8;
	v27 =	vld [tilespmem:s14+$0x0]  }
0x317: {  	s7 =	sor.u32 s11, s6;
	v22 =	vbroadcast v28, $0x9;
	v24 =	vadd.f32 v25, v24;
	v25 =	vmul.f32 v23, v21  }
0x318: {  	s2 =	sor.u32 $0x14280, s8;
	v29 =	vld [tilespmem:s7+$0x0]  }
0x319: {  	s15 =	sor.u32 s11, s2;
	v23 =	vbroadcast v28, $0xA;
	v26 =	vmul.f32 v26, v22;
	v25 =	vadd.f32 v25, v24  }
0x31a: {  	v30 =	vld [tilespmem:s15+$0x0];
	s10 =	sor.u32 $0x14300, s8  }
0x31b: {  	s16 =	sor.u32 s11, s10;
	v24 =	vbroadcast v28, $0xB;
	v27 =	vmul.f32 v27, v23;
	v26 =	vadd.f32 v26, v25  }
0x31c: {  	s9 =	sor.u32 $0x14380, s8;
	v31 =	vld [tilespmem:s16+$0x0]  }
0x31d: {  	s12 =	sor.u32 s11, s9;
	v25 =	vbroadcast v28, $0xC;
	v29 =	vmul.f32 v29, v24;
	v27 =	vadd.f32 v27, v26  }
0x31e: {  	s7 =	sadd.s32 $0x14400, s8;
	v37 =	vld [tilespmem:s12+$0x0]  }
0x31f: {  	s17 =	sor.u32 s11, s7;
	v26 =	vbroadcast v28, $0xD;
	v30 =	vmul.f32 v30, v25;
	v29 =	vadd.f32 v29, v27  }
0x320: {  	v38 =	vld [tilespmem:s17+$0x0]  }
0x321: {  	s8 =	sshrl.u32 s8, $0x2;
	v27 =	vbroadcast v28, $0xE;
	v29 =	vadd.f32 v30, v29;
	v30 =	vmul.f32 v31, v26  }
0x322: {  	s1 =	sor.u32 $0x18080, s8  }
0x323: {  	s8 =	sor.u32 s11, s1;
	v28 =	vbroadcast v28, $0xF;
	v29 =	vadd.f32 v30, v29;
	v30 =	vmul.f32 v37, v27  }
0x324: {  	v31 =	vld [tilespmem:s8+$0x0]  }
0x325: {  	v29 =	vadd.f32 v30, v29;
	v30 =	vmul.f32 v38, v28;
	_ =	sdelay $0x1  }
0x326: {  	v29 =	vadd.f32 v30, v29;
	_ =	sdelay $0x1  }
0x327: {  	v29 =	vadd.f32 v29, v31  }
0x328: {  	s18 =	sor.u32 $0x10, s11  }
0x329: {  	s19 =	sor.u32 s18, s0;
	[tilespmem:s8+$0x0] =	vst v29  }
0x32a: {  	v29 =	vld [tilespmem:s19+$0x0]  }
0x32b: {  	v30 =	vld [tilespmem:s19+$0x80];
	_ =	sdelay $0x1  }
0x32c: {  	v31 =	vld [tilespmem:s19+$0x100];
	_ =	sdelay $0x1  }
0x32d: {  	v39 =	vld [tilespmem:s19+$0x180]  }
0x32e: {  	v29 =	vmul.f32 v29, v11;
	v30 =	vmul.f32 v30, v12  }
0x32f: {  	v40 =	vld [tilespmem:s19+$0x200]  }
0x330: {  	v29 =	vadd.f32 v30, v29;
	v30 =	vmul.f32 v31, v15  }
0x331: {  	v31 =	vld [tilespmem:s19+$0x280]  }
0x332: {  	v29 =	vadd.f32 v30, v29;
	v30 =	vmul.f32 v39, v16  }
0x333: {  	v41 =	vld [tilespmem:s19+$0x300]  }
0x334: {  	v29 =	vadd.f32 v30, v29;
	v30 =	vmul.f32 v40, v17  }
0x335: {  	v42 =	vld [tilespmem:s19+$0x380]  }
0x336: {  	s20 =	sor.u32 s18, s3;
	v29 =	vadd.f32 v30, v29;
	v30 =	vmul.f32 v31, v18  }
0x337: {  	v31 =	vld [tilespmem:s20+$0x0]  }
0x338: {  	s21 =	sor.u32 s18, s4;
	v29 =	vadd.f32 v30, v29;
	v30 =	vmul.f32 v41, v19  }
0x339: {  	v43 =	vld [tilespmem:s21+$0x0]  }
0x33a: {  	s22 =	sor.u32 s18, s13;
	v29 =	vadd.f32 v30, v29;
	v30 =	vmul.f32 v42, v20  }
0x33b: {  	v44 =	vld [tilespmem:s22+$0x0]  }
0x33c: {  	s23 =	sor.u32 s18, s6;
	v29 =	vadd.f32 v30, v29;
	v30 =	vmul.f32 v31, v21  }
0x33d: {  	v31 =	vld [tilespmem:s23+$0x0]  }
0x33e: {  	s24 =	sor.u32 s18, s2;
	v29 =	vadd.f32 v30, v29;
	v30 =	vmul.f32 v43, v22  }
0x33f: {  	v45 =	vld [tilespmem:s24+$0x0]  }
0x340: {  	s25 =	sor.u32 s18, s10;
	v29 =	vadd.f32 v30, v29;
	v30 =	vmul.f32 v44, v23  }
0x341: {  	v46 =	vld [tilespmem:s25+$0x0]  }
0x342: {  	s26 =	sor.u32 s18, s9;
	v29 =	vadd.f32 v30, v29;
	v30 =	vmul.f32 v31, v24  }
0x343: {  	v31 =	vld [tilespmem:s26+$0x0]  }
0x344: {  	s28 =	sor.u32 s18, s7;
	v29 =	vadd.f32 v30, v29;
	v30 =	vmul.f32 v45, v25  }
0x345: {  	v47 =	vld [tilespmem:s28+$0x0]  }
0x346: {  	v29 =	vadd.f32 v30, v29;
	v30 =	vmul.f32 v46, v26;
	_ =	sdelay $0x1  }
0x347: {  	s29 =	sor.u32 s18, s1;
	v29 =	vadd.f32 v30, v29;
	v30 =	vmul.f32 v31, v27  }
0x348: {  	v31 =	vld [tilespmem:s29+$0x0]  }
0x349: {  	v29 =	vadd.f32 v30, v29;
	v30 =	vmul.f32 v47, v28;
	_ =	sdelay $0x1  }
0x34a: {  	v29 =	vadd.f32 v30, v29;
	_ =	sdelay $0x1  }
0x34b: {  	v29 =	vadd.f32 v29, v31  }
0x34c: {  	s30 =	sor.u32 $0x20, s11  }
0x34d: {  	s31 =	sor.u32 s30, s0;
	[tilespmem:s29+$0x0] =	vst v29  }
0x34e: {  	v29 =	vld [tilespmem:s31+$0x0]  }
0x34f: {  	v30 =	vld [tilespmem:s31+$0x80];
	_ =	sdelay $0x1  }
0x350: {  	v31 =	vld [tilespmem:s31+$0x100];
	_ =	sdelay $0x1  }
0x351: {  	v48 =	vld [tilespmem:s31+$0x180]  }
0x352: {  	v29 =	vmul.f32 v29, v11;
	v30 =	vmul.f32 v30, v12  }
0x353: {  	v49 =	vld [tilespmem:s31+$0x200]  }
0x354: {  	v29 =	vadd.f32 v30, v29;
	v30 =	vmul.f32 v31, v15  }
0x355: {  	v31 =	vld [tilespmem:s31+$0x280]  }
0x356: {  	v29 =	vadd.f32 v30, v29;
	v30 =	vmul.f32 v48, v16  }
0x357: {  	v50 =	vld [tilespmem:s31+$0x300]  }
0x358: {  	v29 =	vadd.f32 v30, v29;
	v30 =	vmul.f32 v49, v17  }
0x359: {  	v51 =	vld [tilespmem:s31+$0x380]  }
0x35a: {  	s14 =	sor.u32 s30, s3;
	v29 =	vadd.f32 v30, v29;
	v30 =	vmul.f32 v31, v18  }
0x35b: {  	v31 =	vld [tilespmem:s14+$0x0]  }
0x35c: {  	s15 =	sor.u32 s30, s4;
	v29 =	vadd.f32 v30, v29;
	v30 =	vmul.f32 v50, v19  }
0x35d: {  	v52 =	vld [tilespmem:s15+$0x0]  }
0x35e: {  	s16 =	sor.u32 s30, s13;
	v29 =	vadd.f32 v30, v29;
	v30 =	vmul.f32 v51, v20  }
0x35f: {  	v53 =	vld [tilespmem:s16+$0x0]  }
0x360: {  	s17 =	sor.u32 s30, s6;
	v29 =	vadd.f32 v30, v29;
	v30 =	vmul.f32 v31, v21  }
0x361: {  	v31 =	vld [tilespmem:s17+$0x0]  }
0x362: {  	s18 =	sor.u32 s30, s2;
	v29 =	vadd.f32 v30, v29;
	v30 =	vmul.f32 v52, v22  }
0x363: {  	v54 =	vld [tilespmem:s18+$0x0]  }
0x364: {  	s19 =	sor.u32 s30, s10;
	v29 =	vadd.f32 v30, v29;
	v30 =	vmul.f32 v53, v23  }
0x365: {  	v55 =	vld [tilespmem:s19+$0x0]  }
0x366: {  	s20 =	sor.u32 s30, s9;
	v29 =	vadd.f32 v30, v29;
	v30 =	vmul.f32 v31, v24  }
0x367: {  	v31 =	vld [tilespmem:s20+$0x0]  }
0x368: {  	s21 =	sor.u32 s30, s7;
	v29 =	vadd.f32 v30, v29;
	v30 =	vmul.f32 v54, v25  }
0x369: {  	v56 =	vld [tilespmem:s21+$0x0]  }
0x36a: {  	v29 =	vadd.f32 v30, v29;
	v30 =	vmul.f32 v55, v26;
	_ =	sdelay $0x1  }
0x36b: {  	s22 =	sor.u32 s30, s1;
	v29 =	vadd.f32 v30, v29;
	v30 =	vmul.f32 v31, v27  }
0x36c: {  	v31 =	vld [tilespmem:s22+$0x0]  }
0x36d: {  	v29 =	vadd.f32 v30, v29;
	v30 =	vmul.f32 v56, v28;
	_ =	sdelay $0x1  }
0x36e: {  	v29 =	vadd.f32 v30, v29;
	_ =	sdelay $0x1  }
0x36f: {  	v29 =	vadd.f32 v29, v31  }
0x370: {  	s11 =	sor.u32 $0x30, s11  }
0x371: {  	s0 =	sor.u32 s11, s0;
	[tilespmem:s22+$0x0] =	vst v29  }
0x372: {  	v29 =	vld [tilespmem:s0+$0x0]  }
0x373: {  	v30 =	vld [tilespmem:s0+$0x80];
	_ =	sdelay $0x1  }
0x374: {  	v31 =	vld [tilespmem:s0+$0x100];
	_ =	sdelay $0x1  }
0x375: {  	v57 =	vld [tilespmem:s0+$0x180]  }
0x376: {  	v29 =	vmul.f32 v29, v11;
	v30 =	vmul.f32 v30, v12  }
0x377: {  	v58 =	vld [tilespmem:s0+$0x200]  }
0x378: {  	v31 =	vmul.f32 v31, v15;
	v29 =	vadd.f32 v30, v29  }
0x379: {  	v30 =	vld [tilespmem:s0+$0x280]  }
0x37a: {  	v32 =	vmul.f32 v57, v16;
	v29 =	vadd.f32 v31, v29  }
0x37b: {  	v31 =	vld [tilespmem:s0+$0x300]  }
0x37c: {  	v33 =	vmul.f32 v58, v17;
	v29 =	vadd.f32 v32, v29  }
0x37d: {  	v59 =	vld [tilespmem:s0+$0x380]  }
0x37e: {  	s23 =	sor.u32 s11, s3;
	v30 =	vmul.f32 v30, v18;
	v29 =	vadd.f32 v33, v29  }
0x37f: {  	v60 =	vld [tilespmem:s23+$0x0]  }
0x380: {  	s24 =	sor.u32 s11, s4;
	v31 =	vmul.f32 v31, v19;
	v29 =	vadd.f32 v30, v29  }
0x381: {  	v30 =	vld [tilespmem:s24+$0x0]  }
0x382: {  	s25 =	sor.u32 s11, s13;
	v32 =	vmul.f32 v59, v20;
	v29 =	vadd.f32 v31, v29  }
0x383: {  	v31 =	vld [tilespmem:s25+$0x0]  }
0x384: {  	s26 =	sor.u32 s11, s6;
	v33 =	vmul.f32 v60, v21;
	v29 =	vadd.f32 v32, v29  }
0x385: {  	v61 =	vld [tilespmem:s26+$0x0]  }
0x386: {  	s28 =	sor.u32 s11, s2;
	v30 =	vmul.f32 v30, v22;
	v29 =	vadd.f32 v33, v29  }
0x387: {  	v62 =	vld [tilespmem:s28+$0x0]  }
0x388: {  	s29 =	sor.u32 s11, s10;
	v31 =	vmul.f32 v31, v23;
	v29 =	vadd.f32 v30, v29  }
0x389: {  	v30 =	vld [tilespmem:s29+$0x0]  }
0x38a: {  	s30 =	sor.u32 s11, s9;
	v32 =	vmul.f32 v61, v24;
	v29 =	vadd.f32 v31, v29  }
0x38b: {  	v31 =	vld [tilespmem:s30+$0x0]  }
0x38c: {  	s31 =	sor.u32 s11, s7;
	v33 =	vmul.f32 v62, v25;
	v29 =	vadd.f32 v32, v29  }
0x38d: {  	v63 =	vld [tilespmem:s31+$0x0]  }
0x38e: {  	v30 =	vmul.f32 v30, v26;
	v29 =	vadd.f32 v33, v29;
	_ =	sdelay $0x1  }
0x38f: {  	v31 =	vmul.f32 v31, v27;
	v33 =	vadd.f32 v30, v29  }
0x390: {  	s0 =	sor.u32 s11, s1  }
0x391: {  	s9 =	simm.s32 $0x0;
	s19 =	simm.s32 $0x0;
	v29 =	vld [tilespmem:s0+$0x0];
	v30 =	vmul.f32 v63, v28;
	v31 =	vadd.f32 v31, v33  }
.LBB2_6:
0x392: {  	_ =	sdelay $0x1  }
0x393: {  	v30 =	vadd.f32 v30, v31  }
0x394: {  	s19 =	sadd.s32 $0x200, s19  }
0x395: {  	s7 =	sadd.s32 $0x40, s5;
	s2 =	sand.u32 $0x3C00, s19;
	v29 =	vadd.f32 v30, v29  }
0x396: {  	s3 =	sand.u32 $0x40, s7;
	s21 =	sor.u32 $0x10080, s2  }
0x397: {  	s13 =	sor.u32 s3, s21;
	[tilespmem:s0+$0x0] =	vst v29  }
0x398: {  	v29 =	vld [tilespmem:s13+$0x0]  }
0x399: {  	v30 =	vld [tilespmem:s13+$0x80];
	_ =	sdelay $0x1  }
0x39a: {  	v31 =	vld [tilespmem:s13+$0x100];
	_ =	sdelay $0x1  }
0x39b: {  	v32 =	vld [tilespmem:s13+$0x180]  }
0x39c: {  	v29 =	vmul.f32 v29, v11;
	v30 =	vmul.f32 v30, v12  }
0x39d: {  	v33 =	vld [tilespmem:s13+$0x200]  }
0x39e: {  	v29 =	vadd.f32 v30, v29;
	v30 =	vmul.f32 v31, v15  }
0x39f: {  	v31 =	vld [tilespmem:s13+$0x280]  }
0x3a0: {  	v29 =	vadd.f32 v30, v29;
	v30 =	vmul.f32 v32, v16  }
0x3a1: {  	v60 =	vld [tilespmem:s13+$0x300]  }
0x3a2: {  	v29 =	vadd.f32 v30, v29;
	v30 =	vmul.f32 v33, v17  }
0x3a3: {  	s15 =	sor.u32 $0x14080, s2;
	v61 =	vld [tilespmem:s13+$0x380]  }
0x3a4: {  	s23 =	sor.u32 s3, s15;
	v29 =	vadd.f32 v30, v29;
	v30 =	vmul.f32 v31, v18  }
0x3a5: {  	s14 =	sor.u32 $0x14100, s2;
	v31 =	vld [tilespmem:s23+$0x0]  }
0x3a6: {  	s30 =	sor.u32 s3, s14;
	v29 =	vadd.f32 v30, v29;
	v30 =	vmul.f32 v60, v19  }
0x3a7: {  	s1 =	sor.u32 $0x14180, s2;
	v62 =	vld [tilespmem:s30+$0x0]  }
0x3a8: {  	s31 =	sor.u32 s3, s1;
	v29 =	vadd.f32 v30, v29;
	v30 =	vmul.f32 v61, v20  }
0x3a9: {  	s16 =	sor.u32 $0x14200, s2;
	v63 =	vld [tilespmem:s31+$0x0]  }
0x3aa: {  	s29 =	sor.u32 s3, s16;
	v29 =	vadd.f32 v30, v29;
	v30 =	vmul.f32 v31, v21  }
0x3ab: {  	s5 =	sor.u32 $0x14280, s2;
	v31 =	vld [tilespmem:s29+$0x0]  }
0x3ac: {  	s28 =	sor.u32 s3, s5;
	v29 =	vadd.f32 v30, v29;
	v30 =	vmul.f32 v62, v22  }
0x3ad: {  	s0 =	sor.u32 $0x14300, s2;
	v36 =	vld [tilespmem:s28+$0x0]  }
0x3ae: {  	s26 =	sor.u32 s3, s0;
	v29 =	vadd.f32 v30, v29;
	v30 =	vmul.f32 v63, v23  }
0x3af: {  	s18 =	sor.u32 $0x14380, s2;
	v37 =	vld [tilespmem:s26+$0x0]  }
0x3b0: {  	s25 =	sor.u32 s3, s18;
	v29 =	vadd.f32 v30, v29;
	v30 =	vmul.f32 v31, v24  }
0x3b1: {  	s8 =	sadd.s32 $0x14400, s2;
	v31 =	vld [tilespmem:s25+$0x0]  }
0x3b2: {  	s24 =	sor.u32 s3, s8;
	v29 =	vadd.f32 v30, v29;
	v30 =	vmul.f32 v36, v25  }
0x3b3: {  	v38 =	vld [tilespmem:s24+$0x0]  }
0x3b4: {  	s2 =	sshrl.u32 s2, $0x2;
	v29 =	vadd.f32 v30, v29;
	v30 =	vmul.f32 v37, v26  }
0x3b5: {  	s20 =	sor.u32 $0x18080, s2  }
0x3b6: {  	s17 =	sor.u32 s3, s20;
	v29 =	vadd.f32 v30, v29;
	v30 =	vmul.f32 v31, v27  }
0x3b7: {  	v31 =	vld [tilespmem:s17+$0x0]  }
0x3b8: {  	v29 =	vadd.f32 v30, v29;
	v30 =	vmul.f32 v38, v28;
	_ =	sdelay $0x1  }
0x3b9: {  	v29 =	vadd.f32 v30, v29;
	_ =	sdelay $0x1  }
0x3ba: {  	v29 =	vadd.f32 v29, v31  }
0x3bb: {  	s6 =	sor.u32 $0x10, s3  }
0x3bc: {  	s29 =	sor.u32 s6, s21;
	[tilespmem:s17+$0x0] =	vst v29  }
0x3bd: {  	v29 =	vld [tilespmem:s29+$0x0]  }
0x3be: {  	v30 =	vld [tilespmem:s29+$0x80];
	_ =	sdelay $0x1  }
0x3bf: {  	v31 =	vld [tilespmem:s29+$0x100];
	_ =	sdelay $0x1  }
0x3c0: {  	v39 =	vld [tilespmem:s29+$0x180]  }
0x3c1: {  	v29 =	vmul.f32 v29, v11;
	v30 =	vmul.f32 v30, v12  }
0x3c2: {  	v40 =	vld [tilespmem:s29+$0x200]  }
0x3c3: {  	v29 =	vadd.f32 v30, v29;
	v30 =	vmul.f32 v31, v15  }
0x3c4: {  	v31 =	vld [tilespmem:s29+$0x280]  }
0x3c5: {  	s4 =	sor.u32 s6, s5;
	v29 =	vadd.f32 v30, v29;
	v30 =	vmul.f32 v39, v16  }
0x3c6: {  	[smem:$0x7DA] =	sst s4;
	v41 =	vld [tilespmem:s29+$0x300]  }
0x3c7: {  	s22 =	sor.u32 s6, s0;
	s30 =	sld [smem:$0x7DA];
	v29 =	vadd.f32 v30, v29;
	v30 =	vmul.f32 v40, v17  }
0x3c8: {  	[smem:$0x7DB] =	sst s22;
	s22 =	sor.u32 s6, s18;
	v42 =	vld [tilespmem:s29+$0x380]  }
0x3c9: {  	s10 =	sor.u32 s6, s14;
	s2 =	sor.u32 s6, s15;
	[smem:$0x7DC] =	sst s22;
	v29 =	vadd.f32 v30, v29;
	v30 =	vmul.f32 v31, v18  }
0x3ca: {  	s4 =	sor.u32 $0x20, s3;
	s22 =	sor.u32 s6, s8;
	s31 =	sld [smem:$0x7DB];
	v31 =	vld [tilespmem:s2+$0x0]  }
0x3cb: {  	[smem:$0x7DD] =	sst s22;
	s22 =	sor.u32 $0x30, s3;
	s3 =	sor.u32 s4, s15;
	v29 =	vadd.f32 v30, v29;
	v30 =	vmul.f32 v41, v19  }
0x3cc: {  	[smem:$0x7DE] =	sst s3;
	s3 =	sor.u32 s4, s14;
	v43 =	vld [tilespmem:s10+$0x0]  }
0x3cd: {  	s12 =	sor.u32 s6, s1;
	[smem:$0x7DF] =	sst s3;
	s3 =	sor.u32 s4, s1;
	v29 =	vadd.f32 v30, v29;
	v30 =	vmul.f32 v42, v20  }
0x3ce: {  	[smem:$0x7E0] =	sst s3;
	s3 =	sor.u32 s4, s16;
	v44 =	vld [tilespmem:s12+$0x0]  }
0x3cf: {  	s11 =	sor.u32 s6, s16;
	[dreg:$0x1f] =	wrdreg s3;
	s3 =	sor.u32 s4, s5;
	v29 =	vadd.f32 v30, v29;
	v30 =	vmul.f32 v31, v21  }
0x3d0: {  	[dreg:$0x1a] =	wrdreg s3;
	s3 =	sor.u32 s4, s0;
	v31 =	vld [tilespmem:s11+$0x0]  }
0x3d1: {  	[dreg:$0x16] =	wrdreg s3;
	s3 =	sor.u32 s4, s18;
	v29 =	vadd.f32 v30, v29;
	v30 =	vmul.f32 v43, v22  }
0x3d2: {  	[dreg:$0x13] =	wrdreg s3;
	v45 =	vld [tilespmem:s30+$0x0]  }
0x3d3: {  	s3 =	sor.u32 s4, s8;
	s2 =	sld [smem:$0x7DC];
	v29 =	vadd.f32 v30, v29;
	v30 =	vmul.f32 v44, v23  }
0x3d4: {  	[dreg:$0x10] =	wrdreg s3;
	v46 =	vld [tilespmem:s31+$0x0]  }
0x3d5: {  	s3 =	sld [smem:$0x7DD];
	v29 =	vadd.f32 v30, v29;
	v30 =	vmul.f32 v31, v24  }
0x3d6: {  	v31 =	vld [tilespmem:s2+$0x0]  }
0x3d7: {  	v29 =	vadd.f32 v30, v29;
	v30 =	vmul.f32 v45, v25  }
0x3d8: {  	v47 =	vld [tilespmem:s3+$0x0]  }
0x3d9: {  	s15 =	sor.u32 s22, s15;
	v29 =	vadd.f32 v30, v29;
	v30 =	vmul.f32 v46, v26  }
0x3da: {  	[dreg:$0x7] =	wrdreg s15;
	s15 =	sor.u32 s22, s16;
	s16 =	sor.u32 s22, s5  }
0x3db: {  	s5 =	smov.u32 s7;
	s7 =	sor.u32 s22, s8;
	s8 =	sor.u32 s6, s20;
	v29 =	vadd.f32 v30, v29;
	v30 =	vmul.f32 v31, v27  }
0x3dc: {  	v31 =	vld [tilespmem:s8+$0x0]  }
0x3dd: {  	v29 =	vadd.f32 v30, v29;
	v30 =	vmul.f32 v47, v28;
	_ =	sdelay $0x1  }
0x3de: {  	v29 =	vadd.f32 v30, v29;
	_ =	sdelay $0x1  }
0x3df: {  	v29 =	vadd.f32 v29, v31;
	_ =	sdelay $0x1  }
0x3e0: {  	s10 =	sor.u32 s4, s21;
	[tilespmem:s8+$0x0] =	vst v29  }
0x3e1: {  	v29 =	vld [tilespmem:s10+$0x0]  }
0x3e2: {  	v30 =	vld [tilespmem:s10+$0x80];
	_ =	sdelay $0x1  }
0x3e3: {  	v31 =	vld [tilespmem:s10+$0x100];
	_ =	sdelay $0x1  }
0x3e4: {  	v48 =	vld [tilespmem:s10+$0x180]  }
0x3e5: {  	v29 =	vmul.f32 v29, v11;
	v30 =	vmul.f32 v30, v12  }
0x3e6: {  	v49 =	vld [tilespmem:s10+$0x200]  }
0x3e7: {  	v29 =	vadd.f32 v30, v29;
	v30 =	vmul.f32 v31, v15  }
0x3e8: {  	v31 =	vld [tilespmem:s10+$0x280]  }
0x3e9: {  	v29 =	vadd.f32 v30, v29;
	v30 =	vmul.f32 v48, v16  }
0x3ea: {  	v50 =	vld [tilespmem:s10+$0x300]  }
0x3eb: {  	s11 =	sld [smem:$0x7DE];
	v29 =	vadd.f32 v30, v29;
	v30 =	vmul.f32 v49, v17  }
0x3ec: {  	v51 =	vld [tilespmem:s10+$0x380]  }
0x3ed: {  	s12 =	sld [smem:$0x7DF];
	v29 =	vadd.f32 v30, v29;
	v30 =	vmul.f32 v31, v18  }
0x3ee: {  	v31 =	vld [tilespmem:s11+$0x0]  }
0x3ef: {  	s13 =	sld [smem:$0x7E0];
	v29 =	vadd.f32 v30, v29;
	v30 =	vmul.f32 v50, v19  }
0x3f0: {  	v52 =	vld [tilespmem:s12+$0x0]  }
0x3f1: {  	v29 =	vadd.f32 v30, v29;
	v30 =	vmul.f32 v51, v20  }
0x3f2: {  	v53 =	vld [tilespmem:s13+$0x0]  }
0x3f3: {  	s1 =	sor.u32 s22, s1;
	s17 =	rddreg [dreg:$0x1f];
	v29 =	vadd.f32 v30, v29;
	v30 =	vmul.f32 v31, v21  }
0x3f4: {  	[dreg:$0x3] =	wrdreg s1;
	v31 =	vld [tilespmem:s17+$0x0]  }
0x3f5: {  	s1 =	sor.u32 s22, s18;
	s18 =	rddreg [dreg:$0x1a];
	v29 =	vadd.f32 v30, v29;
	v30 =	vmul.f32 v52, v22  }
0x3f6: {  	v54 =	vld [tilespmem:s18+$0x0]  }
0x3f7: {  	s23 =	rddreg [dreg:$0x16];
	v29 =	vadd.f32 v30, v29;
	v30 =	vmul.f32 v53, v23  }
0x3f8: {  	v55 =	vld [tilespmem:s23+$0x0]  }
0x3f9: {  	s24 =	rddreg [dreg:$0x13];
	v29 =	vadd.f32 v30, v29;
	v30 =	vmul.f32 v31, v24  }
0x3fa: {  	v31 =	vld [tilespmem:s24+$0x0]  }
0x3fb: {  	s25 =	rddreg [dreg:$0x10];
	v29 =	vadd.f32 v30, v29;
	v30 =	vmul.f32 v54, v25  }
0x3fc: {  	v56 =	vld [tilespmem:s25+$0x0]  }
0x3fd: {  	v29 =	vadd.f32 v30, v29;
	v30 =	vmul.f32 v55, v26;
	_ =	sdelay $0x1  }
0x3fe: {  	s26 =	sor.u32 s4, s20;
	v29 =	vadd.f32 v30, v29;
	v30 =	vmul.f32 v31, v27  }
0x3ff: {  	v31 =	vld [tilespmem:s26+$0x0]  }
0x400: {  	v29 =	vadd.f32 v30, v29;
	v30 =	vmul.f32 v56, v28;
	_ =	sdelay $0x1  }
0x401: {  	v29 =	vadd.f32 v30, v29;
	_ =	sdelay $0x1  }
0x402: {  	v29 =	vadd.f32 v29, v31;
	_ =	sdelay $0x1  }
0x403: {  	s28 =	sor.u32 s22, s21;
	[tilespmem:s26+$0x0] =	vst v29  }
0x404: {  	v29 =	vld [tilespmem:s28+$0x0]  }
0x405: {  	v30 =	vld [tilespmem:s28+$0x80];
	_ =	sdelay $0x1  }
0x406: {  	v31 =	vld [tilespmem:s28+$0x100];
	_ =	sdelay $0x1  }
0x407: {  	v57 =	vld [tilespmem:s28+$0x180]  }
0x408: {  	v29 =	vmul.f32 v29, v11;
	v30 =	vmul.f32 v30, v12  }
0x409: {  	v58 =	vld [tilespmem:s28+$0x200]  }
0x40a: {  	v31 =	vmul.f32 v31, v15;
	v29 =	vadd.f32 v30, v29  }
0x40b: {  	v34 =	vld [tilespmem:s28+$0x280]  }
0x40c: {  	v32 =	vmul.f32 v57, v16;
	v29 =	vadd.f32 v31, v29  }
0x40d: {  	v35 =	vld [tilespmem:s28+$0x300]  }
0x40e: {  	v33 =	vmul.f32 v58, v17;
	v29 =	vadd.f32 v32, v29  }
0x40f: {  	v36 =	vld [tilespmem:s28+$0x380]  }
0x410: {  	s14 =	sor.u32 s22, s14;
	s29 =	rddreg [dreg:$0x7];
	v34 =	vmul.f32 v34, v18;
	v29 =	vadd.f32 v33, v29  }
0x411: {  	[dreg:$0x8] =	wrdreg s14;
	v30 =	vld [tilespmem:s29+$0x0]  }
0x412: {  	s30 =	rddreg [dreg:$0x8];
	v35 =	vmul.f32 v35, v19;
	v34 =	vadd.f32 v34, v29  }
0x413: {  	v37 =	vld [tilespmem:s30+$0x0]  }
0x414: {  	s31 =	rddreg [dreg:$0x3];
	v36 =	vmul.f32 v36, v20;
	v34 =	vadd.f32 v35, v34  }
0x415: {  	v31 =	vld [tilespmem:s31+$0x0]  }
0x416: {  	v30 =	vmul.f32 v30, v21;
	v34 =	vadd.f32 v36, v34  }
0x417: {  	v38 =	vld [tilespmem:s15+$0x0]  }
0x418: {  	v61 =	vmul.f32 v37, v22;
	v30 =	vadd.f32 v30, v34  }
0x419: {  	v59 =	vld [tilespmem:s16+$0x0]  }
0x41a: {  	s14 =	sor.u32 s22, s0;
	v31 =	vmul.f32 v31, v23;
	v30 =	vadd.f32 v61, v30  }
0x41b: {  	v39 =	vld [tilespmem:s14+$0x0]  }
0x41c: {  	v62 =	vmul.f32 v38, v24;
	v30 =	vadd.f32 v31, v30  }
0x41d: {  	v60 =	vld [tilespmem:s1+$0x0]  }
0x41e: {  	s9 =	sadd.s32 $0x4, s9;
	v31 =	vmul.f32 v59, v25;
	v30 =	vadd.f32 v62, v30  }
0x41f: {  	p0 =	slt.u32 s9, $0x7C;
	v40 =	vld [tilespmem:s7+$0x0]  }
.Ltmp2:
0x420: {  	v63 =	vmul.f32 v39, v26;
	v30 =	vadd.f32 v31, v30;
	(pc) =	sbr.rel @p0 .LBB2_6-.Ltmp2, $4  }
0x421: {  	_ = 	snop  }
0x422: {  	v31 =	vmul.f32 v60, v27;
	v32 =	vadd.f32 v63, v30  }
0x423: {  	s0 =	sor.u32 s22, s20  }
0x424: {  	v29 =	vld [tilespmem:s0+$0x0];
	v30 =	vmul.f32 v40, v28;
	v31 =	vadd.f32 v31, v32  }
0x425: {  	_ =	sdelay $0x1  }
0x426: {  	v11 =	vadd.f32 v30, v31;
	_ =	sdelay $0x1  }
0x427: {  	v11 =	vadd.f32 v11, v29;
	_ =	sdelay $0x1  }
0x428: {  	s6 =	simm.s32 $0x0;
	s1 =	simm.s32 $0x1;
	[tilespmem:s0+$0x0] =	vst v11  }
0x429: {  	s9 =	sand.u32 $0x3C00, s6;
	_ =	swait.ge [sflag:s1], $0x8000  }
0x42a: {  	s10 =	sand.u32 $0x40, s6;
	v11 =	vcvt.s32.f32 v14;
	s0 =	sor.u32 $0x80, s9;
	[sflag:s1] =	ssyncset.done $0x0  }
0x42b: {  	s2 =	sor.u32 s10, s0;
	[sflag:s1] =	ssyncadd.s32 $0xFFFF8000  }
0x42c: {  	v14 =	vsub.f32 v13, v11;
	v13 =	vld [tilespmem:s2+$0x0]  }
0x42d: {  	v15 =	vld [tilespmem:s2+$0x80]  }
0x42e: {  	v12 =	vsub.f32 $1.000000000e+00, v14  }
0x42f: {  	v16 =	vld [tilespmem:s2+$0x100]  }
0x430: {  	v11 =	vbroadcast v12, $0x0;
	v12 =	vbroadcast v12, $0x1  }
0x431: {  	v17 =	vld [tilespmem:s2+$0x180]  }
0x432: {  	v13 =	vmul.f32 v13, v11;
	v15 =	vmul.f32 v15, v12  }
0x433: {  	v18 =	vld [tilespmem:s2+$0x200]  }
0x434: {  	v13 =	vadd.f32 v15, v13;
	v15 =	vmul.f32 $0.0e+00, v16  }
0x435: {  	v16 =	vld [tilespmem:s2+$0x280]  }
0x436: {  	v13 =	vadd.f32 v15, v13;
	v15 =	vmul.f32 $0.0e+00, v17  }
0x437: {  	v17 =	vld [tilespmem:s2+$0x300]  }
0x438: {  	v13 =	vadd.f32 v15, v13;
	v15 =	vmul.f32 $0.0e+00, v18  }
0x439: {  	s3 =	sor.u32 $0x4080, s9;
	v18 =	vld [tilespmem:s2+$0x380]  }
0x43a: {  	s4 =	sor.u32 s10, s3;
	v13 =	vadd.f32 v15, v13;
	v15 =	vmul.f32 $0.0e+00, v16  }
0x43b: {  	s2 =	sor.u32 $0x4100, s9;
	v16 =	vld [tilespmem:s4+$0x0]  }
0x43c: {  	s5 =	sor.u32 s10, s2;
	v17 =	vmul.f32 $0.0e+00, v17;
	v15 =	vadd.f32 v15, v13  }
0x43d: {  	s12 =	sor.u32 $0x4180, s9;
	v19 =	vld [tilespmem:s5+$0x0]  }
0x43e: {  	s7 =	sor.u32 s10, s12;
	v13 =	vbroadcast v14, $0x8;
	v15 =	vadd.f32 v17, v15;
	v17 =	vmul.f32 $0.0e+00, v18  }
0x43f: {  	s5 =	sor.u32 $0x4200, s9;
	v18 =	vld [tilespmem:s7+$0x0]  }
0x440: {  	s8 =	sor.u32 s10, s5;
	v14 =	vbroadcast v14, $0x9;
	v16 =	vmul.f32 v16, v13;
	v15 =	vadd.f32 v17, v15  }
0x441: {  	s7 =	sor.u32 $0x4280, s9;
	v17 =	vld [tilespmem:s8+$0x0]  }
0x442: {  	s11 =	sor.u32 s10, s7;
	v15 =	vadd.f32 v16, v15;
	v16 =	vmul.f32 v19, v14  }
0x443: {  	s13 =	sor.u32 $0x4300, s9;
	v19 =	vld [tilespmem:s11+$0x0]  }
0x444: {  	s14 =	sor.u32 s10, s13;
	v15 =	vadd.f32 v16, v15;
	v16 =	vmul.f32 $0.0e+00, v18  }
0x445: {  	s8 =	sor.u32 $0x4380, s9;
	v18 =	vld [tilespmem:s14+$0x0]  }
0x446: {  	s15 =	sor.u32 s10, s8;
	v15 =	vadd.f32 v16, v15;
	v16 =	vmul.f32 $0.0e+00, v17  }
0x447: {  	s4 =	sadd.s32 $0x4400, s9;
	v17 =	vld [tilespmem:s15+$0x0]  }
0x448: {  	s16 =	sor.u32 s10, s4;
	v15 =	vadd.f32 v16, v15;
	v16 =	vmul.f32 $0.0e+00, v19  }
0x449: {  	v19 =	vld [tilespmem:s16+$0x0]  }
0x44a: {  	s17 =	sshrl.u32 s9, $0x2;
	v15 =	vadd.f32 v16, v15;
	v16 =	vmul.f32 $0.0e+00, v18  }
0x44b: {  	s1 =	sor.u32 $0x18080, s17  }
0x44c: {  	s18 =	sor.u32 s10, s1;
	v15 =	vadd.f32 v16, v15;
	v16 =	vmul.f32 $0.0e+00, v17  }
0x44d: {  	v17 =	vld [tilespmem:s18+$0x0]  }
0x44e: {  	v15 =	vadd.f32 v16, v15;
	v16 =	vmul.f32 $0.0e+00, v19;
	_ =	sdelay $0x1  }
0x44f: {  	v15 =	vadd.f32 v16, v15;
	_ =	sdelay $0x1  }
0x450: {  	v15 =	vadd.f32 v15, v17  }
0x451: {  	s11 =	sor.u32 $0x10, s10  }
0x452: {  	s19 =	sor.u32 s11, s0;
	[tilespmem:s18+$0x0] =	vst v15  }
0x453: {  	v15 =	vld [tilespmem:s19+$0x0]  }
0x454: {  	v16 =	vld [tilespmem:s19+$0x80];
	_ =	sdelay $0x1  }
0x455: {  	v17 =	vld [tilespmem:s19+$0x100];
	_ =	sdelay $0x1  }
0x456: {  	v18 =	vld [tilespmem:s19+$0x180]  }
0x457: {  	v15 =	vmul.f32 v15, v11;
	v16 =	vmul.f32 v16, v12  }
0x458: {  	v19 =	vld [tilespmem:s19+$0x200]  }
0x459: {  	v15 =	vadd.f32 v16, v15;
	v16 =	vmul.f32 $0.0e+00, v17  }
0x45a: {  	v17 =	vld [tilespmem:s19+$0x280]  }
0x45b: {  	v15 =	vadd.f32 v16, v15;
	v16 =	vmul.f32 $0.0e+00, v18  }
0x45c: {  	v18 =	vld [tilespmem:s19+$0x300]  }
0x45d: {  	v15 =	vadd.f32 v16, v15;
	v16 =	vmul.f32 $0.0e+00, v19  }
0x45e: {  	v19 =	vld [tilespmem:s19+$0x380]  }
0x45f: {  	s20 =	sor.u32 s11, s3;
	v15 =	vadd.f32 v16, v15;
	v16 =	vmul.f32 $0.0e+00, v17  }
0x460: {  	v17 =	vld [tilespmem:s20+$0x0]  }
0x461: {  	s21 =	sor.u32 s11, s2;
	v15 =	vadd.f32 v16, v15;
	v16 =	vmul.f32 $0.0e+00, v18  }
0x462: {  	v18 =	vld [tilespmem:s21+$0x0]  }
0x463: {  	s22 =	sor.u32 s11, s12;
	v15 =	vadd.f32 v16, v15;
	v16 =	vmul.f32 $0.0e+00, v19  }
0x464: {  	v19 =	vld [tilespmem:s22+$0x0]  }
0x465: {  	s23 =	sor.u32 s11, s5;
	v15 =	vadd.f32 v16, v15;
	v16 =	vmul.f32 v17, v13  }
0x466: {  	v17 =	vld [tilespmem:s23+$0x0]  }
0x467: {  	s24 =	sor.u32 s11, s7;
	v15 =	vadd.f32 v16, v15;
	v16 =	vmul.f32 v18, v14  }
0x468: {  	v18 =	vld [tilespmem:s24+$0x0]  }
0x469: {  	s25 =	sor.u32 s11, s13;
	v15 =	vadd.f32 v16, v15;
	v16 =	vmul.f32 $0.0e+00, v19  }
0x46a: {  	v19 =	vld [tilespmem:s25+$0x0]  }
0x46b: {  	s26 =	sor.u32 s11, s8;
	v15 =	vadd.f32 v16, v15;
	v16 =	vmul.f32 $0.0e+00, v17  }
0x46c: {  	v17 =	vld [tilespmem:s26+$0x0]  }
0x46d: {  	s28 =	sor.u32 s11, s4;
	v15 =	vadd.f32 v16, v15;
	v16 =	vmul.f32 $0.0e+00, v18  }
0x46e: {  	v18 =	vld [tilespmem:s28+$0x0]  }
0x46f: {  	v15 =	vadd.f32 v16, v15;
	v16 =	vmul.f32 $0.0e+00, v19;
	_ =	sdelay $0x1  }
0x470: {  	s29 =	sor.u32 s11, s1;
	v15 =	vadd.f32 v16, v15;
	v16 =	vmul.f32 $0.0e+00, v17  }
0x471: {  	v17 =	vld [tilespmem:s29+$0x0]  }
0x472: {  	v15 =	vadd.f32 v16, v15;
	v16 =	vmul.f32 $0.0e+00, v18;
	_ =	sdelay $0x1  }
0x473: {  	v15 =	vadd.f32 v16, v15;
	_ =	sdelay $0x1  }
0x474: {  	v15 =	vadd.f32 v15, v17  }
0x475: {  	s30 =	sor.u32 $0x20, s10  }
0x476: {  	s31 =	sor.u32 s30, s0;
	[tilespmem:s29+$0x0] =	vst v15  }
0x477: {  	v15 =	vld [tilespmem:s31+$0x0]  }
0x478: {  	v16 =	vld [tilespmem:s31+$0x80];
	_ =	sdelay $0x1  }
0x479: {  	v17 =	vld [tilespmem:s31+$0x100];
	_ =	sdelay $0x1  }
0x47a: {  	v18 =	vld [tilespmem:s31+$0x180]  }
0x47b: {  	v15 =	vmul.f32 v15, v11;
	v16 =	vmul.f32 v16, v12  }
0x47c: {  	v19 =	vld [tilespmem:s31+$0x200]  }
0x47d: {  	v15 =	vadd.f32 v16, v15;
	v16 =	vmul.f32 $0.0e+00, v17  }
0x47e: {  	v17 =	vld [tilespmem:s31+$0x280]  }
0x47f: {  	v15 =	vadd.f32 v16, v15;
	v16 =	vmul.f32 $0.0e+00, v18  }
0x480: {  	v18 =	vld [tilespmem:s31+$0x300]  }
0x481: {  	v15 =	vadd.f32 v16, v15;
	v16 =	vmul.f32 $0.0e+00, v19  }
0x482: {  	v19 =	vld [tilespmem:s31+$0x380]  }
0x483: {  	s14 =	sor.u32 s30, s3;
	v15 =	vadd.f32 v16, v15;
	v16 =	vmul.f32 $0.0e+00, v17  }
0x484: {  	v17 =	vld [tilespmem:s14+$0x0]  }
0x485: {  	s15 =	sor.u32 s30, s2;
	v15 =	vadd.f32 v16, v15;
	v16 =	vmul.f32 $0.0e+00, v18  }
0x486: {  	v18 =	vld [tilespmem:s15+$0x0]  }
0x487: {  	s16 =	sor.u32 s30, s12;
	v15 =	vadd.f32 v16, v15;
	v16 =	vmul.f32 $0.0e+00, v19  }
0x488: {  	v19 =	vld [tilespmem:s16+$0x0]  }
0x489: {  	s17 =	sor.u32 s30, s5;
	v15 =	vadd.f32 v16, v15;
	v16 =	vmul.f32 v17, v13  }
0x48a: {  	v17 =	vld [tilespmem:s17+$0x0]  }
0x48b: {  	s18 =	sor.u32 s30, s7;
	v15 =	vadd.f32 v16, v15;
	v16 =	vmul.f32 v18, v14  }
0x48c: {  	v18 =	vld [tilespmem:s18+$0x0]  }
0x48d: {  	s19 =	sor.u32 s30, s13;
	v15 =	vadd.f32 v16, v15;
	v16 =	vmul.f32 $0.0e+00, v19  }
0x48e: {  	v19 =	vld [tilespmem:s19+$0x0]  }
0x48f: {  	s20 =	sor.u32 s30, s8;
	v15 =	vadd.f32 v16, v15;
	v16 =	vmul.f32 $0.0e+00, v17  }
0x490: {  	v17 =	vld [tilespmem:s20+$0x0]  }
0x491: {  	s21 =	sor.u32 s30, s4;
	v15 =	vadd.f32 v16, v15;
	v16 =	vmul.f32 $0.0e+00, v18  }
0x492: {  	v18 =	vld [tilespmem:s21+$0x0]  }
0x493: {  	v15 =	vadd.f32 v16, v15;
	v16 =	vmul.f32 $0.0e+00, v19;
	_ =	sdelay $0x1  }
0x494: {  	s22 =	sor.u32 s30, s1;
	v15 =	vadd.f32 v16, v15;
	v16 =	vmul.f32 $0.0e+00, v17  }
0x495: {  	v17 =	vld [tilespmem:s22+$0x0]  }
0x496: {  	v15 =	vadd.f32 v16, v15;
	v16 =	vmul.f32 $0.0e+00, v18;
	_ =	sdelay $0x1  }
0x497: {  	v15 =	vadd.f32 v16, v15;
	_ =	sdelay $0x1  }
0x498: {  	v15 =	vadd.f32 v15, v17  }
0x499: {  	s10 =	sor.u32 $0x30, s10  }
0x49a: {  	s0 =	sor.u32 s10, s0;
	[tilespmem:s22+$0x0] =	vst v15  }
0x49b: {  	v15 =	vld [tilespmem:s0+$0x0]  }
0x49c: {  	v16 =	vld [tilespmem:s0+$0x80];
	_ =	sdelay $0x1  }
0x49d: {  	v17 =	vld [tilespmem:s0+$0x100];
	_ =	sdelay $0x1  }
0x49e: {  	v18 =	vld [tilespmem:s0+$0x180]  }
0x49f: {  	v15 =	vmul.f32 v15, v11;
	v16 =	vmul.f32 v16, v12  }
0x4a0: {  	v19 =	vld [tilespmem:s0+$0x200]  }
0x4a1: {  	v17 =	vmul.f32 $0.0e+00, v17;
	v15 =	vadd.f32 v16, v15  }
0x4a2: {  	v16 =	vld [tilespmem:s0+$0x280]  }
0x4a3: {  	v18 =	vmul.f32 $0.0e+00, v18;
	v15 =	vadd.f32 v17, v15  }
0x4a4: {  	v17 =	vld [tilespmem:s0+$0x300]  }
0x4a5: {  	v19 =	vmul.f32 $0.0e+00, v19;
	v15 =	vadd.f32 v18, v15  }
0x4a6: {  	v18 =	vld [tilespmem:s0+$0x380]  }
0x4a7: {  	s23 =	sor.u32 s10, s3;
	v16 =	vmul.f32 $0.0e+00, v16;
	v15 =	vadd.f32 v19, v15  }
0x4a8: {  	v19 =	vld [tilespmem:s23+$0x0]  }
0x4a9: {  	s24 =	sor.u32 s10, s2;
	v17 =	vmul.f32 $0.0e+00, v17;
	v15 =	vadd.f32 v16, v15  }
0x4aa: {  	v16 =	vld [tilespmem:s24+$0x0]  }
0x4ab: {  	s25 =	sor.u32 s10, s12;
	v18 =	vmul.f32 $0.0e+00, v18;
	v15 =	vadd.f32 v17, v15  }
0x4ac: {  	v17 =	vld [tilespmem:s25+$0x0]  }
0x4ad: {  	s26 =	sor.u32 s10, s5;
	v19 =	vmul.f32 v19, v13;
	v15 =	vadd.f32 v18, v15  }
0x4ae: {  	v18 =	vld [tilespmem:s26+$0x0]  }
0x4af: {  	s28 =	sor.u32 s10, s7;
	v16 =	vmul.f32 v16, v14;
	v15 =	vadd.f32 v19, v15  }
0x4b0: {  	v19 =	vld [tilespmem:s28+$0x0]  }
0x4b1: {  	s29 =	sor.u32 s10, s13;
	v17 =	vmul.f32 $0.0e+00, v17;
	v15 =	vadd.f32 v16, v15  }
0x4b2: {  	v16 =	vld [tilespmem:s29+$0x0]  }
0x4b3: {  	s30 =	sor.u32 s10, s8;
	v18 =	vmul.f32 $0.0e+00, v18;
	v15 =	vadd.f32 v17, v15  }
0x4b4: {  	v17 =	vld [tilespmem:s30+$0x0]  }
0x4b5: {  	s31 =	sor.u32 s10, s4;
	v19 =	vmul.f32 $0.0e+00, v19;
	v15 =	vadd.f32 v18, v15  }
0x4b6: {  	v18 =	vld [tilespmem:s31+$0x0]  }
0x4b7: {  	v16 =	vmul.f32 $0.0e+00, v16;
	v15 =	vadd.f32 v19, v15;
	_ =	sdelay $0x1  }
0x4b8: {  	v19 =	vmul.f32 $0.0e+00, v17;
	v15 =	vadd.f32 v16, v15  }
0x4b9: {  	s0 =	sor.u32 s10, s1  }
0x4ba: {  	s11 =	simm.s32 $0x0;
	s20 =	simm.s32 $0x0;
	v16 =	vld [tilespmem:s0+$0x0];
	v17 =	vmul.f32 $0.0e+00, v18;
	v18 =	vadd.f32 v19, v15  }
.LBB2_8:
0x4bb: {  	_ =	sdelay $0x1  }
0x4bc: {  	v17 =	vadd.f32 v17, v18  }
0x4bd: {  	s20 =	sadd.s32 $0x200, s20  }
0x4be: {  	s10 =	sadd.s32 $0x40, s6;
	s2 =	sand.u32 $0x3C00, s20;
	v16 =	vadd.f32 v17, v16  }
0x4bf: {  	s3 =	sand.u32 $0x40, s10;
	s22 =	sor.u32 $0x80, s2  }
0x4c0: {  	s15 =	sor.u32 s3, s22;
	[tilespmem:s0+$0x0] =	vst v16  }
0x4c1: {  	v16 =	vld [tilespmem:s15+$0x0]  }
0x4c2: {  	v17 =	vld [tilespmem:s15+$0x80];
	_ =	sdelay $0x1  }
0x4c3: {  	v18 =	vld [tilespmem:s15+$0x100];
	_ =	sdelay $0x1  }
0x4c4: {  	v19 =	vld [tilespmem:s15+$0x180]  }
0x4c5: {  	v16 =	vmul.f32 v16, v11;
	v17 =	vmul.f32 v17, v12  }
0x4c6: {  	v20 =	vld [tilespmem:s15+$0x200]  }
0x4c7: {  	v16 =	vadd.f32 v17, v16;
	v17 =	vmul.f32 $0.0e+00, v18  }
0x4c8: {  	v18 =	vld [tilespmem:s15+$0x280]  }
0x4c9: {  	v16 =	vadd.f32 v17, v16;
	v17 =	vmul.f32 $0.0e+00, v19  }
0x4ca: {  	v19 =	vld [tilespmem:s15+$0x300]  }
0x4cb: {  	v16 =	vadd.f32 v17, v16;
	v17 =	vmul.f32 $0.0e+00, v20  }
0x4cc: {  	s14 =	sor.u32 $0x4080, s2;
	v20 =	vld [tilespmem:s15+$0x380]  }
0x4cd: {  	s4 =	sor.u32 s3, s14;
	v16 =	vadd.f32 v17, v16;
	v17 =	vmul.f32 $0.0e+00, v18  }
0x4ce: {  	s1 =	sor.u32 $0x4100, s2;
	v18 =	vld [tilespmem:s4+$0x0]  }
0x4cf: {  	s24 =	sor.u32 s3, s1;
	v16 =	vadd.f32 v17, v16;
	v17 =	vmul.f32 $0.0e+00, v19  }
0x4d0: {  	s16 =	sor.u32 $0x4180, s2;
	v19 =	vld [tilespmem:s24+$0x0]  }
0x4d1: {  	s31 =	sor.u32 s3, s16;
	v16 =	vadd.f32 v17, v16;
	v17 =	vmul.f32 $0.0e+00, v20  }
0x4d2: {  	s5 =	sor.u32 $0x4200, s2;
	v20 =	vld [tilespmem:s31+$0x0]  }
0x4d3: {  	s30 =	sor.u32 s3, s5;
	v16 =	vadd.f32 v17, v16;
	v17 =	vmul.f32 v18, v13  }
0x4d4: {  	s6 =	sor.u32 $0x4280, s2;
	v18 =	vld [tilespmem:s30+$0x0]  }
0x4d5: {  	s29 =	sor.u32 s3, s6;
	v16 =	vadd.f32 v17, v16;
	v17 =	vmul.f32 v19, v14  }
0x4d6: {  	s0 =	sor.u32 $0x4300, s2;
	v19 =	vld [tilespmem:s29+$0x0]  }
0x4d7: {  	s28 =	sor.u32 s3, s0;
	v16 =	vadd.f32 v17, v16;
	v17 =	vmul.f32 $0.0e+00, v20  }
0x4d8: {  	s19 =	sor.u32 $0x4380, s2;
	v20 =	vld [tilespmem:s28+$0x0]  }
0x4d9: {  	s26 =	sor.u32 s3, s19;
	v16 =	vadd.f32 v17, v16;
	v17 =	vmul.f32 $0.0e+00, v18  }
0x4da: {  	s9 =	sadd.s32 $0x4400, s2;
	v18 =	vld [tilespmem:s26+$0x0]  }
0x4db: {  	s25 =	sor.u32 s3, s9;
	v16 =	vadd.f32 v17, v16;
	v17 =	vmul.f32 $0.0e+00, v19  }
0x4dc: {  	v19 =	vld [tilespmem:s25+$0x0]  }
0x4dd: {  	s2 =	sshrl.u32 s2, $0x2;
	v16 =	vadd.f32 v17, v16;
	v17 =	vmul.f32 $0.0e+00, v20  }
0x4de: {  	s21 =	sor.u32 $0x18080, s2  }
0x4df: {  	s17 =	sor.u32 s3, s21;
	v16 =	vadd.f32 v17, v16;
	v17 =	vmul.f32 $0.0e+00, v18  }
0x4e0: {  	v18 =	vld [tilespmem:s17+$0x0]  }
0x4e1: {  	v16 =	vadd.f32 v17, v16;
	v17 =	vmul.f32 $0.0e+00, v19;
	_ =	sdelay $0x1  }
0x4e2: {  	v16 =	vadd.f32 v17, v16;
	_ =	sdelay $0x1  }
0x4e3: {  	v16 =	vadd.f32 v16, v18  }
0x4e4: {  	s7 =	sor.u32 $0x10, s3  }
0x4e5: {  	s30 =	sor.u32 s7, s22;
	[tilespmem:s17+$0x0] =	vst v16  }
0x4e6: {  	v16 =	vld [tilespmem:s30+$0x0]  }
0x4e7: {  	v17 =	vld [tilespmem:s30+$0x80];
	_ =	sdelay $0x1  }
0x4e8: {  	v18 =	vld [tilespmem:s30+$0x100];
	_ =	sdelay $0x1  }
0x4e9: {  	v19 =	vld [tilespmem:s30+$0x180]  }
0x4ea: {  	v16 =	vmul.f32 v16, v11;
	v17 =	vmul.f32 v17, v12  }
0x4eb: {  	v20 =	vld [tilespmem:s30+$0x200]  }
0x4ec: {  	v16 =	vadd.f32 v17, v16;
	v17 =	vmul.f32 $0.0e+00, v18  }
0x4ed: {  	s13 =	sor.u32 s7, s6;
	v18 =	vld [tilespmem:s30+$0x280]  }
0x4ee: {  	[smem:$0x7D2] =	sst s13;
	s23 =	sor.u32 s7, s0;
	v16 =	vadd.f32 v17, v16;
	v17 =	vmul.f32 $0.0e+00, v19  }
0x4ef: {  	[smem:$0x7D3] =	sst s23;
	s23 =	sor.u32 s7, s19;
	v19 =	vld [tilespmem:s30+$0x300]  }
0x4f0: {  	s13 =	sor.u32 $0x20, s3;
	[smem:$0x7D4] =	sst s23;
	s23 =	sor.u32 s7, s9;
	v16 =	vadd.f32 v17, v16;
	v17 =	vmul.f32 $0.0e+00, v20  }
0x4f1: {  	[smem:$0x7D5] =	sst s23;
	s23 =	sor.u32 $0x30, s3;
	s3 =	sor.u32 s13, s14;
	v20 =	vld [tilespmem:s30+$0x380]  }
0x4f2: {  	s2 =	sor.u32 s7, s14;
	[smem:$0x7D6] =	sst s3;
	s3 =	sor.u32 s13, s1;
	v16 =	vadd.f32 v17, v16;
	v17 =	vmul.f32 $0.0e+00, v18  }
0x4f3: {  	[smem:$0x7D7] =	sst s3;
	s3 =	sor.u32 s13, s16;
	v18 =	vld [tilespmem:s2+$0x0]  }
0x4f4: {  	s8 =	sor.u32 s7, s1;
	[smem:$0x7D8] =	sst s3;
	s3 =	sor.u32 s13, s5;
	v16 =	vadd.f32 v17, v16;
	v17 =	vmul.f32 $0.0e+00, v19  }
0x4f5: {  	[smem:$0x7D9] =	sst s3;
	s3 =	sor.u32 s13, s6;
	v19 =	vld [tilespmem:s8+$0x0]  }
0x4f6: {  	s18 =	sor.u32 s7, s16;
	[dreg:$0x1b] =	wrdreg s3;
	s3 =	sor.u32 s13, s0;
	v16 =	vadd.f32 v17, v16;
	v17 =	vmul.f32 $0.0e+00, v20  }
0x4f7: {  	[dreg:$0x17] =	wrdreg s3;
	v20 =	vld [tilespmem:s18+$0x0]  }
0x4f8: {  	s12 =	sor.u32 s7, s5;
	s3 =	sor.u32 s13, s19;
	s31 =	sld [smem:$0x7D2];
	v16 =	vadd.f32 v17, v16;
	v17 =	vmul.f32 v18, v13  }
0x4f9: {  	[dreg:$0x14] =	wrdreg s3;
	v18 =	vld [tilespmem:s12+$0x0]  }
0x4fa: {  	s3 =	sor.u32 s13, s9;
	s2 =	sld [smem:$0x7D3];
	v16 =	vadd.f32 v17, v16;
	v17 =	vmul.f32 v19, v14  }
0x4fb: {  	[dreg:$0x11] =	wrdreg s3;
	v19 =	vld [tilespmem:s31+$0x0]  }
0x4fc: {  	s3 =	sld [smem:$0x7D4];
	v16 =	vadd.f32 v17, v16;
	v17 =	vmul.f32 $0.0e+00, v20  }
0x4fd: {  	v20 =	vld [tilespmem:s2+$0x0]  }
0x4fe: {  	s4 =	sld [smem:$0x7D5];
	v16 =	vadd.f32 v17, v16;
	v17 =	vmul.f32 $0.0e+00, v18  }
0x4ff: {  	v18 =	vld [tilespmem:s3+$0x0]  }
0x500: {  	v16 =	vadd.f32 v17, v16;
	v17 =	vmul.f32 $0.0e+00, v19  }
0x501: {  	v19 =	vld [tilespmem:s4+$0x0]  }
0x502: {  	v16 =	vadd.f32 v17, v16;
	v17 =	vmul.f32 $0.0e+00, v20;
	_ =	sdelay $0x1  }
0x503: {  	s7 =	sor.u32 s7, s21;
	v16 =	vadd.f32 v17, v16;
	v17 =	vmul.f32 $0.0e+00, v18  }
0x504: {  	v18 =	vld [tilespmem:s7+$0x0]  }
0x505: {  	v16 =	vadd.f32 v17, v16;
	v17 =	vmul.f32 $0.0e+00, v19;
	_ =	sdelay $0x1  }
0x506: {  	v16 =	vadd.f32 v17, v16;
	_ =	sdelay $0x1  }
0x507: {  	v16 =	vadd.f32 v16, v18;
	_ =	sdelay $0x1  }
0x508: {  	s8 =	sor.u32 s13, s22;
	[tilespmem:s7+$0x0] =	vst v16  }
0x509: {  	v16 =	vld [tilespmem:s8+$0x0]  }
0x50a: {  	v17 =	vld [tilespmem:s8+$0x80];
	_ =	sdelay $0x1  }
0x50b: {  	v18 =	vld [tilespmem:s8+$0x100];
	_ =	sdelay $0x1  }
0x50c: {  	v19 =	vld [tilespmem:s8+$0x180]  }
0x50d: {  	v16 =	vmul.f32 v16, v11;
	v17 =	vmul.f32 v17, v12  }
0x50e: {  	v20 =	vld [tilespmem:s8+$0x200]  }
0x50f: {  	v16 =	vadd.f32 v17, v16;
	v17 =	vmul.f32 $0.0e+00, v18  }
0x510: {  	v18 =	vld [tilespmem:s8+$0x280]  }
0x511: {  	s14 =	sor.u32 s23, s14;
	v16 =	vadd.f32 v17, v16;
	v17 =	vmul.f32 $0.0e+00, v19  }
0x512: {  	[dreg:$0x9] =	wrdreg s14;
	v19 =	vld [tilespmem:s8+$0x300]  }
0x513: {  	s14 =	sor.u32 s23, s5;
	s5 =	sor.u32 s23, s9;
	s9 =	sld [smem:$0x7D6];
	v16 =	vadd.f32 v17, v16;
	v17 =	vmul.f32 $0.0e+00, v20  }
0x514: {  	v20 =	vld [tilespmem:s8+$0x380]  }
0x515: {  	s12 =	sld [smem:$0x7D7];
	v16 =	vadd.f32 v17, v16;
	v17 =	vmul.f32 $0.0e+00, v18  }
0x516: {  	v18 =	vld [tilespmem:s9+$0x0]  }
0x517: {  	s15 =	sld [smem:$0x7D8];
	v16 =	vadd.f32 v17, v16;
	v17 =	vmul.f32 $0.0e+00, v19  }
0x518: {  	v19 =	vld [tilespmem:s12+$0x0]  }
0x519: {  	s17 =	sld [smem:$0x7D9];
	v16 =	vadd.f32 v17, v16;
	v17 =	vmul.f32 $0.0e+00, v20  }
0x51a: {  	v20 =	vld [tilespmem:s15+$0x0]  }
0x51b: {  	v16 =	vadd.f32 v17, v16;
	v17 =	vmul.f32 v18, v13  }
0x51c: {  	v18 =	vld [tilespmem:s17+$0x0]  }
0x51d: {  	s1 =	sor.u32 s23, s1;
	s18 =	rddreg [dreg:$0x1b];
	v16 =	vadd.f32 v17, v16;
	v17 =	vmul.f32 v19, v14  }
0x51e: {  	[dreg:$0xa] =	wrdreg s1;
	v19 =	vld [tilespmem:s18+$0x0]  }
0x51f: {  	s1 =	sor.u32 s23, s19;
	s19 =	rddreg [dreg:$0x17];
	v16 =	vadd.f32 v17, v16;
	v17 =	vmul.f32 $0.0e+00, v20  }
0x520: {  	v20 =	vld [tilespmem:s19+$0x0]  }
0x521: {  	s24 =	rddreg [dreg:$0x14];
	v16 =	vadd.f32 v17, v16;
	v17 =	vmul.f32 $0.0e+00, v18  }
0x522: {  	v18 =	vld [tilespmem:s24+$0x0]  }
0x523: {  	s25 =	rddreg [dreg:$0x11];
	v16 =	vadd.f32 v17, v16;
	v17 =	vmul.f32 $0.0e+00, v19  }
0x524: {  	v19 =	vld [tilespmem:s25+$0x0]  }
0x525: {  	v16 =	vadd.f32 v17, v16;
	v17 =	vmul.f32 $0.0e+00, v20;
	_ =	sdelay $0x1  }
0x526: {  	s26 =	sor.u32 s13, s21;
	v16 =	vadd.f32 v17, v16;
	v17 =	vmul.f32 $0.0e+00, v18  }
0x527: {  	v18 =	vld [tilespmem:s26+$0x0]  }
0x528: {  	v16 =	vadd.f32 v17, v16;
	v17 =	vmul.f32 $0.0e+00, v19;
	_ =	sdelay $0x1  }
0x529: {  	v16 =	vadd.f32 v17, v16;
	_ =	sdelay $0x1  }
0x52a: {  	v16 =	vadd.f32 v16, v18;
	_ =	sdelay $0x1  }
0x52b: {  	s28 =	sor.u32 s23, s22;
	[tilespmem:s26+$0x0] =	vst v16  }
0x52c: {  	v16 =	vld [tilespmem:s28+$0x0]  }
0x52d: {  	v17 =	vld [tilespmem:s28+$0x80];
	_ =	sdelay $0x1  }
0x52e: {  	v18 =	vld [tilespmem:s28+$0x100];
	_ =	sdelay $0x1  }
0x52f: {  	v19 =	vld [tilespmem:s28+$0x180]  }
0x530: {  	v16 =	vmul.f32 v16, v11;
	v17 =	vmul.f32 v17, v12  }
0x531: {  	v20 =	vld [tilespmem:s28+$0x200]  }
0x532: {  	v18 =	vmul.f32 $0.0e+00, v18;
	v16 =	vadd.f32 v17, v16  }
0x533: {  	v21 =	vld [tilespmem:s28+$0x280]  }
0x534: {  	v19 =	vmul.f32 $0.0e+00, v19;
	v16 =	vadd.f32 v18, v16  }
0x535: {  	v22 =	vld [tilespmem:s28+$0x300]  }
0x536: {  	v20 =	vmul.f32 $0.0e+00, v20;
	v16 =	vadd.f32 v19, v16  }
0x537: {  	v23 =	vld [tilespmem:s28+$0x380]  }
0x538: {  	s29 =	rddreg [dreg:$0x9];
	v21 =	vmul.f32 $0.0e+00, v21;
	v16 =	vadd.f32 v20, v16  }
0x539: {  	v17 =	vld [tilespmem:s29+$0x0]  }
0x53a: {  	s16 =	sor.u32 s23, s16;
	s30 =	rddreg [dreg:$0xa];
	v22 =	vmul.f32 $0.0e+00, v22;
	v21 =	vadd.f32 v21, v16  }
0x53b: {  	[dreg:$0x4] =	wrdreg s16;
	v24 =	vld [tilespmem:s30+$0x0]  }
0x53c: {  	s31 =	rddreg [dreg:$0x4];
	v23 =	vmul.f32 $0.0e+00, v23;
	v21 =	vadd.f32 v22, v21  }
0x53d: {  	v18 =	vld [tilespmem:s31+$0x0]  }
0x53e: {  	v17 =	vmul.f32 v17, v13;
	v21 =	vadd.f32 v23, v21  }
0x53f: {  	v25 =	vld [tilespmem:s14+$0x0]  }
0x540: {  	s16 =	sor.u32 s23, s6;
	v62 =	vmul.f32 v24, v14;
	v17 =	vadd.f32 v17, v21  }
0x541: {  	v19 =	vld [tilespmem:s16+$0x0]  }
0x542: {  	s6 =	smov.u32 s10;
	s10 =	sor.u32 s23, s0;
	v18 =	vmul.f32 $0.0e+00, v18;
	v17 =	vadd.f32 v62, v17  }
0x543: {  	v26 =	vld [tilespmem:s10+$0x0]  }
0x544: {  	v63 =	vmul.f32 $0.0e+00, v25;
	v17 =	vadd.f32 v18, v17  }
0x545: {  	v20 =	vld [tilespmem:s1+$0x0]  }
0x546: {  	s11 =	sadd.s32 $0x4, s11;
	v18 =	vmul.f32 $0.0e+00, v19;
	v17 =	vadd.f32 v63, v17  }
0x547: {  	p0 =	slt.u32 s11, $0x7C;
	v27 =	vld [tilespmem:s5+$0x0]  }
.Ltmp3:
0x548: {  	v19 =	vmul.f32 $0.0e+00, v26;
	v17 =	vadd.f32 v18, v17;
	(pc) =	sbr.rel @p0 .LBB2_8-.Ltmp3, $4  }
0x549: {  	_ = 	snop  }
0x54a: {  	v18 =	vmul.f32 $0.0e+00, v20;
	v19 =	vadd.f32 v19, v17  }
0x54b: {  	s0 =	sor.u32 s23, s21  }
0x54c: {  	v15 =	vimm.f32 $0.0e+00;
	v16 =	vld [tilespmem:s0+$0x0];
	v17 =	vmul.f32 $0.0e+00, v27;
	v18 =	vadd.f32 v18, v19  }
0x54d: {  	_ =	sdelay $0x1  }
0x54e: {  	v11 =	vadd.f32 v17, v18;
	_ =	sdelay $0x1  }
0x54f: {  	v11 =	vadd.f32 v11, v16;
	_ =	sdelay $0x1  }
0x550: {  	s1 =	simm.s32 $0x180C0;
	[tilespmem:s0+$0x0] =	vst v11  }
0x551: {  	v11 =	vld [tilespmem:s1+$0xFFFFFFC0];
	_ =	sdelay $0x1  }
0x552: {  	v12 =	vld [tilespmem:s1+$0xFFFFFFD0];
	_ =	sdelay $0x1  }
0x553: {  	v13 =	vld [tilespmem:s1+$0xFFFFFFE0]  }
0x554: {  	v11 =	vmul.f32 v11, v11  }
0x555: {  	v14 =	vld [tilespmem:s1+$0xFFFFFFF0]  }
0x556: {  	v12 =	vmul.f32 v12, v12;
	v11 =	vadd.f32 v11, v15;
	_ =	sdelay $0x1  }
0x557: {  	v15 =	vld [tilespmem:s1+$0x0];
	v11 =	vadd.f32 v12, v11;
	v12 =	vmul.f32 v13, v13;
	_ =	sdelay $0x1  }
0x558: {  	v63 =	vld [tilespmem:s1+$0x10];
	v11 =	vadd.f32 v12, v11;
	v12 =	vmul.f32 v14, v14;
	_ =	sdelay $0x1  }
0x559: {  	v13 =	vadd.f32 v12, v11;
	v11 =	vld [tilespmem:s1+$0x20]  }
0x55a: {  	v14 =	vmul.f32 v15, v15  }
0x55b: {  	v12 =	vld [tilespmem:s1+$0x30]  }
0x55c: {  	s0 =	simm.s32 $0x0;
	s1 =	simm.s32 $0x181C0;
	v13 =	vadd.f32 v14, v13;
	v14 =	vmul.f32 v63, v63  }
.LBB2_10:
0x55d: {  	v15 =	vld [tilespmem:s1+$0xFFFFFFC0];
	s0 =	sadd.s32 $0x8, s0  }
0x55e: {  	p0 =	slt.u32 s0, $0x78;
	v13 =	vadd.f32 v14, v13;
	v11 =	vmul.f32 v11, v11  }
0x55f: {  	v14 =	vld [tilespmem:s1+$0xFFFFFFD0]  }
0x560: {  	v11 =	vadd.f32 v11, v13;
	v12 =	vmul.f32 v12, v12  }
0x561: {  	v13 =	vld [tilespmem:s1+$0xFFFFFFE0]  }
0x562: {  	v15 =	vmul.f32 v15, v15;
	v11 =	vadd.f32 v12, v11  }
0x563: {  	v12 =	vld [tilespmem:s1+$0xFFFFFFF0]  }
0x564: {  	v11 =	vadd.f32 v15, v11;
	v14 =	vmul.f32 v14, v14  }
0x565: {  	v15 =	vld [tilespmem:s1+$0x0]  }
0x566: {  	v11 =	vadd.f32 v14, v11;
	v13 =	vmul.f32 v13, v13  }
0x567: {  	v14 =	vld [tilespmem:s1+$0x10]  }
.Ltmp4:
0x568: {  	v13 =	vadd.f32 v13, v11;
	v12 =	vmul.f32 v12, v12;
	(pc) =	sbr.rel @p0 .LBB2_10-.Ltmp4, $4  }
0x569: {  	v11 =	vld [tilespmem:s1+$0x20]  }
0x56a: {  	v13 =	vadd.f32 v12, v13;
	v15 =	vmul.f32 v15, v15  }
0x56b: {  	v12 =	vld [tilespmem:s1+$0x30]  }
0x56c: {  	s1 =	sadd.s32 $0x100, s1;
	v13 =	vadd.f32 v15, v13;
	v14 =	vmul.f32 v14, v14  }
0x56d: {  	_ = 	snop  }
0x56e: {  	v13 =	vadd.f32 v14, v13;
	v11 =	vmul.f32 v11, v11;
	_ =	sdelay $0x1  }
0x56f: {  	v11 =	vadd.f32 v11, v13;
	v12 =	vmul.f32 v12, v12;
	_ =	sdelay $0x1  }
0x570: {  	v11 =	vadd.f32 v12, v11;
	_ =	sdelay $0x1  }
0x571: {  	v12 =	vperm.xlane v11, v6;
	_ =	sdelay $0x1  }
0x572: {  	v11 =	vadd.f32 v12, v11;
	_ =	sdelay $0x1  }
0x573: {  	v12 =	vperm.xlane v11, v7;
	_ =	sdelay $0x1  }
0x574: {  	v11 =	vadd.f32 v12, v11;
	_ =	sdelay $0x1  }
0x575: {  	v12 =	vperm.xlane v11, v8;
	_ =	sdelay $0x1  }
0x576: {  	v11 =	vadd.f32 v12, v11;
	_ =	sdelay $0x1  }
0x577: {  	v12 =	vperm.xlane v11, v10;
	_ =	sdelay $0x1  }
0x578: {  	v11 =	vadd.f32 v12, v11;
	_ =	sdelay $0x1  }
0x579: {  	v12 =	vshra.s32 v11, $0x1;
	v11 =	vmul.f32 $5.000000000e-01, v11  }
0x57a: {  	v12 =	vsub.s32 $0x5F3759DF, v12  }
0x57b: {  	v13 =	vmul.f32 v12, v11;
	_ =	sdelay $0x1  }
0x57c: {  	v13 =	vmul.f32 v12, v13;
	_ =	sdelay $0x1  }
0x57d: {  	v13 =	vsub.f32 $1.500000000e+00, v13;
	_ =	sdelay $0x1  }
0x57e: {  	v12 =	vmul.f32 v12, v13;
	_ =	sdelay $0x1  }
0x57f: {  	v13 =	vmul.f32 v12, v11;
	_ =	sdelay $0x1  }
0x580: {  	v13 =	vmul.f32 v13, v12;
	_ =	sdelay $0x1  }
0x581: {  	v13 =	vsub.f32 $1.500000000e+00, v13;
	_ =	sdelay $0x1  }
0x582: {  	v12 =	vmul.f32 v13, v12;
	_ =	sdelay $0x1  }
0x583: {  	v11 =	vmul.f32 v12, v11;
	_ =	sdelay $0x1  }
0x584: {  	s0 =	simm.s32 $0x180C0;
	v11 =	vmul.f32 v11, v12  }
0x585: {  	v13 =	vld [tilespmem:s0+$0xFFFFFFC0]  }
0x586: {  	v11 =	vsub.f32 $1.500000000e+00, v11  }
0x587: {  	v16 =	vld [tilespmem:s0+$0xFFFFFFD0]  }
0x588: {  	v18 =	vld [tilespmem:s0+$0xFFFFFFE0];
	v11 =	vmul.f32 v11, v12  }
0x589: {  	v14 =	vld [tilespmem:s0+$0x0]  }
0x58a: {  	v12 =	vld [tilespmem:s0+$0x10];
	v17 =	vmul.f32 v13, v11  }
0x58b: {  	v15 =	vld [tilespmem:s0+$0x20]  }
0x58c: {  	v13 =	vld [tilespmem:s0+$0x30];
	[tilespmem:s0+$0xFFFFFFC0] =	vst v17;
	v17 =	vmul.f32 v16, v11  }
0x58d: {  	s1 =	simm.s32 $0x0;
	s2 =	simm.s32 $0x181C0;
	s5 =	simm.s32 $0x0;
	v18 =	vmul.f32 v18, v11;
	v16 =	vld [tilespmem:s0+$0xFFFFFFF0]  }
.LBB2_12:
0x58e: {  	v19 =	vld [tilespmem:s2+$0xFFFFFFC0];
	[tilespmem:s0+$0xFFFFFFD0] =	vst v17;
	v14 =	vmul.f32 v14, v11  }
0x58f: {  	s1 =	sadd.s32 $0x8, s1;
	v17 =	vld [tilespmem:s2+$0xFFFFFFD0];
	[tilespmem:s0+$0xFFFFFFE0] =	vst v18;
	v12 =	vmul.f32 v12, v11  }
0x590: {  	p0 =	slt.u32 s1, $0x78;
	v18 =	vld [tilespmem:s2+$0xFFFFFFE0];
	[tilespmem:s0+$0x0] =	vst v14;
	v15 =	vmul.f32 v15, v11  }
.Ltmp5:
0x591: {  	v14 =	vld [tilespmem:s2+$0x0];
	[tilespmem:s0+$0x10] =	vst v12;
	v13 =	vmul.f32 v13, v11;
	(pc) =	sbr.rel @p0 .LBB2_12-.Ltmp5, $4  }
0x592: {  	v12 =	vld [tilespmem:s2+$0x10];
	v16 =	vmul.f32 v16, v11;
	[tilespmem:s0+$0x20] =	vst v15  }
0x593: {  	v19 =	vmul.f32 v19, v11;
	v15 =	vld [tilespmem:s2+$0x20];
	[tilespmem:s0+$0x30] =	vst v13  }
0x594: {  	v17 =	vmul.f32 v17, v11;
	v13 =	vld [tilespmem:s2+$0x30];
	[tilespmem:s0+$0xFFFFFFF0] =	vst v16;
	s0 =	smov.u32 s2  }
0x595: {  	s2 =	sadd.s32 $0x100, s2;
	[tilespmem:s0+$0xFFFFFFC0] =	vst v19;
	v18 =	vmul.f32 v18, v11;
	v16 =	vld [tilespmem:s0+$0xFFFFFFF0]  }
0x596: {  	[tilespmem:s0+$0xFFFFFFD0] =	vst v17;
	v14 =	vmul.f32 v14, v11  }
0x597: {  	[tilespmem:s0+$0xFFFFFFE0] =	vst v18;
	v12 =	vmul.f32 v12, v11  }
0x598: {  	[tilespmem:s0+$0x0] =	vst v14;
	v62 =	vmul.f32 v15, v11  }
0x599: {  	[tilespmem:s0+$0x10] =	vst v12;
	v63 =	vmul.f32 v13, v11  }
0x59a: {  	s1 =	sld [smem:$0x7FC];
	v11 =	vmul.f32 v16, v11;
	[tilespmem:s0+$0x20] =	vst v62  }
0x59b: {  	[tilespmem:s0+$0x30] =	vst v63  }
0x59c: {  	s28 =	simm.s32 $0x18080;
	[tilespmem:s0+$0xFFFFFFF0] =	vst v11  }
0x59d: {  	[hbm4b:s1+s5] =	stream.linear.scatter [tilespmem:s28], [sflag:$0x4], $0x80, $0x38;
	[tilespmem:$0x19080] =	vst v63  }
0x59e: {  	s2 =	simm.s32 $0x18180;
	s29 =	sadd.s32 $0x80, s1  }
0x59f: {  	[hbm4b:s29+s5] =	stream.linear.scatter [tilespmem:s2], [sflag:$0x4], $0x80, $0x38;
	[tilespmem:$0x19080] =	vst v63  }
0x5a0: {  	s31 =	simm.s32 $0x18280;
	s30 =	sadd.s32 $0x100, s1  }
0x5a1: {  	[hbm4b:s30+s5] =	stream.linear.scatter [tilespmem:s31], [sflag:$0x4], $0x80, $0x38;
	[tilespmem:$0x19080] =	vst v63  }
0x5a2: {  	s3 =	simm.s32 $0x18380;
	s2 =	sadd.s32 $0x180, s1  }
0x5a3: {  	[hbm4b:s2+s5] =	stream.linear.scatter [tilespmem:s3], [sflag:$0x4], $0x80, $0x38;
	[tilespmem:$0x19080] =	vst v63  }
0x5a4: {  	s6 =	simm.s32 $0x18480;
	s4 =	sadd.s32 $0x200, s1  }
0x5a5: {  	[hbm4b:s4+s5] =	stream.linear.scatter [tilespmem:s6], [sflag:$0x4], $0x80, $0x38;
	[tilespmem:$0x19080] =	vst v63  }
0x5a6: {  	s8 =	simm.s32 $0x18580;
	s7 =	sadd.s32 $0x280, s1  }
0x5a7: {  	[hbm4b:s7+s5] =	stream.linear.scatter [tilespmem:s8], [sflag:$0x4], $0x80, $0x38;
	[tilespmem:$0x19080] =	vst v63  }
0x5a8: {  	s10 =	simm.s32 $0x18680;
	s9 =	sadd.s32 $0x300, s1  }
0x5a9: {  	[hbm4b:s9+s5] =	stream.linear.scatter [tilespmem:s10], [sflag:$0x4], $0x80, $0x38;
	[tilespmem:$0x19080] =	vst v63  }
0x5aa: {  	s12 =	simm.s32 $0x18780;
	s11 =	sadd.s32 $0x380, s1  }
0x5ab: {  	[hbm4b:s11+s5] =	stream.linear.scatter [tilespmem:s12], [sflag:$0x4], $0x80, $0x38;
	[tilespmem:$0x19080] =	vst v63  }
0x5ac: {  	s14 =	simm.s32 $0x18880;
	s13 =	sadd.s32 $0x400, s1  }
0x5ad: {  	[hbm4b:s13+s5] =	stream.linear.scatter [tilespmem:s14], [sflag:$0x4], $0x80, $0x38;
	[tilespmem:$0x19080] =	vst v63  }
0x5ae: {  	s16 =	simm.s32 $0x18980;
	s15 =	sadd.s32 $0x480, s1  }
0x5af: {  	[hbm4b:s15+s5] =	stream.linear.scatter [tilespmem:s16], [sflag:$0x4], $0x80, $0x38;
	[tilespmem:$0x19080] =	vst v63  }
0x5b0: {  	s18 =	simm.s32 $0x18A80;
	s17 =	sadd.s32 $0x500, s1  }
0x5b1: {  	[hbm4b:s17+s5] =	stream.linear.scatter [tilespmem:s18], [sflag:$0x4], $0x80, $0x38;
	[tilespmem:$0x19080] =	vst v63  }
0x5b2: {  	s20 =	simm.s32 $0x18B80;
	s19 =	sadd.s32 $0x580, s1  }
0x5b3: {  	[hbm4b:s19+s5] =	stream.linear.scatter [tilespmem:s20], [sflag:$0x4], $0x80, $0x38;
	[tilespmem:$0x19080] =	vst v63  }
0x5b4: {  	s22 =	simm.s32 $0x18C80;
	s21 =	sadd.s32 $0x600, s1  }
0x5b5: {  	[hbm4b:s21+s5] =	stream.linear.scatter [tilespmem:s22], [sflag:$0x4], $0x80, $0x38;
	[tilespmem:$0x19080] =	vst v63  }
0x5b6: {  	s24 =	simm.s32 $0x18D80;
	s23 =	sadd.s32 $0x680, s1  }
0x5b7: {  	[hbm4b:s23+s5] =	stream.linear.scatter [tilespmem:s24], [sflag:$0x4], $0x80, $0x38;
	[tilespmem:$0x19080] =	vst v63  }
0x5b8: {  	s26 =	simm.s32 $0x18E80;
	s25 =	sadd.s32 $0x700, s1  }
0x5b9: {  	[hbm4b:s25+s5] =	stream.linear.scatter [tilespmem:s26], [sflag:$0x4], $0x80, $0x38;
	[tilespmem:$0x19080] =	vst v63  }
0x5ba: {  	s28 =	sadd.s32 $0x780, s1;
	s29 =	simm.s32 $0x18F80;
	s1 =	simm.s32 $0x4  }
0x5bb: {  	[hbm4b:s28+s5] =	stream.linear.scatter [tilespmem:s29], [sflag:$0x4], $0x80, $0x38;
	[tilespmem:$0x19080] =	vst v63  }
0x5bc: {  	_ =	swait.ge [sflag:s1], $0x800  }
0x5bd: {  	s30 =	sld [smem:$0x7F2]  }
0x5be: {  	s31 =	sld [smem:$0x7FD];
	_ =	sdelay $0x1  }
0x5bf: {  	s2 =	sadd.s32 $0x1, s30  }
0x5c0: {  	p0 =	sne.s32 s2, s31  }
.Ltmp6:
0x5c1: {  	_ = 	snop;
	(pc) =	sbr.rel @p0 .LBB2_1-.Ltmp6, $3  }
0x5c2: {  	_ =	sdelay $0x1  }
0x5c3: {  	[sflag:s1] =	ssyncset.done $0x0  }
0x5c4: {  	[sflag:s1] =	ssyncadd.s32 $0xFFFFF800  }
0x5c5: {  	_ =	sfence.sel $0x180000  }
0x5c6: {  	[bflag:$0x0] =	sbarrier.arrive $0xFFFF  }
0x5c7: {  	_ =	strace $0x90000047  }
0x5c8: {  	s0 =	stileid.u32;
	[bflag:$0x2] =	sbarrier.arrive $0xFFFF  }
0x5c9: {  	p0 =	sne.s32 s0, $0x0;
	s0 =	rddreg [dreg:$0x1]  }
0x5ca: {  	s0 =	sadd.s32 @!p0 $0x100000, s0  }
0x5cb: {  	[sflag:s0] =	ssyncadd.tile.s32 @!p0 $0x1;
	_ =	shalt  }
.Lfunc_end2:
_tile_overlayer_lowered:
.L_overlay_start_2:
0x5cc: {  	(tag) =	ssettag $0x2  }
0x5cd: {  	s0 =	rddreg [dreg:$0x0];
	s2 =	stileid.u32  }
0x5ce: {  	s1 =	rddreg [dreg:$0x1];
	p0 =	sne.s32 s2, $0x0  }
0x5cf: {  	s3 =	rddreg [dreg:$0x2];
	[bflag:$0x3] =	sbarrier.arrive $0xFFFF;
	s2 =	simm.s32 @!p0 $0x1C04  }
0x5d0: {  	[timem:s3], [sflag:s2] =	dma.local @!p0 [hbm:s0], s1  }
0x5d1: {  	s0 =	simm.s32 @!p0 $0x4  }
0x5d2: {  	_ =	swait.ge @!p0 [sflag:s0], s1  }
0x5d3: {  	s1 =	ssub.s32 @!p0 $0x0, s1;
	[sflag:s0] =	ssyncset.done @!p0 $0x0  }
0x5d4: {  	[sflag:s0] =	ssyncadd.s32 @!p0 s1  }
0x5d5: {  	[bflag:$0x3] =	sbarrier.arrive $0xFFFF  }
0x5d6: {  	_ =	shalt  }

</sc_bundles>
